<compile_context>
chip_gen: v7x
topology: tpu7x:2x2x1
jax: 0.10.2.dev20260603
libtpu: 0.0.44.dev20260713+nightly
codegen_flags: <defaults>
</compile_context>

<pallas_src>
import functools

import numpy as np
import jax
import jax.numpy as jnp
from jax import lax
from jax.experimental import pallas as pl
from jax.experimental.pallas import tpu as pltpu
from jax.experimental.pallas import tpu_sc as plsc

N = 10000
E = 320000
HID = 128
OUT = 128
H = 8
DK = 16

NC = 2
NS = 16
NW = NC * NS
B = 64
G = B // 16
NCHUNKS = E // B
CHUNK_ITERS = -(-NCHUNKS // NW)
PAIRS = -(-CHUNK_ITERS // 2)
NPAD = 10112
ROWS_PER_SUB = NPAD // NS
ZP_ROWS = 1280
ZP_PER_SUB = ZP_ROWS // NS
ZPAD = ZP_ROWS * 8

ROW_BLK = 1000


def _build_perm() -> np.ndarray:
    idx = np.zeros(HID, dtype=np.int32)
    for h in range(H):
        for d in range(DK):
            p = (d // 2) * 16 + (h if d % 2 == 0 else 15 - h)
            idx[p] = h * DK + d
    return idx


_PERM = _build_perm()

_TILE16 = np.zeros((16, HID), dtype=np.float32)
for _c in range(8):
    for _l in range(16):
        _TILE16[_l, _c * 16 + _l] = 1.0




def _proj_body(x_ref, wq_ref, bq_ref, wk_ref, wv_ref, q_ref, k_ref, v_ref):
    x = x_ref[...]
    dn = (((1,), (1,)), ((), ()))
    q_ref[...] = lax.dot_general(x, wq_ref[...], dn,
                                 preferred_element_type=jnp.float32) + bq_ref[...]
    k_ref[...] = lax.dot_general(x, wk_ref[...], dn,
                                 preferred_element_type=jnp.float32)
    v_ref[...] = lax.dot_general(x, wv_ref[...], dn,
                                 preferred_element_type=jnp.float32)


def _project(x, wq_p, bq_p, wk_p, wv_p):
    f32 = jnp.float32
    full = lambda s: pl.BlockSpec(s, lambda i: (0, 0))
    row = pl.BlockSpec((ROW_BLK, HID), lambda i: (i, 0))
    return pl.pallas_call(
        _proj_body,
        grid=(N // ROW_BLK,),
        in_specs=[row, full((HID, HID)), full((1, HID)), full((HID, HID)),
                  full((HID, HID))],
        out_specs=[row, row, row],
        out_shape=[jax.ShapeDtypeStruct((N, HID), f32)] * 3,
    )(x, wq_p, bq_p, wk_p, wv_p)




def _sc_edges(q, k, v, edge_index):
    f32 = jnp.float32
    HB = B // 2
    mesh = plsc.VectorSubcoreMesh(core_axis_name="c", subcore_axis_name="s")

    @functools.partial(
        pl.kernel,
        out_type=[jax.ShapeDtypeStruct((NC, NPAD, HID), f32),
                  jax.ShapeDtypeStruct((NC, ZP_ROWS, HID), f32)],
        mesh=mesh,
        scratch_types=[
            pltpu.VMEM((B,), jnp.int32),
            pltpu.VMEM((B,), jnp.int32),
            pltpu.VMEM((B,), jnp.int32),
            pltpu.VMEM((B,), jnp.int32),
            pltpu.VMEM((B,), jnp.int32),
            pltpu.VMEM((B, HID), f32),
            pltpu.VMEM((B, HID), f32),
            pltpu.VMEM((B, HID), f32),
            pltpu.VMEM((B, 16), f32),
            pltpu.VMEM_SHARED((NPAD, HID), f32),
            pltpu.VMEM_SHARED((ZP_ROWS, HID), f32),
            pltpu.SemaphoreType.DMA,
            pltpu.SemaphoreType.DMA,
            pltpu.SemaphoreType.DMA,
            pltpu.SemaphoreType.DMA,
            pltpu.SemaphoreType.DMA,
            pltpu.SemaphoreType.DMA,
        ],
    )
    def sc_kernel(q_hbm, k_hbm, v_hbm, src_hbm, dst_hbm, wv_hbm, z_hbm,
                  src0, dst0, src1, dst1, zrid, kb, vb, qb, scb,
                  wv_sh, zp_sh, si0, si1, sgA, sgB, sw, sz):
        cid = lax.axis_index("c")
        sid = lax.axis_index("s")
        wid = sid * NC + cid

        zero16 = jnp.zeros((16,), f32)

        @pl.loop(0, B)
        def _zero_fill(r):
            for c in range(8):
                qb[r, pl.ds(c * 16, 16)] = zero16

        @pl.loop(0, ROWS_PER_SUB // 8)
        def _zero_wv(j):
            pltpu.async_copy(qb.at[pl.ds(0, 8)],
                             wv_sh.at[pl.ds(sid * ROWS_PER_SUB + j * 8, 8)],
                             si0)

        @pl.loop(0, ZP_PER_SUB // 8)
        def _zero_zp(j):
            pltpu.async_copy(qb.at[pl.ds(0, 8)],
                             zp_sh.at[pl.ds(sid * ZP_PER_SUB + j * 8, 8)],
                             si0)

        @pl.loop(0, ROWS_PER_SUB // 8 + ZP_PER_SUB // 8)
        def _zero_drain(j):
            pltpu.make_async_copy(
                qb.at[pl.ds(0, 8)],
                wv_sh.at[pl.ds(0, 8)], si0).wait()

        plsc.subcore_barrier()

        def load_idx(c, srcb, dstb, sem):
            off = c * B
            pltpu.async_copy(src_hbm.at[pl.ds(off, B)], srcb, sem)
            pltpu.async_copy(dst_hbm.at[pl.ds(off, B)], dstb, sem)

        def wait_idx(srcb, dstb, sem):
            pltpu.make_async_copy(src_hbm.at[pl.ds(0, B)], srcb, sem).wait()
            pltpu.make_async_copy(dst_hbm.at[pl.ds(0, B)], dstb, sem).wait()

        def process(c_next, srcb, dstb, srcn, dstn, semn, first, last):
            @pl.when(jnp.logical_not(first))
            def _drain_prev():
                pltpu.make_async_copy(qb, wv_sh.at[zrid], sw).wait()
                pltpu.make_async_copy(vb, zp_sh.at[zrid], sz).wait()

            for (tab, idxb, dest) in ((k_hbm, srcb, kb), (v_hbm, srcb, vb),
                                      (q_hbm, dstb, qb)):
                for hh in range(2):
                    pltpu.async_copy(
                        tab.at[idxb.at[pl.ds(hh * HB, HB)]],
                        dest.at[pl.ds(hh * HB, HB)],
                        sgA if hh == 0 else sgB)
            @pl.when(c_next < NCHUNKS)
            def _pref():
                load_idx(c_next, srcn, dstn, semn)

            def edge_loop(lo, hi):
                @pl.loop(lo, hi)
                def _edge(i):
                    acc = kb[i, pl.ds(0, 16)] * qb[i, pl.ds(0, 16)]
                    for c in range(1, 8):
                        acc += (kb[i, pl.ds(c * 16, 16)]
                                * qb[i, pl.ds(c * 16, 16)])
                    ts = (acc + lax.rev(acc, (0,))) * 0.25
                    ts = jnp.minimum(jnp.maximum(ts, -5.0), 5.0)
                    s = jnp.exp(ts)
                    scb[i, :] = s
                    for c in range(8):
                        qb[i, pl.ds(c * 16, 16)] = (
                            vb[i, pl.ds(c * 16, 16)] * s)

            for _ in range(3):
                pltpu.make_async_copy(
                    k_hbm.at[src0.at[pl.ds(0, HB)]],
                    kb.at[pl.ds(0, HB)], sgA).wait()
            edge_loop(0, HB)
            for _ in range(3):
                pltpu.make_async_copy(
                    k_hbm.at[src0.at[pl.ds(0, HB)]],
                    kb.at[pl.ds(0, HB)], sgB).wait()
            edge_loop(HB, B)

            pltpu.async_copy(qb, wv_sh.at[dstb], sw, add=True)

            @pl.loop(0, G)
            def _z_group(g):
                d16 = dstb[pl.ds(g * 16, 16)]
                zrid[pl.ds(g * 16, 16)] = lax.shift_right_logical(d16, 3)
                for t in range(16):
                    i = g * 16 + t
                    s = scb[i, :]
                    for c in range(8):
                        vb[i, pl.ds(c * 16, 16)] = zero16
                    m = lax.rem(d16[t], 8)
                    vb[i, pl.ds(m * 16, 16)] = s

            pltpu.async_copy(vb, zp_sh.at[zrid], sz)

            @pl.when(last)
            def _drain_last():
                pltpu.make_async_copy(qb, wv_sh.at[zrid], sw).wait()
                pltpu.make_async_copy(vb, zp_sh.at[zrid], sz).wait()

        @pl.when(wid < NCHUNKS)
        def _prime():
            load_idx(wid, src0, dst0, si0)

        @pl.loop(0, PAIRS)
        def _pair(jj):
            j0 = jj * 2
            c0 = wid + j0 * NW
            c1 = wid + (j0 + 1) * NW
            c2 = wid + (j0 + 2) * NW

            @pl.when(c0 < NCHUNKS)
            def _proc0():
                wait_idx(src0, dst0, si0)
                process(c1, src0, dst0, src1, dst1, si1,
                        jj == 0, c1 >= NCHUNKS)

            @pl.when(c1 < NCHUNKS)
            def _proc1():
                wait_idx(src1, dst1, si1)
                process(c2, src1, dst1, src0, dst0, si0,
                        jnp.bool_(False), c2 >= NCHUNKS)

        plsc.subcore_barrier()

        base = sid * ROWS_PER_SUB
        pltpu.sync_copy(wv_sh.at[pl.ds(base, ROWS_PER_SUB)],
                        wv_hbm.at[cid, pl.ds(base, ROWS_PER_SUB)])
        zbase = sid * ZP_PER_SUB
        pltpu.sync_copy(zp_sh.at[pl.ds(zbase, ZP_PER_SUB)],
                        z_hbm.at[cid, pl.ds(zbase, ZP_PER_SUB)])

    return sc_kernel(q, k, v, edge_index[0], edge_index[1])




def _out_body(wv0_ref, wv1_ref, z0_ref, z1_ref, t_ref, wo_ref, bo_ref, out_ref):
    wv = wv0_ref[...] + wv1_ref[...]
    z = z0_ref[...] + z1_ref[...]
    den = lax.dot_general(z, t_ref[...], (((1,), (0,)), ((), ())),
                          preferred_element_type=jnp.float32)
    o = wv / den
    out_ref[...] = lax.dot_general(o, wo_ref[...], (((1,), (1,)), ((), ())),
                                   preferred_element_type=jnp.float32) + bo_ref[...]


def _finish(wv0, wv1, z0, z1, tile16, wo_p, bo2):
    f32 = jnp.float32
    row = pl.BlockSpec((ROW_BLK, HID), lambda i: (i, 0))
    zrow = pl.BlockSpec((ROW_BLK, 16), lambda i: (i, 0))
    full = lambda s: pl.BlockSpec(s, lambda i: (0, 0))
    return pl.pallas_call(
        _out_body,
        grid=(N // ROW_BLK,),
        in_specs=[row, row, zrow, zrow, full((16, HID)), full((OUT, HID)),
                  full((1, OUT))],
        out_specs=pl.BlockSpec((ROW_BLK, OUT), lambda i: (i, 0)),
        out_shape=jax.ShapeDtypeStruct((N, OUT), f32),
    )(wv0, wv1, z0, z1, tile16, wo_p, bo2)




def kernel(inputs, edge_index, Wq, bq, Wk, Wv, Wo, bo):
    perm = jnp.asarray(_PERM)
    wq_p = Wq[perm]
    bq_p = bq[perm].reshape(1, HID)
    wk_p = Wk[perm]
    wv_p = Wv[perm]
    wo_p = Wo[:, perm]
    tile16 = jnp.asarray(_TILE16)

    q, k, v = _project(inputs, wq_p, bq_p, wk_p, wv_p)
    wv_parts, z_parts = _sc_edges(q, k, v, edge_index)
    z_flat = z_parts.reshape(NC, ZPAD, 16)
    out = _finish(wv_parts[0], wv_parts[1], z_flat[0], z_flat[1],
                  tile16, wo_p, bo.reshape(1, OUT))
    return out

# --- scband reference (transcript-rebuilt; emitter-appended) ---
"""Pipeline reference for scband-dglcross-attention-24678882083158 (READ-ONLY COPY).

The authoritative reference and input builder live on the scoring server;
editing this copy changes nothing except your own understanding.
"""

import jax, jax.numpy as jnp
import numpy as np

N = 10000
E = 320000
HID = 128
OUT = 128
H = 8
DK = HID // H


def setup_inputs(seed: int = 0) -> dict:
    key = jax.random.key(seed)
    ks = jax.random.split(key, 8)
    inputs = jax.random.normal(ks[0], (N, OUT), dtype=jnp.float32)
    # edge_index: row 0 = src node ids, row 1 = dst node ids (int32 to avoid x64 config)
    edge_index = jax.random.randint(ks[1], (2, E), 0, N, dtype=jnp.int32)
    scale = 0.02
    Wq = jax.random.normal(ks[2], (HID, OUT), dtype=jnp.float32) * scale
    bq = jnp.zeros((HID,), dtype=jnp.float32)
    Wk = jax.random.normal(ks[3], (HID, HID), dtype=jnp.float32) * scale
    Wv = jax.random.normal(ks[4], (HID, HID), dtype=jnp.float32) * scale
    Wo = jax.random.normal(ks[5], (OUT, HID), dtype=jnp.float32) * scale
    bo = jnp.zeros((OUT,), dtype=jnp.float32)
    return {"inputs": inputs, "edge_index": edge_index, "Wq": Wq, "bq": bq,
            "Wk": Wk, "Wv": Wv, "Wo": Wo, "bo": bo}


def reference(inputs, edge_index, Wq, bq, Wk, Wv, Wo, bo):
    # Linear projections (dropout is identity at p=0 / eval)
    q = (inputs @ Wq.T + bq).reshape(N, H, DK)
    k = (inputs @ Wk.T).reshape(N, H, DK)
    v = (inputs @ Wv.T).reshape(N, H, DK)
    src = edge_index[0]
    dst = edge_index[1]
    # src_dot_dst('k','q','score'): per-edge, per-head dot product
    score = jnp.sum(k[src] * q[dst], axis=-1, keepdims=True)  # [E, H, 1]
    # scaled_exp('score', sqrt(d_k)): exp(clamp(score/scale, -5, 5))
    score = jnp.exp(jnp.clip(score / jnp.sqrt(jnp.float32(DK)), -5.0, 5.0))
    # src_mul_edge('v','score','v') then sum -> wv per dst node
    msg = v[src] * score  # [E, H, DK]
    wv = jax.ops.segment_sum(msg, dst, num_segments=N)  # [N, H, DK]
    # copy_edge score, sum -> z; div_by_z
    z = jax.ops.segment_sum(score, dst, num_segments=N)  # [N, H, 1]
    o = wv / z
    out = o.reshape(N, HID) @ Wo.T + bo  # [N, OUT]
    return out

if __name__ == "__main__":
    import jax
    _d = setup_inputs()
    print(jax.jit(kernel)(*tuple(_d.values())))

</pallas_src>

<mosaic_0001>
#map = affine_map<(d0, d1) -> (0, 0)>
#map1 = affine_map<(d0, d1) -> (0)>
#map2 = affine_map<(d0, d1) -> (0, 0, 0)>
module attributes {stable_mosaic.version = 14 : i64} {
  func.func @sc_kernel(%arg0: i32, %arg1: i32, %arg2: memref<10000x128xf32, #tpu.memory_space<hbm>>, %arg3: memref<10000x128xf32, #tpu.memory_space<hbm>>, %arg4: memref<10000x128xf32, #tpu.memory_space<hbm>>, %arg5: memref<320000xi32, #tpu.memory_space<hbm>>, %arg6: memref<320000xi32, #tpu.memory_space<hbm>>, %arg7: memref<2x10112x128xf32, #tpu.memory_space<hbm>>, %arg8: memref<2x1280x128xf32, #tpu.memory_space<hbm>>, %arg9: memref<64xi32, #tpu.memory_space<vmem>>, %arg10: memref<64xi32, #tpu.memory_space<vmem>>, %arg11: memref<64xi32, #tpu.memory_space<vmem>>, %arg12: memref<64xi32, #tpu.memory_space<vmem>>, %arg13: memref<64xi32, #tpu.memory_space<vmem>>, %arg14: memref<64x128xf32, #tpu.memory_space<vmem>>, %arg15: memref<64x128xf32, #tpu.memory_space<vmem>>, %arg16: memref<64x128xf32, #tpu.memory_space<vmem>>, %arg17: memref<64x16xf32, #tpu.memory_space<vmem>>, %arg18: memref<10112x128xf32, #tpu.memory_space<vmem_shared>>, %arg19: memref<1280x128xf32, #tpu.memory_space<vmem_shared>>, %arg20: memref<!tpu.dma_semaphore, #tpu.memory_space<semaphore_mem>>, %arg21: memref<!tpu.dma_semaphore, #tpu.memory_space<semaphore_mem>>, %arg22: memref<!tpu.dma_semaphore, #tpu.memory_space<semaphore_mem>>, %arg23: memref<!tpu.dma_semaphore, #tpu.memory_space<semaphore_mem>>, %arg24: memref<!tpu.dma_semaphore, #tpu.memory_space<semaphore_mem>>, %arg25: memref<!tpu.dma_semaphore, #tpu.memory_space<semaphore_mem>>) attributes {dimension_semantics = [#tpu.dimension_semantics<core_parallel>, #tpu.dimension_semantics<subcore_parallel>], iteration_bounds = array<i64: 2, 16>, scalar_prefetch = 0 : i64, scratch_operands = 17 : i64, tpu.core_type = #tpu.core_type<sc_vector_subcore>, window_params = [{transform_indices = #map}, {transform_indices = #map}, {transform_indices = #map}, {transform_indices = #map1}, {transform_indices = #map1}, {transform_indices = #map2}, {transform_indices = #map2}]} {
    %mul3A = arith.constant 2 : i32
    %mul3A_0 = arith.muli %arg1, %mul3A : i32
    %add3A = arith.addi %mul3A_0, %arg0 : i32
    %broadcast_in_dim3A = arith.constant 0.000000e+00 : f32
    %broadcast_in_dim3A_1 = vector.broadcast %broadcast_in_dim3A : f32 to vector<16xf32>
    %scan3A = arith.constant 0 : i32
    %scan3A_2 = arith.constant 64 : i32
    %scan3A_3 = arith.addi %scan3A, %scan3A_2 : i32
    %scan3A_4 = arith.constant 1 : i32
    scf.for %scan3A_33 = %scan3A to %scan3A_3 step %scan3A_4  : i32 {
      %mul3A_34 = arith.constant 1 : i32
      %mul3A_35 = arith.muli %scan3A_33, %mul3A_34 : i32
      %add3A_36 = arith.constant 0 : i32
      %add3A_37 = arith.addi %add3A_36, %mul3A_35 : i32
      %swap3A = arith.index_cast %add3A_37 : i32 to index
      %swap3A_38 = arith.constant 0 : index
      %swap3A_39 = tpu.vector_load %arg16[%swap3A, %swap3A_38] {strides = array<i32>} : memref<64x128xf32, #tpu.memory_space<vmem>>, vector<1x16xf32>,
      %swap3A_40 = vector.shape_cast %swap3A_39 : vector<1x16xf32> to vector<16xf32>
      %swap3A_41 = vector.shape_cast %broadcast_in_dim3A_1 : vector<16xf32> to vector<1x16xf32>
      tpu.vector_store %arg16[%swap3A, %swap3A_38], %swap3A_41 {strides = array<i32>} : memref<64x128xf32, #tpu.memory_space<vmem>>, vector<1x16xf32>,
      %swap3A_42 = arith.index_cast %add3A_37 : i32 to index
      %swap3A_43 = arith.constant 16 : index
      %swap3A_44 = tpu.vector_load %arg16[%swap3A_42, %swap3A_43] {strides = array<i32>} : memref<64x128xf32, #tpu.memory_space<vmem>>, vector<1x16xf32>,
      %swap3A_45 = vector.shape_cast %swap3A_44 : vector<1x16xf32> to vector<16xf32>
      %swap3A_46 = vector.shape_cast %broadcast_in_dim3A_1 : vector<16xf32> to vector<1x16xf32>
      tpu.vector_store %arg16[%swap3A_42, %swap3A_43], %swap3A_46 {strides = array<i32>} : memref<64x128xf32, #tpu.memory_space<vmem>>, vector<1x16xf32>,
      %swap3A_47 = arith.index_cast %add3A_37 : i32 to index
      %swap3A_48 = arith.constant 32 : index
      %swap3A_49 = tpu.vector_load %arg16[%swap3A_47, %swap3A_48] {strides = array<i32>} : memref<64x128xf32, #tpu.memory_space<vmem>>, vector<1x16xf32>,
      %swap3A_50 = vector.shape_cast %swap3A_49 : vector<1x16xf32> to vector<16xf32>
      %swap3A_51 = vector.shape_cast %broadcast_in_dim3A_1 : vector<16xf32> to vector<1x16xf32>
      tpu.vector_store %arg16[%swap3A_47, %swap3A_48], %swap3A_51 {strides = array<i32>} : memref<64x128xf32, #tpu.memory_space<vmem>>, vector<1x16xf32>,
      %swap3A_52 = arith.index_cast %add3A_37 : i32 to index
      %swap3A_53 = arith.constant 48 : index
      %swap3A_54 = tpu.vector_load %arg16[%swap3A_52, %swap3A_53] {strides = array<i32>} : memref<64x128xf32, #tpu.memory_space<vmem>>, vector<1x16xf32>,
      %swap3A_55 = vector.shape_cast %swap3A_54 : vector<1x16xf32> to vector<16xf32>
      %swap3A_56 = vector.shape_cast %broadcast_in_dim3A_1 : vector<16xf32> to vector<1x16xf32>
      tpu.vector_store %arg16[%swap3A_52, %swap3A_53], %swap3A_56 {strides = array<i32>} : memref<64x128xf32, #tpu.memory_space<vmem>>, vector<1x16xf32>,
      %swap3A_57 = arith.index_cast %add3A_37 : i32 to index
      %swap3A_58 = arith.constant 64 : index
      %swap3A_59 = tpu.vector_load %arg16[%swap3A_57, %swap3A_58] {strides = array<i32>} : memref<64x128xf32, #tpu.memory_space<vmem>>, vector<1x16xf32>,
      %swap3A_60 = vector.shape_cast %swap3A_59 : vector<1x16xf32> to vector<16xf32>
      %swap3A_61 = vector.shape_cast %broadcast_in_dim3A_1 : vector<16xf32> to vector<1x16xf32>
      tpu.vector_store %arg16[%swap3A_57, %swap3A_58], %swap3A_61 {strides = array<i32>} : memref<64x128xf32, #tpu.memory_space<vmem>>, vector<1x16xf32>,
      %swap3A_62 = arith.index_cast %add3A_37 : i32 to index
      %swap3A_63 = arith.constant 80 : index
      %swap3A_64 = tpu.vector_load %arg16[%swap3A_62, %swap3A_63] {strides = array<i32>} : memref<64x128xf32, #tpu.memory_space<vmem>>, vector<1x16xf32>,
      %swap3A_65 = vector.shape_cast %swap3A_64 : vector<1x16xf32> to vector<16xf32>
      %swap3A_66 = vector.shape_cast %broadcast_in_dim3A_1 : vector<16xf32> to vector<1x16xf32>
      tpu.vector_store %arg16[%swap3A_62, %swap3A_63], %swap3A_66 {strides = array<i32>} : memref<64x128xf32, #tpu.memory_space<vmem>>, vector<1x16xf32>,
      %swap3A_67 = arith.index_cast %add3A_37 : i32 to index
      %swap3A_68 = arith.constant 96 : index
      %swap3A_69 = tpu.vector_load %arg16[%swap3A_67, %swap3A_68] {strides = array<i32>} : memref<64x128xf32, #tpu.memory_space<vmem>>, vector<1x16xf32>,
      %swap3A_70 = vector.shape_cast %swap3A_69 : vector<1x16xf32> to vector<16xf32>
      %swap3A_71 = vector.shape_cast %broadcast_in_dim3A_1 : vector<16xf32> to vector<1x16xf32>
      tpu.vector_store %arg16[%swap3A_67, %swap3A_68], %swap3A_71 {strides = array<i32>} : memref<64x128xf32, #tpu.memory_space<vmem>>, vector<1x16xf32>,
      %swap3A_72 = arith.index_cast %add3A_37 : i32 to index
      %swap3A_73 = arith.constant 112 : index
      %swap3A_74 = tpu.vector_load %arg16[%swap3A_72, %swap3A_73] {strides = array<i32>} : memref<64x128xf32, #tpu.memory_space<vmem>>, vector<1x16xf32>,
      %swap3A_75 = vector.shape_cast %swap3A_74 : vector<1x16xf32> to vector<16xf32>
      %swap3A_76 = vector.shape_cast %broadcast_in_dim3A_1 : vector<16xf32> to vector<1x16xf32>
      tpu.vector_store %arg16[%swap3A_72, %swap3A_73], %swap3A_76 {strides = array<i32>} : memref<64x128xf32, #tpu.memory_space<vmem>>, vector<1x16xf32>,
    }
    %scan3A_5 = arith.constant 64 : i32
    %scan3A_6 = arith.constant 0 : i32
    %scan3A_7 = arith.constant 79 : i32
    %scan3A_8 = arith.addi %scan3A_6, %scan3A_7 : i32
    %scan3A_9 = arith.constant 1 : i32
    scf.for %scan3A_33 = %scan3A_6 to %scan3A_8 step %scan3A_9  : i32 {
      %mul3A_34 = arith.constant 1 : i32
      %mul3A_35 = arith.muli %scan3A_33, %mul3A_34 : i32
      %add3A_36 = arith.constant 0 : i32
      %add3A_37 = arith.addi %add3A_36, %mul3A_35 : i32
      %mul3A_38 = arith.constant 632 : i32
      %mul3A_39 = arith.muli %arg1, %mul3A_38 : i32
      %mul3A_40 = arith.constant 8 : i32
      %mul3A_41 = arith.muli %add3A_37, %mul3A_40 : i32
      %add3A_42 = arith.addi %mul3A_39, %mul3A_41 : i32
      %dma_start3A = arith.constant 0 : i32
      %dma_start3A_43 = arith.constant 0 : i32
      %dma_start3A_44 = tpu.memref_slice %arg16[%dma_start3A, %dma_start3A_43] : memref<64x128xf32, #tpu.memory_space<vmem>> -> memref<8x128xf32, #tpu.memory_space<vmem>>
      %dma_start3A_45 = arith.constant 0 : i32
      %dma_start3A_46 = tpu.memref_slice %arg18[%add3A_42, %dma_start3A_45] : memref<10112x128xf32, #tpu.memory_space<vmem_shared>> -> memref<8x128xf32, #tpu.memory_space<vmem_shared>>
      %dma_start3A_47 = arith.constant 0 : i32
      %dma_start3A_48 = tpu.memref_slice %arg18[%add3A_42, %dma_start3A_47] : memref<10112x128xf32, #tpu.memory_space<vmem_shared>> -> memref<8x128xf32, #tpu.memory_space<vmem_shared>>
      %dma_start3A_49 = arith.constant 0 : i32
      %dma_start3A_50 = arith.constant 0 : i32
      %dma_start3A_51 = tpu.memref_slice %arg16[%dma_start3A_49, %dma_start3A_50] : memref<64x128xf32, #tpu.memory_space<vmem>> -> memref<8x128xf32, #tpu.memory_space<vmem>>
      tpu.enqueue_dma source(%dma_start3A_51 : memref<8x128xf32, #tpu.memory_space<vmem>>) target(%dma_start3A_48 : memref<8x128xf32, #tpu.memory_space<vmem_shared>>) target_semaphore(%arg20 : memref<!tpu.dma_semaphore, #tpu.memory_space<semaphore_mem>>)
    }
    %scan3A_10 = arith.constant 79 : i32
    %scan3A_11 = arith.constant 0 : i32
    %scan3A_12 = arith.constant 10 : i32
    %scan3A_13 = arith.addi %scan3A_11, %scan3A_12 : i32
    %scan3A_14 = arith.constant 1 : i32
    scf.for %scan3A_33 = %scan3A_11 to %scan3A_13 step %scan3A_14  : i32 {
      %mul3A_34 = arith.constant 1 : i32
      %mul3A_35 = arith.muli %scan3A_33, %mul3A_34 : i32
      %add3A_36 = arith.constant 0 : i32
      %add3A_37 = arith.addi %add3A_36, %mul3A_35 : i32
      %mul3A_38 = arith.constant 80 : i32
      %mul3A_39 = arith.muli %arg1, %mul3A_38 : i32
      %mul3A_40 = arith.constant 8 : i32
      %mul3A_41 = arith.muli %add3A_37, %mul3A_40 : i32
      %add3A_42 = arith.addi %mul3A_39, %mul3A_41 : i32
      %dma_start3A = arith.constant 0 : i32
      %dma_start3A_43 = arith.constant 0 : i32
      %dma_start3A_44 = tpu.memref_slice %arg16[%dma_start3A, %dma_start3A_43] : memref<64x128xf32, #tpu.memory_space<vmem>> -> memref<8x128xf32, #tpu.memory_space<vmem>>
      %dma_start3A_45 = arith.constant 0 : i32
      %dma_start3A_46 = tpu.memref_slice %arg19[%add3A_42, %dma_start3A_45] : memref<1280x128xf32, #tpu.memory_space<vmem_shared>> -> memref<8x128xf32, #tpu.memory_space<vmem_shared>>
      %dma_start3A_47 = arith.constant 0 : i32
      %dma_start3A_48 = tpu.memref_slice %arg19[%add3A_42, %dma_start3A_47] : memref<1280x128xf32, #tpu.memory_space<vmem_shared>> -> memref<8x128xf32, #tpu.memory_space<vmem_shared>>
      %dma_start3A_49 = arith.constant 0 : i32
      %dma_start3A_50 = arith.constant 0 : i32
      %dma_start3A_51 = tpu.memref_slice %arg16[%dma_start3A_49, %dma_start3A_50] : memref<64x128xf32, #tpu.memory_space<vmem>> -> memref<8x128xf32, #tpu.memory_space<vmem>>
      tpu.enqueue_dma source(%dma_start3A_51 : memref<8x128xf32, #tpu.memory_space<vmem>>) target(%dma_start3A_48 : memref<8x128xf32, #tpu.memory_space<vmem_shared>>) target_semaphore(%arg20 : memref<!tpu.dma_semaphore, #tpu.memory_space<semaphore_mem>>)
    }
    %scan3A_15 = arith.constant 10 : i32
    %scan3A_16 = arith.constant 0 : i32
    %scan3A_17 = arith.constant 89 : i32
    %scan3A_18 = arith.addi %scan3A_16, %scan3A_17 : i32
    %scan3A_19 = arith.constant 1 : i32
    scf.for %scan3A_33 = %scan3A_16 to %scan3A_18 step %scan3A_19  : i32 {
      %mul3A_34 = arith.constant 1 : i32
      %mul3A_35 = arith.muli %scan3A_33, %mul3A_34 : i32
      %add3A_36 = arith.constant 0 : i32
      %add3A_37 = arith.addi %add3A_36, %mul3A_35 : i32
      %dma_wait3A = arith.constant 0 : i32
      %dma_wait3A_38 = arith.constant 0 : i32
      %dma_wait3A_39 = tpu.memref_slice %arg16[%dma_wait3A, %dma_wait3A_38] : memref<64x128xf32, #tpu.memory_space<vmem>> -> memref<8x128xf32, #tpu.memory_space<vmem>>
      %dma_wait3A_40 = arith.constant 0 : i32
      %dma_wait3A_41 = arith.constant 0 : i32
      %dma_wait3A_42 = tpu.memref_slice %arg18[%dma_wait3A_40, %dma_wait3A_41] : memref<10112x128xf32, #tpu.memory_space<vmem_shared>> -> memref<8x128xf32, #tpu.memory_space<vmem_shared>>
      %dma_wait3A_43 = arith.constant 0 : i32
      %dma_wait3A_44 = arith.constant 0 : i32
      %dma_wait3A_45 = tpu.memref_slice %arg18[%dma_wait3A_43, %dma_wait3A_44] : memref<10112x128xf32, #tpu.memory_space<vmem_shared>> -> memref<8x128xf32, #tpu.memory_space<vmem_shared>>
      %dma_wait3A_46 = arith.constant 0 : i32
      %dma_wait3A_47 = arith.constant 0 : i32
      %dma_wait3A_48 = tpu.memref_slice %arg16[%dma_wait3A_46, %dma_wait3A_47] : memref<64x128xf32, #tpu.memory_space<vmem>> -> memref<8x128xf32, #tpu.memory_space<vmem>>
      tpu.wait_dma2 semaphore(%arg20 : memref<!tpu.dma_semaphore, #tpu.memory_space<semaphore_mem>>) src(%dma_wait3A_48 : memref<8x128xf32, #tpu.memory_space<vmem>>) dst(%dma_wait3A_45 : memref<8x128xf32, #tpu.memory_space<vmem_shared>>)
    }
    %scan3A_20 = arith.constant 89 : i32
    %barrier3A = arith.constant 0 : index
    tpu.barrier barrier_id(%barrier3A)
    %lt3A = arith.constant 5000 : i32
    %lt3A_21 = arith.cmpi slt, %add3A, %lt3A : i32
    %convert_element_type3A = arith.extui %lt3A_21 : i1 to i32
    %cond3A = arith.constant 0 : i32
    %cond3A_22 = arith.cmpi ne, %convert_element_type3A, %cond3A : i32
    scf.if %cond3A_22 {
      %mul3A_33 = arith.constant 64 : i32
      %mul3A_34 = arith.muli %add3A, %mul3A_33 : i32
      %dma_start3A = tpu.memref_slice %arg5[%mul3A_34] : memref<320000xi32, #tpu.memory_space<hbm>> -> memref<64xi32, #tpu.memory_space<hbm>>
      %dma_start3A_35 = tpu.memref_slice %arg5[%mul3A_34] : memref<320000xi32, #tpu.memory_space<hbm>> -> memref<64xi32, #tpu.memory_space<hbm>>
      tpu.enqueue_dma source(%dma_start3A_35 : memref<64xi32, #tpu.memory_space<hbm>>) target(%arg9 : memref<64xi32, #tpu.memory_space<vmem>>) target_semaphore(%arg20 : memref<!tpu.dma_semaphore, #tpu.memory_space<semaphore_mem>>)
      %dma_start3A_36 = tpu.memref_slice %arg6[%mul3A_34] : memref<320000xi32, #tpu.memory_space<hbm>> -> memref<64xi32, #tpu.memory_space<hbm>>
      %dma_start3A_37 = tpu.memref_slice %arg6[%mul3A_34] : memref<320000xi32, #tpu.memory_space<hbm>> -> memref<64xi32, #tpu.memory_space<hbm>>
      tpu.enqueue_dma source(%dma_start3A_37 : memref<64xi32, #tpu.memory_space<hbm>>) target(%arg10 : memref<64xi32, #tpu.memory_space<vmem>>) target_semaphore(%arg20 : memref<!tpu.dma_semaphore, #tpu.memory_space<semaphore_mem>>)
    } else {
    }
    %scan3A_23 = arith.constant 0 : i32
    %scan3A_24 = arith.constant 79 : i32
    %scan3A_25 = arith.addi %scan3A_23, %scan3A_24 : i32
    %scan3A_26 = arith.constant 1 : i32
    scf.for %scan3A_33 = %scan3A_23 to %scan3A_25 step %scan3A_26  : i32 {
      %mul3A_34 = arith.constant 1 : i32
      %mul3A_35 = arith.muli %scan3A_33, %mul3A_34 : i32
      %add3A_36 = arith.constant 0 : i32
      %add3A_37 = arith.addi %add3A_36, %mul3A_35 : i32
      %mul3A_38 = arith.constant 2 : i32
      %mul3A_39 = arith.muli %add3A_37, %mul3A_38 : i32
      %mul3A_40 = arith.constant 32 : i32
      %mul3A_41 = arith.muli %mul3A_39, %mul3A_40 : i32
      %add3A_42 = arith.addi %add3A, %mul3A_41 : i32
      %add3A_43 = arith.constant 1 : i32
      %add3A_44 = arith.addi %mul3A_39, %add3A_43 : i32
      %mul3A_45 = arith.constant 32 : i32
      %mul3A_46 = arith.muli %add3A_44, %mul3A_45 : i32
      %add3A_47 = arith.addi %add3A, %mul3A_46 : i32
      %add3A_48 = arith.constant 2 : i32
      %add3A_49 = arith.addi %mul3A_39, %add3A_48 : i32
      %mul3A_50 = arith.constant 32 : i32
      %mul3A_51 = arith.muli %add3A_49, %mul3A_50 : i32
      %add3A_52 = arith.addi %add3A, %mul3A_51 : i32
      %lt3A_53 = arith.constant 5000 : i32
      %lt3A_54 = arith.cmpi slt, %add3A_42, %lt3A_53 : i32
      %convert_element_type3A_55 = arith.extui %lt3A_54 : i1 to i32
      %cond3A_56 = arith.constant 0 : i32
      %cond3A_57 = arith.cmpi ne, %convert_element_type3A_55, %cond3A_56 : i32
      scf.if %cond3A_57 {
        %dma_wait3A = arith.constant 0 : i32
        %dma_wait3A_63 = tpu.memref_slice %arg5[%dma_wait3A] : memref<320000xi32, #tpu.memory_space<hbm>> -> memref<64xi32, #tpu.memory_space<hbm>>
        %dma_wait3A_64 = arith.constant 0 : i32
        %dma_wait3A_65 = tpu.memref_slice %arg5[%dma_wait3A_64] : memref<320000xi32, #tpu.memory_space<hbm>> -> memref<64xi32, #tpu.memory_space<hbm>>
        tpu.wait_dma2 semaphore(%arg20 : memref<!tpu.dma_semaphore, #tpu.memory_space<semaphore_mem>>) src(%dma_wait3A_65 : memref<64xi32, #tpu.memory_space<hbm>>) dst(%arg9 : memref<64xi32, #tpu.memory_space<vmem>>)
        %dma_wait3A_66 = arith.constant 0 : i32
        %dma_wait3A_67 = tpu.memref_slice %arg6[%dma_wait3A_66] : memref<320000xi32, #tpu.memory_space<hbm>> -> memref<64xi32, #tpu.memory_space<hbm>>
        %dma_wait3A_68 = arith.constant 0 : i32
        %dma_wait3A_69 = tpu.memref_slice %arg6[%dma_wait3A_68] : memref<320000xi32, #tpu.memory_space<hbm>> -> memref<64xi32, #tpu.memory_space<hbm>>
        tpu.wait_dma2 semaphore(%arg20 : memref<!tpu.dma_semaphore, #tpu.memory_space<semaphore_mem>>) src(%dma_wait3A_69 : memref<64xi32, #tpu.memory_space<hbm>>) dst(%arg10 : memref<64xi32, #tpu.memory_space<vmem>>)
        %eq3A = arith.constant 0 : i32
        %eq3A_70 = arith.cmpi eq, %add3A_37, %eq3A : i32
        %ge3A = arith.constant 5000 : i32
        %ge3A_71 = arith.cmpi sge, %add3A_47, %ge3A : i32
        %not3A = arith.constant true
        %not3A_72 = arith.xori %eq3A_70, %not3A : i1
        %convert_element_type3A_73 = arith.extui %not3A_72 : i1 to i32
        %cond3A_74 = arith.constant 0 : i32
        %cond3A_75 = arith.cmpi ne, %convert_element_type3A_73, %cond3A_74 : i32
        scf.if %cond3A_75 {
          %dma_wait3A_200 = arith.constant 0 : i32
          %dma_wait3A_201 = arith.constant 0 : i32
          %dma_wait3A_202 = tpu.memref_slice %arg18[%dma_wait3A_200, %dma_wait3A_201] : memref<10112x128xf32, #tpu.memory_space<vmem_shared>> -> memref<10112x128xf32, #tpu.memory_space<vmem_shared>>
          tpu.wait_indirect_dma semaphore(%arg24 : memref<!tpu.dma_semaphore, #tpu.memory_space<semaphore_mem>>) src(%arg16 : memref<64x128xf32, #tpu.memory_space<vmem>>) dst(%dma_wait3A_202 : memref<10112x128xf32, #tpu.memory_space<vmem_shared>>)
          %dma_wait3A_203 = arith.constant 0 : i32
          %dma_wait3A_204 = arith.constant 0 : i32
          %dma_wait3A_205 = tpu.memref_slice %arg19[%dma_wait3A_203, %dma_wait3A_204] : memref<1280x128xf32, #tpu.memory_space<vmem_shared>> -> memref<1280x128xf32, #tpu.memory_space<vmem_shared>>
          tpu.wait_indirect_dma semaphore(%arg25 : memref<!tpu.dma_semaphore, #tpu.memory_space<semaphore_mem>>) src(%arg15 : memref<64x128xf32, #tpu.memory_space<vmem>>) dst(%dma_wait3A_205 : memref<1280x128xf32, #tpu.memory_space<vmem_shared>>)
        } else {
        }
        %dma_start3A = arith.constant 0 : i32
        %dma_start3A_76 = arith.constant 0 : i32
        %dma_start3A_77 = tpu.memref_slice %arg14[%dma_start3A, %dma_start3A_76] : memref<64x128xf32, #tpu.memory_space<vmem>> -> memref<32x128xf32, #tpu.memory_space<vmem>>
        %dma_start3A_78 = arith.constant 0 : i32
        %dma_start3A_79 = tpu.memref_slice %arg9[%dma_start3A_78] : memref<64xi32, #tpu.memory_space<vmem>> -> memref<32xi32, #tpu.memory_space<vmem>>
        %dma_start3A_80 = arith.constant 0 : i32
        %dma_start3A_81 = arith.constant 0 : i32
        %dma_start3A_82 = tpu.memref_slice %arg3[%dma_start3A_80, %dma_start3A_81] : memref<10000x128xf32, #tpu.memory_space<hbm>> -> memref<10000x128xf32, #tpu.memory_space<hbm>>
        tpu.enqueue_indirect_dma source(%dma_start3A_82 : memref<10000x128xf32, #tpu.memory_space<hbm>>) target(%dma_start3A_77 : memref<32x128xf32, #tpu.memory_space<vmem>>) offsets(%dma_start3A_79 : memref<32xi32, #tpu.memory_space<vmem>>) semaphore(%arg22 : memref<!tpu.dma_semaphore, #tpu.memory_space<semaphore_mem>>)
        %dma_start3A_83 = arith.constant 32 : i32
        %dma_start3A_84 = arith.constant 0 : i32
        %dma_start3A_85 = tpu.memref_slice %arg14[%dma_start3A_83, %dma_start3A_84] : memref<64x128xf32, #tpu.memory_space<vmem>> -> memref<32x128xf32, #tpu.memory_space<vmem>>
        %dma_start3A_86 = arith.constant 32 : i32
        %dma_start3A_87 = tpu.memref_slice %arg9[%dma_start3A_86] : memref<64xi32, #tpu.memory_space<vmem>> -> memref<32xi32, #tpu.memory_space<vmem>>
        %dma_start3A_88 = arith.constant 0 : i32
        %dma_start3A_89 = arith.constant 0 : i32
        %dma_start3A_90 = tpu.memref_slice %arg3[%dma_start3A_88, %dma_start3A_89] : memref<10000x128xf32, #tpu.memory_space<hbm>> -> memref<10000x128xf32, #tpu.memory_space<hbm>>
        tpu.enqueue_indirect_dma source(%dma_start3A_90 : memref<10000x128xf32, #tpu.memory_space<hbm>>) target(%dma_start3A_85 : memref<32x128xf32, #tpu.memory_space<vmem>>) offsets(%dma_start3A_87 : memref<32xi32, #tpu.memory_space<vmem>>) semaphore(%arg23 : memref<!tpu.dma_semaphore, #tpu.memory_space<semaphore_mem>>)
        %dma_start3A_91 = arith.constant 0 : i32
        %dma_start3A_92 = arith.constant 0 : i32
        %dma_start3A_93 = tpu.memref_slice %arg15[%dma_start3A_91, %dma_start3A_92] : memref<64x128xf32, #tpu.memory_space<vmem>> -> memref<32x128xf32, #tpu.memory_space<vmem>>
        %dma_start3A_94 = arith.constant 0 : i32
        %dma_start3A_95 = tpu.memref_slice %arg9[%dma_start3A_94] : memref<64xi32, #tpu.memory_space<vmem>> -> memref<32xi32, #tpu.memory_space<vmem>>
        %dma_start3A_96 = arith.constant 0 : i32
        %dma_start3A_97 = arith.constant 0 : i32
        %dma_start3A_98 = tpu.memref_slice %arg4[%dma_start3A_96, %dma_start3A_97] : memref<10000x128xf32, #tpu.memory_space<hbm>> -> memref<10000x128xf32, #tpu.memory_space<hbm>>
        tpu.enqueue_indirect_dma source(%dma_start3A_98 : memref<10000x128xf32, #tpu.memory_space<hbm>>) target(%dma_start3A_93 : memref<32x128xf32, #tpu.memory_space<vmem>>) offsets(%dma_start3A_95 : memref<32xi32, #tpu.memory_space<vmem>>) semaphore(%arg22 : memref<!tpu.dma_semaphore, #tpu.memory_space<semaphore_mem>>)
        %dma_start3A_99 = arith.constant 32 : i32
        %dma_start3A_100 = arith.constant 0 : i32
        %dma_start3A_101 = tpu.memref_slice %arg15[%dma_start3A_99, %dma_start3A_100] : memref<64x128xf32, #tpu.memory_space<vmem>> -> memref<32x128xf32, #tpu.memory_space<vmem>>
        %dma_start3A_102 = arith.constant 32 : i32
        %dma_start3A_103 = tpu.memref_slice %arg9[%dma_start3A_102] : memref<64xi32, #tpu.memory_space<vmem>> -> memref<32xi32, #tpu.memory_space<vmem>>
        %dma_start3A_104 = arith.constant 0 : i32
        %dma_start3A_105 = arith.constant 0 : i32
        %dma_start3A_106 = tpu.memref_slice %arg4[%dma_start3A_104, %dma_start3A_105] : memref<10000x128xf32, #tpu.memory_space<hbm>> -> memref<10000x128xf32, #tpu.memory_space<hbm>>
        tpu.enqueue_indirect_dma source(%dma_start3A_106 : memref<10000x128xf32, #tpu.memory_space<hbm>>) target(%dma_start3A_101 : memref<32x128xf32, #tpu.memory_space<vmem>>) offsets(%dma_start3A_103 : memref<32xi32, #tpu.memory_space<vmem>>) semaphore(%arg23 : memref<!tpu.dma_semaphore, #tpu.memory_space<semaphore_mem>>)
        %dma_start3A_107 = arith.constant 0 : i32
        %dma_start3A_108 = arith.constant 0 : i32
        %dma_start3A_109 = tpu.memref_slice %arg16[%dma_start3A_107, %dma_start3A_108] : memref<64x128xf32, #tpu.memory_space<vmem>> -> memref<32x128xf32, #tpu.memory_space<vmem>>
        %dma_start3A_110 = arith.constant 0 : i32
        %dma_start3A_111 = tpu.memref_slice %arg10[%dma_start3A_110] : memref<64xi32, #tpu.memory_space<vmem>> -> memref<32xi32, #tpu.memory_space<vmem>>
        %dma_start3A_112 = arith.constant 0 : i32
        %dma_start3A_113 = arith.constant 0 : i32
        %dma_start3A_114 = tpu.memref_slice %arg2[%dma_start3A_112, %dma_start3A_113] : memref<10000x128xf32, #tpu.memory_space<hbm>> -> memref<10000x128xf32, #tpu.memory_space<hbm>>
        tpu.enqueue_indirect_dma source(%dma_start3A_114 : memref<10000x128xf32, #tpu.memory_space<hbm>>) target(%dma_start3A_109 : memref<32x128xf32, #tpu.memory_space<vmem>>) offsets(%dma_start3A_111 : memref<32xi32, #tpu.memory_space<vmem>>) semaphore(%arg22 : memref<!tpu.dma_semaphore, #tpu.memory_space<semaphore_mem>>)
        %dma_start3A_115 = arith.constant 32 : i32
        %dma_start3A_116 = arith.constant 0 : i32
        %dma_start3A_117 = tpu.memref_slice %arg16[%dma_start3A_115, %dma_start3A_116] : memref<64x128xf32, #tpu.memory_space<vmem>> -> memref<32x128xf32, #tpu.memory_space<vmem>>
        %dma_start3A_118 = arith.constant 32 : i32
        %dma_start3A_119 = tpu.memref_slice %arg10[%dma_start3A_118] : memref<64xi32, #tpu.memory_space<vmem>> -> memref<32xi32, #tpu.memory_space<vmem>>
        %dma_start3A_120 = arith.constant 0 : i32
        %dma_start3A_121 = arith.constant 0 : i32
        %dma_start3A_122 = tpu.memref_slice %arg2[%dma_start3A_120, %dma_start3A_121] : memref<10000x128xf32, #tpu.memory_space<hbm>> -> memref<10000x128xf32, #tpu.memory_space<hbm>>
        tpu.enqueue_indirect_dma source(%dma_start3A_122 : memref<10000x128xf32, #tpu.memory_space<hbm>>) target(%dma_start3A_117 : memref<32x128xf32, #tpu.memory_space<vmem>>) offsets(%dma_start3A_119 : memref<32xi32, #tpu.memory_space<vmem>>) semaphore(%arg23 : memref<!tpu.dma_semaphore, #tpu.memory_space<semaphore_mem>>)
        %lt3A_123 = arith.constant 5000 : i32
        %lt3A_124 = arith.cmpi slt, %add3A_47, %lt3A_123 : i32
        %convert_element_type3A_125 = arith.extui %lt3A_124 : i1 to i32
        %cond3A_126 = arith.constant 0 : i32
        %cond3A_127 = arith.cmpi ne, %convert_element_type3A_125, %cond3A_126 : i32
        scf.if %cond3A_127 {
          %mul3A_200 = arith.constant 64 : i32
          %mul3A_201 = arith.muli %add3A_47, %mul3A_200 : i32
          %dma_start3A_202 = tpu.memref_slice %arg5[%mul3A_201] : memref<320000xi32, #tpu.memory_space<hbm>> -> memref<64xi32, #tpu.memory_space<hbm>>
          %dma_start3A_203 = tpu.memref_slice %arg5[%mul3A_201] : memref<320000xi32, #tpu.memory_space<hbm>> -> memref<64xi32, #tpu.memory_space<hbm>>
          tpu.enqueue_dma source(%dma_start3A_203 : memref<64xi32, #tpu.memory_space<hbm>>) target(%arg11 : memref<64xi32, #tpu.memory_space<vmem>>) target_semaphore(%arg21 : memref<!tpu.dma_semaphore, #tpu.memory_space<semaphore_mem>>)
          %dma_start3A_204 = tpu.memref_slice %arg6[%mul3A_201] : memref<320000xi32, #tpu.memory_space<hbm>> -> memref<64xi32, #tpu.memory_space<hbm>>
          %dma_start3A_205 = tpu.memref_slice %arg6[%mul3A_201] : memref<320000xi32, #tpu.memory_space<hbm>> -> memref<64xi32, #tpu.memory_space<hbm>>
          tpu.enqueue_dma source(%dma_start3A_205 : memref<64xi32, #tpu.memory_space<hbm>>) target(%arg12 : memref<64xi32, #tpu.memory_space<vmem>>) target_semaphore(%arg21 : memref<!tpu.dma_semaphore, #tpu.memory_space<semaphore_mem>>)
        } else {
        }
        %dma_wait3A_128 = arith.constant 0 : i32
        %dma_wait3A_129 = arith.constant 0 : i32
        %dma_wait3A_130 = tpu.memref_slice %arg14[%dma_wait3A_128, %dma_wait3A_129] : memref<64x128xf32, #tpu.memory_space<vmem>> -> memref<32x128xf32, #tpu.memory_space<vmem>>
        %dma_wait3A_131 = arith.constant 0 : i32
        %dma_wait3A_132 = tpu.memref_slice %arg9[%dma_wait3A_131] : memref<64xi32, #tpu.memory_space<vmem>> -> memref<32xi32, #tpu.memory_space<vmem>>
        %dma_wait3A_133 = arith.constant 0 : i32
        %dma_wait3A_134 = arith.constant 0 : i32
        %dma_wait3A_135 = tpu.memref_slice %arg3[%dma_wait3A_133, %dma_wait3A_134] : memref<10000x128xf32, #tpu.memory_space<hbm>> -> memref<10000x128xf32, #tpu.memory_space<hbm>>
        tpu.wait_indirect_dma semaphore(%arg22 : memref<!tpu.dma_semaphore, #tpu.memory_space<semaphore_mem>>) src(%dma_wait3A_135 : memref<10000x128xf32, #tpu.memory_space<hbm>>) dst(%dma_wait3A_130 : memref<32x128xf32, #tpu.memory_space<vmem>>)
        %dma_wait3A_136 = arith.constant 0 : i32
        %dma_wait3A_137 = arith.constant 0 : i32
        %dma_wait3A_138 = tpu.memref_slice %arg14[%dma_wait3A_136, %dma_wait3A_137] : memref<64x128xf32, #tpu.memory_space<vmem>> -> memref<32x128xf32, #tpu.memory_space<vmem>>
        %dma_wait3A_139 = arith.constant 0 : i32
        %dma_wait3A_140 = tpu.memref_slice %arg9[%dma_wait3A_139] : memref<64xi32, #tpu.memory_space<vmem>> -> memref<32xi32, #tpu.memory_space<vmem>>
        %dma_wait3A_141 = arith.constant 0 : i32
        %dma_wait3A_142 = arith.constant 0 : i32
        %dma_wait3A_143 = tpu.memref_slice %arg3[%dma_wait3A_141, %dma_wait3A_142] : memref<10000x128xf32, #tpu.memory_space<hbm>> -> memref<10000x128xf32, #tpu.memory_space<hbm>>
        tpu.wait_indirect_dma semaphore(%arg22 : memref<!tpu.dma_semaphore, #tpu.memory_space<semaphore_mem>>) src(%dma_wait3A_143 : memref<10000x128xf32, #tpu.memory_space<hbm>>) dst(%dma_wait3A_138 : memref<32x128xf32, #tpu.memory_space<vmem>>)
        %dma_wait3A_144 = arith.constant 0 : i32
        %dma_wait3A_145 = arith.constant 0 : i32
        %dma_wait3A_146 = tpu.memref_slice %arg14[%dma_wait3A_144, %dma_wait3A_145] : memref<64x128xf32, #tpu.memory_space<vmem>> -> memref<32x128xf32, #tpu.memory_space<vmem>>
        %dma_wait3A_147 = arith.constant 0 : i32
        %dma_wait3A_148 = tpu.memref_slice %arg9[%dma_wait3A_147] : memref<64xi32, #tpu.memory_space<vmem>> -> memref<32xi32, #tpu.memory_space<vmem>>
        %dma_wait3A_149 = arith.constant 0 : i32
        %dma_wait3A_150 = arith.constant 0 : i32
        %dma_wait3A_151 = tpu.memref_slice %arg3[%dma_wait3A_149, %dma_wait3A_150] : memref<10000x128xf32, #tpu.memory_space<hbm>> -> memref<10000x128xf32, #tpu.memory_space<hbm>>
        tpu.wait_indirect_dma semaphore(%arg22 : memref<!tpu.dma_semaphore, #tpu.memory_space<semaphore_mem>>) src(%dma_wait3A_151 : memref<10000x128xf32, #tpu.memory_space<hbm>>) dst(%dma_wait3A_146 : memref<32x128xf32, #tpu.memory_space<vmem>>)
        %scan3A_152 = arith.constant 0 : i32
        %scan3A_153 = arith.constant 32 : i32
        %scan3A_154 = arith.addi %scan3A_152, %scan3A_153 : i32
        %scan3A_155 = arith.constant 1 : i32
        scf.for %scan3A_200 = %scan3A_152 to %scan3A_154 step %scan3A_155  : i32 {
          %mul3A_201 = arith.constant 1 : i32
          %mul3A_202 = arith.muli %scan3A_200, %mul3A_201 : i32
          %add3A_203 = arith.constant 0 : i32
          %add3A_204 = arith.addi %add3A_203, %mul3A_202 : i32
          %get3A = arith.index_cast %add3A_204 : i32 to index
          %get3A_205 = arith.constant 0 : index
          %get3A_206 = tpu.vector_load %arg14[%get3A, %get3A_205] {strides = array<i32>} : memref<64x128xf32, #tpu.memory_space<vmem>>, vector<1x16xf32>,
          %get3A_207 = vector.shape_cast %get3A_206 : vector<1x16xf32> to vector<16xf32>
          %get3A_208 = arith.index_cast %add3A_204 : i32 to index
          %get3A_209 = arith.constant 0 : index
          %get3A_210 = tpu.vector_load %arg16[%get3A_208, %get3A_209] {strides = array<i32>} : memref<64x128xf32, #tpu.memory_space<vmem>>, vector<1x16xf32>,
          %get3A_211 = vector.shape_cast %get3A_210 : vector<1x16xf32> to vector<16xf32>
          %mul3A_212 = arith.mulf %get3A_207, %get3A_211 : vector<16xf32>
          %get3A_213 = arith.index_cast %add3A_204 : i32 to index
          %get3A_214 = arith.constant 16 : index
          %get3A_215 = tpu.vector_load %arg14[%get3A_213, %get3A_214] {strides = array<i32>} : memref<64x128xf32, #tpu.memory_space<vmem>>, vector<1x16xf32>,
          %get3A_216 = vector.shape_cast %get3A_215 : vector<1x16xf32> to vector<16xf32>
          %get3A_217 = arith.index_cast %add3A_204 : i32 to index
          %get3A_218 = arith.constant 16 : index
          %get3A_219 = tpu.vector_load %arg16[%get3A_217, %get3A_218] {strides = array<i32>} : memref<64x128xf32, #tpu.memory_space<vmem>>, vector<1x16xf32>,
          %get3A_220 = vector.shape_cast %get3A_219 : vector<1x16xf32> to vector<16xf32>
          %mul3A_221 = arith.mulf %get3A_216, %get3A_220 : vector<16xf32>
          %add3A_222 = arith.addf %mul3A_212, %mul3A_221 : vector<16xf32>
          %get3A_223 = arith.index_cast %add3A_204 : i32 to index
          %get3A_224 = arith.constant 32 : index
          %get3A_225 = tpu.vector_load %arg14[%get3A_223, %get3A_224] {strides = array<i32>} : memref<64x128xf32, #tpu.memory_space<vmem>>, vector<1x16xf32>,
          %get3A_226 = vector.shape_cast %get3A_225 : vector<1x16xf32> to vector<16xf32>
          %get3A_227 = arith.index_cast %add3A_204 : i32 to index
          %get3A_228 = arith.constant 32 : index
          %get3A_229 = tpu.vector_load %arg16[%get3A_227, %get3A_228] {strides = array<i32>} : memref<64x128xf32, #tpu.memory_space<vmem>>, vector<1x16xf32>,
          %get3A_230 = vector.shape_cast %get3A_229 : vector<1x16xf32> to vector<16xf32>
          %mul3A_231 = arith.mulf %get3A_226, %get3A_230 : vector<16xf32>
          %add3A_232 = arith.addf %add3A_222, %mul3A_231 : vector<16xf32>
          %get3A_233 = arith.index_cast %add3A_204 : i32 to index
          %get3A_234 = arith.constant 48 : index
          %get3A_235 = tpu.vector_load %arg14[%get3A_233, %get3A_234] {strides = array<i32>} : memref<64x128xf32, #tpu.memory_space<vmem>>, vector<1x16xf32>,
          %get3A_236 = vector.shape_cast %get3A_235 : vector<1x16xf32> to vector<16xf32>
          %get3A_237 = arith.index_cast %add3A_204 : i32 to index
          %get3A_238 = arith.constant 48 : index
          %get3A_239 = tpu.vector_load %arg16[%get3A_237, %get3A_238] {strides = array<i32>} : memref<64x128xf32, #tpu.memory_space<vmem>>, vector<1x16xf32>,
          %get3A_240 = vector.shape_cast %get3A_239 : vector<1x16xf32> to vector<16xf32>
          %mul3A_241 = arith.mulf %get3A_236, %get3A_240 : vector<16xf32>
          %add3A_242 = arith.addf %add3A_232, %mul3A_241 : vector<16xf32>
          %get3A_243 = arith.index_cast %add3A_204 : i32 to index
          %get3A_244 = arith.constant 64 : index
          %get3A_245 = tpu.vector_load %arg14[%get3A_243, %get3A_244] {strides = array<i32>} : memref<64x128xf32, #tpu.memory_space<vmem>>, vector<1x16xf32>,
          %get3A_246 = vector.shape_cast %get3A_245 : vector<1x16xf32> to vector<16xf32>
          %get3A_247 = arith.index_cast %add3A_204 : i32 to index
          %get3A_248 = arith.constant 64 : index
          %get3A_249 = tpu.vector_load %arg16[%get3A_247, %get3A_248] {strides = array<i32>} : memref<64x128xf32, #tpu.memory_space<vmem>>, vector<1x16xf32>,
          %get3A_250 = vector.shape_cast %get3A_249 : vector<1x16xf32> to vector<16xf32>
          %mul3A_251 = arith.mulf %get3A_246, %get3A_250 : vector<16xf32>
          %add3A_252 = arith.addf %add3A_242, %mul3A_251 : vector<16xf32>
          %get3A_253 = arith.index_cast %add3A_204 : i32 to index
          %get3A_254 = arith.constant 80 : index
          %get3A_255 = tpu.vector_load %arg14[%get3A_253, %get3A_254] {strides = array<i32>} : memref<64x128xf32, #tpu.memory_space<vmem>>, vector<1x16xf32>,
          %get3A_256 = vector.shape_cast %get3A_255 : vector<1x16xf32> to vector<16xf32>
          %get3A_257 = arith.index_cast %add3A_204 : i32 to index
          %get3A_258 = arith.constant 80 : index
          %get3A_259 = tpu.vector_load %arg16[%get3A_257, %get3A_258] {strides = array<i32>} : memref<64x128xf32, #tpu.memory_space<vmem>>, vector<1x16xf32>,
          %get3A_260 = vector.shape_cast %get3A_259 : vector<1x16xf32> to vector<16xf32>
          %mul3A_261 = arith.mulf %get3A_256, %get3A_260 : vector<16xf32>
          %add3A_262 = arith.addf %add3A_252, %mul3A_261 : vector<16xf32>
          %get3A_263 = arith.index_cast %add3A_204 : i32 to index
          %get3A_264 = arith.constant 96 : index
          %get3A_265 = tpu.vector_load %arg14[%get3A_263, %get3A_264] {strides = array<i32>} : memref<64x128xf32, #tpu.memory_space<vmem>>, vector<1x16xf32>,
          %get3A_266 = vector.shape_cast %get3A_265 : vector<1x16xf32> to vector<16xf32>
          %get3A_267 = arith.index_cast %add3A_204 : i32 to index
          %get3A_268 = arith.constant 96 : index
          %get3A_269 = tpu.vector_load %arg16[%get3A_267, %get3A_268] {strides = array<i32>} : memref<64x128xf32, #tpu.memory_space<vmem>>, vector<1x16xf32>,
          %get3A_270 = vector.shape_cast %get3A_269 : vector<1x16xf32> to vector<16xf32>
          %mul3A_271 = arith.mulf %get3A_266, %get3A_270 : vector<16xf32>
          %add3A_272 = arith.addf %add3A_262, %mul3A_271 : vector<16xf32>
          %get3A_273 = arith.index_cast %add3A_204 : i32 to index
          %get3A_274 = arith.constant 112 : index
          %get3A_275 = tpu.vector_load %arg14[%get3A_273, %get3A_274] {strides = array<i32>} : memref<64x128xf32, #tpu.memory_space<vmem>>, vector<1x16xf32>,
          %get3A_276 = vector.shape_cast %get3A_275 : vector<1x16xf32> to vector<16xf32>
          %get3A_277 = arith.index_cast %add3A_204 : i32 to index
          %get3A_278 = arith.constant 112 : index
          %get3A_279 = tpu.vector_load %arg16[%get3A_277, %get3A_278] {strides = array<i32>} : memref<64x128xf32, #tpu.memory_space<vmem>>, vector<1x16xf32>,
          %get3A_280 = vector.shape_cast %get3A_279 : vector<1x16xf32> to vector<16xf32>
          %mul3A_281 = arith.mulf %get3A_276, %get3A_280 : vector<16xf32>
          %add3A_282 = arith.addf %add3A_272, %mul3A_281 : vector<16xf32>
          %rev3A = arith.constant 15 : i32
          %rev3A_283 = vector.broadcast %rev3A : i32 to vector<16xi32>
          %rev3A_284 = tpu.iota {dimensions = array<i32: 0>} : vector<16xi32>
          %rev3A_285 = arith.subi %rev3A_283, %rev3A_284 : vector<16xi32>
          %rev3A_286 = tpu.dynamic_gather %add3A_282[%rev3A_285] in [0] : vector<16xf32>, vector<16xi32> -> vector<16xf32>
          %add3A_287 = arith.addf %add3A_282, %rev3A_286 : vector<16xf32>
          %mul3A_288 = arith.constant 2.500000e-01 : f32
          %mul3A_289 = vector.broadcast %mul3A_288 : f32 to vector<16xf32>
          %mul3A_290 = arith.mulf %add3A_287, %mul3A_289 : vector<16xf32>
          %max3A = arith.constant -5.000000e+00 : f32
          %max3A_291 = vector.broadcast %max3A : f32 to vector<16xf32>
          %max3A_292 = arith.maximumf %mul3A_290, %max3A_291 : vector<16xf32>
          %min3A = arith.constant 5.000000e+00 : f32
          %min3A_293 = vector.broadcast %min3A : f32 to vector<16xf32>
          %min3A_294 = arith.minimumf %max3A_292, %min3A_293 : vector<16xf32>
          %exp3A = math.exp %min3A_294 : vector<16xf32>
          %swap3A = arith.index_cast %add3A_204 : i32 to index
          %swap3A_295 = arith.constant 0 : index
          %swap3A_296 = tpu.vector_load %arg17[%swap3A, %swap3A_295] {strides = array<i32>} : memref<64x16xf32, #tpu.memory_space<vmem>>, vector<1x16xf32>,
          %swap3A_297 = vector.shape_cast %swap3A_296 : vector<1x16xf32> to vector<16xf32>
          %swap3A_298 = vector.shape_cast %exp3A : vector<16xf32> to vector<1x16xf32>
          tpu.vector_store %arg17[%swap3A, %swap3A_295], %swap3A_298 {strides = array<i32>} : memref<64x16xf32, #tpu.memory_space<vmem>>, vector<1x16xf32>,
          %get3A_299 = arith.index_cast %add3A_204 : i32 to index
          %get3A_300 = arith.constant 0 : index
          %get3A_301 = tpu.vector_load %arg15[%get3A_299, %get3A_300] {strides = array<i32>} : memref<64x128xf32, #tpu.memory_space<vmem>>, vector<1x16xf32>,
          %get3A_302 = vector.shape_cast %get3A_301 : vector<1x16xf32> to vector<16xf32>
          %mul3A_303 = arith.mulf %get3A_302, %exp3A : vector<16xf32>
          %swap3A_304 = arith.index_cast %add3A_204 : i32 to index
          %swap3A_305 = arith.constant 0 : index
          %swap3A_306 = tpu.vector_load %arg16[%swap3A_304, %swap3A_305] {strides = array<i32>} : memref<64x128xf32, #tpu.memory_space<vmem>>, vector<1x16xf32>,
          %swap3A_307 = vector.shape_cast %swap3A_306 : vector<1x16xf32> to vector<16xf32>
          %swap3A_308 = vector.shape_cast %mul3A_303 : vector<16xf32> to vector<1x16xf32>
          tpu.vector_store %arg16[%swap3A_304, %swap3A_305], %swap3A_308 {strides = array<i32>} : memref<64x128xf32, #tpu.memory_space<vmem>>, vector<1x16xf32>,
          %get3A_309 = arith.index_cast %add3A_204 : i32 to index
          %get3A_310 = arith.constant 16 : index
          %get3A_311 = tpu.vector_load %arg15[%get3A_309, %get3A_310] {strides = array<i32>} : memref<64x128xf32, #tpu.memory_space<vmem>>, vector<1x16xf32>,
          %get3A_312 = vector.shape_cast %get3A_311 : vector<1x16xf32> to vector<16xf32>
          %mul3A_313 = arith.mulf %get3A_312, %exp3A : vector<16xf32>
          %swap3A_314 = arith.index_cast %add3A_204 : i32 to index
          %swap3A_315 = arith.constant 16 : index
          %swap3A_316 = tpu.vector_load %arg16[%swap3A_314, %swap3A_315] {strides = array<i32>} : memref<64x128xf32, #tpu.memory_space<vmem>>, vector<1x16xf32>,
          %swap3A_317 = vector.shape_cast %swap3A_316 : vector<1x16xf32> to vector<16xf32>
          %swap3A_318 = vector.shape_cast %mul3A_313 : vector<16xf32> to vector<1x16xf32>
          tpu.vector_store %arg16[%swap3A_314, %swap3A_315], %swap3A_318 {strides = array<i32>} : memref<64x128xf32, #tpu.memory_space<vmem>>, vector<1x16xf32>,
          %get3A_319 = arith.index_cast %add3A_204 : i32 to index
          %get3A_320 = arith.constant 32 : index
          %get3A_321 = tpu.vector_load %arg15[%get3A_319, %get3A_320] {strides = array<i32>} : memref<64x128xf32, #tpu.memory_space<vmem>>, vector<1x16xf32>,
          %get3A_322 = vector.shape_cast %get3A_321 : vector<1x16xf32> to vector<16xf32>
          %mul3A_323 = arith.mulf %get3A_322, %exp3A : vector<16xf32>
          %swap3A_324 = arith.index_cast %add3A_204 : i32 to index
          %swap3A_325 = arith.constant 32 : index
          %swap3A_326 = tpu.vector_load %arg16[%swap3A_324, %swap3A_325] {strides = array<i32>} : memref<64x128xf32, #tpu.memory_space<vmem>>, vector<1x16xf32>,
          %swap3A_327 = vector.shape_cast %swap3A_326 : vector<1x16xf32> to vector<16xf32>
          %swap3A_328 = vector.shape_cast %mul3A_323 : vector<16xf32> to vector<1x16xf32>
          tpu.vector_store %arg16[%swap3A_324, %swap3A_325], %swap3A_328 {strides = array<i32>} : memref<64x128xf32, #tpu.memory_space<vmem>>, vector<1x16xf32>,
          %get3A_329 = arith.index_cast %add3A_204 : i32 to index
          %get3A_330 = arith.constant 48 : index
          %get3A_331 = tpu.vector_load %arg15[%get3A_329, %get3A_330] {strides = array<i32>} : memref<64x128xf32, #tpu.memory_space<vmem>>, vector<1x16xf32>,
          %get3A_332 = vector.shape_cast %get3A_331 : vector<1x16xf32> to vector<16xf32>
          %mul3A_333 = arith.mulf %get3A_332, %exp3A : vector<16xf32>
          %swap3A_334 = arith.index_cast %add3A_204 : i32 to index
          %swap3A_335 = arith.constant 48 : index
          %swap3A_336 = tpu.vector_load %arg16[%swap3A_334, %swap3A_335] {strides = array<i32>} : memref<64x128xf32, #tpu.memory_space<vmem>>, vector<1x16xf32>,
          %swap3A_337 = vector.shape_cast %swap3A_336 : vector<1x16xf32> to vector<16xf32>
          %swap3A_338 = vector.shape_cast %mul3A_333 : vector<16xf32> to vector<1x16xf32>
          tpu.vector_store %arg16[%swap3A_334, %swap3A_335], %swap3A_338 {strides = array<i32>} : memref<64x128xf32, #tpu.memory_space<vmem>>, vector<1x16xf32>,
          %get3A_339 = arith.index_cast %add3A_204 : i32 to index
          %get3A_340 = arith.constant 64 : index
          %get3A_341 = tpu.vector_load %arg15[%get3A_339, %get3A_340] {strides = array<i32>} : memref<64x128xf32, #tpu.memory_space<vmem>>, vector<1x16xf32>,
          %get3A_342 = vector.shape_cast %get3A_341 : vector<1x16xf32> to vector<16xf32>
          %mul3A_343 = arith.mulf %get3A_342, %exp3A : vector<16xf32>
          %swap3A_344 = arith.index_cast %add3A_204 : i32 to index
          %swap3A_345 = arith.constant 64 : index
          %swap3A_346 = tpu.vector_load %arg16[%swap3A_344, %swap3A_345] {strides = array<i32>} : memref<64x128xf32, #tpu.memory_space<vmem>>, vector<1x16xf32>,
          %swap3A_347 = vector.shape_cast %swap3A_346 : vector<1x16xf32> to vector<16xf32>
          %swap3A_348 = vector.shape_cast %mul3A_343 : vector<16xf32> to vector<1x16xf32>
          tpu.vector_store %arg16[%swap3A_344, %swap3A_345], %swap3A_348 {strides = array<i32>} : memref<64x128xf32, #tpu.memory_space<vmem>>, vector<1x16xf32>,
          %get3A_349 = arith.index_cast %add3A_204 : i32 to index
          %get3A_350 = arith.constant 80 : index
          %get3A_351 = tpu.vector_load %arg15[%get3A_349, %get3A_350] {strides = array<i32>} : memref<64x128xf32, #tpu.memory_space<vmem>>, vector<1x16xf32>,
          %get3A_352 = vector.shape_cast %get3A_351 : vector<1x16xf32> to vector<16xf32>
          %mul3A_353 = arith.mulf %get3A_352, %exp3A : vector<16xf32>
          %swap3A_354 = arith.index_cast %add3A_204 : i32 to index
          %swap3A_355 = arith.constant 80 : index
          %swap3A_356 = tpu.vector_load %arg16[%swap3A_354, %swap3A_355] {strides = array<i32>} : memref<64x128xf32, #tpu.memory_space<vmem>>, vector<1x16xf32>,
          %swap3A_357 = vector.shape_cast %swap3A_356 : vector<1x16xf32> to vector<16xf32>
          %swap3A_358 = vector.shape_cast %mul3A_353 : vector<16xf32> to vector<1x16xf32>
          tpu.vector_store %arg16[%swap3A_354, %swap3A_355], %swap3A_358 {strides = array<i32>} : memref<64x128xf32, #tpu.memory_space<vmem>>, vector<1x16xf32>,
          %get3A_359 = arith.index_cast %add3A_204 : i32 to index
          %get3A_360 = arith.constant 96 : index
          %get3A_361 = tpu.vector_load %arg15[%get3A_359, %get3A_360] {strides = array<i32>} : memref<64x128xf32, #tpu.memory_space<vmem>>, vector<1x16xf32>,
          %get3A_362 = vector.shape_cast %get3A_361 : vector<1x16xf32> to vector<16xf32>
          %mul3A_363 = arith.mulf %get3A_362, %exp3A : vector<16xf32>
          %swap3A_364 = arith.index_cast %add3A_204 : i32 to index
          %swap3A_365 = arith.constant 96 : index
          %swap3A_366 = tpu.vector_load %arg16[%swap3A_364, %swap3A_365] {strides = array<i32>} : memref<64x128xf32, #tpu.memory_space<vmem>>, vector<1x16xf32>,
          %swap3A_367 = vector.shape_cast %swap3A_366 : vector<1x16xf32> to vector<16xf32>
          %swap3A_368 = vector.shape_cast %mul3A_363 : vector<16xf32> to vector<1x16xf32>
          tpu.vector_store %arg16[%swap3A_364, %swap3A_365], %swap3A_368 {strides = array<i32>} : memref<64x128xf32, #tpu.memory_space<vmem>>, vector<1x16xf32>,
          %get3A_369 = arith.index_cast %add3A_204 : i32 to index
          %get3A_370 = arith.constant 112 : index
          %get3A_371 = tpu.vector_load %arg15[%get3A_369, %get3A_370] {strides = array<i32>} : memref<64x128xf32, #tpu.memory_space<vmem>>, vector<1x16xf32>,
          %get3A_372 = vector.shape_cast %get3A_371 : vector<1x16xf32> to vector<16xf32>
          %mul3A_373 = arith.mulf %get3A_372, %exp3A : vector<16xf32>
          %swap3A_374 = arith.index_cast %add3A_204 : i32 to index
          %swap3A_375 = arith.constant 112 : index
          %swap3A_376 = tpu.vector_load %arg16[%swap3A_374, %swap3A_375] {strides = array<i32>} : memref<64x128xf32, #tpu.memory_space<vmem>>, vector<1x16xf32>,
          %swap3A_377 = vector.shape_cast %swap3A_376 : vector<1x16xf32> to vector<16xf32>
          %swap3A_378 = vector.shape_cast %mul3A_373 : vector<16xf32> to vector<1x16xf32>
          tpu.vector_store %arg16[%swap3A_374, %swap3A_375], %swap3A_378 {strides = array<i32>} : memref<64x128xf32, #tpu.memory_space<vmem>>, vector<1x16xf32>,
        }
        %scan3A_156 = arith.constant 32 : i32
        %dma_wait3A_157 = arith.constant 0 : i32
        %dma_wait3A_158 = arith.constant 0 : i32
        %dma_wait3A_159 = tpu.memref_slice %arg14[%dma_wait3A_157, %dma_wait3A_158] : memref<64x128xf32, #tpu.memory_space<vmem>> -> memref<32x128xf32, #tpu.memory_space<vmem>>
        %dma_wait3A_160 = arith.constant 0 : i32
        %dma_wait3A_161 = tpu.memref_slice %arg9[%dma_wait3A_160] : memref<64xi32, #tpu.memory_space<vmem>> -> memref<32xi32, #tpu.memory_space<vmem>>
        %dma_wait3A_162 = arith.constant 0 : i32
        %dma_wait3A_163 = arith.constant 0 : i32
        %dma_wait3A_164 = tpu.memref_slice %arg3[%dma_wait3A_162, %dma_wait3A_163] : memref<10000x128xf32, #tpu.memory_space<hbm>> -> memref<10000x128xf32, #tpu.memory_space<hbm>>
        tpu.wait_indirect_dma semaphore(%arg23 : memref<!tpu.dma_semaphore, #tpu.memory_space<semaphore_mem>>) src(%dma_wait3A_164 : memref<10000x128xf32, #tpu.memory_space<hbm>>) dst(%dma_wait3A_159 : memref<32x128xf32, #tpu.memory_space<vmem>>)
        %dma_wait3A_165 = arith.constant 0 : i32
        %dma_wait3A_166 = arith.constant 0 : i32
        %dma_wait3A_167 = tpu.memref_slice %arg14[%dma_wait3A_165, %dma_wait3A_166] : memref<64x128xf32, #tpu.memory_space<vmem>> -> memref<32x128xf32, #tpu.memory_space<vmem>>
        %dma_wait3A_168 = arith.constant 0 : i32
        %dma_wait3A_169 = tpu.memref_slice %arg9[%dma_wait3A_168] : memref<64xi32, #tpu.memory_space<vmem>> -> memref<32xi32, #tpu.memory_space<vmem>>
        %dma_wait3A_170 = arith.constant 0 : i32
        %dma_wait3A_171 = arith.constant 0 : i32
        %dma_wait3A_172 = tpu.memref_slice %arg3[%dma_wait3A_170, %dma_wait3A_171] : memref<10000x128xf32, #tpu.memory_space<hbm>> -> memref<10000x128xf32, #tpu.memory_space<hbm>>
        tpu.wait_indirect_dma semaphore(%arg23 : memref<!tpu.dma_semaphore, #tpu.memory_space<semaphore_mem>>) src(%dma_wait3A_172 : memref<10000x128xf32, #tpu.memory_space<hbm>>) dst(%dma_wait3A_167 : memref<32x128xf32, #tpu.memory_space<vmem>>)
        %dma_wait3A_173 = arith.constant 0 : i32
        %dma_wait3A_174 = arith.constant 0 : i32
        %dma_wait3A_175 = tpu.memref_slice %arg14[%dma_wait3A_173, %dma_wait3A_174] : memref<64x128xf32, #tpu.memory_space<vmem>> -> memref<32x128xf32, #tpu.memory_space<vmem>>
        %dma_wait3A_176 = arith.constant 0 : i32
        %dma_wait3A_177 = tpu.memref_slice %arg9[%dma_wait3A_176] : memref<64xi32, #tpu.memory_space<vmem>> -> memref<32xi32, #tpu.memory_space<vmem>>
        %dma_wait3A_178 = arith.constant 0 : i32
        %dma_wait3A_179 = arith.constant 0 : i32
        %dma_wait3A_180 = tpu.memref_slice %arg3[%dma_wait3A_178, %dma_wait3A_179] : memref<10000x128xf32, #tpu.memory_space<hbm>> -> memref<10000x128xf32, #tpu.memory_space<hbm>>
        tpu.wait_indirect_dma semaphore(%arg23 : memref<!tpu.dma_semaphore, #tpu.memory_space<semaphore_mem>>) src(%dma_wait3A_180 : memref<10000x128xf32, #tpu.memory_space<hbm>>) dst(%dma_wait3A_175 : memref<32x128xf32, #tpu.memory_space<vmem>>)
        %scan3A_181 = arith.constant 0 : i32
        %scan3A_182 = arith.constant 32 : i32
        %scan3A_183 = arith.addi %scan3A_181, %scan3A_182 : i32
        %scan3A_184 = arith.constant 1 : i32
        scf.for %scan3A_200 = %scan3A_181 to %scan3A_183 step %scan3A_184  : i32 {
          %mul3A_201 = arith.constant 1 : i32
          %mul3A_202 = arith.muli %scan3A_200, %mul3A_201 : i32
          %add3A_203 = arith.constant 32 : i32
          %add3A_204 = arith.addi %add3A_203, %mul3A_202 : i32
          %get3A = arith.index_cast %add3A_204 : i32 to index
          %get3A_205 = arith.constant 0 : index
          %get3A_206 = tpu.vector_load %arg14[%get3A, %get3A_205] {strides = array<i32>} : memref<64x128xf32, #tpu.memory_space<vmem>>, vector<1x16xf32>,
          %get3A_207 = vector.shape_cast %get3A_206 : vector<1x16xf32> to vector<16xf32>
          %get3A_208 = arith.index_cast %add3A_204 : i32 to index
          %get3A_209 = arith.constant 0 : index
          %get3A_210 = tpu.vector_load %arg16[%get3A_208, %get3A_209] {strides = array<i32>} : memref<64x128xf32, #tpu.memory_space<vmem>>, vector<1x16xf32>,
          %get3A_211 = vector.shape_cast %get3A_210 : vector<1x16xf32> to vector<16xf32>
          %mul3A_212 = arith.mulf %get3A_207, %get3A_211 : vector<16xf32>
          %get3A_213 = arith.index_cast %add3A_204 : i32 to index
          %get3A_214 = arith.constant 16 : index
          %get3A_215 = tpu.vector_load %arg14[%get3A_213, %get3A_214] {strides = array<i32>} : memref<64x128xf32, #tpu.memory_space<vmem>>, vector<1x16xf32>,
          %get3A_216 = vector.shape_cast %get3A_215 : vector<1x16xf32> to vector<16xf32>
          %get3A_217 = arith.index_cast %add3A_204 : i32 to index
          %get3A_218 = arith.constant 16 : index
          %get3A_219 = tpu.vector_load %arg16[%get3A_217, %get3A_218] {strides = array<i32>} : memref<64x128xf32, #tpu.memory_space<vmem>>, vector<1x16xf32>,
          %get3A_220 = vector.shape_cast %get3A_219 : vector<1x16xf32> to vector<16xf32>
          %mul3A_221 = arith.mulf %get3A_216, %get3A_220 : vector<16xf32>
          %add3A_222 = arith.addf %mul3A_212, %mul3A_221 : vector<16xf32>
          %get3A_223 = arith.index_cast %add3A_204 : i32 to index
          %get3A_224 = arith.constant 32 : index
          %get3A_225 = tpu.vector_load %arg14[%get3A_223, %get3A_224] {strides = array<i32>} : memref<64x128xf32, #tpu.memory_space<vmem>>, vector<1x16xf32>,
          %get3A_226 = vector.shape_cast %get3A_225 : vector<1x16xf32> to vector<16xf32>
          %get3A_227 = arith.index_cast %add3A_204 : i32 to index
          %get3A_228 = arith.constant 32 : index
          %get3A_229 = tpu.vector_load %arg16[%get3A_227, %get3A_228] {strides = array<i32>} : memref<64x128xf32, #tpu.memory_space<vmem>>, vector<1x16xf32>,
          %get3A_230 = vector.shape_cast %get3A_229 : vector<1x16xf32> to vector<16xf32>
          %mul3A_231 = arith.mulf %get3A_226, %get3A_230 : vector<16xf32>
          %add3A_232 = arith.addf %add3A_222, %mul3A_231 : vector<16xf32>
          %get3A_233 = arith.index_cast %add3A_204 : i32 to index
          %get3A_234 = arith.constant 48 : index
          %get3A_235 = tpu.vector_load %arg14[%get3A_233, %get3A_234] {strides = array<i32>} : memref<64x128xf32, #tpu.memory_space<vmem>>, vector<1x16xf32>,
          %get3A_236 = vector.shape_cast %get3A_235 : vector<1x16xf32> to vector<16xf32>
          %get3A_237 = arith.index_cast %add3A_204 : i32 to index
          %get3A_238 = arith.constant 48 : index
          %get3A_239 = tpu.vector_load %arg16[%get3A_237, %get3A_238] {strides = array<i32>} : memref<64x128xf32, #tpu.memory_space<vmem>>, vector<1x16xf32>,
          %get3A_240 = vector.shape_cast %get3A_239 : vector<1x16xf32> to vector<16xf32>
          %mul3A_241 = arith.mulf %get3A_236, %get3A_240 : vector<16xf32>
          %add3A_242 = arith.addf %add3A_232, %mul3A_241 : vector<16xf32>
          %get3A_243 = arith.index_cast %add3A_204 : i32 to index
          %get3A_244 = arith.constant 64 : index
          %get3A_245 = tpu.vector_load %arg14[%get3A_243, %get3A_244] {strides = array<i32>} : memref<64x128xf32, #tpu.memory_space<vmem>>, vector<1x16xf32>,
          %get3A_246 = vector.shape_cast %get3A_245 : vector<1x16xf32> to vector<16xf32>
          %get3A_247 = arith.index_cast %add3A_204 : i32 to index
          %get3A_248 = arith.constant 64 : index
          %get3A_249 = tpu.vector_load %arg16[%get3A_247, %get3A_248] {strides = array<i32>} : memref<64x128xf32, #tpu.memory_space<vmem>>, vector<1x16xf32>,
          %get3A_250 = vector.shape_cast %get3A_249 : vector<1x16xf32> to vector<16xf32>
          %mul3A_251 = arith.mulf %get3A_246, %get3A_250 : vector<16xf32>
          %add3A_252 = arith.addf %add3A_242, %mul3A_251 : vector<16xf32>
          %get3A_253 = arith.index_cast %add3A_204 : i32 to index
          %get3A_254 = arith.constant 80 : index
          %get3A_255 = tpu.vector_load %arg14[%get3A_253, %get3A_254] {strides = array<i32>} : memref<64x128xf32, #tpu.memory_space<vmem>>, vector<1x16xf32>,
          %get3A_256 = vector.shape_cast %get3A_255 : vector<1x16xf32> to vector<16xf32>
          %get3A_257 = arith.index_cast %add3A_204 : i32 to index
          %get3A_258 = arith.constant 80 : index
          %get3A_259 = tpu.vector_load %arg16[%get3A_257, %get3A_258] {strides = array<i32>} : memref<64x128xf32, #tpu.memory_space<vmem>>, vector<1x16xf32>,
          %get3A_260 = vector.shape_cast %get3A_259 : vector<1x16xf32> to vector<16xf32>
          %mul3A_261 = arith.mulf %get3A_256, %get3A_260 : vector<16xf32>
          %add3A_262 = arith.addf %add3A_252, %mul3A_261 : vector<16xf32>
          %get3A_263 = arith.index_cast %add3A_204 : i32 to index
          %get3A_264 = arith.constant 96 : index
          %get3A_265 = tpu.vector_load %arg14[%get3A_263, %get3A_264] {strides = array<i32>} : memref<64x128xf32, #tpu.memory_space<vmem>>, vector<1x16xf32>,
          %get3A_266 = vector.shape_cast %get3A_265 : vector<1x16xf32> to vector<16xf32>
          %get3A_267 = arith.index_cast %add3A_204 : i32 to index
          %get3A_268 = arith.constant 96 : index
          %get3A_269 = tpu.vector_load %arg16[%get3A_267, %get3A_268] {strides = array<i32>} : memref<64x128xf32, #tpu.memory_space<vmem>>, vector<1x16xf32>,
          %get3A_270 = vector.shape_cast %get3A_269 : vector<1x16xf32> to vector<16xf32>
          %mul3A_271 = arith.mulf %get3A_266, %get3A_270 : vector<16xf32>
          %add3A_272 = arith.addf %add3A_262, %mul3A_271 : vector<16xf32>
          %get3A_273 = arith.index_cast %add3A_204 : i32 to index
          %get3A_274 = arith.constant 112 : index
          %get3A_275 = tpu.vector_load %arg14[%get3A_273, %get3A_274] {strides = array<i32>} : memref<64x128xf32, #tpu.memory_space<vmem>>, vector<1x16xf32>,
          %get3A_276 = vector.shape_cast %get3A_275 : vector<1x16xf32> to vector<16xf32>
          %get3A_277 = arith.index_cast %add3A_204 : i32 to index
          %get3A_278 = arith.constant 112 : index
          %get3A_279 = tpu.vector_load %arg16[%get3A_277, %get3A_278] {strides = array<i32>} : memref<64x128xf32, #tpu.memory_space<vmem>>, vector<1x16xf32>,
          %get3A_280 = vector.shape_cast %get3A_279 : vector<1x16xf32> to vector<16xf32>
          %mul3A_281 = arith.mulf %get3A_276, %get3A_280 : vector<16xf32>
          %add3A_282 = arith.addf %add3A_272, %mul3A_281 : vector<16xf32>
          %rev3A = arith.constant 15 : i32
          %rev3A_283 = vector.broadcast %rev3A : i32 to vector<16xi32>
          %rev3A_284 = tpu.iota {dimensions = array<i32: 0>} : vector<16xi32>
          %rev3A_285 = arith.subi %rev3A_283, %rev3A_284 : vector<16xi32>
          %rev3A_286 = tpu.dynamic_gather %add3A_282[%rev3A_285] in [0] : vector<16xf32>, vector<16xi32> -> vector<16xf32>
          %add3A_287 = arith.addf %add3A_282, %rev3A_286 : vector<16xf32>
          %mul3A_288 = arith.constant 2.500000e-01 : f32
          %mul3A_289 = vector.broadcast %mul3A_288 : f32 to vector<16xf32>
          %mul3A_290 = arith.mulf %add3A_287, %mul3A_289 : vector<16xf32>
          %max3A = arith.constant -5.000000e+00 : f32
          %max3A_291 = vector.broadcast %max3A : f32 to vector<16xf32>
          %max3A_292 = arith.maximumf %mul3A_290, %max3A_291 : vector<16xf32>
          %min3A = arith.constant 5.000000e+00 : f32
          %min3A_293 = vector.broadcast %min3A : f32 to vector<16xf32>
          %min3A_294 = arith.minimumf %max3A_292, %min3A_293 : vector<16xf32>
          %exp3A = math.exp %min3A_294 : vector<16xf32>
          %swap3A = arith.index_cast %add3A_204 : i32 to index
          %swap3A_295 = arith.constant 0 : index
          %swap3A_296 = tpu.vector_load %arg17[%swap3A, %swap3A_295] {strides = array<i32>} : memref<64x16xf32, #tpu.memory_space<vmem>>, vector<1x16xf32>,
          %swap3A_297 = vector.shape_cast %swap3A_296 : vector<1x16xf32> to vector<16xf32>
          %swap3A_298 = vector.shape_cast %exp3A : vector<16xf32> to vector<1x16xf32>
          tpu.vector_store %arg17[%swap3A, %swap3A_295], %swap3A_298 {strides = array<i32>} : memref<64x16xf32, #tpu.memory_space<vmem>>, vector<1x16xf32>,
          %get3A_299 = arith.index_cast %add3A_204 : i32 to index
          %get3A_300 = arith.constant 0 : index
          %get3A_301 = tpu.vector_load %arg15[%get3A_299, %get3A_300] {strides = array<i32>} : memref<64x128xf32, #tpu.memory_space<vmem>>, vector<1x16xf32>,
          %get3A_302 = vector.shape_cast %get3A_301 : vector<1x16xf32> to vector<16xf32>
          %mul3A_303 = arith.mulf %get3A_302, %exp3A : vector<16xf32>
          %swap3A_304 = arith.index_cast %add3A_204 : i32 to index
          %swap3A_305 = arith.constant 0 : index
          %swap3A_306 = tpu.vector_load %arg16[%swap3A_304, %swap3A_305] {strides = array<i32>} : memref<64x128xf32, #tpu.memory_space<vmem>>, vector<1x16xf32>,
          %swap3A_307 = vector.shape_cast %swap3A_306 : vector<1x16xf32> to vector<16xf32>
          %swap3A_308 = vector.shape_cast %mul3A_303 : vector<16xf32> to vector<1x16xf32>
          tpu.vector_store %arg16[%swap3A_304, %swap3A_305], %swap3A_308 {strides = array<i32>} : memref<64x128xf32, #tpu.memory_space<vmem>>, vector<1x16xf32>,
          %get3A_309 = arith.index_cast %add3A_204 : i32 to index
          %get3A_310 = arith.constant 16 : index
          %get3A_311 = tpu.vector_load %arg15[%get3A_309, %get3A_310] {strides = array<i32>} : memref<64x128xf32, #tpu.memory_space<vmem>>, vector<1x16xf32>,
          %get3A_312 = vector.shape_cast %get3A_311 : vector<1x16xf32> to vector<16xf32>
          %mul3A_313 = arith.mulf %get3A_312, %exp3A : vector<16xf32>
          %swap3A_314 = arith.index_cast %add3A_204 : i32 to index
          %swap3A_315 = arith.constant 16 : index
          %swap3A_316 = tpu.vector_load %arg16[%swap3A_314, %swap3A_315] {strides = array<i32>} : memref<64x128xf32, #tpu.memory_space<vmem>>, vector<1x16xf32>,
          %swap3A_317 = vector.shape_cast %swap3A_316 : vector<1x16xf32> to vector<16xf32>
          %swap3A_318 = vector.shape_cast %mul3A_313 : vector<16xf32> to vector<1x16xf32>
          tpu.vector_store %arg16[%swap3A_314, %swap3A_315], %swap3A_318 {strides = array<i32>} : memref<64x128xf32, #tpu.memory_space<vmem>>, vector<1x16xf32>,
          %get3A_319 = arith.index_cast %add3A_204 : i32 to index
          %get3A_320 = arith.constant 32 : index
          %get3A_321 = tpu.vector_load %arg15[%get3A_319, %get3A_320] {strides = array<i32>} : memref<64x128xf32, #tpu.memory_space<vmem>>, vector<1x16xf32>,
          %get3A_322 = vector.shape_cast %get3A_321 : vector<1x16xf32> to vector<16xf32>
          %mul3A_323 = arith.mulf %get3A_322, %exp3A : vector<16xf32>
          %swap3A_324 = arith.index_cast %add3A_204 : i32 to index
          %swap3A_325 = arith.constant 32 : index
          %swap3A_326 = tpu.vector_load %arg16[%swap3A_324, %swap3A_325] {strides = array<i32>} : memref<64x128xf32, #tpu.memory_space<vmem>>, vector<1x16xf32>,
          %swap3A_327 = vector.shape_cast %swap3A_326 : vector<1x16xf32> to vector<16xf32>
          %swap3A_328 = vector.shape_cast %mul3A_323 : vector<16xf32> to vector<1x16xf32>
          tpu.vector_store %arg16[%swap3A_324, %swap3A_325], %swap3A_328 {strides = array<i32>} : memref<64x128xf32, #tpu.memory_space<vmem>>, vector<1x16xf32>,
          %get3A_329 = arith.index_cast %add3A_204 : i32 to index
          %get3A_330 = arith.constant 48 : index
          %get3A_331 = tpu.vector_load %arg15[%get3A_329, %get3A_330] {strides = array<i32>} : memref<64x128xf32, #tpu.memory_space<vmem>>, vector<1x16xf32>,
          %get3A_332 = vector.shape_cast %get3A_331 : vector<1x16xf32> to vector<16xf32>
          %mul3A_333 = arith.mulf %get3A_332, %exp3A : vector<16xf32>
          %swap3A_334 = arith.index_cast %add3A_204 : i32 to index
          %swap3A_335 = arith.constant 48 : index
          %swap3A_336 = tpu.vector_load %arg16[%swap3A_334, %swap3A_335] {strides = array<i32>} : memref<64x128xf32, #tpu.memory_space<vmem>>, vector<1x16xf32>,
          %swap3A_337 = vector.shape_cast %swap3A_336 : vector<1x16xf32> to vector<16xf32>
          %swap3A_338 = vector.shape_cast %mul3A_333 : vector<16xf32> to vector<1x16xf32>
          tpu.vector_store %arg16[%swap3A_334, %swap3A_335], %swap3A_338 {strides = array<i32>} : memref<64x128xf32, #tpu.memory_space<vmem>>, vector<1x16xf32>,
          %get3A_339 = arith.index_cast %add3A_204 : i32 to index
          %get3A_340 = arith.constant 64 : index
          %get3A_341 = tpu.vector_load %arg15[%get3A_339, %get3A_340] {strides = array<i32>} : memref<64x128xf32, #tpu.memory_space<vmem>>, vector<1x16xf32>,
          %get3A_342 = vector.shape_cast %get3A_341 : vector<1x16xf32> to vector<16xf32>
          %mul3A_343 = arith.mulf %get3A_342, %exp3A : vector<16xf32>
          %swap3A_344 = arith.index_cast %add3A_204 : i32 to index
          %swap3A_345 = arith.constant 64 : index
          %swap3A_346 = tpu.vector_load %arg16[%swap3A_344, %swap3A_345] {strides = array<i32>} : memref<64x128xf32, #tpu.memory_space<vmem>>, vector<1x16xf32>,
          %swap3A_347 = vector.shape_cast %swap3A_346 : vector<1x16xf32> to vector<16xf32>
          %swap3A_348 = vector.shape_cast %mul3A_343 : vector<16xf32> to vector<1x16xf32>
          tpu.vector_store %arg16[%swap3A_344, %swap3A_345], %swap3A_348 {strides = array<i32>} : memref<64x128xf32, #tpu.memory_space<vmem>>, vector<1x16xf32>,
          %get3A_349 = arith.index_cast %add3A_204 : i32 to index
          %get3A_350 = arith.constant 80 : index
          %get3A_351 = tpu.vector_load %arg15[%get3A_349, %get3A_350] {strides = array<i32>} : memref<64x128xf32, #tpu.memory_space<vmem>>, vector<1x16xf32>,
          %get3A_352 = vector.shape_cast %get3A_351 : vector<1x16xf32> to vector<16xf32>
          %mul3A_353 = arith.mulf %get3A_352, %exp3A : vector<16xf32>
          %swap3A_354 = arith.index_cast %add3A_204 : i32 to index
          %swap3A_355 = arith.constant 80 : index
          %swap3A_356 = tpu.vector_load %arg16[%swap3A_354, %swap3A_355] {strides = array<i32>} : memref<64x128xf32, #tpu.memory_space<vmem>>, vector<1x16xf32>,
          %swap3A_357 = vector.shape_cast %swap3A_356 : vector<1x16xf32> to vector<16xf32>
          %swap3A_358 = vector.shape_cast %mul3A_353 : vector<16xf32> to vector<1x16xf32>
          tpu.vector_store %arg16[%swap3A_354, %swap3A_355], %swap3A_358 {strides = array<i32>} : memref<64x128xf32, #tpu.memory_space<vmem>>, vector<1x16xf32>,
          %get3A_359 = arith.index_cast %add3A_204 : i32 to index
          %get3A_360 = arith.constant 96 : index
          %get3A_361 = tpu.vector_load %arg15[%get3A_359, %get3A_360] {strides = array<i32>} : memref<64x128xf32, #tpu.memory_space<vmem>>, vector<1x16xf32>,
          %get3A_362 = vector.shape_cast %get3A_361 : vector<1x16xf32> to vector<16xf32>
          %mul3A_363 = arith.mulf %get3A_362, %exp3A : vector<16xf32>
          %swap3A_364 = arith.index_cast %add3A_204 : i32 to index
          %swap3A_365 = arith.constant 96 : index
          %swap3A_366 = tpu.vector_load %arg16[%swap3A_364, %swap3A_365] {strides = array<i32>} : memref<64x128xf32, #tpu.memory_space<vmem>>, vector<1x16xf32>,
          %swap3A_367 = vector.shape_cast %swap3A_366 : vector<1x16xf32> to vector<16xf32>
          %swap3A_368 = vector.shape_cast %mul3A_363 : vector<16xf32> to vector<1x16xf32>
          tpu.vector_store %arg16[%swap3A_364, %swap3A_365], %swap3A_368 {strides = array<i32>} : memref<64x128xf32, #tpu.memory_space<vmem>>, vector<1x16xf32>,
          %get3A_369 = arith.index_cast %add3A_204 : i32 to index
          %get3A_370 = arith.constant 112 : index
          %get3A_371 = tpu.vector_load %arg15[%get3A_369, %get3A_370] {strides = array<i32>} : memref<64x128xf32, #tpu.memory_space<vmem>>, vector<1x16xf32>,
          %get3A_372 = vector.shape_cast %get3A_371 : vector<1x16xf32> to vector<16xf32>
          %mul3A_373 = arith.mulf %get3A_372, %exp3A : vector<16xf32>
          %swap3A_374 = arith.index_cast %add3A_204 : i32 to index
          %swap3A_375 = arith.constant 112 : index
          %swap3A_376 = tpu.vector_load %arg16[%swap3A_374, %swap3A_375] {strides = array<i32>} : memref<64x128xf32, #tpu.memory_space<vmem>>, vector<1x16xf32>,
          %swap3A_377 = vector.shape_cast %swap3A_376 : vector<1x16xf32> to vector<16xf32>
          %swap3A_378 = vector.shape_cast %mul3A_373 : vector<16xf32> to vector<1x16xf32>
          tpu.vector_store %arg16[%swap3A_374, %swap3A_375], %swap3A_378 {strides = array<i32>} : memref<64x128xf32, #tpu.memory_space<vmem>>, vector<1x16xf32>,
        }
        %scan3A_185 = arith.constant 32 : i32
        %dma_start3A_186 = arith.constant 0 : i32
        %dma_start3A_187 = arith.constant 0 : i32
        %dma_start3A_188 = tpu.memref_slice %arg18[%dma_start3A_186, %dma_start3A_187] : memref<10112x128xf32, #tpu.memory_space<vmem_shared>> -> memref<10112x128xf32, #tpu.memory_space<vmem_shared>>
        tpu.enqueue_indirect_dma source(%arg16 : memref<64x128xf32, #tpu.memory_space<vmem>>) target(%dma_start3A_188 : memref<10112x128xf32, #tpu.memory_space<vmem_shared>>) offsets(%arg10 : memref<64xi32, #tpu.memory_space<vmem>>) semaphore(%arg24 : memref<!tpu.dma_semaphore, #tpu.memory_space<semaphore_mem>>) {add = true}
        %scan3A_189 = arith.constant 0 : i32
        %scan3A_190 = arith.constant 4 : i32
        %scan3A_191 = arith.addi %scan3A_189, %scan3A_190 : i32
        %scan3A_192 = arith.constant 1 : i32
        scf.for %scan3A_200 = %scan3A_189 to %scan3A_191 step %scan3A_192  : i32 {
          %mul3A_201 = arith.constant 1 : i32
          %mul3A_202 = arith.muli %scan3A_200, %mul3A_201 : i32
          %add3A_203 = arith.constant 0 : i32
          %add3A_204 = arith.addi %add3A_203, %mul3A_202 : i32
          %mul3A_205 = arith.constant 16 : i32
          %mul3A_206 = arith.muli %add3A_204, %mul3A_205 : i32
          %get3A = arith.index_cast %mul3A_206 : i32 to index
          %get3A_207 = tpu.vector_load %arg10[%get3A] {strides = array<i32>} : memref<64xi32, #tpu.memory_space<vmem>>, vector<16xi32>,
          %get3A_208 = vector.shape_cast %get3A_207 : vector<16xi32> to vector<16xi32>
          %shift_right_logical3A = arith.constant 3 : i32
          %shift_right_logical3A_209 = vector.broadcast %shift_right_logical3A : i32 to vector<16xi32>
          %shift_right_logical3A_210 = arith.shrui %get3A_208, %shift_right_logical3A_209 : vector<16xi32>
          %mul3A_211 = arith.constant 16 : i32
          %mul3A_212 = arith.muli %add3A_204, %mul3A_211 : i32
          %swap3A = arith.index_cast %mul3A_212 : i32 to index
          %swap3A_213 = tpu.vector_load %arg13[%swap3A] {strides = array<i32>} : memref<64xi32, #tpu.memory_space<vmem>>, vector<16xi32>,
          %swap3A_214 = vector.shape_cast %swap3A_213 : vector<16xi32> to vector<16xi32>
          %swap3A_215 = vector.shape_cast %shift_right_logical3A_210 : vector<16xi32> to vector<16xi32>
          tpu.vector_store %arg13[%swap3A], %swap3A_215 {strides = array<i32>} : memref<64xi32, #tpu.memory_space<vmem>>, vector<16xi32>,
          %mul3A_216 = arith.constant 16 : i32
          %mul3A_217 = arith.muli %add3A_204, %mul3A_216 : i32
          %add3A_218 = arith.constant 0 : i32
          %add3A_219 = arith.addi %mul3A_217, %add3A_218 : i32
          %get3A_220 = arith.index_cast %add3A_219 : i32 to index
          %get3A_221 = arith.constant 0 : index
          %get3A_222 = tpu.vector_load %arg17[%get3A_220, %get3A_221] {strides = array<i32>} : memref<64x16xf32, #tpu.memory_space<vmem>>, vector<1x16xf32>,
          %get3A_223 = vector.shape_cast %get3A_222 : vector<1x16xf32> to vector<16xf32>
          %swap3A_224 = arith.index_cast %add3A_219 : i32 to index
          %swap3A_225 = arith.constant 0 : index
          %swap3A_226 = tpu.vector_load %arg15[%swap3A_224, %swap3A_225] {strides = array<i32>} : memref<64x128xf32, #tpu.memory_space<vmem>>, vector<1x16xf32>,
          %swap3A_227 = vector.shape_cast %swap3A_226 : vector<1x16xf32> to vector<16xf32>
          %swap3A_228 = vector.shape_cast %broadcast_in_dim3A_1 : vector<16xf32> to vector<1x16xf32>
          tpu.vector_store %arg15[%swap3A_224, %swap3A_225], %swap3A_228 {strides = array<i32>} : memref<64x128xf32, #tpu.memory_space<vmem>>, vector<1x16xf32>,
          %swap3A_229 = arith.index_cast %add3A_219 : i32 to index
          %swap3A_230 = arith.constant 16 : index
          %swap3A_231 = tpu.vector_load %arg15[%swap3A_229, %swap3A_230] {strides = array<i32>} : memref<64x128xf32, #tpu.memory_space<vmem>>, vector<1x16xf32>,
          %swap3A_232 = vector.shape_cast %swap3A_231 : vector<1x16xf32> to vector<16xf32>
          %swap3A_233 = vector.shape_cast %broadcast_in_dim3A_1 : vector<16xf32> to vector<1x16xf32>
          tpu.vector_store %arg15[%swap3A_229, %swap3A_230], %swap3A_233 {strides = array<i32>} : memref<64x128xf32, #tpu.memory_space<vmem>>, vector<1x16xf32>,
          %swap3A_234 = arith.index_cast %add3A_219 : i32 to index
          %swap3A_235 = arith.constant 32 : index
          %swap3A_236 = tpu.vector_load %arg15[%swap3A_234, %swap3A_235] {strides = array<i32>} : memref<64x128xf32, #tpu.memory_space<vmem>>, vector<1x16xf32>,
          %swap3A_237 = vector.shape_cast %swap3A_236 : vector<1x16xf32> to vector<16xf32>
          %swap3A_238 = vector.shape_cast %broadcast_in_dim3A_1 : vector<16xf32> to vector<1x16xf32>
          tpu.vector_store %arg15[%swap3A_234, %swap3A_235], %swap3A_238 {strides = array<i32>} : memref<64x128xf32, #tpu.memory_space<vmem>>, vector<1x16xf32>,
          %swap3A_239 = arith.index_cast %add3A_219 : i32 to index
          %swap3A_240 = arith.constant 48 : index
          %swap3A_241 = tpu.vector_load %arg15[%swap3A_239, %swap3A_240] {strides = array<i32>} : memref<64x128xf32, #tpu.memory_space<vmem>>, vector<1x16xf32>,
          %swap3A_242 = vector.shape_cast %swap3A_241 : vector<1x16xf32> to vector<16xf32>
          %swap3A_243 = vector.shape_cast %broadcast_in_dim3A_1 : vector<16xf32> to vector<1x16xf32>
          tpu.vector_store %arg15[%swap3A_239, %swap3A_240], %swap3A_243 {strides = array<i32>} : memref<64x128xf32, #tpu.memory_space<vmem>>, vector<1x16xf32>,
          %swap3A_244 = arith.index_cast %add3A_219 : i32 to index
          %swap3A_245 = arith.constant 64 : index
          %swap3A_246 = tpu.vector_load %arg15[%swap3A_244, %swap3A_245] {strides = array<i32>} : memref<64x128xf32, #tpu.memory_space<vmem>>, vector<1x16xf32>,
          %swap3A_247 = vector.shape_cast %swap3A_246 : vector<1x16xf32> to vector<16xf32>
          %swap3A_248 = vector.shape_cast %broadcast_in_dim3A_1 : vector<16xf32> to vector<1x16xf32>
          tpu.vector_store %arg15[%swap3A_244, %swap3A_245], %swap3A_248 {strides = array<i32>} : memref<64x128xf32, #tpu.memory_space<vmem>>, vector<1x16xf32>,
          %swap3A_249 = arith.index_cast %add3A_219 : i32 to index
          %swap3A_250 = arith.constant 80 : index
          %swap3A_251 = tpu.vector_load %arg15[%swap3A_249, %swap3A_250] {strides = array<i32>} : memref<64x128xf32, #tpu.memory_space<vmem>>, vector<1x16xf32>,
          %swap3A_252 = vector.shape_cast %swap3A_251 : vector<1x16xf32> to vector<16xf32>
          %swap3A_253 = vector.shape_cast %broadcast_in_dim3A_1 : vector<16xf32> to vector<1x16xf32>
          tpu.vector_store %arg15[%swap3A_249, %swap3A_250], %swap3A_253 {strides = array<i32>} : memref<64x128xf32, #tpu.memory_space<vmem>>, vector<1x16xf32>,
          %swap3A_254 = arith.index_cast %add3A_219 : i32 to index
          %swap3A_255 = arith.constant 96 : index
          %swap3A_256 = tpu.vector_load %arg15[%swap3A_254, %swap3A_255] {strides = array<i32>} : memref<64x128xf32, #tpu.memory_space<vmem>>, vector<1x16xf32>,
          %swap3A_257 = vector.shape_cast %swap3A_256 : vector<1x16xf32> to vector<16xf32>
          %swap3A_258 = vector.shape_cast %broadcast_in_dim3A_1 : vector<16xf32> to vector<1x16xf32>
          tpu.vector_store %arg15[%swap3A_254, %swap3A_255], %swap3A_258 {strides = array<i32>} : memref<64x128xf32, #tpu.memory_space<vmem>>, vector<1x16xf32>,
          %swap3A_259 = arith.index_cast %add3A_219 : i32 to index
          %swap3A_260 = arith.constant 112 : index
          %swap3A_261 = tpu.vector_load %arg15[%swap3A_259, %swap3A_260] {strides = array<i32>} : memref<64x128xf32, #tpu.memory_space<vmem>>, vector<1x16xf32>,
          %swap3A_262 = vector.shape_cast %swap3A_261 : vector<1x16xf32> to vector<16xf32>
          %swap3A_263 = vector.shape_cast %broadcast_in_dim3A_1 : vector<16xf32> to vector<1x16xf32>
          tpu.vector_store %arg15[%swap3A_259, %swap3A_260], %swap3A_263 {strides = array<i32>} : memref<64x128xf32, #tpu.memory_space<vmem>>, vector<1x16xf32>,
          %slice3A = vector.extract_strided_slice %get3A_208 {offsets = [0], sizes = [1], strides = [1]} : vector<16xi32> to vector<1xi32>
          %squeeze3A = vector.extract %slice3A[0] : i32 from vector<1xi32>
          %rem3A = arith.constant 8 : i32
          %rem3A_264 = arith.remsi %squeeze3A, %rem3A : i32
          %mul3A_265 = arith.constant 16 : i32
          %mul3A_266 = arith.muli %rem3A_264, %mul3A_265 : i32
          %swap3A_267 = arith.index_cast %add3A_219 : i32 to index
          %swap3A_268 = arith.index_cast %mul3A_266 : i32 to index
          %swap3A_269 = tpu.vector_load %arg15[%swap3A_267, %swap3A_268] {strides = array<i32>} : memref<64x128xf32, #tpu.memory_space<vmem>>, vector<1x16xf32>,
          %swap3A_270 = vector.shape_cast %swap3A_269 : vector<1x16xf32> to vector<16xf32>
          %swap3A_271 = vector.shape_cast %get3A_223 : vector<16xf32> to vector<1x16xf32>
          tpu.vector_store %arg15[%swap3A_267, %swap3A_268], %swap3A_271 {strides = array<i32>} : memref<64x128xf32, #tpu.memory_space<vmem>>, vector<1x16xf32>,
          %mul3A_272 = arith.constant 16 : i32
          %mul3A_273 = arith.muli %add3A_204, %mul3A_272 : i32
          %add3A_274 = arith.constant 1 : i32
          %add3A_275 = arith.addi %mul3A_273, %add3A_274 : i32
          %get3A_276 = arith.index_cast %add3A_275 : i32 to index
          %get3A_277 = arith.constant 0 : index
          %get3A_278 = tpu.vector_load %arg17[%get3A_276, %get3A_277] {strides = array<i32>} : memref<64x16xf32, #tpu.memory_space<vmem>>, vector<1x16xf32>,
          %get3A_279 = vector.shape_cast %get3A_278 : vector<1x16xf32> to vector<16xf32>
          %swap3A_280 = arith.index_cast %add3A_275 : i32 to index
          %swap3A_281 = arith.constant 0 : index
          %swap3A_282 = tpu.vector_load %arg15[%swap3A_280, %swap3A_281] {strides = array<i32>} : memref<64x128xf32, #tpu.memory_space<vmem>>, vector<1x16xf32>,
          %swap3A_283 = vector.shape_cast %swap3A_282 : vector<1x16xf32> to vector<16xf32>
          %swap3A_284 = vector.shape_cast %broadcast_in_dim3A_1 : vector<16xf32> to vector<1x16xf32>
          tpu.vector_store %arg15[%swap3A_280, %swap3A_281], %swap3A_284 {strides = array<i32>} : memref<64x128xf32, #tpu.memory_space<vmem>>, vector<1x16xf32>,
          %swap3A_285 = arith.index_cast %add3A_275 : i32 to index
          %swap3A_286 = arith.constant 16 : index
          %swap3A_287 = tpu.vector_load %arg15[%swap3A_285, %swap3A_286] {strides = array<i32>} : memref<64x128xf32, #tpu.memory_space<vmem>>, vector<1x16xf32>,
          %swap3A_288 = vector.shape_cast %swap3A_287 : vector<1x16xf32> to vector<16xf32>
          %swap3A_289 = vector.shape_cast %broadcast_in_dim3A_1 : vector<16xf32> to vector<1x16xf32>
          tpu.vector_store %arg15[%swap3A_285, %swap3A_286], %swap3A_289 {strides = array<i32>} : memref<64x128xf32, #tpu.memory_space<vmem>>, vector<1x16xf32>,
          %swap3A_290 = arith.index_cast %add3A_275 : i32 to index
          %swap3A_291 = arith.constant 32 : index
          %swap3A_292 = tpu.vector_load %arg15[%swap3A_290, %swap3A_291] {strides = array<i32>} : memref<64x128xf32, #tpu.memory_space<vmem>>, vector<1x16xf32>,
          %swap3A_293 = vector.shape_cast %swap3A_292 : vector<1x16xf32> to vector<16xf32>
          %swap3A_294 = vector.shape_cast %broadcast_in_dim3A_1 : vector<16xf32> to vector<1x16xf32>
          tpu.vector_store %arg15[%swap3A_290, %swap3A_291], %swap3A_294 {strides = array<i32>} : memref<64x128xf32, #tpu.memory_space<vmem>>, vector<1x16xf32>,
          %swap3A_295 = arith.index_cast %add3A_275 : i32 to index
          %swap3A_296 = arith.constant 48 : index
          %swap3A_297 = tpu.vector_load %arg15[%swap3A_295, %swap3A_296] {strides = array<i32>} : memref<64x128xf32, #tpu.memory_space<vmem>>, vector<1x16xf32>,
          %swap3A_298 = vector.shape_cast %swap3A_297 : vector<1x16xf32> to vector<16xf32>
          %swap3A_299 = vector.shape_cast %broadcast_in_dim3A_1 : vector<16xf32> to vector<1x16xf32>
          tpu.vector_store %arg15[%swap3A_295, %swap3A_296], %swap3A_299 {strides = array<i32>} : memref<64x128xf32, #tpu.memory_space<vmem>>, vector<1x16xf32>,
          %swap3A_300 = arith.index_cast %add3A_275 : i32 to index
          %swap3A_301 = arith.constant 64 : index
          %swap3A_302 = tpu.vector_load %arg15[%swap3A_300, %swap3A_301] {strides = array<i32>} : memref<64x128xf32, #tpu.memory_space<vmem>>, vector<1x16xf32>,
          %swap3A_303 = vector.shape_cast %swap3A_302 : vector<1x16xf32> to vector<16xf32>
          %swap3A_304 = vector.shape_cast %broadcast_in_dim3A_1 : vector<16xf32> to vector<1x16xf32>
          tpu.vector_store %arg15[%swap3A_300, %swap3A_301], %swap3A_304 {strides = array<i32>} : memref<64x128xf32, #tpu.memory_space<vmem>>, vector<1x16xf32>,
          %swap3A_305 = arith.index_cast %add3A_275 : i32 to index
          %swap3A_306 = arith.constant 80 : index
          %swap3A_307 = tpu.vector_load %arg15[%swap3A_305, %swap3A_306] {strides = array<i32>} : memref<64x128xf32, #tpu.memory_space<vmem>>, vector<1x16xf32>,
          %swap3A_308 = vector.shape_cast %swap3A_307 : vector<1x16xf32> to vector<16xf32>
          %swap3A_309 = vector.shape_cast %broadcast_in_dim3A_1 : vector<16xf32> to vector<1x16xf32>
          tpu.vector_store %arg15[%swap3A_305, %swap3A_306], %swap3A_309 {strides = array<i32>} : memref<64x128xf32, #tpu.memory_space<vmem>>, vector<1x16xf32>,
          %swap3A_310 = arith.index_cast %add3A_275 : i32 to index
          %swap3A_311 = arith.constant 96 : index
          %swap3A_312 = tpu.vector_load %arg15[%swap3A_310, %swap3A_311] {strides = array<i32>} : memref<64x128xf32, #tpu.memory_space<vmem>>, vector<1x16xf32>,
          %swap3A_313 = vector.shape_cast %swap3A_312 : vector<1x16xf32> to vector<16xf32>
          %swap3A_314 = vector.shape_cast %broadcast_in_dim3A_1 : vector<16xf32> to vector<1x16xf32>
          tpu.vector_store %arg15[%swap3A_310, %swap3A_311], %swap3A_314 {strides = array<i32>} : memref<64x128xf32, #tpu.memory_space<vmem>>, vector<1x16xf32>,
          %swap3A_315 = arith.index_cast %add3A_275 : i32 to index
          %swap3A_316 = arith.constant 112 : index
          %swap3A_317 = tpu.vector_load %arg15[%swap3A_315, %swap3A_316] {strides = array<i32>} : memref<64x128xf32, #tpu.memory_space<vmem>>, vector<1x16xf32>,
          %swap3A_318 = vector.shape_cast %swap3A_317 : vector<1x16xf32> to vector<16xf32>
          %swap3A_319 = vector.shape_cast %broadcast_in_dim3A_1 : vector<16xf32> to vector<1x16xf32>
          tpu.vector_store %arg15[%swap3A_315, %swap3A_316], %swap3A_319 {strides = array<i32>} : memref<64x128xf32, #tpu.memory_space<vmem>>, vector<1x16xf32>,
          %slice3A_320 = vector.extract_strided_slice %get3A_208 {offsets = [1], sizes = [1], strides = [1]} : vector<16xi32> to vector<1xi32>
          %squeeze3A_321 = vector.extract %slice3A_320[0] : i32 from vector<1xi32>
          %rem3A_322 = arith.constant 8 : i32
          %rem3A_323 = arith.remsi %squeeze3A_321, %rem3A_322 : i32
          %mul3A_324 = arith.constant 16 : i32
          %mul3A_325 = arith.muli %rem3A_323, %mul3A_324 : i32
          %swap3A_326 = arith.index_cast %add3A_275 : i32 to index
          %swap3A_327 = arith.index_cast %mul3A_325 : i32 to index
          %swap3A_328 = tpu.vector_load %arg15[%swap3A_326, %swap3A_327] {strides = array<i32>} : memref<64x128xf32, #tpu.memory_space<vmem>>, vector<1x16xf32>,
          %swap3A_329 = vector.shape_cast %swap3A_328 : vector<1x16xf32> to vector<16xf32>
          %swap3A_330 = vector.shape_cast %get3A_279 : vector<16xf32> to vector<1x16xf32>
          tpu.vector_store %arg15[%swap3A_326, %swap3A_327], %swap3A_330 {strides = array<i32>} : memref<64x128xf32, #tpu.memory_space<vmem>>, vector<1x16xf32>,
          %mul3A_331 = arith.constant 16 : i32
          %mul3A_332 = arith.muli %add3A_204, %mul3A_331 : i32
          %add3A_333 = arith.constant 2 : i32
          %add3A_334 = arith.addi %mul3A_332, %add3A_333 : i32
          %get3A_335 = arith.index_cast %add3A_334 : i32 to index
          %get3A_336 = arith.constant 0 : index
          %get3A_337 = tpu.vector_load %arg17[%get3A_335, %get3A_336] {strides = array<i32>} : memref<64x16xf32, #tpu.memory_space<vmem>>, vector<1x16xf32>,
          %get3A_338 = vector.shape_cast %get3A_337 : vector<1x16xf32> to vector<16xf32>
          %swap3A_339 = arith.index_cast %add3A_334 : i32 to index
          %swap3A_340 = arith.constant 0 : index
          %swap3A_341 = tpu.vector_load %arg15[%swap3A_339, %swap3A_340] {strides = array<i32>} : memref<64x128xf32, #tpu.memory_space<vmem>>, vector<1x16xf32>,
          %swap3A_342 = vector.shape_cast %swap3A_341 : vector<1x16xf32> to vector<16xf32>
          %swap3A_343 = vector.shape_cast %broadcast_in_dim3A_1 : vector<16xf32> to vector<1x16xf32>
          tpu.vector_store %arg15[%swap3A_339, %swap3A_340], %swap3A_343 {strides = array<i32>} : memref<64x128xf32, #tpu.memory_space<vmem>>, vector<1x16xf32>,
          %swap3A_344 = arith.index_cast %add3A_334 : i32 to index
          %swap3A_345 = arith.constant 16 : index
          %swap3A_346 = tpu.vector_load %arg15[%swap3A_344, %swap3A_345] {strides = array<i32>} : memref<64x128xf32, #tpu.memory_space<vmem>>, vector<1x16xf32>,
          %swap3A_347 = vector.shape_cast %swap3A_346 : vector<1x16xf32> to vector<16xf32>
          %swap3A_348 = vector.shape_cast %broadcast_in_dim3A_1 : vector<16xf32> to vector<1x16xf32>
          tpu.vector_store %arg15[%swap3A_344, %swap3A_345], %swap3A_348 {strides = array<i32>} : memref<64x128xf32, #tpu.memory_space<vmem>>, vector<1x16xf32>,
          %swap3A_349 = arith.index_cast %add3A_334 : i32 to index
          %swap3A_350 = arith.constant 32 : index
          %swap3A_351 = tpu.vector_load %arg15[%swap3A_349, %swap3A_350] {strides = array<i32>} : memref<64x128xf32, #tpu.memory_space<vmem>>, vector<1x16xf32>,
          %swap3A_352 = vector.shape_cast %swap3A_351 : vector<1x16xf32> to vector<16xf32>
          %swap3A_353 = vector.shape_cast %broadcast_in_dim3A_1 : vector<16xf32> to vector<1x16xf32>
          tpu.vector_store %arg15[%swap3A_349, %swap3A_350], %swap3A_353 {strides = array<i32>} : memref<64x128xf32, #tpu.memory_space<vmem>>, vector<1x16xf32>,
          %swap3A_354 = arith.index_cast %add3A_334 : i32 to index
          %swap3A_355 = arith.constant 48 : index
          %swap3A_356 = tpu.vector_load %arg15[%swap3A_354, %swap3A_355] {strides = array<i32>} : memref<64x128xf32, #tpu.memory_space<vmem>>, vector<1x16xf32>,
          %swap3A_357 = vector.shape_cast %swap3A_356 : vector<1x16xf32> to vector<16xf32>
          %swap3A_358 = vector.shape_cast %broadcast_in_dim3A_1 : vector<16xf32> to vector<1x16xf32>
          tpu.vector_store %arg15[%swap3A_354, %swap3A_355], %swap3A_358 {strides = array<i32>} : memref<64x128xf32, #tpu.memory_space<vmem>>, vector<1x16xf32>,
          %swap3A_359 = arith.index_cast %add3A_334 : i32 to index
          %swap3A_360 = arith.constant 64 : index
          %swap3A_361 = tpu.vector_load %arg15[%swap3A_359, %swap3A_360] {strides = array<i32>} : memref<64x128xf32, #tpu.memory_space<vmem>>, vector<1x16xf32>,
          %swap3A_362 = vector.shape_cast %swap3A_361 : vector<1x16xf32> to vector<16xf32>
          %swap3A_363 = vector.shape_cast %broadcast_in_dim3A_1 : vector<16xf32> to vector<1x16xf32>
          tpu.vector_store %arg15[%swap3A_359, %swap3A_360], %swap3A_363 {strides = array<i32>} : memref<64x128xf32, #tpu.memory_space<vmem>>, vector<1x16xf32>,
          %swap3A_364 = arith.index_cast %add3A_334 : i32 to index
          %swap3A_365 = arith.constant 80 : index
          %swap3A_366 = tpu.vector_load %arg15[%swap3A_364, %swap3A_365] {strides = array<i32>} : memref<64x128xf32, #tpu.memory_space<vmem>>, vector<1x16xf32>,
          %swap3A_367 = vector.shape_cast %swap3A_366 : vector<1x16xf32> to vector<16xf32>
          %swap3A_368 = vector.shape_cast %broadcast_in_dim3A_1 : vector<16xf32> to vector<1x16xf32>
          tpu.vector_store %arg15[%swap3A_364, %swap3A_365], %swap3A_368 {strides = array<i32>} : memref<64x128xf32, #tpu.memory_space<vmem>>, vector<1x16xf32>,
          %swap3A_369 = arith.index_cast %add3A_334 : i32 to index
          %swap3A_370 = arith.constant 96 : index
          %swap3A_371 = tpu.vector_load %arg15[%swap3A_369, %swap3A_370] {strides = array<i32>} : memref<64x128xf32, #tpu.memory_space<vmem>>, vector<1x16xf32>,
          %swap3A_372 = vector.shape_cast %swap3A_371 : vector<1x16xf32> to vector<16xf32>
          %swap3A_373 = vector.shape_cast %broadcast_in_dim3A_1 : vector<16xf32> to vector<1x16xf32>
          tpu.vector_store %arg15[%swap3A_369, %swap3A_370], %swap3A_373 {strides = array<i32>} : memref<64x128xf32, #tpu.memory_space<vmem>>, vector<1x16xf32>,
          %swap3A_374 = arith.index_cast %add3A_334 : i32 to index
          %swap3A_375 = arith.constant 112 : index
          %swap3A_376 = tpu.vector_load %arg15[%swap3A_374, %swap3A_375] {strides = array<i32>} : memref<64x128xf32, #tpu.memory_space<vmem>>, vector<1x16xf32>,
          %swap3A_377 = vector.shape_cast %swap3A_376 : vector<1x16xf32> to vector<16xf32>
          %swap3A_378 = vector.shape_cast %broadcast_in_dim3A_1 : vector<16xf32> to vector<1x16xf32>
          tpu.vector_store %arg15[%swap3A_374, %swap3A_375], %swap3A_378 {strides = array<i32>} : memref<64x128xf32, #tpu.memory_space<vmem>>, vector<1x16xf32>,
          %slice3A_379 = vector.extract_strided_slice %get3A_208 {offsets = [2], sizes = [1], strides = [1]} : vector<16xi32> to vector<1xi32>
          %squeeze3A_380 = vector.extract %slice3A_379[0] : i32 from vector<1xi32>
          %rem3A_381 = arith.constant 8 : i32
          %rem3A_382 = arith.remsi %squeeze3A_380, %rem3A_381 : i32
          %mul3A_383 = arith.constant 16 : i32
          %mul3A_384 = arith.muli %rem3A_382, %mul3A_383 : i32
          %swap3A_385 = arith.index_cast %add3A_334 : i32 to index
          %swap3A_386 = arith.index_cast %mul3A_384 : i32 to index
          %swap3A_387 = tpu.vector_load %arg15[%swap3A_385, %swap3A_386] {strides = array<i32>} : memref<64x128xf32, #tpu.memory_space<vmem>>, vector<1x16xf32>,
          %swap3A_388 = vector.shape_cast %swap3A_387 : vector<1x16xf32> to vector<16xf32>
          %swap3A_389 = vector.shape_cast %get3A_338 : vector<16xf32> to vector<1x16xf32>
          tpu.vector_store %arg15[%swap3A_385, %swap3A_386], %swap3A_389 {strides = array<i32>} : memref<64x128xf32, #tpu.memory_space<vmem>>, vector<1x16xf32>,
          %mul3A_390 = arith.constant 16 : i32
          %mul3A_391 = arith.muli %add3A_204, %mul3A_390 : i32
          %add3A_392 = arith.constant 3 : i32
          %add3A_393 = arith.addi %mul3A_391, %add3A_392 : i32
          %get3A_394 = arith.index_cast %add3A_393 : i32 to index
          %get3A_395 = arith.constant 0 : index
          %get3A_396 = tpu.vector_load %arg17[%get3A_394, %get3A_395] {strides = array<i32>} : memref<64x16xf32, #tpu.memory_space<vmem>>, vector<1x16xf32>,
          %get3A_397 = vector.shape_cast %get3A_396 : vector<1x16xf32> to vector<16xf32>
          %swap3A_398 = arith.index_cast %add3A_393 : i32 to index
          %swap3A_399 = arith.constant 0 : index
          %swap3A_400 = tpu.vector_load %arg15[%swap3A_398, %swap3A_399] {strides = array<i32>} : memref<64x128xf32, #tpu.memory_space<vmem>>, vector<1x16xf32>,
          %swap3A_401 = vector.shape_cast %swap3A_400 : vector<1x16xf32> to vector<16xf32>
          %swap3A_402 = vector.shape_cast %broadcast_in_dim3A_1 : vector<16xf32> to vector<1x16xf32>
          tpu.vector_store %arg15[%swap3A_398, %swap3A_399], %swap3A_402 {strides = array<i32>} : memref<64x128xf32, #tpu.memory_space<vmem>>, vector<1x16xf32>,
          %swap3A_403 = arith.index_cast %add3A_393 : i32 to index
          %swap3A_404 = arith.constant 16 : index
          %swap3A_405 = tpu.vector_load %arg15[%swap3A_403, %swap3A_404] {strides = array<i32>} : memref<64x128xf32, #tpu.memory_space<vmem>>, vector<1x16xf32>,
          %swap3A_406 = vector.shape_cast %swap3A_405 : vector<1x16xf32> to vector<16xf32>
          %swap3A_407 = vector.shape_cast %broadcast_in_dim3A_1 : vector<16xf32> to vector<1x16xf32>
          tpu.vector_store %arg15[%swap3A_403, %swap3A_404], %swap3A_407 {strides = array<i32>} : memref<64x128xf32, #tpu.memory_space<vmem>>, vector<1x16xf32>,
          %swap3A_408 = arith.index_cast %add3A_393 : i32 to index
          %swap3A_409 = arith.constant 32 : index
          %swap3A_410 = tpu.vector_load %arg15[%swap3A_408, %swap3A_409] {strides = array<i32>} : memref<64x128xf32, #tpu.memory_space<vmem>>, vector<1x16xf32>,
          %swap3A_411 = vector.shape_cast %swap3A_410 : vector<1x16xf32> to vector<16xf32>
          %swap3A_412 = vector.shape_cast %broadcast_in_dim3A_1 : vector<16xf32> to vector<1x16xf32>
          tpu.vector_store %arg15[%swap3A_408, %swap3A_409], %swap3A_412 {strides = array<i32>} : memref<64x128xf32, #tpu.memory_space<vmem>>, vector<1x16xf32>,
          %swap3A_413 = arith.index_cast %add3A_393 : i32 to index
          %swap3A_414 = arith.constant 48 : index
          %swap3A_415 = tpu.vector_load %arg15[%swap3A_413, %swap3A_414] {strides = array<i32>} : memref<64x128xf32, #tpu.memory_space<vmem>>, vector<1x16xf32>,
          %swap3A_416 = vector.shape_cast %swap3A_415 : vector<1x16xf32> to vector<16xf32>
          %swap3A_417 = vector.shape_cast %broadcast_in_dim3A_1 : vector<16xf32> to vector<1x16xf32>
          tpu.vector_store %arg15[%swap3A_413, %swap3A_414], %swap3A_417 {strides = array<i32>} : memref<64x128xf32, #tpu.memory_space<vmem>>, vector<1x16xf32>,
          %swap3A_418 = arith.index_cast %add3A_393 : i32 to index
          %swap3A_419 = arith.constant 64 : index
          %swap3A_420 = tpu.vector_load %arg15[%swap3A_418, %swap3A_419] {strides = array<i32>} : memref<64x128xf32, #tpu.memory_space<vmem>>, vector<1x16xf32>,
          %swap3A_421 = vector.shape_cast %swap3A_420 : vector<1x16xf32> to vector<16xf32>
          %swap3A_422 = vector.shape_cast %broadcast_in_dim3A_1 : vector<16xf32> to vector<1x16xf32>
          tpu.vector_store %arg15[%swap3A_418, %swap3A_419], %swap3A_422 {strides = array<i32>} : memref<64x128xf32, #tpu.memory_space<vmem>>, vector<1x16xf32>,
          %swap3A_423 = arith.index_cast %add3A_393 : i32 to index
          %swap3A_424 = arith.constant 80 : index
          %swap3A_425 = tpu.vector_load %arg15[%swap3A_423, %swap3A_424] {strides = array<i32>} : memref<64x128xf32, #tpu.memory_space<vmem>>, vector<1x16xf32>,
          %swap3A_426 = vector.shape_cast %swap3A_425 : vector<1x16xf32> to vector<16xf32>
          %swap3A_427 = vector.shape_cast %broadcast_in_dim3A_1 : vector<16xf32> to vector<1x16xf32>
          tpu.vector_store %arg15[%swap3A_423, %swap3A_424], %swap3A_427 {strides = array<i32>} : memref<64x128xf32, #tpu.memory_space<vmem>>, vector<1x16xf32>,
          %swap3A_428 = arith.index_cast %add3A_393 : i32 to index
          %swap3A_429 = arith.constant 96 : index
          %swap3A_430 = tpu.vector_load %arg15[%swap3A_428, %swap3A_429] {strides = array<i32>} : memref<64x128xf32, #tpu.memory_space<vmem>>, vector<1x16xf32>,
          %swap3A_431 = vector.shape_cast %swap3A_430 : vector<1x16xf32> to vector<16xf32>
          %swap3A_432 = vector.shape_cast %broadcast_in_dim3A_1 : vector<16xf32> to vector<1x16xf32>
          tpu.vector_store %arg15[%swap3A_428, %swap3A_429], %swap3A_432 {strides = array<i32>} : memref<64x128xf32, #tpu.memory_space<vmem>>, vector<1x16xf32>,
          %swap3A_433 = arith.index_cast %add3A_393 : i32 to index
          %swap3A_434 = arith.constant 112 : index
          %swap3A_435 = tpu.vector_load %arg15[%swap3A_433, %swap3A_434] {strides = array<i32>} : memref<64x128xf32, #tpu.memory_space<vmem>>, vector<1x16xf32>,
          %swap3A_436 = vector.shape_cast %swap3A_435 : vector<1x16xf32> to vector<16xf32>
          %swap3A_437 = vector.shape_cast %broadcast_in_dim3A_1 : vector<16xf32> to vector<1x16xf32>
          tpu.vector_store %arg15[%swap3A_433, %swap3A_434], %swap3A_437 {strides = array<i32>} : memref<64x128xf32, #tpu.memory_space<vmem>>, vector<1x16xf32>,
          %slice3A_438 = vector.extract_strided_slice %get3A_208 {offsets = [3], sizes = [1], strides = [1]} : vector<16xi32> to vector<1xi32>
          %squeeze3A_439 = vector.extract %slice3A_438[0] : i32 from vector<1xi32>
          %rem3A_440 = arith.constant 8 : i32
          %rem3A_441 = arith.remsi %squeeze3A_439, %rem3A_440 : i32
          %mul3A_442 = arith.constant 16 : i32
          %mul3A_443 = arith.muli %rem3A_441, %mul3A_442 : i32
          %swap3A_444 = arith.index_cast %add3A_393 : i32 to index
          %swap3A_445 = arith.index_cast %mul3A_443 : i32 to index
          %swap3A_446 = tpu.vector_load %arg15[%swap3A_444, %swap3A_445] {strides = array<i32>} : memref<64x128xf32, #tpu.memory_space<vmem>>, vector<1x16xf32>,
          %swap3A_447 = vector.shape_cast %swap3A_446 : vector<1x16xf32> to vector<16xf32>
          %swap3A_448 = vector.shape_cast %get3A_397 : vector<16xf32> to vector<1x16xf32>
          tpu.vector_store %arg15[%swap3A_444, %swap3A_445], %swap3A_448 {strides = array<i32>} : memref<64x128xf32, #tpu.memory_space<vmem>>, vector<1x16xf32>,
          %mul3A_449 = arith.constant 16 : i32
          %mul3A_450 = arith.muli %add3A_204, %mul3A_449 : i32
          %add3A_451 = arith.constant 4 : i32
          %add3A_452 = arith.addi %mul3A_450, %add3A_451 : i32
          %get3A_453 = arith.index_cast %add3A_452 : i32 to index
          %get3A_454 = arith.constant 0 : index
          %get3A_455 = tpu.vector_load %arg17[%get3A_453, %get3A_454] {strides = array<i32>} : memref<64x16xf32, #tpu.memory_space<vmem>>, vector<1x16xf32>,
          %get3A_456 = vector.shape_cast %get3A_455 : vector<1x16xf32> to vector<16xf32>
          %swap3A_457 = arith.index_cast %add3A_452 : i32 to index
          %swap3A_458 = arith.constant 0 : index
          %swap3A_459 = tpu.vector_load %arg15[%swap3A_457, %swap3A_458] {strides = array<i32>} : memref<64x128xf32, #tpu.memory_space<vmem>>, vector<1x16xf32>,
          %swap3A_460 = vector.shape_cast %swap3A_459 : vector<1x16xf32> to vector<16xf32>
          %swap3A_461 = vector.shape_cast %broadcast_in_dim3A_1 : vector<16xf32> to vector<1x16xf32>
          tpu.vector_store %arg15[%swap3A_457, %swap3A_458], %swap3A_461 {strides = array<i32>} : memref<64x128xf32, #tpu.memory_space<vmem>>, vector<1x16xf32>,
          %swap3A_462 = arith.index_cast %add3A_452 : i32 to index
          %swap3A_463 = arith.constant 16 : index
          %swap3A_464 = tpu.vector_load %arg15[%swap3A_462, %swap3A_463] {strides = array<i32>} : memref<64x128xf32, #tpu.memory_space<vmem>>, vector<1x16xf32>,
          %swap3A_465 = vector.shape_cast %swap3A_464 : vector<1x16xf32> to vector<16xf32>
          %swap3A_466 = vector.shape_cast %broadcast_in_dim3A_1 : vector<16xf32> to vector<1x16xf32>
          tpu.vector_store %arg15[%swap3A_462, %swap3A_463], %swap3A_466 {strides = array<i32>} : memref<64x128xf32, #tpu.memory_space<vmem>>, vector<1x16xf32>,
          %swap3A_467 = arith.index_cast %add3A_452 : i32 to index
          %swap3A_468 = arith.constant 32 : index
          %swap3A_469 = tpu.vector_load %arg15[%swap3A_467, %swap3A_468] {strides = array<i32>} : memref<64x128xf32, #tpu.memory_space<vmem>>, vector<1x16xf32>,
          %swap3A_470 = vector.shape_cast %swap3A_469 : vector<1x16xf32> to vector<16xf32>
          %swap3A_471 = vector.shape_cast %broadcast_in_dim3A_1 : vector<16xf32> to vector<1x16xf32>
          tpu.vector_store %arg15[%swap3A_467, %swap3A_468], %swap3A_471 {strides = array<i32>} : memref<64x128xf32, #tpu.memory_space<vmem>>, vector<1x16xf32>,
          %swap3A_472 = arith.index_cast %add3A_452 : i32 to index
          %swap3A_473 = arith.constant 48 : index
          %swap3A_474 = tpu.vector_load %arg15[%swap3A_472, %swap3A_473] {strides = array<i32>} : memref<64x128xf32, #tpu.memory_space<vmem>>, vector<1x16xf32>,
          %swap3A_475 = vector.shape_cast %swap3A_474 : vector<1x16xf32> to vector<16xf32>
          %swap3A_476 = vector.shape_cast %broadcast_in_dim3A_1 : vector<16xf32> to vector<1x16xf32>
          tpu.vector_store %arg15[%swap3A_472, %swap3A_473], %swap3A_476 {strides = array<i32>} : memref<64x128xf32, #tpu.memory_space<vmem>>, vector<1x16xf32>,
          %swap3A_477 = arith.index_cast %add3A_452 : i32 to index
          %swap3A_478 = arith.constant 64 : index
          %swap3A_479 = tpu.vector_load %arg15[%swap3A_477, %swap3A_478] {strides = array<i32>} : memref<64x128xf32, #tpu.memory_space<vmem>>, vector<1x16xf32>,
          %swap3A_480 = vector.shape_cast %swap3A_479 : vector<1x16xf32> to vector<16xf32>
          %swap3A_481 = vector.shape_cast %broadcast_in_dim3A_1 : vector<16xf32> to vector<1x16xf32>
          tpu.vector_store %arg15[%swap3A_477, %swap3A_478], %swap3A_481 {strides = array<i32>} : memref<64x128xf32, #tpu.memory_space<vmem>>, vector<1x16xf32>,
          %swap3A_482 = arith.index_cast %add3A_452 : i32 to index
          %swap3A_483 = arith.constant 80 : index
          %swap3A_484 = tpu.vector_load %arg15[%swap3A_482, %swap3A_483] {strides = array<i32>} : memref<64x128xf32, #tpu.memory_space<vmem>>, vector<1x16xf32>,
          %swap3A_485 = vector.shape_cast %swap3A_484 : vector<1x16xf32> to vector<16xf32>
          %swap3A_486 = vector.shape_cast %broadcast_in_dim3A_1 : vector<16xf32> to vector<1x16xf32>
          tpu.vector_store %arg15[%swap3A_482, %swap3A_483], %swap3A_486 {strides = array<i32>} : memref<64x128xf32, #tpu.memory_space<vmem>>, vector<1x16xf32>,
          %swap3A_487 = arith.index_cast %add3A_452 : i32 to index
          %swap3A_488 = arith.constant 96 : index
          %swap3A_489 = tpu.vector_load %arg15[%swap3A_487, %swap3A_488] {strides = array<i32>} : memref<64x128xf32, #tpu.memory_space<vmem>>, vector<1x16xf32>,
          %swap3A_490 = vector.shape_cast %swap3A_489 : vector<1x16xf32> to vector<16xf32>
          %swap3A_491 = vector.shape_cast %broadcast_in_dim3A_1 : vector<16xf32> to vector<1x16xf32>
          tpu.vector_store %arg15[%swap3A_487, %swap3A_488], %swap3A_491 {strides = array<i32>} : memref<64x128xf32, #tpu.memory_space<vmem>>, vector<1x16xf32>,
          %swap3A_492 = arith.index_cast %add3A_452 : i32 to index
          %swap3A_493 = arith.constant 112 : index
          %swap3A_494 = tpu.vector_load %arg15[%swap3A_492, %swap3A_493] {strides = array<i32>} : memref<64x128xf32, #tpu.memory_space<vmem>>, vector<1x16xf32>,
          %swap3A_495 = vector.shape_cast %swap3A_494 : vector<1x16xf32> to vector<16xf32>
          %swap3A_496 = vector.shape_cast %broadcast_in_dim3A_1 : vector<16xf32> to vector<1x16xf32>
          tpu.vector_store %arg15[%swap3A_492, %swap3A_493], %swap3A_496 {strides = array<i32>} : memref<64x128xf32, #tpu.memory_space<vmem>>, vector<1x16xf32>,
          %slice3A_497 = vector.extract_strided_slice %get3A_208 {offsets = [4], sizes = [1], strides = [1]} : vector<16xi32> to vector<1xi32>
          %squeeze3A_498 = vector.extract %slice3A_497[0] : i32 from vector<1xi32>
          %rem3A_499 = arith.constant 8 : i32
          %rem3A_500 = arith.remsi %squeeze3A_498, %rem3A_499 : i32
          %mul3A_501 = arith.constant 16 : i32
          %mul3A_502 = arith.muli %rem3A_500, %mul3A_501 : i32
          %swap3A_503 = arith.index_cast %add3A_452 : i32 to index
          %swap3A_504 = arith.index_cast %mul3A_502 : i32 to index
          %swap3A_505 = tpu.vector_load %arg15[%swap3A_503, %swap3A_504] {strides = array<i32>} : memref<64x128xf32, #tpu.memory_space<vmem>>, vector<1x16xf32>,
          %swap3A_506 = vector.shape_cast %swap3A_505 : vector<1x16xf32> to vector<16xf32>
          %swap3A_507 = vector.shape_cast %get3A_456 : vector<16xf32> to vector<1x16xf32>
          tpu.vector_store %arg15[%swap3A_503, %swap3A_504], %swap3A_507 {strides = array<i32>} : memref<64x128xf32, #tpu.memory_space<vmem>>, vector<1x16xf32>,
          %mul3A_508 = arith.constant 16 : i32
          %mul3A_509 = arith.muli %add3A_204, %mul3A_508 : i32
          %add3A_510 = arith.constant 5 : i32
          %add3A_511 = arith.addi %mul3A_509, %add3A_510 : i32
          %get3A_512 = arith.index_cast %add3A_511 : i32 to index
          %get3A_513 = arith.constant 0 : index
          %get3A_514 = tpu.vector_load %arg17[%get3A_512, %get3A_513] {strides = array<i32>} : memref<64x16xf32, #tpu.memory_space<vmem>>, vector<1x16xf32>,
          %get3A_515 = vector.shape_cast %get3A_514 : vector<1x16xf32> to vector<16xf32>
          %swap3A_516 = arith.index_cast %add3A_511 : i32 to index
          %swap3A_517 = arith.constant 0 : index
          %swap3A_518 = tpu.vector_load %arg15[%swap3A_516, %swap3A_517] {strides = array<i32>} : memref<64x128xf32, #tpu.memory_space<vmem>>, vector<1x16xf32>,
          %swap3A_519 = vector.shape_cast %swap3A_518 : vector<1x16xf32> to vector<16xf32>
          %swap3A_520 = vector.shape_cast %broadcast_in_dim3A_1 : vector<16xf32> to vector<1x16xf32>
          tpu.vector_store %arg15[%swap3A_516, %swap3A_517], %swap3A_520 {strides = array<i32>} : memref<64x128xf32, #tpu.memory_space<vmem>>, vector<1x16xf32>,
          %swap3A_521 = arith.index_cast %add3A_511 : i32 to index
          %swap3A_522 = arith.constant 16 : index
          %swap3A_523 = tpu.vector_load %arg15[%swap3A_521, %swap3A_522] {strides = array<i32>} : memref<64x128xf32, #tpu.memory_space<vmem>>, vector<1x16xf32>,
          %swap3A_524 = vector.shape_cast %swap3A_523 : vector<1x16xf32> to vector<16xf32>
          %swap3A_525 = vector.shape_cast %broadcast_in_dim3A_1 : vector<16xf32> to vector<1x16xf32>
          tpu.vector_store %arg15[%swap3A_521, %swap3A_522], %swap3A_525 {strides = array<i32>} : memref<64x128xf32, #tpu.memory_space<vmem>>, vector<1x16xf32>,
          %swap3A_526 = arith.index_cast %add3A_511 : i32 to index
          %swap3A_527 = arith.constant 32 : index
          %swap3A_528 = tpu.vector_load %arg15[%swap3A_526, %swap3A_527] {strides = array<i32>} : memref<64x128xf32, #tpu.memory_space<vmem>>, vector<1x16xf32>,
          %swap3A_529 = vector.shape_cast %swap3A_528 : vector<1x16xf32> to vector<16xf32>
          %swap3A_530 = vector.shape_cast %broadcast_in_dim3A_1 : vector<16xf32> to vector<1x16xf32>
          tpu.vector_store %arg15[%swap3A_526, %swap3A_527], %swap3A_530 {strides = array<i32>} : memref<64x128xf32, #tpu.memory_space<vmem>>, vector<1x16xf32>,
          %swap3A_531 = arith.index_cast %add3A_511 : i32 to index
          %swap3A_532 = arith.constant 48 : index
          %swap3A_533 = tpu.vector_load %arg15[%swap3A_531, %swap3A_532] {strides = array<i32>} : memref<64x128xf32, #tpu.memory_space<vmem>>, vector<1x16xf32>,
          %swap3A_534 = vector.shape_cast %swap3A_533 : vector<1x16xf32> to vector<16xf32>
          %swap3A_535 = vector.shape_cast %broadcast_in_dim3A_1 : vector<16xf32> to vector<1x16xf32>
          tpu.vector_store %arg15[%swap3A_531, %swap3A_532], %swap3A_535 {strides = array<i32>} : memref<64x128xf32, #tpu.memory_space<vmem>>, vector<1x16xf32>,
          %swap3A_536 = arith.index_cast %add3A_511 : i32 to index
          %swap3A_537 = arith.constant 64 : index
          %swap3A_538 = tpu.vector_load %arg15[%swap3A_536, %swap3A_537] {strides = array<i32>} : memref<64x128xf32, #tpu.memory_space<vmem>>, vector<1x16xf32>,
          %swap3A_539 = vector.shape_cast %swap3A_538 : vector<1x16xf32> to vector<16xf32>
          %swap3A_540 = vector.shape_cast %broadcast_in_dim3A_1 : vector<16xf32> to vector<1x16xf32>
          tpu.vector_store %arg15[%swap3A_536, %swap3A_537], %swap3A_540 {strides = array<i32>} : memref<64x128xf32, #tpu.memory_space<vmem>>, vector<1x16xf32>,
          %swap3A_541 = arith.index_cast %add3A_511 : i32 to index
          %swap3A_542 = arith.constant 80 : index
          %swap3A_543 = tpu.vector_load %arg15[%swap3A_541, %swap3A_542] {strides = array<i32>} : memref<64x128xf32, #tpu.memory_space<vmem>>, vector<1x16xf32>,
          %swap3A_544 = vector.shape_cast %swap3A_543 : vector<1x16xf32> to vector<16xf32>
          %swap3A_545 = vector.shape_cast %broadcast_in_dim3A_1 : vector<16xf32> to vector<1x16xf32>
          tpu.vector_store %arg15[%swap3A_541, %swap3A_542], %swap3A_545 {strides = array<i32>} : memref<64x128xf32, #tpu.memory_space<vmem>>, vector<1x16xf32>,
          %swap3A_546 = arith.index_cast %add3A_511 : i32 to index
          %swap3A_547 = arith.constant 96 : index
          %swap3A_548 = tpu.vector_load %arg15[%swap3A_546, %swap3A_547] {strides = array<i32>} : memref<64x128xf32, #tpu.memory_space<vmem>>, vector<1x16xf32>,
          %swap3A_549 = vector.shape_cast %swap3A_548 : vector<1x16xf32> to vector<16xf32>
          %swap3A_550 = vector.shape_cast %broadcast_in_dim3A_1 : vector<16xf32> to vector<1x16xf32>
          tpu.vector_store %arg15[%swap3A_546, %swap3A_547], %swap3A_550 {strides = array<i32>} : memref<64x128xf32, #tpu.memory_space<vmem>>, vector<1x16xf32>,
          %swap3A_551 = arith.index_cast %add3A_511 : i32 to index
          %swap3A_552 = arith.constant 112 : index
          %swap3A_553 = tpu.vector_load %arg15[%swap3A_551, %swap3A_552] {strides = array<i32>} : memref<64x128xf32, #tpu.memory_space<vmem>>, vector<1x16xf32>,
          %swap3A_554 = vector.shape_cast %swap3A_553 : vector<1x16xf32> to vector<16xf32>
          %swap3A_555 = vector.shape_cast %broadcast_in_dim3A_1 : vector<16xf32> to vector<1x16xf32>
          tpu.vector_store %arg15[%swap3A_551, %swap3A_552], %swap3A_555 {strides = array<i32>} : memref<64x128xf32, #tpu.memory_space<vmem>>, vector<1x16xf32>,
          %slice3A_556 = vector.extract_strided_slice %get3A_208 {offsets = [5], sizes = [1], strides = [1]} : vector<16xi32> to vector<1xi32>
          %squeeze3A_557 = vector.extract %slice3A_556[0] : i32 from vector<1xi32>
          %rem3A_558 = arith.constant 8 : i32
          %rem3A_559 = arith.remsi %squeeze3A_557, %rem3A_558 : i32
          %mul3A_560 = arith.constant 16 : i32
          %mul3A_561 = arith.muli %rem3A_559, %mul3A_560 : i32
          %swap3A_562 = arith.index_cast %add3A_511 : i32 to index
          %swap3A_563 = arith.index_cast %mul3A_561 : i32 to index
          %swap3A_564 = tpu.vector_load %arg15[%swap3A_562, %swap3A_563] {strides = array<i32>} : memref<64x128xf32, #tpu.memory_space<vmem>>, vector<1x16xf32>,
          %swap3A_565 = vector.shape_cast %swap3A_564 : vector<1x16xf32> to vector<16xf32>
          %swap3A_566 = vector.shape_cast %get3A_515 : vector<16xf32> to vector<1x16xf32>
          tpu.vector_store %arg15[%swap3A_562, %swap3A_563], %swap3A_566 {strides = array<i32>} : memref<64x128xf32, #tpu.memory_space<vmem>>, vector<1x16xf32>,
          %mul3A_567 = arith.constant 16 : i32
          %mul3A_568 = arith.muli %add3A_204, %mul3A_567 : i32
          %add3A_569 = arith.constant 6 : i32
          %add3A_570 = arith.addi %mul3A_568, %add3A_569 : i32
          %get3A_571 = arith.index_cast %add3A_570 : i32 to index
          %get3A_572 = arith.constant 0 : index
          %get3A_573 = tpu.vector_load %arg17[%get3A_571, %get3A_572] {strides = array<i32>} : memref<64x16xf32, #tpu.memory_space<vmem>>, vector<1x16xf32>,
          %get3A_574 = vector.shape_cast %get3A_573 : vector<1x16xf32> to vector<16xf32>
          %swap3A_575 = arith.index_cast %add3A_570 : i32 to index
          %swap3A_576 = arith.constant 0 : index
          %swap3A_577 = tpu.vector_load %arg15[%swap3A_575, %swap3A_576] {strides = array<i32>} : memref<64x128xf32, #tpu.memory_space<vmem>>, vector<1x16xf32>,
          %swap3A_578 = vector.shape_cast %swap3A_577 : vector<1x16xf32> to vector<16xf32>
          %swap3A_579 = vector.shape_cast %broadcast_in_dim3A_1 : vector<16xf32> to vector<1x16xf32>
          tpu.vector_store %arg15[%swap3A_575, %swap3A_576], %swap3A_579 {strides = array<i32>} : memref<64x128xf32, #tpu.memory_space<vmem>>, vector<1x16xf32>,
          %swap3A_580 = arith.index_cast %add3A_570 : i32 to index
          %swap3A_581 = arith.constant 16 : index
          %swap3A_582 = tpu.vector_load %arg15[%swap3A_580, %swap3A_581] {strides = array<i32>} : memref<64x128xf32, #tpu.memory_space<vmem>>, vector<1x16xf32>,
          %swap3A_583 = vector.shape_cast %swap3A_582 : vector<1x16xf32> to vector<16xf32>
          %swap3A_584 = vector.shape_cast %broadcast_in_dim3A_1 : vector<16xf32> to vector<1x16xf32>
          tpu.vector_store %arg15[%swap3A_580, %swap3A_581], %swap3A_584 {strides = array<i32>} : memref<64x128xf32, #tpu.memory_space<vmem>>, vector<1x16xf32>,
          %swap3A_585 = arith.index_cast %add3A_570 : i32 to index
          %swap3A_586 = arith.constant 32 : index
          %swap3A_587 = tpu.vector_load %arg15[%swap3A_585, %swap3A_586] {strides = array<i32>} : memref<64x128xf32, #tpu.memory_space<vmem>>, vector<1x16xf32>,
          %swap3A_588 = vector.shape_cast %swap3A_587 : vector<1x16xf32> to vector<16xf32>
          %swap3A_589 = vector.shape_cast %broadcast_in_dim3A_1 : vector<16xf32> to vector<1x16xf32>
          tpu.vector_store %arg15[%swap3A_585, %swap3A_586], %swap3A_589 {strides = array<i32>} : memref<64x128xf32, #tpu.memory_space<vmem>>, vector<1x16xf32>,
          %swap3A_590 = arith.index_cast %add3A_570 : i32 to index
          %swap3A_591 = arith.constant 48 : index
          %swap3A_592 = tpu.vector_load %arg15[%swap3A_590, %swap3A_591] {strides = array<i32>} : memref<64x128xf32, #tpu.memory_space<vmem>>, vector<1x16xf32>,
          %swap3A_593 = vector.shape_cast %swap3A_592 : vector<1x16xf32> to vector<16xf32>
          %swap3A_594 = vector.shape_cast %broadcast_in_dim3A_1 : vector<16xf32> to vector<1x16xf32>
          tpu.vector_store %arg15[%swap3A_590, %swap3A_591], %swap3A_594 {strides = array<i32>} : memref<64x128xf32, #tpu.memory_space<vmem>>, vector<1x16xf32>,
          %swap3A_595 = arith.index_cast %add3A_570 : i32 to index
          %swap3A_596 = arith.constant 64 : index
          %swap3A_597 = tpu.vector_load %arg15[%swap3A_595, %swap3A_596] {strides = array<i32>} : memref<64x128xf32, #tpu.memory_space<vmem>>, vector<1x16xf32>,
          %swap3A_598 = vector.shape_cast %swap3A_597 : vector<1x16xf32> to vector<16xf32>
          %swap3A_599 = vector.shape_cast %broadcast_in_dim3A_1 : vector<16xf32> to vector<1x16xf32>
          tpu.vector_store %arg15[%swap3A_595, %swap3A_596], %swap3A_599 {strides = array<i32>} : memref<64x128xf32, #tpu.memory_space<vmem>>, vector<1x16xf32>,
          %swap3A_600 = arith.index_cast %add3A_570 : i32 to index
          %swap3A_601 = arith.constant 80 : index
          %swap3A_602 = tpu.vector_load %arg15[%swap3A_600, %swap3A_601] {strides = array<i32>} : memref<64x128xf32, #tpu.memory_space<vmem>>, vector<1x16xf32>,
          %swap3A_603 = vector.shape_cast %swap3A_602 : vector<1x16xf32> to vector<16xf32>
          %swap3A_604 = vector.shape_cast %broadcast_in_dim3A_1 : vector<16xf32> to vector<1x16xf32>
          tpu.vector_store %arg15[%swap3A_600, %swap3A_601], %swap3A_604 {strides = array<i32>} : memref<64x128xf32, #tpu.memory_space<vmem>>, vector<1x16xf32>,
          %swap3A_605 = arith.index_cast %add3A_570 : i32 to index
          %swap3A_606 = arith.constant 96 : index
          %swap3A_607 = tpu.vector_load %arg15[%swap3A_605, %swap3A_606] {strides = array<i32>} : memref<64x128xf32, #tpu.memory_space<vmem>>, vector<1x16xf32>,
          %swap3A_608 = vector.shape_cast %swap3A_607 : vector<1x16xf32> to vector<16xf32>
          %swap3A_609 = vector.shape_cast %broadcast_in_dim3A_1 : vector<16xf32> to vector<1x16xf32>
          tpu.vector_store %arg15[%swap3A_605, %swap3A_606], %swap3A_609 {strides = array<i32>} : memref<64x128xf32, #tpu.memory_space<vmem>>, vector<1x16xf32>,
          %swap3A_610 = arith.index_cast %add3A_570 : i32 to index
          %swap3A_611 = arith.constant 112 : index
          %swap3A_612 = tpu.vector_load %arg15[%swap3A_610, %swap3A_611] {strides = array<i32>} : memref<64x128xf32, #tpu.memory_space<vmem>>, vector<1x16xf32>,
          %swap3A_613 = vector.shape_cast %swap3A_612 : vector<1x16xf32> to vector<16xf32>
          %swap3A_614 = vector.shape_cast %broadcast_in_dim3A_1 : vector<16xf32> to vector<1x16xf32>
          tpu.vector_store %arg15[%swap3A_610, %swap3A_611], %swap3A_614 {strides = array<i32>} : memref<64x128xf32, #tpu.memory_space<vmem>>, vector<1x16xf32>,
          %slice3A_615 = vector.extract_strided_slice %get3A_208 {offsets = [6], sizes = [1], strides = [1]} : vector<16xi32> to vector<1xi32>
          %squeeze3A_616 = vector.extract %slice3A_615[0] : i32 from vector<1xi32>
          %rem3A_617 = arith.constant 8 : i32
          %rem3A_618 = arith.remsi %squeeze3A_616, %rem3A_617 : i32
          %mul3A_619 = arith.constant 16 : i32
          %mul3A_620 = arith.muli %rem3A_618, %mul3A_619 : i32
          %swap3A_621 = arith.index_cast %add3A_570 : i32 to index
          %swap3A_622 = arith.index_cast %mul3A_620 : i32 to index
          %swap3A_623 = tpu.vector_load %arg15[%swap3A_621, %swap3A_622] {strides = array<i32>} : memref<64x128xf32, #tpu.memory_space<vmem>>, vector<1x16xf32>,
          %swap3A_624 = vector.shape_cast %swap3A_623 : vector<1x16xf32> to vector<16xf32>
          %swap3A_625 = vector.shape_cast %get3A_574 : vector<16xf32> to vector<1x16xf32>
          tpu.vector_store %arg15[%swap3A_621, %swap3A_622], %swap3A_625 {strides = array<i32>} : memref<64x128xf32, #tpu.memory_space<vmem>>, vector<1x16xf32>,
          %mul3A_626 = arith.constant 16 : i32
          %mul3A_627 = arith.muli %add3A_204, %mul3A_626 : i32
          %add3A_628 = arith.constant 7 : i32
          %add3A_629 = arith.addi %mul3A_627, %add3A_628 : i32
          %get3A_630 = arith.index_cast %add3A_629 : i32 to index
          %get3A_631 = arith.constant 0 : index
          %get3A_632 = tpu.vector_load %arg17[%get3A_630, %get3A_631] {strides = array<i32>} : memref<64x16xf32, #tpu.memory_space<vmem>>, vector<1x16xf32>,
          %get3A_633 = vector.shape_cast %get3A_632 : vector<1x16xf32> to vector<16xf32>
          %swap3A_634 = arith.index_cast %add3A_629 : i32 to index
          %swap3A_635 = arith.constant 0 : index
          %swap3A_636 = tpu.vector_load %arg15[%swap3A_634, %swap3A_635] {strides = array<i32>} : memref<64x128xf32, #tpu.memory_space<vmem>>, vector<1x16xf32>,
          %swap3A_637 = vector.shape_cast %swap3A_636 : vector<1x16xf32> to vector<16xf32>
          %swap3A_638 = vector.shape_cast %broadcast_in_dim3A_1 : vector<16xf32> to vector<1x16xf32>
          tpu.vector_store %arg15[%swap3A_634, %swap3A_635], %swap3A_638 {strides = array<i32>} : memref<64x128xf32, #tpu.memory_space<vmem>>, vector<1x16xf32>,
          %swap3A_639 = arith.index_cast %add3A_629 : i32 to index
          %swap3A_640 = arith.constant 16 : index
          %swap3A_641 = tpu.vector_load %arg15[%swap3A_639, %swap3A_640] {strides = array<i32>} : memref<64x128xf32, #tpu.memory_space<vmem>>, vector<1x16xf32>,
          %swap3A_642 = vector.shape_cast %swap3A_641 : vector<1x16xf32> to vector<16xf32>
          %swap3A_643 = vector.shape_cast %broadcast_in_dim3A_1 : vector<16xf32> to vector<1x16xf32>
          tpu.vector_store %arg15[%swap3A_639, %swap3A_640], %swap3A_643 {strides = array<i32>} : memref<64x128xf32, #tpu.memory_space<vmem>>, vector<1x16xf32>,
          %swap3A_644 = arith.index_cast %add3A_629 : i32 to index
          %swap3A_645 = arith.constant 32 : index
          %swap3A_646 = tpu.vector_load %arg15[%swap3A_644, %swap3A_645] {strides = array<i32>} : memref<64x128xf32, #tpu.memory_space<vmem>>, vector<1x16xf32>,
          %swap3A_647 = vector.shape_cast %swap3A_646 : vector<1x16xf32> to vector<16xf32>
          %swap3A_648 = vector.shape_cast %broadcast_in_dim3A_1 : vector<16xf32> to vector<1x16xf32>
          tpu.vector_store %arg15[%swap3A_644, %swap3A_645], %swap3A_648 {strides = array<i32>} : memref<64x128xf32, #tpu.memory_space<vmem>>, vector<1x16xf32>,
          %swap3A_649 = arith.index_cast %add3A_629 : i32 to index
          %swap3A_650 = arith.constant 48 : index
          %swap3A_651 = tpu.vector_load %arg15[%swap3A_649, %swap3A_650] {strides = array<i32>} : memref<64x128xf32, #tpu.memory_space<vmem>>, vector<1x16xf32>,
          %swap3A_652 = vector.shape_cast %swap3A_651 : vector<1x16xf32> to vector<16xf32>
          %swap3A_653 = vector.shape_cast %broadcast_in_dim3A_1 : vector<16xf32> to vector<1x16xf32>
          tpu.vector_store %arg15[%swap3A_649, %swap3A_650], %swap3A_653 {strides = array<i32>} : memref<64x128xf32, #tpu.memory_space<vmem>>, vector<1x16xf32>,
          %swap3A_654 = arith.index_cast %add3A_629 : i32 to index
          %swap3A_655 = arith.constant 64 : index
          %swap3A_656 = tpu.vector_load %arg15[%swap3A_654, %swap3A_655] {strides = array<i32>} : memref<64x128xf32, #tpu.memory_space<vmem>>, vector<1x16xf32>,
          %swap3A_657 = vector.shape_cast %swap3A_656 : vector<1x16xf32> to vector<16xf32>
          %swap3A_658 = vector.shape_cast %broadcast_in_dim3A_1 : vector<16xf32> to vector<1x16xf32>
          tpu.vector_store %arg15[%swap3A_654, %swap3A_655], %swap3A_658 {strides = array<i32>} : memref<64x128xf32, #tpu.memory_space<vmem>>, vector<1x16xf32>,
          %swap3A_659 = arith.index_cast %add3A_629 : i32 to index
          %swap3A_660 = arith.constant 80 : index
          %swap3A_661 = tpu.vector_load %arg15[%swap3A_659, %swap3A_660] {strides = array<i32>} : memref<64x128xf32, #tpu.memory_space<vmem>>, vector<1x16xf32>,
          %swap3A_662 = vector.shape_cast %swap3A_661 : vector<1x16xf32> to vector<16xf32>
          %swap3A_663 = vector.shape_cast %broadcast_in_dim3A_1 : vector<16xf32> to vector<1x16xf32>
          tpu.vector_store %arg15[%swap3A_659, %swap3A_660], %swap3A_663 {strides = array<i32>} : memref<64x128xf32, #tpu.memory_space<vmem>>, vector<1x16xf32>,
          %swap3A_664 = arith.index_cast %add3A_629 : i32 to index
          %swap3A_665 = arith.constant 96 : index
          %swap3A_666 = tpu.vector_load %arg15[%swap3A_664, %swap3A_665] {strides = array<i32>} : memref<64x128xf32, #tpu.memory_space<vmem>>, vector<1x16xf32>,
          %swap3A_667 = vector.shape_cast %swap3A_666 : vector<1x16xf32> to vector<16xf32>
          %swap3A_668 = vector.shape_cast %broadcast_in_dim3A_1 : vector<16xf32> to vector<1x16xf32>
          tpu.vector_store %arg15[%swap3A_664, %swap3A_665], %swap3A_668 {strides = array<i32>} : memref<64x128xf32, #tpu.memory_space<vmem>>, vector<1x16xf32>,
          %swap3A_669 = arith.index_cast %add3A_629 : i32 to index
          %swap3A_670 = arith.constant 112 : index
          %swap3A_671 = tpu.vector_load %arg15[%swap3A_669, %swap3A_670] {strides = array<i32>} : memref<64x128xf32, #tpu.memory_space<vmem>>, vector<1x16xf32>,
          %swap3A_672 = vector.shape_cast %swap3A_671 : vector<1x16xf32> to vector<16xf32>
          %swap3A_673 = vector.shape_cast %broadcast_in_dim3A_1 : vector<16xf32> to vector<1x16xf32>
          tpu.vector_store %arg15[%swap3A_669, %swap3A_670], %swap3A_673 {strides = array<i32>} : memref<64x128xf32, #tpu.memory_space<vmem>>, vector<1x16xf32>,
          %slice3A_674 = vector.extract_strided_slice %get3A_208 {offsets = [7], sizes = [1], strides = [1]} : vector<16xi32> to vector<1xi32>
          %squeeze3A_675 = vector.extract %slice3A_674[0] : i32 from vector<1xi32>
          %rem3A_676 = arith.constant 8 : i32
          %rem3A_677 = arith.remsi %squeeze3A_675, %rem3A_676 : i32
          %mul3A_678 = arith.constant 16 : i32
          %mul3A_679 = arith.muli %rem3A_677, %mul3A_678 : i32
          %swap3A_680 = arith.index_cast %add3A_629 : i32 to index
          %swap3A_681 = arith.index_cast %mul3A_679 : i32 to index
          %swap3A_682 = tpu.vector_load %arg15[%swap3A_680, %swap3A_681] {strides = array<i32>} : memref<64x128xf32, #tpu.memory_space<vmem>>, vector<1x16xf32>,
          %swap3A_683 = vector.shape_cast %swap3A_682 : vector<1x16xf32> to vector<16xf32>
          %swap3A_684 = vector.shape_cast %get3A_633 : vector<16xf32> to vector<1x16xf32>
          tpu.vector_store %arg15[%swap3A_680, %swap3A_681], %swap3A_684 {strides = array<i32>} : memref<64x128xf32, #tpu.memory_space<vmem>>, vector<1x16xf32>,
          %mul3A_685 = arith.constant 16 : i32
          %mul3A_686 = arith.muli %add3A_204, %mul3A_685 : i32
          %add3A_687 = arith.constant 8 : i32
          %add3A_688 = arith.addi %mul3A_686, %add3A_687 : i32
          %get3A_689 = arith.index_cast %add3A_688 : i32 to index
          %get3A_690 = arith.constant 0 : index
          %get3A_691 = tpu.vector_load %arg17[%get3A_689, %get3A_690] {strides = array<i32>} : memref<64x16xf32, #tpu.memory_space<vmem>>, vector<1x16xf32>,
          %get3A_692 = vector.shape_cast %get3A_691 : vector<1x16xf32> to vector<16xf32>
          %swap3A_693 = arith.index_cast %add3A_688 : i32 to index
          %swap3A_694 = arith.constant 0 : index
          %swap3A_695 = tpu.vector_load %arg15[%swap3A_693, %swap3A_694] {strides = array<i32>} : memref<64x128xf32, #tpu.memory_space<vmem>>, vector<1x16xf32>,
          %swap3A_696 = vector.shape_cast %swap3A_695 : vector<1x16xf32> to vector<16xf32>
          %swap3A_697 = vector.shape_cast %broadcast_in_dim3A_1 : vector<16xf32> to vector<1x16xf32>
          tpu.vector_store %arg15[%swap3A_693, %swap3A_694], %swap3A_697 {strides = array<i32>} : memref<64x128xf32, #tpu.memory_space<vmem>>, vector<1x16xf32>,
          %swap3A_698 = arith.index_cast %add3A_688 : i32 to index
          %swap3A_699 = arith.constant 16 : index
          %swap3A_700 = tpu.vector_load %arg15[%swap3A_698, %swap3A_699] {strides = array<i32>} : memref<64x128xf32, #tpu.memory_space<vmem>>, vector<1x16xf32>,
          %swap3A_701 = vector.shape_cast %swap3A_700 : vector<1x16xf32> to vector<16xf32>
          %swap3A_702 = vector.shape_cast %broadcast_in_dim3A_1 : vector<16xf32> to vector<1x16xf32>
          tpu.vector_store %arg15[%swap3A_698, %swap3A_699], %swap3A_702 {strides = array<i32>} : memref<64x128xf32, #tpu.memory_space<vmem>>, vector<1x16xf32>,
          %swap3A_703 = arith.index_cast %add3A_688 : i32 to index
          %swap3A_704 = arith.constant 32 : index
          %swap3A_705 = tpu.vector_load %arg15[%swap3A_703, %swap3A_704] {strides = array<i32>} : memref<64x128xf32, #tpu.memory_space<vmem>>, vector<1x16xf32>,
          %swap3A_706 = vector.shape_cast %swap3A_705 : vector<1x16xf32> to vector<16xf32>
          %swap3A_707 = vector.shape_cast %broadcast_in_dim3A_1 : vector<16xf32> to vector<1x16xf32>
          tpu.vector_store %arg15[%swap3A_703, %swap3A_704], %swap3A_707 {strides = array<i32>} : memref<64x128xf32, #tpu.memory_space<vmem>>, vector<1x16xf32>,
          %swap3A_708 = arith.index_cast %add3A_688 : i32 to index
          %swap3A_709 = arith.constant 48 : index
          %swap3A_710 = tpu.vector_load %arg15[%swap3A_708, %swap3A_709] {strides = array<i32>} : memref<64x128xf32, #tpu.memory_space<vmem>>, vector<1x16xf32>,
          %swap3A_711 = vector.shape_cast %swap3A_710 : vector<1x16xf32> to vector<16xf32>
          %swap3A_712 = vector.shape_cast %broadcast_in_dim3A_1 : vector<16xf32> to vector<1x16xf32>
          tpu.vector_store %arg15[%swap3A_708, %swap3A_709], %swap3A_712 {strides = array<i32>} : memref<64x128xf32, #tpu.memory_space<vmem>>, vector<1x16xf32>,
          %swap3A_713 = arith.index_cast %add3A_688 : i32 to index
          %swap3A_714 = arith.constant 64 : index
          %swap3A_715 = tpu.vector_load %arg15[%swap3A_713, %swap3A_714] {strides = array<i32>} : memref<64x128xf32, #tpu.memory_space<vmem>>, vector<1x16xf32>,
          %swap3A_716 = vector.shape_cast %swap3A_715 : vector<1x16xf32> to vector<16xf32>
          %swap3A_717 = vector.shape_cast %broadcast_in_dim3A_1 : vector<16xf32> to vector<1x16xf32>
          tpu.vector_store %arg15[%swap3A_713, %swap3A_714], %swap3A_717 {strides = array<i32>} : memref<64x128xf32, #tpu.memory_space<vmem>>, vector<1x16xf32>,
          %swap3A_718 = arith.index_cast %add3A_688 : i32 to index
          %swap3A_719 = arith.constant 80 : index
          %swap3A_720 = tpu.vector_load %arg15[%swap3A_718, %swap3A_719] {strides = array<i32>} : memref<64x128xf32, #tpu.memory_space<vmem>>, vector<1x16xf32>,
          %swap3A_721 = vector.shape_cast %swap3A_720 : vector<1x16xf32> to vector<16xf32>
          %swap3A_722 = vector.shape_cast %broadcast_in_dim3A_1 : vector<16xf32> to vector<1x16xf32>
          tpu.vector_store %arg15[%swap3A_718, %swap3A_719], %swap3A_722 {strides = array<i32>} : memref<64x128xf32, #tpu.memory_space<vmem>>, vector<1x16xf32>,
          %swap3A_723 = arith.index_cast %add3A_688 : i32 to index
          %swap3A_724 = arith.constant 96 : index
          %swap3A_725 = tpu.vector_load %arg15[%swap3A_723, %swap3A_724] {strides = array<i32>} : memref<64x128xf32, #tpu.memory_space<vmem>>, vector<1x16xf32>,
          %swap3A_726 = vector.shape_cast %swap3A_725 : vector<1x16xf32> to vector<16xf32>
          %swap3A_727 = vector.shape_cast %broadcast_in_dim3A_1 : vector<16xf32> to vector<1x16xf32>
          tpu.vector_store %arg15[%swap3A_723, %swap3A_724], %swap3A_727 {strides = array<i32>} : memref<64x128xf32, #tpu.memory_space<vmem>>, vector<1x16xf32>,
          %swap3A_728 = arith.index_cast %add3A_688 : i32 to index
          %swap3A_729 = arith.constant 112 : index
          %swap3A_730 = tpu.vector_load %arg15[%swap3A_728, %swap3A_729] {strides = array<i32>} : memref<64x128xf32, #tpu.memory_space<vmem>>, vector<1x16xf32>,
          %swap3A_731 = vector.shape_cast %swap3A_730 : vector<1x16xf32> to vector<16xf32>
          %swap3A_732 = vector.shape_cast %broadcast_in_dim3A_1 : vector<16xf32> to vector<1x16xf32>
          tpu.vector_store %arg15[%swap3A_728, %swap3A_729], %swap3A_732 {strides = array<i32>} : memref<64x128xf32, #tpu.memory_space<vmem>>, vector<1x16xf32>,
          %slice3A_733 = vector.extract_strided_slice %get3A_208 {offsets = [8], sizes = [1], strides = [1]} : vector<16xi32> to vector<1xi32>
          %squeeze3A_734 = vector.extract %slice3A_733[0] : i32 from vector<1xi32>
          %rem3A_735 = arith.constant 8 : i32
          %rem3A_736 = arith.remsi %squeeze3A_734, %rem3A_735 : i32
          %mul3A_737 = arith.constant 16 : i32
          %mul3A_738 = arith.muli %rem3A_736, %mul3A_737 : i32
          %swap3A_739 = arith.index_cast %add3A_688 : i32 to index
          %swap3A_740 = arith.index_cast %mul3A_738 : i32 to index
          %swap3A_741 = tpu.vector_load %arg15[%swap3A_739, %swap3A_740] {strides = array<i32>} : memref<64x128xf32, #tpu.memory_space<vmem>>, vector<1x16xf32>,
          %swap3A_742 = vector.shape_cast %swap3A_741 : vector<1x16xf32> to vector<16xf32>
          %swap3A_743 = vector.shape_cast %get3A_692 : vector<16xf32> to vector<1x16xf32>
          tpu.vector_store %arg15[%swap3A_739, %swap3A_740], %swap3A_743 {strides = array<i32>} : memref<64x128xf32, #tpu.memory_space<vmem>>, vector<1x16xf32>,
          %mul3A_744 = arith.constant 16 : i32
          %mul3A_745 = arith.muli %add3A_204, %mul3A_744 : i32
          %add3A_746 = arith.constant 9 : i32
          %add3A_747 = arith.addi %mul3A_745, %add3A_746 : i32
          %get3A_748 = arith.index_cast %add3A_747 : i32 to index
          %get3A_749 = arith.constant 0 : index
          %get3A_750 = tpu.vector_load %arg17[%get3A_748, %get3A_749] {strides = array<i32>} : memref<64x16xf32, #tpu.memory_space<vmem>>, vector<1x16xf32>,
          %get3A_751 = vector.shape_cast %get3A_750 : vector<1x16xf32> to vector<16xf32>
          %swap3A_752 = arith.index_cast %add3A_747 : i32 to index
          %swap3A_753 = arith.constant 0 : index
          %swap3A_754 = tpu.vector_load %arg15[%swap3A_752, %swap3A_753] {strides = array<i32>} : memref<64x128xf32, #tpu.memory_space<vmem>>, vector<1x16xf32>,
          %swap3A_755 = vector.shape_cast %swap3A_754 : vector<1x16xf32> to vector<16xf32>
          %swap3A_756 = vector.shape_cast %broadcast_in_dim3A_1 : vector<16xf32> to vector<1x16xf32>
          tpu.vector_store %arg15[%swap3A_752, %swap3A_753], %swap3A_756 {strides = array<i32>} : memref<64x128xf32, #tpu.memory_space<vmem>>, vector<1x16xf32>,
          %swap3A_757 = arith.index_cast %add3A_747 : i32 to index
          %swap3A_758 = arith.constant 16 : index
          %swap3A_759 = tpu.vector_load %arg15[%swap3A_757, %swap3A_758] {strides = array<i32>} : memref<64x128xf32, #tpu.memory_space<vmem>>, vector<1x16xf32>,
          %swap3A_760 = vector.shape_cast %swap3A_759 : vector<1x16xf32> to vector<16xf32>
          %swap3A_761 = vector.shape_cast %broadcast_in_dim3A_1 : vector<16xf32> to vector<1x16xf32>
          tpu.vector_store %arg15[%swap3A_757, %swap3A_758], %swap3A_761 {strides = array<i32>} : memref<64x128xf32, #tpu.memory_space<vmem>>, vector<1x16xf32>,
          %swap3A_762 = arith.index_cast %add3A_747 : i32 to index
          %swap3A_763 = arith.constant 32 : index
          %swap3A_764 = tpu.vector_load %arg15[%swap3A_762, %swap3A_763] {strides = array<i32>} : memref<64x128xf32, #tpu.memory_space<vmem>>, vector<1x16xf32>,
          %swap3A_765 = vector.shape_cast %swap3A_764 : vector<1x16xf32> to vector<16xf32>
          %swap3A_766 = vector.shape_cast %broadcast_in_dim3A_1 : vector<16xf32> to vector<1x16xf32>
          tpu.vector_store %arg15[%swap3A_762, %swap3A_763], %swap3A_766 {strides = array<i32>} : memref<64x128xf32, #tpu.memory_space<vmem>>, vector<1x16xf32>,
          %swap3A_767 = arith.index_cast %add3A_747 : i32 to index
          %swap3A_768 = arith.constant 48 : index
          %swap3A_769 = tpu.vector_load %arg15[%swap3A_767, %swap3A_768] {strides = array<i32>} : memref<64x128xf32, #tpu.memory_space<vmem>>, vector<1x16xf32>,
          %swap3A_770 = vector.shape_cast %swap3A_769 : vector<1x16xf32> to vector<16xf32>
          %swap3A_771 = vector.shape_cast %broadcast_in_dim3A_1 : vector<16xf32> to vector<1x16xf32>
          tpu.vector_store %arg15[%swap3A_767, %swap3A_768], %swap3A_771 {strides = array<i32>} : memref<64x128xf32, #tpu.memory_space<vmem>>, vector<1x16xf32>,
          %swap3A_772 = arith.index_cast %add3A_747 : i32 to index
          %swap3A_773 = arith.constant 64 : index
          %swap3A_774 = tpu.vector_load %arg15[%swap3A_772, %swap3A_773] {strides = array<i32>} : memref<64x128xf32, #tpu.memory_space<vmem>>, vector<1x16xf32>,
          %swap3A_775 = vector.shape_cast %swap3A_774 : vector<1x16xf32> to vector<16xf32>
          %swap3A_776 = vector.shape_cast %broadcast_in_dim3A_1 : vector<16xf32> to vector<1x16xf32>
          tpu.vector_store %arg15[%swap3A_772, %swap3A_773], %swap3A_776 {strides = array<i32>} : memref<64x128xf32, #tpu.memory_space<vmem>>, vector<1x16xf32>,
          %swap3A_777 = arith.index_cast %add3A_747 : i32 to index
          %swap3A_778 = arith.constant 80 : index
          %swap3A_779 = tpu.vector_load %arg15[%swap3A_777, %swap3A_778] {strides = array<i32>} : memref<64x128xf32, #tpu.memory_space<vmem>>, vector<1x16xf32>,
          %swap3A_780 = vector.shape_cast %swap3A_779 : vector<1x16xf32> to vector<16xf32>
          %swap3A_781 = vector.shape_cast %broadcast_in_dim3A_1 : vector<16xf32> to vector<1x16xf32>
          tpu.vector_store %arg15[%swap3A_777, %swap3A_778], %swap3A_781 {strides = array<i32>} : memref<64x128xf32, #tpu.memory_space<vmem>>, vector<1x16xf32>,
          %swap3A_782 = arith.index_cast %add3A_747 : i32 to index
          %swap3A_783 = arith.constant 96 : index
          %swap3A_784 = tpu.vector_load %arg15[%swap3A_782, %swap3A_783] {strides = array<i32>} : memref<64x128xf32, #tpu.memory_space<vmem>>, vector<1x16xf32>,
          %swap3A_785 = vector.shape_cast %swap3A_784 : vector<1x16xf32> to vector<16xf32>
          %swap3A_786 = vector.shape_cast %broadcast_in_dim3A_1 : vector<16xf32> to vector<1x16xf32>
          tpu.vector_store %arg15[%swap3A_782, %swap3A_783], %swap3A_786 {strides = array<i32>} : memref<64x128xf32, #tpu.memory_space<vmem>>, vector<1x16xf32>,
          %swap3A_787 = arith.index_cast %add3A_747 : i32 to index
          %swap3A_788 = arith.constant 112 : index
          %swap3A_789 = tpu.vector_load %arg15[%swap3A_787, %swap3A_788] {strides = array<i32>} : memref<64x128xf32, #tpu.memory_space<vmem>>, vector<1x16xf32>,
          %swap3A_790 = vector.shape_cast %swap3A_789 : vector<1x16xf32> to vector<16xf32>
          %swap3A_791 = vector.shape_cast %broadcast_in_dim3A_1 : vector<16xf32> to vector<1x16xf32>
          tpu.vector_store %arg15[%swap3A_787, %swap3A_788], %swap3A_791 {strides = array<i32>} : memref<64x128xf32, #tpu.memory_space<vmem>>, vector<1x16xf32>,
          %slice3A_792 = vector.extract_strided_slice %get3A_208 {offsets = [9], sizes = [1], strides = [1]} : vector<16xi32> to vector<1xi32>
          %squeeze3A_793 = vector.extract %slice3A_792[0] : i32 from vector<1xi32>
          %rem3A_794 = arith.constant 8 : i32
          %rem3A_795 = arith.remsi %squeeze3A_793, %rem3A_794 : i32
          %mul3A_796 = arith.constant 16 : i32
          %mul3A_797 = arith.muli %rem3A_795, %mul3A_796 : i32
          %swap3A_798 = arith.index_cast %add3A_747 : i32 to index
          %swap3A_799 = arith.index_cast %mul3A_797 : i32 to index
          %swap3A_800 = tpu.vector_load %arg15[%swap3A_798, %swap3A_799] {strides = array<i32>} : memref<64x128xf32, #tpu.memory_space<vmem>>, vector<1x16xf32>,
          %swap3A_801 = vector.shape_cast %swap3A_800 : vector<1x16xf32> to vector<16xf32>
          %swap3A_802 = vector.shape_cast %get3A_751 : vector<16xf32> to vector<1x16xf32>
          tpu.vector_store %arg15[%swap3A_798, %swap3A_799], %swap3A_802 {strides = array<i32>} : memref<64x128xf32, #tpu.memory_space<vmem>>, vector<1x16xf32>,
          %mul3A_803 = arith.constant 16 : i32
          %mul3A_804 = arith.muli %add3A_204, %mul3A_803 : i32
          %add3A_805 = arith.constant 10 : i32
          %add3A_806 = arith.addi %mul3A_804, %add3A_805 : i32
          %get3A_807 = arith.index_cast %add3A_806 : i32 to index
          %get3A_808 = arith.constant 0 : index
          %get3A_809 = tpu.vector_load %arg17[%get3A_807, %get3A_808] {strides = array<i32>} : memref<64x16xf32, #tpu.memory_space<vmem>>, vector<1x16xf32>,
          %get3A_810 = vector.shape_cast %get3A_809 : vector<1x16xf32> to vector<16xf32>
          %swap3A_811 = arith.index_cast %add3A_806 : i32 to index
          %swap3A_812 = arith.constant 0 : index
          %swap3A_813 = tpu.vector_load %arg15[%swap3A_811, %swap3A_812] {strides = array<i32>} : memref<64x128xf32, #tpu.memory_space<vmem>>, vector<1x16xf32>,
          %swap3A_814 = vector.shape_cast %swap3A_813 : vector<1x16xf32> to vector<16xf32>
          %swap3A_815 = vector.shape_cast %broadcast_in_dim3A_1 : vector<16xf32> to vector<1x16xf32>
          tpu.vector_store %arg15[%swap3A_811, %swap3A_812], %swap3A_815 {strides = array<i32>} : memref<64x128xf32, #tpu.memory_space<vmem>>, vector<1x16xf32>,
          %swap3A_816 = arith.index_cast %add3A_806 : i32 to index
          %swap3A_817 = arith.constant 16 : index
          %swap3A_818 = tpu.vector_load %arg15[%swap3A_816, %swap3A_817] {strides = array<i32>} : memref<64x128xf32, #tpu.memory_space<vmem>>, vector<1x16xf32>,
          %swap3A_819 = vector.shape_cast %swap3A_818 : vector<1x16xf32> to vector<16xf32>
          %swap3A_820 = vector.shape_cast %broadcast_in_dim3A_1 : vector<16xf32> to vector<1x16xf32>
          tpu.vector_store %arg15[%swap3A_816, %swap3A_817], %swap3A_820 {strides = array<i32>} : memref<64x128xf32, #tpu.memory_space<vmem>>, vector<1x16xf32>,
          %swap3A_821 = arith.index_cast %add3A_806 : i32 to index
          %swap3A_822 = arith.constant 32 : index
          %swap3A_823 = tpu.vector_load %arg15[%swap3A_821, %swap3A_822] {strides = array<i32>} : memref<64x128xf32, #tpu.memory_space<vmem>>, vector<1x16xf32>,
          %swap3A_824 = vector.shape_cast %swap3A_823 : vector<1x16xf32> to vector<16xf32>
          %swap3A_825 = vector.shape_cast %broadcast_in_dim3A_1 : vector<16xf32> to vector<1x16xf32>
          tpu.vector_store %arg15[%swap3A_821, %swap3A_822], %swap3A_825 {strides = array<i32>} : memref<64x128xf32, #tpu.memory_space<vmem>>, vector<1x16xf32>,
          %swap3A_826 = arith.index_cast %add3A_806 : i32 to index
          %swap3A_827 = arith.constant 48 : index
          %swap3A_828 = tpu.vector_load %arg15[%swap3A_826, %swap3A_827] {strides = array<i32>} : memref<64x128xf32, #tpu.memory_space<vmem>>, vector<1x16xf32>,
          %swap3A_829 = vector.shape_cast %swap3A_828 : vector<1x16xf32> to vector<16xf32>
          %swap3A_830 = vector.shape_cast %broadcast_in_dim3A_1 : vector<16xf32> to vector<1x16xf32>
          tpu.vector_store %arg15[%swap3A_826, %swap3A_827], %swap3A_830 {strides = array<i32>} : memref<64x128xf32, #tpu.memory_space<vmem>>, vector<1x16xf32>,
          %swap3A_831 = arith.index_cast %add3A_806 : i32 to index
          %swap3A_832 = arith.constant 64 : index
          %swap3A_833 = tpu.vector_load %arg15[%swap3A_831, %swap3A_832] {strides = array<i32>} : memref<64x128xf32, #tpu.memory_space<vmem>>, vector<1x16xf32>,
          %swap3A_834 = vector.shape_cast %swap3A_833 : vector<1x16xf32> to vector<16xf32>
          %swap3A_835 = vector.shape_cast %broadcast_in_dim3A_1 : vector<16xf32> to vector<1x16xf32>
          tpu.vector_store %arg15[%swap3A_831, %swap3A_832], %swap3A_835 {strides = array<i32>} : memref<64x128xf32, #tpu.memory_space<vmem>>, vector<1x16xf32>,
          %swap3A_836 = arith.index_cast %add3A_806 : i32 to index
          %swap3A_837 = arith.constant 80 : index
          %swap3A_838 = tpu.vector_load %arg15[%swap3A_836, %swap3A_837] {strides = array<i32>} : memref<64x128xf32, #tpu.memory_space<vmem>>, vector<1x16xf32>,
          %swap3A_839 = vector.shape_cast %swap3A_838 : vector<1x16xf32> to vector<16xf32>
          %swap3A_840 = vector.shape_cast %broadcast_in_dim3A_1 : vector<16xf32> to vector<1x16xf32>
          tpu.vector_store %arg15[%swap3A_836, %swap3A_837], %swap3A_840 {strides = array<i32>} : memref<64x128xf32, #tpu.memory_space<vmem>>, vector<1x16xf32>,
          %swap3A_841 = arith.index_cast %add3A_806 : i32 to index
          %swap3A_842 = arith.constant 96 : index
          %swap3A_843 = tpu.vector_load %arg15[%swap3A_841, %swap3A_842] {strides = array<i32>} : memref<64x128xf32, #tpu.memory_space<vmem>>, vector<1x16xf32>,
          %swap3A_844 = vector.shape_cast %swap3A_843 : vector<1x16xf32> to vector<16xf32>
          %swap3A_845 = vector.shape_cast %broadcast_in_dim3A_1 : vector<16xf32> to vector<1x16xf32>
          tpu.vector_store %arg15[%swap3A_841, %swap3A_842], %swap3A_845 {strides = array<i32>} : memref<64x128xf32, #tpu.memory_space<vmem>>, vector<1x16xf32>,
          %swap3A_846 = arith.index_cast %add3A_806 : i32 to index
          %swap3A_847 = arith.constant 112 : index
          %swap3A_848 = tpu.vector_load %arg15[%swap3A_846, %swap3A_847] {strides = array<i32>} : memref<64x128xf32, #tpu.memory_space<vmem>>, vector<1x16xf32>,
          %swap3A_849 = vector.shape_cast %swap3A_848 : vector<1x16xf32> to vector<16xf32>
          %swap3A_850 = vector.shape_cast %broadcast_in_dim3A_1 : vector<16xf32> to vector<1x16xf32>
          tpu.vector_store %arg15[%swap3A_846, %swap3A_847], %swap3A_850 {strides = array<i32>} : memref<64x128xf32, #tpu.memory_space<vmem>>, vector<1x16xf32>,
          %slice3A_851 = vector.extract_strided_slice %get3A_208 {offsets = [10], sizes = [1], strides = [1]} : vector<16xi32> to vector<1xi32>
          %squeeze3A_852 = vector.extract %slice3A_851[0] : i32 from vector<1xi32>
          %rem3A_853 = arith.constant 8 : i32
          %rem3A_854 = arith.remsi %squeeze3A_852, %rem3A_853 : i32
          %mul3A_855 = arith.constant 16 : i32
          %mul3A_856 = arith.muli %rem3A_854, %mul3A_855 : i32
          %swap3A_857 = arith.index_cast %add3A_806 : i32 to index
          %swap3A_858 = arith.index_cast %mul3A_856 : i32 to index
          %swap3A_859 = tpu.vector_load %arg15[%swap3A_857, %swap3A_858] {strides = array<i32>} : memref<64x128xf32, #tpu.memory_space<vmem>>, vector<1x16xf32>,
          %swap3A_860 = vector.shape_cast %swap3A_859 : vector<1x16xf32> to vector<16xf32>
          %swap3A_861 = vector.shape_cast %get3A_810 : vector<16xf32> to vector<1x16xf32>
          tpu.vector_store %arg15[%swap3A_857, %swap3A_858], %swap3A_861 {strides = array<i32>} : memref<64x128xf32, #tpu.memory_space<vmem>>, vector<1x16xf32>,
          %mul3A_862 = arith.constant 16 : i32
          %mul3A_863 = arith.muli %add3A_204, %mul3A_862 : i32
          %add3A_864 = arith.constant 11 : i32
          %add3A_865 = arith.addi %mul3A_863, %add3A_864 : i32
          %get3A_866 = arith.index_cast %add3A_865 : i32 to index
          %get3A_867 = arith.constant 0 : index
          %get3A_868 = tpu.vector_load %arg17[%get3A_866, %get3A_867] {strides = array<i32>} : memref<64x16xf32, #tpu.memory_space<vmem>>, vector<1x16xf32>,
          %get3A_869 = vector.shape_cast %get3A_868 : vector<1x16xf32> to vector<16xf32>
          %swap3A_870 = arith.index_cast %add3A_865 : i32 to index
          %swap3A_871 = arith.constant 0 : index
          %swap3A_872 = tpu.vector_load %arg15[%swap3A_870, %swap3A_871] {strides = array<i32>} : memref<64x128xf32, #tpu.memory_space<vmem>>, vector<1x16xf32>,
          %swap3A_873 = vector.shape_cast %swap3A_872 : vector<1x16xf32> to vector<16xf32>
          %swap3A_874 = vector.shape_cast %broadcast_in_dim3A_1 : vector<16xf32> to vector<1x16xf32>
          tpu.vector_store %arg15[%swap3A_870, %swap3A_871], %swap3A_874 {strides = array<i32>} : memref<64x128xf32, #tpu.memory_space<vmem>>, vector<1x16xf32>,
          %swap3A_875 = arith.index_cast %add3A_865 : i32 to index
          %swap3A_876 = arith.constant 16 : index
          %swap3A_877 = tpu.vector_load %arg15[%swap3A_875, %swap3A_876] {strides = array<i32>} : memref<64x128xf32, #tpu.memory_space<vmem>>, vector<1x16xf32>,
          %swap3A_878 = vector.shape_cast %swap3A_877 : vector<1x16xf32> to vector<16xf32>
          %swap3A_879 = vector.shape_cast %broadcast_in_dim3A_1 : vector<16xf32> to vector<1x16xf32>
          tpu.vector_store %arg15[%swap3A_875, %swap3A_876], %swap3A_879 {strides = array<i32>} : memref<64x128xf32, #tpu.memory_space<vmem>>, vector<1x16xf32>,
          %swap3A_880 = arith.index_cast %add3A_865 : i32 to index
          %swap3A_881 = arith.constant 32 : index
          %swap3A_882 = tpu.vector_load %arg15[%swap3A_880, %swap3A_881] {strides = array<i32>} : memref<64x128xf32, #tpu.memory_space<vmem>>, vector<1x16xf32>,
          %swap3A_883 = vector.shape_cast %swap3A_882 : vector<1x16xf32> to vector<16xf32>
          %swap3A_884 = vector.shape_cast %broadcast_in_dim3A_1 : vector<16xf32> to vector<1x16xf32>
          tpu.vector_store %arg15[%swap3A_880, %swap3A_881], %swap3A_884 {strides = array<i32>} : memref<64x128xf32, #tpu.memory_space<vmem>>, vector<1x16xf32>,
          %swap3A_885 = arith.index_cast %add3A_865 : i32 to index
          %swap3A_886 = arith.constant 48 : index
          %swap3A_887 = tpu.vector_load %arg15[%swap3A_885, %swap3A_886] {strides = array<i32>} : memref<64x128xf32, #tpu.memory_space<vmem>>, vector<1x16xf32>,
          %swap3A_888 = vector.shape_cast %swap3A_887 : vector<1x16xf32> to vector<16xf32>
          %swap3A_889 = vector.shape_cast %broadcast_in_dim3A_1 : vector<16xf32> to vector<1x16xf32>
          tpu.vector_store %arg15[%swap3A_885, %swap3A_886], %swap3A_889 {strides = array<i32>} : memref<64x128xf32, #tpu.memory_space<vmem>>, vector<1x16xf32>,
          %swap3A_890 = arith.index_cast %add3A_865 : i32 to index
          %swap3A_891 = arith.constant 64 : index
          %swap3A_892 = tpu.vector_load %arg15[%swap3A_890, %swap3A_891] {strides = array<i32>} : memref<64x128xf32, #tpu.memory_space<vmem>>, vector<1x16xf32>,
          %swap3A_893 = vector.shape_cast %swap3A_892 : vector<1x16xf32> to vector<16xf32>
          %swap3A_894 = vector.shape_cast %broadcast_in_dim3A_1 : vector<16xf32> to vector<1x16xf32>
          tpu.vector_store %arg15[%swap3A_890, %swap3A_891], %swap3A_894 {strides = array<i32>} : memref<64x128xf32, #tpu.memory_space<vmem>>, vector<1x16xf32>,
          %swap3A_895 = arith.index_cast %add3A_865 : i32 to index
          %swap3A_896 = arith.constant 80 : index
          %swap3A_897 = tpu.vector_load %arg15[%swap3A_895, %swap3A_896] {strides = array<i32>} : memref<64x128xf32, #tpu.memory_space<vmem>>, vector<1x16xf32>,
          %swap3A_898 = vector.shape_cast %swap3A_897 : vector<1x16xf32> to vector<16xf32>
          %swap3A_899 = vector.shape_cast %broadcast_in_dim3A_1 : vector<16xf32> to vector<1x16xf32>
          tpu.vector_store %arg15[%swap3A_895, %swap3A_896], %swap3A_899 {strides = array<i32>} : memref<64x128xf32, #tpu.memory_space<vmem>>, vector<1x16xf32>,
          %swap3A_900 = arith.index_cast %add3A_865 : i32 to index
          %swap3A_901 = arith.constant 96 : index
          %swap3A_902 = tpu.vector_load %arg15[%swap3A_900, %swap3A_901] {strides = array<i32>} : memref<64x128xf32, #tpu.memory_space<vmem>>, vector<1x16xf32>,
          %swap3A_903 = vector.shape_cast %swap3A_902 : vector<1x16xf32> to vector<16xf32>
          %swap3A_904 = vector.shape_cast %broadcast_in_dim3A_1 : vector<16xf32> to vector<1x16xf32>
          tpu.vector_store %arg15[%swap3A_900, %swap3A_901], %swap3A_904 {strides = array<i32>} : memref<64x128xf32, #tpu.memory_space<vmem>>, vector<1x16xf32>,
          %swap3A_905 = arith.index_cast %add3A_865 : i32 to index
          %swap3A_906 = arith.constant 112 : index
          %swap3A_907 = tpu.vector_load %arg15[%swap3A_905, %swap3A_906] {strides = array<i32>} : memref<64x128xf32, #tpu.memory_space<vmem>>, vector<1x16xf32>,
          %swap3A_908 = vector.shape_cast %swap3A_907 : vector<1x16xf32> to vector<16xf32>
          %swap3A_909 = vector.shape_cast %broadcast_in_dim3A_1 : vector<16xf32> to vector<1x16xf32>
          tpu.vector_store %arg15[%swap3A_905, %swap3A_906], %swap3A_909 {strides = array<i32>} : memref<64x128xf32, #tpu.memory_space<vmem>>, vector<1x16xf32>,
          %slice3A_910 = vector.extract_strided_slice %get3A_208 {offsets = [11], sizes = [1], strides = [1]} : vector<16xi32> to vector<1xi32>
          %squeeze3A_911 = vector.extract %slice3A_910[0] : i32 from vector<1xi32>
          %rem3A_912 = arith.constant 8 : i32
          %rem3A_913 = arith.remsi %squeeze3A_911, %rem3A_912 : i32
          %mul3A_914 = arith.constant 16 : i32
          %mul3A_915 = arith.muli %rem3A_913, %mul3A_914 : i32
          %swap3A_916 = arith.index_cast %add3A_865 : i32 to index
          %swap3A_917 = arith.index_cast %mul3A_915 : i32 to index
          %swap3A_918 = tpu.vector_load %arg15[%swap3A_916, %swap3A_917] {strides = array<i32>} : memref<64x128xf32, #tpu.memory_space<vmem>>, vector<1x16xf32>,
          %swap3A_919 = vector.shape_cast %swap3A_918 : vector<1x16xf32> to vector<16xf32>
          %swap3A_920 = vector.shape_cast %get3A_869 : vector<16xf32> to vector<1x16xf32>
          tpu.vector_store %arg15[%swap3A_916, %swap3A_917], %swap3A_920 {strides = array<i32>} : memref<64x128xf32, #tpu.memory_space<vmem>>, vector<1x16xf32>,
          %mul3A_921 = arith.constant 16 : i32
          %mul3A_922 = arith.muli %add3A_204, %mul3A_921 : i32
          %add3A_923 = arith.constant 12 : i32
          %add3A_924 = arith.addi %mul3A_922, %add3A_923 : i32
          %get3A_925 = arith.index_cast %add3A_924 : i32 to index
          %get3A_926 = arith.constant 0 : index
          %get3A_927 = tpu.vector_load %arg17[%get3A_925, %get3A_926] {strides = array<i32>} : memref<64x16xf32, #tpu.memory_space<vmem>>, vector<1x16xf32>,
          %get3A_928 = vector.shape_cast %get3A_927 : vector<1x16xf32> to vector<16xf32>
          %swap3A_929 = arith.index_cast %add3A_924 : i32 to index
          %swap3A_930 = arith.constant 0 : index
          %swap3A_931 = tpu.vector_load %arg15[%swap3A_929, %swap3A_930] {strides = array<i32>} : memref<64x128xf32, #tpu.memory_space<vmem>>, vector<1x16xf32>,
          %swap3A_932 = vector.shape_cast %swap3A_931 : vector<1x16xf32> to vector<16xf32>
          %swap3A_933 = vector.shape_cast %broadcast_in_dim3A_1 : vector<16xf32> to vector<1x16xf32>
          tpu.vector_store %arg15[%swap3A_929, %swap3A_930], %swap3A_933 {strides = array<i32>} : memref<64x128xf32, #tpu.memory_space<vmem>>, vector<1x16xf32>,
          %swap3A_934 = arith.index_cast %add3A_924 : i32 to index
          %swap3A_935 = arith.constant 16 : index
          %swap3A_936 = tpu.vector_load %arg15[%swap3A_934, %swap3A_935] {strides = array<i32>} : memref<64x128xf32, #tpu.memory_space<vmem>>, vector<1x16xf32>,
          %swap3A_937 = vector.shape_cast %swap3A_936 : vector<1x16xf32> to vector<16xf32>
          %swap3A_938 = vector.shape_cast %broadcast_in_dim3A_1 : vector<16xf32> to vector<1x16xf32>
          tpu.vector_store %arg15[%swap3A_934, %swap3A_935], %swap3A_938 {strides = array<i32>} : memref<64x128xf32, #tpu.memory_space<vmem>>, vector<1x16xf32>,
          %swap3A_939 = arith.index_cast %add3A_924 : i32 to index
          %swap3A_940 = arith.constant 32 : index
          %swap3A_941 = tpu.vector_load %arg15[%swap3A_939, %swap3A_940] {strides = array<i32>} : memref<64x128xf32, #tpu.memory_space<vmem>>, vector<1x16xf32>,
          %swap3A_942 = vector.shape_cast %swap3A_941 : vector<1x16xf32> to vector<16xf32>
          %swap3A_943 = vector.shape_cast %broadcast_in_dim3A_1 : vector<16xf32> to vector<1x16xf32>
          tpu.vector_store %arg15[%swap3A_939, %swap3A_940], %swap3A_943 {strides = array<i32>} : memref<64x128xf32, #tpu.memory_space<vmem>>, vector<1x16xf32>,
          %swap3A_944 = arith.index_cast %add3A_924 : i32 to index
          %swap3A_945 = arith.constant 48 : index
          %swap3A_946 = tpu.vector_load %arg15[%swap3A_944, %swap3A_945] {strides = array<i32>} : memref<64x128xf32, #tpu.memory_space<vmem>>, vector<1x16xf32>,
          %swap3A_947 = vector.shape_cast %swap3A_946 : vector<1x16xf32> to vector<16xf32>
          %swap3A_948 = vector.shape_cast %broadcast_in_dim3A_1 : vector<16xf32> to vector<1x16xf32>
          tpu.vector_store %arg15[%swap3A_944, %swap3A_945], %swap3A_948 {strides = array<i32>} : memref<64x128xf32, #tpu.memory_space<vmem>>, vector<1x16xf32>,
          %swap3A_949 = arith.index_cast %add3A_924 : i32 to index
          %swap3A_950 = arith.constant 64 : index
          %swap3A_951 = tpu.vector_load %arg15[%swap3A_949, %swap3A_950] {strides = array<i32>} : memref<64x128xf32, #tpu.memory_space<vmem>>, vector<1x16xf32>,
          %swap3A_952 = vector.shape_cast %swap3A_951 : vector<1x16xf32> to vector<16xf32>
          %swap3A_953 = vector.shape_cast %broadcast_in_dim3A_1 : vector<16xf32> to vector<1x16xf32>
          tpu.vector_store %arg15[%swap3A_949, %swap3A_950], %swap3A_953 {strides = array<i32>} : memref<64x128xf32, #tpu.memory_space<vmem>>, vector<1x16xf32>,
          %swap3A_954 = arith.index_cast %add3A_924 : i32 to index
          %swap3A_955 = arith.constant 80 : index
          %swap3A_956 = tpu.vector_load %arg15[%swap3A_954, %swap3A_955] {strides = array<i32>} : memref<64x128xf32, #tpu.memory_space<vmem>>, vector<1x16xf32>,
          %swap3A_957 = vector.shape_cast %swap3A_956 : vector<1x16xf32> to vector<16xf32>
          %swap3A_958 = vector.shape_cast %broadcast_in_dim3A_1 : vector<16xf32> to vector<1x16xf32>
          tpu.vector_store %arg15[%swap3A_954, %swap3A_955], %swap3A_958 {strides = array<i32>} : memref<64x128xf32, #tpu.memory_space<vmem>>, vector<1x16xf32>,
          %swap3A_959 = arith.index_cast %add3A_924 : i32 to index
          %swap3A_960 = arith.constant 96 : index
          %swap3A_961 = tpu.vector_load %arg15[%swap3A_959, %swap3A_960] {strides = array<i32>} : memref<64x128xf32, #tpu.memory_space<vmem>>, vector<1x16xf32>,
          %swap3A_962 = vector.shape_cast %swap3A_961 : vector<1x16xf32> to vector<16xf32>
          %swap3A_963 = vector.shape_cast %broadcast_in_dim3A_1 : vector<16xf32> to vector<1x16xf32>
          tpu.vector_store %arg15[%swap3A_959, %swap3A_960], %swap3A_963 {strides = array<i32>} : memref<64x128xf32, #tpu.memory_space<vmem>>, vector<1x16xf32>,
          %swap3A_964 = arith.index_cast %add3A_924 : i32 to index
          %swap3A_965 = arith.constant 112 : index
          %swap3A_966 = tpu.vector_load %arg15[%swap3A_964, %swap3A_965] {strides = array<i32>} : memref<64x128xf32, #tpu.memory_space<vmem>>, vector<1x16xf32>,
          %swap3A_967 = vector.shape_cast %swap3A_966 : vector<1x16xf32> to vector<16xf32>
          %swap3A_968 = vector.shape_cast %broadcast_in_dim3A_1 : vector<16xf32> to vector<1x16xf32>
          tpu.vector_store %arg15[%swap3A_964, %swap3A_965], %swap3A_968 {strides = array<i32>} : memref<64x128xf32, #tpu.memory_space<vmem>>, vector<1x16xf32>,
          %slice3A_969 = vector.extract_strided_slice %get3A_208 {offsets = [12], sizes = [1], strides = [1]} : vector<16xi32> to vector<1xi32>
          %squeeze3A_970 = vector.extract %slice3A_969[0] : i32 from vector<1xi32>
          %rem3A_971 = arith.constant 8 : i32
          %rem3A_972 = arith.remsi %squeeze3A_970, %rem3A_971 : i32
          %mul3A_973 = arith.constant 16 : i32
          %mul3A_974 = arith.muli %rem3A_972, %mul3A_973 : i32
          %swap3A_975 = arith.index_cast %add3A_924 : i32 to index
          %swap3A_976 = arith.index_cast %mul3A_974 : i32 to index
          %swap3A_977 = tpu.vector_load %arg15[%swap3A_975, %swap3A_976] {strides = array<i32>} : memref<64x128xf32, #tpu.memory_space<vmem>>, vector<1x16xf32>,
          %swap3A_978 = vector.shape_cast %swap3A_977 : vector<1x16xf32> to vector<16xf32>
          %swap3A_979 = vector.shape_cast %get3A_928 : vector<16xf32> to vector<1x16xf32>
          tpu.vector_store %arg15[%swap3A_975, %swap3A_976], %swap3A_979 {strides = array<i32>} : memref<64x128xf32, #tpu.memory_space<vmem>>, vector<1x16xf32>,
          %mul3A_980 = arith.constant 16 : i32
          %mul3A_981 = arith.muli %add3A_204, %mul3A_980 : i32
          %add3A_982 = arith.constant 13 : i32
          %add3A_983 = arith.addi %mul3A_981, %add3A_982 : i32
          %get3A_984 = arith.index_cast %add3A_983 : i32 to index
          %get3A_985 = arith.constant 0 : index
          %get3A_986 = tpu.vector_load %arg17[%get3A_984, %get3A_985] {strides = array<i32>} : memref<64x16xf32, #tpu.memory_space<vmem>>, vector<1x16xf32>,
          %get3A_987 = vector.shape_cast %get3A_986 : vector<1x16xf32> to vector<16xf32>
          %swap3A_988 = arith.index_cast %add3A_983 : i32 to index
          %swap3A_989 = arith.constant 0 : index
          %swap3A_990 = tpu.vector_load %arg15[%swap3A_988, %swap3A_989] {strides = array<i32>} : memref<64x128xf32, #tpu.memory_space<vmem>>, vector<1x16xf32>,
          %swap3A_991 = vector.shape_cast %swap3A_990 : vector<1x16xf32> to vector<16xf32>
          %swap3A_992 = vector.shape_cast %broadcast_in_dim3A_1 : vector<16xf32> to vector<1x16xf32>
          tpu.vector_store %arg15[%swap3A_988, %swap3A_989], %swap3A_992 {strides = array<i32>} : memref<64x128xf32, #tpu.memory_space<vmem>>, vector<1x16xf32>,
          %swap3A_993 = arith.index_cast %add3A_983 : i32 to index
          %swap3A_994 = arith.constant 16 : index
          %swap3A_995 = tpu.vector_load %arg15[%swap3A_993, %swap3A_994] {strides = array<i32>} : memref<64x128xf32, #tpu.memory_space<vmem>>, vector<1x16xf32>,
          %swap3A_996 = vector.shape_cast %swap3A_995 : vector<1x16xf32> to vector<16xf32>
          %swap3A_997 = vector.shape_cast %broadcast_in_dim3A_1 : vector<16xf32> to vector<1x16xf32>
          tpu.vector_store %arg15[%swap3A_993, %swap3A_994], %swap3A_997 {strides = array<i32>} : memref<64x128xf32, #tpu.memory_space<vmem>>, vector<1x16xf32>,
          %swap3A_998 = arith.index_cast %add3A_983 : i32 to index
          %swap3A_999 = arith.constant 32 : index
          %swap3A_1000 = tpu.vector_load %arg15[%swap3A_998, %swap3A_999] {strides = array<i32>} : memref<64x128xf32, #tpu.memory_space<vmem>>, vector<1x16xf32>,
          %swap3A_1001 = vector.shape_cast %swap3A_1000 : vector<1x16xf32> to vector<16xf32>
          %swap3A_1002 = vector.shape_cast %broadcast_in_dim3A_1 : vector<16xf32> to vector<1x16xf32>
          tpu.vector_store %arg15[%swap3A_998, %swap3A_999], %swap3A_1002 {strides = array<i32>} : memref<64x128xf32, #tpu.memory_space<vmem>>, vector<1x16xf32>,
          %swap3A_1003 = arith.index_cast %add3A_983 : i32 to index
          %swap3A_1004 = arith.constant 48 : index
          %swap3A_1005 = tpu.vector_load %arg15[%swap3A_1003, %swap3A_1004] {strides = array<i32>} : memref<64x128xf32, #tpu.memory_space<vmem>>, vector<1x16xf32>,
          %swap3A_1006 = vector.shape_cast %swap3A_1005 : vector<1x16xf32> to vector<16xf32>
          %swap3A_1007 = vector.shape_cast %broadcast_in_dim3A_1 : vector<16xf32> to vector<1x16xf32>
          tpu.vector_store %arg15[%swap3A_1003, %swap3A_1004], %swap3A_1007 {strides = array<i32>} : memref<64x128xf32, #tpu.memory_space<vmem>>, vector<1x16xf32>,
          %swap3A_1008 = arith.index_cast %add3A_983 : i32 to index
          %swap3A_1009 = arith.constant 64 : index
          %swap3A_1010 = tpu.vector_load %arg15[%swap3A_1008, %swap3A_1009] {strides = array<i32>} : memref<64x128xf32, #tpu.memory_space<vmem>>, vector<1x16xf32>,
          %swap3A_1011 = vector.shape_cast %swap3A_1010 : vector<1x16xf32> to vector<16xf32>
          %swap3A_1012 = vector.shape_cast %broadcast_in_dim3A_1 : vector<16xf32> to vector<1x16xf32>
          tpu.vector_store %arg15[%swap3A_1008, %swap3A_1009], %swap3A_1012 {strides = array<i32>} : memref<64x128xf32, #tpu.memory_space<vmem>>, vector<1x16xf32>,
          %swap3A_1013 = arith.index_cast %add3A_983 : i32 to index
          %swap3A_1014 = arith.constant 80 : index
          %swap3A_1015 = tpu.vector_load %arg15[%swap3A_1013, %swap3A_1014] {strides = array<i32>} : memref<64x128xf32, #tpu.memory_space<vmem>>, vector<1x16xf32>,
          %swap3A_1016 = vector.shape_cast %swap3A_1015 : vector<1x16xf32> to vector<16xf32>
          %swap3A_1017 = vector.shape_cast %broadcast_in_dim3A_1 : vector<16xf32> to vector<1x16xf32>
          tpu.vector_store %arg15[%swap3A_1013, %swap3A_1014], %swap3A_1017 {strides = array<i32>} : memref<64x128xf32, #tpu.memory_space<vmem>>, vector<1x16xf32>,
          %swap3A_1018 = arith.index_cast %add3A_983 : i32 to index
          %swap3A_1019 = arith.constant 96 : index
          %swap3A_1020 = tpu.vector_load %arg15[%swap3A_1018, %swap3A_1019] {strides = array<i32>} : memref<64x128xf32, #tpu.memory_space<vmem>>, vector<1x16xf32>,
          %swap3A_1021 = vector.shape_cast %swap3A_1020 : vector<1x16xf32> to vector<16xf32>
          %swap3A_1022 = vector.shape_cast %broadcast_in_dim3A_1 : vector<16xf32> to vector<1x16xf32>
          tpu.vector_store %arg15[%swap3A_1018, %swap3A_1019], %swap3A_1022 {strides = array<i32>} : memref<64x128xf32, #tpu.memory_space<vmem>>, vector<1x16xf32>,
          %swap3A_1023 = arith.index_cast %add3A_983 : i32 to index
          %swap3A_1024 = arith.constant 112 : index
          %swap3A_1025 = tpu.vector_load %arg15[%swap3A_1023, %swap3A_1024] {strides = array<i32>} : memref<64x128xf32, #tpu.memory_space<vmem>>, vector<1x16xf32>,
          %swap3A_1026 = vector.shape_cast %swap3A_1025 : vector<1x16xf32> to vector<16xf32>
          %swap3A_1027 = vector.shape_cast %broadcast_in_dim3A_1 : vector<16xf32> to vector<1x16xf32>
          tpu.vector_store %arg15[%swap3A_1023, %swap3A_1024], %swap3A_1027 {strides = array<i32>} : memref<64x128xf32, #tpu.memory_space<vmem>>, vector<1x16xf32>,
          %slice3A_1028 = vector.extract_strided_slice %get3A_208 {offsets = [13], sizes = [1], strides = [1]} : vector<16xi32> to vector<1xi32>
          %squeeze3A_1029 = vector.extract %slice3A_1028[0] : i32 from vector<1xi32>
          %rem3A_1030 = arith.constant 8 : i32
          %rem3A_1031 = arith.remsi %squeeze3A_1029, %rem3A_1030 : i32
          %mul3A_1032 = arith.constant 16 : i32
          %mul3A_1033 = arith.muli %rem3A_1031, %mul3A_1032 : i32
          %swap3A_1034 = arith.index_cast %add3A_983 : i32 to index
          %swap3A_1035 = arith.index_cast %mul3A_1033 : i32 to index
          %swap3A_1036 = tpu.vector_load %arg15[%swap3A_1034, %swap3A_1035] {strides = array<i32>} : memref<64x128xf32, #tpu.memory_space<vmem>>, vector<1x16xf32>,
          %swap3A_1037 = vector.shape_cast %swap3A_1036 : vector<1x16xf32> to vector<16xf32>
          %swap3A_1038 = vector.shape_cast %get3A_987 : vector<16xf32> to vector<1x16xf32>
          tpu.vector_store %arg15[%swap3A_1034, %swap3A_1035], %swap3A_1038 {strides = array<i32>} : memref<64x128xf32, #tpu.memory_space<vmem>>, vector<1x16xf32>,
          %mul3A_1039 = arith.constant 16 : i32
          %mul3A_1040 = arith.muli %add3A_204, %mul3A_1039 : i32
          %add3A_1041 = arith.constant 14 : i32
          %add3A_1042 = arith.addi %mul3A_1040, %add3A_1041 : i32
          %get3A_1043 = arith.index_cast %add3A_1042 : i32 to index
          %get3A_1044 = arith.constant 0 : index
          %get3A_1045 = tpu.vector_load %arg17[%get3A_1043, %get3A_1044] {strides = array<i32>} : memref<64x16xf32, #tpu.memory_space<vmem>>, vector<1x16xf32>,
          %get3A_1046 = vector.shape_cast %get3A_1045 : vector<1x16xf32> to vector<16xf32>
          %swap3A_1047 = arith.index_cast %add3A_1042 : i32 to index
          %swap3A_1048 = arith.constant 0 : index
          %swap3A_1049 = tpu.vector_load %arg15[%swap3A_1047, %swap3A_1048] {strides = array<i32>} : memref<64x128xf32, #tpu.memory_space<vmem>>, vector<1x16xf32>,
          %swap3A_1050 = vector.shape_cast %swap3A_1049 : vector<1x16xf32> to vector<16xf32>
          %swap3A_1051 = vector.shape_cast %broadcast_in_dim3A_1 : vector<16xf32> to vector<1x16xf32>
          tpu.vector_store %arg15[%swap3A_1047, %swap3A_1048], %swap3A_1051 {strides = array<i32>} : memref<64x128xf32, #tpu.memory_space<vmem>>, vector<1x16xf32>,
          %swap3A_1052 = arith.index_cast %add3A_1042 : i32 to index
          %swap3A_1053 = arith.constant 16 : index
          %swap3A_1054 = tpu.vector_load %arg15[%swap3A_1052, %swap3A_1053] {strides = array<i32>} : memref<64x128xf32, #tpu.memory_space<vmem>>, vector<1x16xf32>,
          %swap3A_1055 = vector.shape_cast %swap3A_1054 : vector<1x16xf32> to vector<16xf32>
          %swap3A_1056 = vector.shape_cast %broadcast_in_dim3A_1 : vector<16xf32> to vector<1x16xf32>
          tpu.vector_store %arg15[%swap3A_1052, %swap3A_1053], %swap3A_1056 {strides = array<i32>} : memref<64x128xf32, #tpu.memory_space<vmem>>, vector<1x16xf32>,
          %swap3A_1057 = arith.index_cast %add3A_1042 : i32 to index
          %swap3A_1058 = arith.constant 32 : index
          %swap3A_1059 = tpu.vector_load %arg15[%swap3A_1057, %swap3A_1058] {strides = array<i32>} : memref<64x128xf32, #tpu.memory_space<vmem>>, vector<1x16xf32>,
          %swap3A_1060 = vector.shape_cast %swap3A_1059 : vector<1x16xf32> to vector<16xf32>
          %swap3A_1061 = vector.shape_cast %broadcast_in_dim3A_1 : vector<16xf32> to vector<1x16xf32>
          tpu.vector_store %arg15[%swap3A_1057, %swap3A_1058], %swap3A_1061 {strides = array<i32>} : memref<64x128xf32, #tpu.memory_space<vmem>>, vector<1x16xf32>,
          %swap3A_1062 = arith.index_cast %add3A_1042 : i32 to index
          %swap3A_1063 = arith.constant 48 : index
          %swap3A_1064 = tpu.vector_load %arg15[%swap3A_1062, %swap3A_1063] {strides = array<i32>} : memref<64x128xf32, #tpu.memory_space<vmem>>, vector<1x16xf32>,
          %swap3A_1065 = vector.shape_cast %swap3A_1064 : vector<1x16xf32> to vector<16xf32>
          %swap3A_1066 = vector.shape_cast %broadcast_in_dim3A_1 : vector<16xf32> to vector<1x16xf32>
          tpu.vector_store %arg15[%swap3A_1062, %swap3A_1063], %swap3A_1066 {strides = array<i32>} : memref<64x128xf32, #tpu.memory_space<vmem>>, vector<1x16xf32>,
          %swap3A_1067 = arith.index_cast %add3A_1042 : i32 to index
          %swap3A_1068 = arith.constant 64 : index
          %swap3A_1069 = tpu.vector_load %arg15[%swap3A_1067, %swap3A_1068] {strides = array<i32>} : memref<64x128xf32, #tpu.memory_space<vmem>>, vector<1x16xf32>,
          %swap3A_1070 = vector.shape_cast %swap3A_1069 : vector<1x16xf32> to vector<16xf32>
          %swap3A_1071 = vector.shape_cast %broadcast_in_dim3A_1 : vector<16xf32> to vector<1x16xf32>
          tpu.vector_store %arg15[%swap3A_1067, %swap3A_1068], %swap3A_1071 {strides = array<i32>} : memref<64x128xf32, #tpu.memory_space<vmem>>, vector<1x16xf32>,
          %swap3A_1072 = arith.index_cast %add3A_1042 : i32 to index
          %swap3A_1073 = arith.constant 80 : index
          %swap3A_1074 = tpu.vector_load %arg15[%swap3A_1072, %swap3A_1073] {strides = array<i32>} : memref<64x128xf32, #tpu.memory_space<vmem>>, vector<1x16xf32>,
          %swap3A_1075 = vector.shape_cast %swap3A_1074 : vector<1x16xf32> to vector<16xf32>
          %swap3A_1076 = vector.shape_cast %broadcast_in_dim3A_1 : vector<16xf32> to vector<1x16xf32>
          tpu.vector_store %arg15[%swap3A_1072, %swap3A_1073], %swap3A_1076 {strides = array<i32>} : memref<64x128xf32, #tpu.memory_space<vmem>>, vector<1x16xf32>,
          %swap3A_1077 = arith.index_cast %add3A_1042 : i32 to index
          %swap3A_1078 = arith.constant 96 : index
          %swap3A_1079 = tpu.vector_load %arg15[%swap3A_1077, %swap3A_1078] {strides = array<i32>} : memref<64x128xf32, #tpu.memory_space<vmem>>, vector<1x16xf32>,
          %swap3A_1080 = vector.shape_cast %swap3A_1079 : vector<1x16xf32> to vector<16xf32>
          %swap3A_1081 = vector.shape_cast %broadcast_in_dim3A_1 : vector<16xf32> to vector<1x16xf32>
          tpu.vector_store %arg15[%swap3A_1077, %swap3A_1078], %swap3A_1081 {strides = array<i32>} : memref<64x128xf32, #tpu.memory_space<vmem>>, vector<1x16xf32>,
          %swap3A_1082 = arith.index_cast %add3A_1042 : i32 to index
          %swap3A_1083 = arith.constant 112 : index
          %swap3A_1084 = tpu.vector_load %arg15[%swap3A_1082, %swap3A_1083] {strides = array<i32>} : memref<64x128xf32, #tpu.memory_space<vmem>>, vector<1x16xf32>,
          %swap3A_1085 = vector.shape_cast %swap3A_1084 : vector<1x16xf32> to vector<16xf32>
          %swap3A_1086 = vector.shape_cast %broadcast_in_dim3A_1 : vector<16xf32> to vector<1x16xf32>
          tpu.vector_store %arg15[%swap3A_1082, %swap3A_1083], %swap3A_1086 {strides = array<i32>} : memref<64x128xf32, #tpu.memory_space<vmem>>, vector<1x16xf32>,
          %slice3A_1087 = vector.extract_strided_slice %get3A_208 {offsets = [14], sizes = [1], strides = [1]} : vector<16xi32> to vector<1xi32>
          %squeeze3A_1088 = vector.extract %slice3A_1087[0] : i32 from vector<1xi32>
          %rem3A_1089 = arith.constant 8 : i32
          %rem3A_1090 = arith.remsi %squeeze3A_1088, %rem3A_1089 : i32
          %mul3A_1091 = arith.constant 16 : i32
          %mul3A_1092 = arith.muli %rem3A_1090, %mul3A_1091 : i32
          %swap3A_1093 = arith.index_cast %add3A_1042 : i32 to index
          %swap3A_1094 = arith.index_cast %mul3A_1092 : i32 to index
          %swap3A_1095 = tpu.vector_load %arg15[%swap3A_1093, %swap3A_1094] {strides = array<i32>} : memref<64x128xf32, #tpu.memory_space<vmem>>, vector<1x16xf32>,
          %swap3A_1096 = vector.shape_cast %swap3A_1095 : vector<1x16xf32> to vector<16xf32>
          %swap3A_1097 = vector.shape_cast %get3A_1046 : vector<16xf32> to vector<1x16xf32>
          tpu.vector_store %arg15[%swap3A_1093, %swap3A_1094], %swap3A_1097 {strides = array<i32>} : memref<64x128xf32, #tpu.memory_space<vmem>>, vector<1x16xf32>,
          %mul3A_1098 = arith.constant 16 : i32
          %mul3A_1099 = arith.muli %add3A_204, %mul3A_1098 : i32
          %add3A_1100 = arith.constant 15 : i32
          %add3A_1101 = arith.addi %mul3A_1099, %add3A_1100 : i32
          %get3A_1102 = arith.index_cast %add3A_1101 : i32 to index
          %get3A_1103 = arith.constant 0 : index
          %get3A_1104 = tpu.vector_load %arg17[%get3A_1102, %get3A_1103] {strides = array<i32>} : memref<64x16xf32, #tpu.memory_space<vmem>>, vector<1x16xf32>,
          %get3A_1105 = vector.shape_cast %get3A_1104 : vector<1x16xf32> to vector<16xf32>
          %swap3A_1106 = arith.index_cast %add3A_1101 : i32 to index
          %swap3A_1107 = arith.constant 0 : index
          %swap3A_1108 = tpu.vector_load %arg15[%swap3A_1106, %swap3A_1107] {strides = array<i32>} : memref<64x128xf32, #tpu.memory_space<vmem>>, vector<1x16xf32>,
          %swap3A_1109 = vector.shape_cast %swap3A_1108 : vector<1x16xf32> to vector<16xf32>
          %swap3A_1110 = vector.shape_cast %broadcast_in_dim3A_1 : vector<16xf32> to vector<1x16xf32>
          tpu.vector_store %arg15[%swap3A_1106, %swap3A_1107], %swap3A_1110 {strides = array<i32>} : memref<64x128xf32, #tpu.memory_space<vmem>>, vector<1x16xf32>,
          %swap3A_1111 = arith.index_cast %add3A_1101 : i32 to index
          %swap3A_1112 = arith.constant 16 : index
          %swap3A_1113 = tpu.vector_load %arg15[%swap3A_1111, %swap3A_1112] {strides = array<i32>} : memref<64x128xf32, #tpu.memory_space<vmem>>, vector<1x16xf32>,
          %swap3A_1114 = vector.shape_cast %swap3A_1113 : vector<1x16xf32> to vector<16xf32>
          %swap3A_1115 = vector.shape_cast %broadcast_in_dim3A_1 : vector<16xf32> to vector<1x16xf32>
          tpu.vector_store %arg15[%swap3A_1111, %swap3A_1112], %swap3A_1115 {strides = array<i32>} : memref<64x128xf32, #tpu.memory_space<vmem>>, vector<1x16xf32>,
          %swap3A_1116 = arith.index_cast %add3A_1101 : i32 to index
          %swap3A_1117 = arith.constant 32 : index
          %swap3A_1118 = tpu.vector_load %arg15[%swap3A_1116, %swap3A_1117] {strides = array<i32>} : memref<64x128xf32, #tpu.memory_space<vmem>>, vector<1x16xf32>,
          %swap3A_1119 = vector.shape_cast %swap3A_1118 : vector<1x16xf32> to vector<16xf32>
          %swap3A_1120 = vector.shape_cast %broadcast_in_dim3A_1 : vector<16xf32> to vector<1x16xf32>
          tpu.vector_store %arg15[%swap3A_1116, %swap3A_1117], %swap3A_1120 {strides = array<i32>} : memref<64x128xf32, #tpu.memory_space<vmem>>, vector<1x16xf32>,
          %swap3A_1121 = arith.index_cast %add3A_1101 : i32 to index
          %swap3A_1122 = arith.constant 48 : index
          %swap3A_1123 = tpu.vector_load %arg15[%swap3A_1121, %swap3A_1122] {strides = array<i32>} : memref<64x128xf32, #tpu.memory_space<vmem>>, vector<1x16xf32>,
          %swap3A_1124 = vector.shape_cast %swap3A_1123 : vector<1x16xf32> to vector<16xf32>
          %swap3A_1125 = vector.shape_cast %broadcast_in_dim3A_1 : vector<16xf32> to vector<1x16xf32>
          tpu.vector_store %arg15[%swap3A_1121, %swap3A_1122], %swap3A_1125 {strides = array<i32>} : memref<64x128xf32, #tpu.memory_space<vmem>>, vector<1x16xf32>,
          %swap3A_1126 = arith.index_cast %add3A_1101 : i32 to index
          %swap3A_1127 = arith.constant 64 : index
          %swap3A_1128 = tpu.vector_load %arg15[%swap3A_1126, %swap3A_1127] {strides = array<i32>} : memref<64x128xf32, #tpu.memory_space<vmem>>, vector<1x16xf32>,
          %swap3A_1129 = vector.shape_cast %swap3A_1128 : vector<1x16xf32> to vector<16xf32>
          %swap3A_1130 = vector.shape_cast %broadcast_in_dim3A_1 : vector<16xf32> to vector<1x16xf32>
          tpu.vector_store %arg15[%swap3A_1126, %swap3A_1127], %swap3A_1130 {strides = array<i32>} : memref<64x128xf32, #tpu.memory_space<vmem>>, vector<1x16xf32>,
          %swap3A_1131 = arith.index_cast %add3A_1101 : i32 to index
          %swap3A_1132 = arith.constant 80 : index
          %swap3A_1133 = tpu.vector_load %arg15[%swap3A_1131, %swap3A_1132] {strides = array<i32>} : memref<64x128xf32, #tpu.memory_space<vmem>>, vector<1x16xf32>,
          %swap3A_1134 = vector.shape_cast %swap3A_1133 : vector<1x16xf32> to vector<16xf32>
          %swap3A_1135 = vector.shape_cast %broadcast_in_dim3A_1 : vector<16xf32> to vector<1x16xf32>
          tpu.vector_store %arg15[%swap3A_1131, %swap3A_1132], %swap3A_1135 {strides = array<i32>} : memref<64x128xf32, #tpu.memory_space<vmem>>, vector<1x16xf32>,
          %swap3A_1136 = arith.index_cast %add3A_1101 : i32 to index
          %swap3A_1137 = arith.constant 96 : index
          %swap3A_1138 = tpu.vector_load %arg15[%swap3A_1136, %swap3A_1137] {strides = array<i32>} : memref<64x128xf32, #tpu.memory_space<vmem>>, vector<1x16xf32>,
          %swap3A_1139 = vector.shape_cast %swap3A_1138 : vector<1x16xf32> to vector<16xf32>
          %swap3A_1140 = vector.shape_cast %broadcast_in_dim3A_1 : vector<16xf32> to vector<1x16xf32>
          tpu.vector_store %arg15[%swap3A_1136, %swap3A_1137], %swap3A_1140 {strides = array<i32>} : memref<64x128xf32, #tpu.memory_space<vmem>>, vector<1x16xf32>,
          %swap3A_1141 = arith.index_cast %add3A_1101 : i32 to index
          %swap3A_1142 = arith.constant 112 : index
          %swap3A_1143 = tpu.vector_load %arg15[%swap3A_1141, %swap3A_1142] {strides = array<i32>} : memref<64x128xf32, #tpu.memory_space<vmem>>, vector<1x16xf32>,
          %swap3A_1144 = vector.shape_cast %swap3A_1143 : vector<1x16xf32> to vector<16xf32>
          %swap3A_1145 = vector.shape_cast %broadcast_in_dim3A_1 : vector<16xf32> to vector<1x16xf32>
          tpu.vector_store %arg15[%swap3A_1141, %swap3A_1142], %swap3A_1145 {strides = array<i32>} : memref<64x128xf32, #tpu.memory_space<vmem>>, vector<1x16xf32>,
          %slice3A_1146 = vector.extract_strided_slice %get3A_208 {offsets = [15], sizes = [1], strides = [1]} : vector<16xi32> to vector<1xi32>
          %squeeze3A_1147 = vector.extract %slice3A_1146[0] : i32 from vector<1xi32>
          %rem3A_1148 = arith.constant 8 : i32
          %rem3A_1149 = arith.remsi %squeeze3A_1147, %rem3A_1148 : i32
          %mul3A_1150 = arith.constant 16 : i32
          %mul3A_1151 = arith.muli %rem3A_1149, %mul3A_1150 : i32
          %swap3A_1152 = arith.index_cast %add3A_1101 : i32 to index
          %swap3A_1153 = arith.index_cast %mul3A_1151 : i32 to index
          %swap3A_1154 = tpu.vector_load %arg15[%swap3A_1152, %swap3A_1153] {strides = array<i32>} : memref<64x128xf32, #tpu.memory_space<vmem>>, vector<1x16xf32>,
          %swap3A_1155 = vector.shape_cast %swap3A_1154 : vector<1x16xf32> to vector<16xf32>
          %swap3A_1156 = vector.shape_cast %get3A_1105 : vector<16xf32> to vector<1x16xf32>
          tpu.vector_store %arg15[%swap3A_1152, %swap3A_1153], %swap3A_1156 {strides = array<i32>} : memref<64x128xf32, #tpu.memory_space<vmem>>, vector<1x16xf32>,
        }
        %scan3A_193 = arith.constant 4 : i32
        %dma_start3A_194 = arith.constant 0 : i32
        %dma_start3A_195 = arith.constant 0 : i32
        %dma_start3A_196 = tpu.memref_slice %arg19[%dma_start3A_194, %dma_start3A_195] : memref<1280x128xf32, #tpu.memory_space<vmem_shared>> -> memref<1280x128xf32, #tpu.memory_space<vmem_shared>>
        tpu.enqueue_indirect_dma source(%arg15 : memref<64x128xf32, #tpu.memory_space<vmem>>) target(%dma_start3A_196 : memref<1280x128xf32, #tpu.memory_space<vmem_shared>>) offsets(%arg13 : memref<64xi32, #tpu.memory_space<vmem>>) semaphore(%arg25 : memref<!tpu.dma_semaphore, #tpu.memory_space<semaphore_mem>>)
        %convert_element_type3A_197 = arith.extui %ge3A_71 : i1 to i32
        %cond3A_198 = arith.constant 0 : i32
        %cond3A_199 = arith.cmpi ne, %convert_element_type3A_197, %cond3A_198 : i32
        scf.if %cond3A_199 {
          %dma_wait3A_200 = arith.constant 0 : i32
          %dma_wait3A_201 = arith.constant 0 : i32
          %dma_wait3A_202 = tpu.memref_slice %arg18[%dma_wait3A_200, %dma_wait3A_201] : memref<10112x128xf32, #tpu.memory_space<vmem_shared>> -> memref<10112x128xf32, #tpu.memory_space<vmem_shared>>
          tpu.wait_indirect_dma semaphore(%arg24 : memref<!tpu.dma_semaphore, #tpu.memory_space<semaphore_mem>>) src(%arg16 : memref<64x128xf32, #tpu.memory_space<vmem>>) dst(%dma_wait3A_202 : memref<10112x128xf32, #tpu.memory_space<vmem_shared>>)
          %dma_wait3A_203 = arith.constant 0 : i32
          %dma_wait3A_204 = arith.constant 0 : i32
          %dma_wait3A_205 = tpu.memref_slice %arg19[%dma_wait3A_203, %dma_wait3A_204] : memref<1280x128xf32, #tpu.memory_space<vmem_shared>> -> memref<1280x128xf32, #tpu.memory_space<vmem_shared>>
          tpu.wait_indirect_dma semaphore(%arg25 : memref<!tpu.dma_semaphore, #tpu.memory_space<semaphore_mem>>) src(%arg15 : memref<64x128xf32, #tpu.memory_space<vmem>>) dst(%dma_wait3A_205 : memref<1280x128xf32, #tpu.memory_space<vmem_shared>>)
        } else {
        }
      } else {
      }
      %lt3A_58 = arith.constant 5000 : i32
      %lt3A_59 = arith.cmpi slt, %add3A_47, %lt3A_58 : i32
      %convert_element_type3A_60 = arith.extui %lt3A_59 : i1 to i32
      %cond3A_61 = arith.constant 0 : i32
      %cond3A_62 = arith.cmpi ne, %convert_element_type3A_60, %cond3A_61 : i32
      scf.if %cond3A_62 {
        %dma_wait3A = arith.constant 0 : i32
        %dma_wait3A_63 = tpu.memref_slice %arg5[%dma_wait3A] : memref<320000xi32, #tpu.memory_space<hbm>> -> memref<64xi32, #tpu.memory_space<hbm>>
        %dma_wait3A_64 = arith.constant 0 : i32
        %dma_wait3A_65 = tpu.memref_slice %arg5[%dma_wait3A_64] : memref<320000xi32, #tpu.memory_space<hbm>> -> memref<64xi32, #tpu.memory_space<hbm>>
        tpu.wait_dma2 semaphore(%arg21 : memref<!tpu.dma_semaphore, #tpu.memory_space<semaphore_mem>>) src(%dma_wait3A_65 : memref<64xi32, #tpu.memory_space<hbm>>) dst(%arg11 : memref<64xi32, #tpu.memory_space<vmem>>)
        %dma_wait3A_66 = arith.constant 0 : i32
        %dma_wait3A_67 = tpu.memref_slice %arg6[%dma_wait3A_66] : memref<320000xi32, #tpu.memory_space<hbm>> -> memref<64xi32, #tpu.memory_space<hbm>>
        %dma_wait3A_68 = arith.constant 0 : i32
        %dma_wait3A_69 = tpu.memref_slice %arg6[%dma_wait3A_68] : memref<320000xi32, #tpu.memory_space<hbm>> -> memref<64xi32, #tpu.memory_space<hbm>>
        tpu.wait_dma2 semaphore(%arg21 : memref<!tpu.dma_semaphore, #tpu.memory_space<semaphore_mem>>) src(%dma_wait3A_69 : memref<64xi32, #tpu.memory_space<hbm>>) dst(%arg12 : memref<64xi32, #tpu.memory_space<vmem>>)
        %ge3A = arith.constant 5000 : i32
        %ge3A_70 = arith.cmpi sge, %add3A_52, %ge3A : i32
        %not3A = arith.constant false
        %not3A_71 = arith.constant true
        %not3A_72 = arith.xori %not3A, %not3A_71 : i1
        %convert_element_type3A_73 = arith.extui %not3A_72 : i1 to i32
        %cond3A_74 = arith.constant 0 : i32
        %cond3A_75 = arith.cmpi ne, %convert_element_type3A_73, %cond3A_74 : i32
        scf.if %cond3A_75 {
          %dma_wait3A_200 = arith.constant 0 : i32
          %dma_wait3A_201 = arith.constant 0 : i32
          %dma_wait3A_202 = tpu.memref_slice %arg18[%dma_wait3A_200, %dma_wait3A_201] : memref<10112x128xf32, #tpu.memory_space<vmem_shared>> -> memref<10112x128xf32, #tpu.memory_space<vmem_shared>>
          tpu.wait_indirect_dma semaphore(%arg24 : memref<!tpu.dma_semaphore, #tpu.memory_space<semaphore_mem>>) src(%arg16 : memref<64x128xf32, #tpu.memory_space<vmem>>) dst(%dma_wait3A_202 : memref<10112x128xf32, #tpu.memory_space<vmem_shared>>)
          %dma_wait3A_203 = arith.constant 0 : i32
          %dma_wait3A_204 = arith.constant 0 : i32
          %dma_wait3A_205 = tpu.memref_slice %arg19[%dma_wait3A_203, %dma_wait3A_204] : memref<1280x128xf32, #tpu.memory_space<vmem_shared>> -> memref<1280x128xf32, #tpu.memory_space<vmem_shared>>
          tpu.wait_indirect_dma semaphore(%arg25 : memref<!tpu.dma_semaphore, #tpu.memory_space<semaphore_mem>>) src(%arg15 : memref<64x128xf32, #tpu.memory_space<vmem>>) dst(%dma_wait3A_205 : memref<1280x128xf32, #tpu.memory_space<vmem_shared>>)
        } else {
        }
        %dma_start3A = arith.constant 0 : i32
        %dma_start3A_76 = arith.constant 0 : i32
        %dma_start3A_77 = tpu.memref_slice %arg14[%dma_start3A, %dma_start3A_76] : memref<64x128xf32, #tpu.memory_space<vmem>> -> memref<32x128xf32, #tpu.memory_space<vmem>>
        %dma_start3A_78 = arith.constant 0 : i32
        %dma_start3A_79 = tpu.memref_slice %arg11[%dma_start3A_78] : memref<64xi32, #tpu.memory_space<vmem>> -> memref<32xi32, #tpu.memory_space<vmem>>
        %dma_start3A_80 = arith.constant 0 : i32
        %dma_start3A_81 = arith.constant 0 : i32
        %dma_start3A_82 = tpu.memref_slice %arg3[%dma_start3A_80, %dma_start3A_81] : memref<10000x128xf32, #tpu.memory_space<hbm>> -> memref<10000x128xf32, #tpu.memory_space<hbm>>
        tpu.enqueue_indirect_dma source(%dma_start3A_82 : memref<10000x128xf32, #tpu.memory_space<hbm>>) target(%dma_start3A_77 : memref<32x128xf32, #tpu.memory_space<vmem>>) offsets(%dma_start3A_79 : memref<32xi32, #tpu.memory_space<vmem>>) semaphore(%arg22 : memref<!tpu.dma_semaphore, #tpu.memory_space<semaphore_mem>>)
        %dma_start3A_83 = arith.constant 32 : i32
        %dma_start3A_84 = arith.constant 0 : i32
        %dma_start3A_85 = tpu.memref_slice %arg14[%dma_start3A_83, %dma_start3A_84] : memref<64x128xf32, #tpu.memory_space<vmem>> -> memref<32x128xf32, #tpu.memory_space<vmem>>
        %dma_start3A_86 = arith.constant 32 : i32
        %dma_start3A_87 = tpu.memref_slice %arg11[%dma_start3A_86] : memref<64xi32, #tpu.memory_space<vmem>> -> memref<32xi32, #tpu.memory_space<vmem>>
        %dma_start3A_88 = arith.constant 0 : i32
        %dma_start3A_89 = arith.constant 0 : i32
        %dma_start3A_90 = tpu.memref_slice %arg3[%dma_start3A_88, %dma_start3A_89] : memref<10000x128xf32, #tpu.memory_space<hbm>> -> memref<10000x128xf32, #tpu.memory_space<hbm>>
        tpu.enqueue_indirect_dma source(%dma_start3A_90 : memref<10000x128xf32, #tpu.memory_space<hbm>>) target(%dma_start3A_85 : memref<32x128xf32, #tpu.memory_space<vmem>>) offsets(%dma_start3A_87 : memref<32xi32, #tpu.memory_space<vmem>>) semaphore(%arg23 : memref<!tpu.dma_semaphore, #tpu.memory_space<semaphore_mem>>)
        %dma_start3A_91 = arith.constant 0 : i32
        %dma_start3A_92 = arith.constant 0 : i32
        %dma_start3A_93 = tpu.memref_slice %arg15[%dma_start3A_91, %dma_start3A_92] : memref<64x128xf32, #tpu.memory_space<vmem>> -> memref<32x128xf32, #tpu.memory_space<vmem>>
        %dma_start3A_94 = arith.constant 0 : i32
        %dma_start3A_95 = tpu.memref_slice %arg11[%dma_start3A_94] : memref<64xi32, #tpu.memory_space<vmem>> -> memref<32xi32, #tpu.memory_space<vmem>>
        %dma_start3A_96 = arith.constant 0 : i32
        %dma_start3A_97 = arith.constant 0 : i32
        %dma_start3A_98 = tpu.memref_slice %arg4[%dma_start3A_96, %dma_start3A_97] : memref<10000x128xf32, #tpu.memory_space<hbm>> -> memref<10000x128xf32, #tpu.memory_space<hbm>>
        tpu.enqueue_indirect_dma source(%dma_start3A_98 : memref<10000x128xf32, #tpu.memory_space<hbm>>) target(%dma_start3A_93 : memref<32x128xf32, #tpu.memory_space<vmem>>) offsets(%dma_start3A_95 : memref<32xi32, #tpu.memory_space<vmem>>) semaphore(%arg22 : memref<!tpu.dma_semaphore, #tpu.memory_space<semaphore_mem>>)
        %dma_start3A_99 = arith.constant 32 : i32
        %dma_start3A_100 = arith.constant 0 : i32
        %dma_start3A_101 = tpu.memref_slice %arg15[%dma_start3A_99, %dma_start3A_100] : memref<64x128xf32, #tpu.memory_space<vmem>> -> memref<32x128xf32, #tpu.memory_space<vmem>>
        %dma_start3A_102 = arith.constant 32 : i32
        %dma_start3A_103 = tpu.memref_slice %arg11[%dma_start3A_102] : memref<64xi32, #tpu.memory_space<vmem>> -> memref<32xi32, #tpu.memory_space<vmem>>
        %dma_start3A_104 = arith.constant 0 : i32
        %dma_start3A_105 = arith.constant 0 : i32
        %dma_start3A_106 = tpu.memref_slice %arg4[%dma_start3A_104, %dma_start3A_105] : memref<10000x128xf32, #tpu.memory_space<hbm>> -> memref<10000x128xf32, #tpu.memory_space<hbm>>
        tpu.enqueue_indirect_dma source(%dma_start3A_106 : memref<10000x128xf32, #tpu.memory_space<hbm>>) target(%dma_start3A_101 : memref<32x128xf32, #tpu.memory_space<vmem>>) offsets(%dma_start3A_103 : memref<32xi32, #tpu.memory_space<vmem>>) semaphore(%arg23 : memref<!tpu.dma_semaphore, #tpu.memory_space<semaphore_mem>>)
        %dma_start3A_107 = arith.constant 0 : i32
        %dma_start3A_108 = arith.constant 0 : i32
        %dma_start3A_109 = tpu.memref_slice %arg16[%dma_start3A_107, %dma_start3A_108] : memref<64x128xf32, #tpu.memory_space<vmem>> -> memref<32x128xf32, #tpu.memory_space<vmem>>
        %dma_start3A_110 = arith.constant 0 : i32
        %dma_start3A_111 = tpu.memref_slice %arg12[%dma_start3A_110] : memref<64xi32, #tpu.memory_space<vmem>> -> memref<32xi32, #tpu.memory_space<vmem>>
        %dma_start3A_112 = arith.constant 0 : i32
        %dma_start3A_113 = arith.constant 0 : i32
        %dma_start3A_114 = tpu.memref_slice %arg2[%dma_start3A_112, %dma_start3A_113] : memref<10000x128xf32, #tpu.memory_space<hbm>> -> memref<10000x128xf32, #tpu.memory_space<hbm>>
        tpu.enqueue_indirect_dma source(%dma_start3A_114 : memref<10000x128xf32, #tpu.memory_space<hbm>>) target(%dma_start3A_109 : memref<32x128xf32, #tpu.memory_space<vmem>>) offsets(%dma_start3A_111 : memref<32xi32, #tpu.memory_space<vmem>>) semaphore(%arg22 : memref<!tpu.dma_semaphore, #tpu.memory_space<semaphore_mem>>)
        %dma_start3A_115 = arith.constant 32 : i32
        %dma_start3A_116 = arith.constant 0 : i32
        %dma_start3A_117 = tpu.memref_slice %arg16[%dma_start3A_115, %dma_start3A_116] : memref<64x128xf32, #tpu.memory_space<vmem>> -> memref<32x128xf32, #tpu.memory_space<vmem>>
        %dma_start3A_118 = arith.constant 32 : i32
        %dma_start3A_119 = tpu.memref_slice %arg12[%dma_start3A_118] : memref<64xi32, #tpu.memory_space<vmem>> -> memref<32xi32, #tpu.memory_space<vmem>>
        %dma_start3A_120 = arith.constant 0 : i32
        %dma_start3A_121 = arith.constant 0 : i32
        %dma_start3A_122 = tpu.memref_slice %arg2[%dma_start3A_120, %dma_start3A_121] : memref<10000x128xf32, #tpu.memory_space<hbm>> -> memref<10000x128xf32, #tpu.memory_space<hbm>>
        tpu.enqueue_indirect_dma source(%dma_start3A_122 : memref<10000x128xf32, #tpu.memory_space<hbm>>) target(%dma_start3A_117 : memref<32x128xf32, #tpu.memory_space<vmem>>) offsets(%dma_start3A_119 : memref<32xi32, #tpu.memory_space<vmem>>) semaphore(%arg23 : memref<!tpu.dma_semaphore, #tpu.memory_space<semaphore_mem>>)
        %lt3A_123 = arith.constant 5000 : i32
        %lt3A_124 = arith.cmpi slt, %add3A_52, %lt3A_123 : i32
        %convert_element_type3A_125 = arith.extui %lt3A_124 : i1 to i32
        %cond3A_126 = arith.constant 0 : i32
        %cond3A_127 = arith.cmpi ne, %convert_element_type3A_125, %cond3A_126 : i32
        scf.if %cond3A_127 {
          %mul3A_200 = arith.constant 64 : i32
          %mul3A_201 = arith.muli %add3A_52, %mul3A_200 : i32
          %dma_start3A_202 = tpu.memref_slice %arg5[%mul3A_201] : memref<320000xi32, #tpu.memory_space<hbm>> -> memref<64xi32, #tpu.memory_space<hbm>>
          %dma_start3A_203 = tpu.memref_slice %arg5[%mul3A_201] : memref<320000xi32, #tpu.memory_space<hbm>> -> memref<64xi32, #tpu.memory_space<hbm>>
          tpu.enqueue_dma source(%dma_start3A_203 : memref<64xi32, #tpu.memory_space<hbm>>) target(%arg9 : memref<64xi32, #tpu.memory_space<vmem>>) target_semaphore(%arg20 : memref<!tpu.dma_semaphore, #tpu.memory_space<semaphore_mem>>)
          %dma_start3A_204 = tpu.memref_slice %arg6[%mul3A_201] : memref<320000xi32, #tpu.memory_space<hbm>> -> memref<64xi32, #tpu.memory_space<hbm>>
          %dma_start3A_205 = tpu.memref_slice %arg6[%mul3A_201] : memref<320000xi32, #tpu.memory_space<hbm>> -> memref<64xi32, #tpu.memory_space<hbm>>
          tpu.enqueue_dma source(%dma_start3A_205 : memref<64xi32, #tpu.memory_space<hbm>>) target(%arg10 : memref<64xi32, #tpu.memory_space<vmem>>) target_semaphore(%arg20 : memref<!tpu.dma_semaphore, #tpu.memory_space<semaphore_mem>>)
        } else {
        }
        %dma_wait3A_128 = arith.constant 0 : i32
        %dma_wait3A_129 = arith.constant 0 : i32
        %dma_wait3A_130 = tpu.memref_slice %arg14[%dma_wait3A_128, %dma_wait3A_129] : memref<64x128xf32, #tpu.memory_space<vmem>> -> memref<32x128xf32, #tpu.memory_space<vmem>>
        %dma_wait3A_131 = arith.constant 0 : i32
        %dma_wait3A_132 = tpu.memref_slice %arg9[%dma_wait3A_131] : memref<64xi32, #tpu.memory_space<vmem>> -> memref<32xi32, #tpu.memory_space<vmem>>
        %dma_wait3A_133 = arith.constant 0 : i32
        %dma_wait3A_134 = arith.constant 0 : i32
        %dma_wait3A_135 = tpu.memref_slice %arg3[%dma_wait3A_133, %dma_wait3A_134] : memref<10000x128xf32, #tpu.memory_space<hbm>> -> memref<10000x128xf32, #tpu.memory_space<hbm>>
        tpu.wait_indirect_dma semaphore(%arg22 : memref<!tpu.dma_semaphore, #tpu.memory_space<semaphore_mem>>) src(%dma_wait3A_135 : memref<10000x128xf32, #tpu.memory_space<hbm>>) dst(%dma_wait3A_130 : memref<32x128xf32, #tpu.memory_space<vmem>>)
        %dma_wait3A_136 = arith.constant 0 : i32
        %dma_wait3A_137 = arith.constant 0 : i32
        %dma_wait3A_138 = tpu.memref_slice %arg14[%dma_wait3A_136, %dma_wait3A_137] : memref<64x128xf32, #tpu.memory_space<vmem>> -> memref<32x128xf32, #tpu.memory_space<vmem>>
        %dma_wait3A_139 = arith.constant 0 : i32
        %dma_wait3A_140 = tpu.memref_slice %arg9[%dma_wait3A_139] : memref<64xi32, #tpu.memory_space<vmem>> -> memref<32xi32, #tpu.memory_space<vmem>>
        %dma_wait3A_141 = arith.constant 0 : i32
        %dma_wait3A_142 = arith.constant 0 : i32
        %dma_wait3A_143 = tpu.memref_slice %arg3[%dma_wait3A_141, %dma_wait3A_142] : memref<10000x128xf32, #tpu.memory_space<hbm>> -> memref<10000x128xf32, #tpu.memory_space<hbm>>
        tpu.wait_indirect_dma semaphore(%arg22 : memref<!tpu.dma_semaphore, #tpu.memory_space<semaphore_mem>>) src(%dma_wait3A_143 : memref<10000x128xf32, #tpu.memory_space<hbm>>) dst(%dma_wait3A_138 : memref<32x128xf32, #tpu.memory_space<vmem>>)
        %dma_wait3A_144 = arith.constant 0 : i32
        %dma_wait3A_145 = arith.constant 0 : i32
        %dma_wait3A_146 = tpu.memref_slice %arg14[%dma_wait3A_144, %dma_wait3A_145] : memref<64x128xf32, #tpu.memory_space<vmem>> -> memref<32x128xf32, #tpu.memory_space<vmem>>
        %dma_wait3A_147 = arith.constant 0 : i32
        %dma_wait3A_148 = tpu.memref_slice %arg9[%dma_wait3A_147] : memref<64xi32, #tpu.memory_space<vmem>> -> memref<32xi32, #tpu.memory_space<vmem>>
        %dma_wait3A_149 = arith.constant 0 : i32
        %dma_wait3A_150 = arith.constant 0 : i32
        %dma_wait3A_151 = tpu.memref_slice %arg3[%dma_wait3A_149, %dma_wait3A_150] : memref<10000x128xf32, #tpu.memory_space<hbm>> -> memref<10000x128xf32, #tpu.memory_space<hbm>>
        tpu.wait_indirect_dma semaphore(%arg22 : memref<!tpu.dma_semaphore, #tpu.memory_space<semaphore_mem>>) src(%dma_wait3A_151 : memref<10000x128xf32, #tpu.memory_space<hbm>>) dst(%dma_wait3A_146 : memref<32x128xf32, #tpu.memory_space<vmem>>)
        %scan3A_152 = arith.constant 0 : i32
        %scan3A_153 = arith.constant 32 : i32
        %scan3A_154 = arith.addi %scan3A_152, %scan3A_153 : i32
        %scan3A_155 = arith.constant 1 : i32
        scf.for %scan3A_200 = %scan3A_152 to %scan3A_154 step %scan3A_155  : i32 {
          %mul3A_201 = arith.constant 1 : i32
          %mul3A_202 = arith.muli %scan3A_200, %mul3A_201 : i32
          %add3A_203 = arith.constant 0 : i32
          %add3A_204 = arith.addi %add3A_203, %mul3A_202 : i32
          %get3A = arith.index_cast %add3A_204 : i32 to index
          %get3A_205 = arith.constant 0 : index
          %get3A_206 = tpu.vector_load %arg14[%get3A, %get3A_205] {strides = array<i32>} : memref<64x128xf32, #tpu.memory_space<vmem>>, vector<1x16xf32>,
          %get3A_207 = vector.shape_cast %get3A_206 : vector<1x16xf32> to vector<16xf32>
          %get3A_208 = arith.index_cast %add3A_204 : i32 to index
          %get3A_209 = arith.constant 0 : index
          %get3A_210 = tpu.vector_load %arg16[%get3A_208, %get3A_209] {strides = array<i32>} : memref<64x128xf32, #tpu.memory_space<vmem>>, vector<1x16xf32>,
          %get3A_211 = vector.shape_cast %get3A_210 : vector<1x16xf32> to vector<16xf32>
          %mul3A_212 = arith.mulf %get3A_207, %get3A_211 : vector<16xf32>
          %get3A_213 = arith.index_cast %add3A_204 : i32 to index
          %get3A_214 = arith.constant 16 : index
          %get3A_215 = tpu.vector_load %arg14[%get3A_213, %get3A_214] {strides = array<i32>} : memref<64x128xf32, #tpu.memory_space<vmem>>, vector<1x16xf32>,
          %get3A_216 = vector.shape_cast %get3A_215 : vector<1x16xf32> to vector<16xf32>
          %get3A_217 = arith.index_cast %add3A_204 : i32 to index
          %get3A_218 = arith.constant 16 : index
          %get3A_219 = tpu.vector_load %arg16[%get3A_217, %get3A_218] {strides = array<i32>} : memref<64x128xf32, #tpu.memory_space<vmem>>, vector<1x16xf32>,
          %get3A_220 = vector.shape_cast %get3A_219 : vector<1x16xf32> to vector<16xf32>
          %mul3A_221 = arith.mulf %get3A_216, %get3A_220 : vector<16xf32>
          %add3A_222 = arith.addf %mul3A_212, %mul3A_221 : vector<16xf32>
          %get3A_223 = arith.index_cast %add3A_204 : i32 to index
          %get3A_224 = arith.constant 32 : index
          %get3A_225 = tpu.vector_load %arg14[%get3A_223, %get3A_224] {strides = array<i32>} : memref<64x128xf32, #tpu.memory_space<vmem>>, vector<1x16xf32>,
          %get3A_226 = vector.shape_cast %get3A_225 : vector<1x16xf32> to vector<16xf32>
          %get3A_227 = arith.index_cast %add3A_204 : i32 to index
          %get3A_228 = arith.constant 32 : index
          %get3A_229 = tpu.vector_load %arg16[%get3A_227, %get3A_228] {strides = array<i32>} : memref<64x128xf32, #tpu.memory_space<vmem>>, vector<1x16xf32>,
          %get3A_230 = vector.shape_cast %get3A_229 : vector<1x16xf32> to vector<16xf32>
          %mul3A_231 = arith.mulf %get3A_226, %get3A_230 : vector<16xf32>
          %add3A_232 = arith.addf %add3A_222, %mul3A_231 : vector<16xf32>
          %get3A_233 = arith.index_cast %add3A_204 : i32 to index
          %get3A_234 = arith.constant 48 : index
          %get3A_235 = tpu.vector_load %arg14[%get3A_233, %get3A_234] {strides = array<i32>} : memref<64x128xf32, #tpu.memory_space<vmem>>, vector<1x16xf32>,
          %get3A_236 = vector.shape_cast %get3A_235 : vector<1x16xf32> to vector<16xf32>
          %get3A_237 = arith.index_cast %add3A_204 : i32 to index
          %get3A_238 = arith.constant 48 : index
          %get3A_239 = tpu.vector_load %arg16[%get3A_237, %get3A_238] {strides = array<i32>} : memref<64x128xf32, #tpu.memory_space<vmem>>, vector<1x16xf32>,
          %get3A_240 = vector.shape_cast %get3A_239 : vector<1x16xf32> to vector<16xf32>
          %mul3A_241 = arith.mulf %get3A_236, %get3A_240 : vector<16xf32>
          %add3A_242 = arith.addf %add3A_232, %mul3A_241 : vector<16xf32>
          %get3A_243 = arith.index_cast %add3A_204 : i32 to index
          %get3A_244 = arith.constant 64 : index
          %get3A_245 = tpu.vector_load %arg14[%get3A_243, %get3A_244] {strides = array<i32>} : memref<64x128xf32, #tpu.memory_space<vmem>>, vector<1x16xf32>,
          %get3A_246 = vector.shape_cast %get3A_245 : vector<1x16xf32> to vector<16xf32>
          %get3A_247 = arith.index_cast %add3A_204 : i32 to index
          %get3A_248 = arith.constant 64 : index
          %get3A_249 = tpu.vector_load %arg16[%get3A_247, %get3A_248] {strides = array<i32>} : memref<64x128xf32, #tpu.memory_space<vmem>>, vector<1x16xf32>,
          %get3A_250 = vector.shape_cast %get3A_249 : vector<1x16xf32> to vector<16xf32>
          %mul3A_251 = arith.mulf %get3A_246, %get3A_250 : vector<16xf32>
          %add3A_252 = arith.addf %add3A_242, %mul3A_251 : vector<16xf32>
          %get3A_253 = arith.index_cast %add3A_204 : i32 to index
          %get3A_254 = arith.constant 80 : index
          %get3A_255 = tpu.vector_load %arg14[%get3A_253, %get3A_254] {strides = array<i32>} : memref<64x128xf32, #tpu.memory_space<vmem>>, vector<1x16xf32>,
          %get3A_256 = vector.shape_cast %get3A_255 : vector<1x16xf32> to vector<16xf32>
          %get3A_257 = arith.index_cast %add3A_204 : i32 to index
          %get3A_258 = arith.constant 80 : index
          %get3A_259 = tpu.vector_load %arg16[%get3A_257, %get3A_258] {strides = array<i32>} : memref<64x128xf32, #tpu.memory_space<vmem>>, vector<1x16xf32>,
          %get3A_260 = vector.shape_cast %get3A_259 : vector<1x16xf32> to vector<16xf32>
          %mul3A_261 = arith.mulf %get3A_256, %get3A_260 : vector<16xf32>
          %add3A_262 = arith.addf %add3A_252, %mul3A_261 : vector<16xf32>
          %get3A_263 = arith.index_cast %add3A_204 : i32 to index
          %get3A_264 = arith.constant 96 : index
          %get3A_265 = tpu.vector_load %arg14[%get3A_263, %get3A_264] {strides = array<i32>} : memref<64x128xf32, #tpu.memory_space<vmem>>, vector<1x16xf32>,
          %get3A_266 = vector.shape_cast %get3A_265 : vector<1x16xf32> to vector<16xf32>
          %get3A_267 = arith.index_cast %add3A_204 : i32 to index
          %get3A_268 = arith.constant 96 : index
          %get3A_269 = tpu.vector_load %arg16[%get3A_267, %get3A_268] {strides = array<i32>} : memref<64x128xf32, #tpu.memory_space<vmem>>, vector<1x16xf32>,
          %get3A_270 = vector.shape_cast %get3A_269 : vector<1x16xf32> to vector<16xf32>
          %mul3A_271 = arith.mulf %get3A_266, %get3A_270 : vector<16xf32>
          %add3A_272 = arith.addf %add3A_262, %mul3A_271 : vector<16xf32>
          %get3A_273 = arith.index_cast %add3A_204 : i32 to index
          %get3A_274 = arith.constant 112 : index
          %get3A_275 = tpu.vector_load %arg14[%get3A_273, %get3A_274] {strides = array<i32>} : memref<64x128xf32, #tpu.memory_space<vmem>>, vector<1x16xf32>,
          %get3A_276 = vector.shape_cast %get3A_275 : vector<1x16xf32> to vector<16xf32>
          %get3A_277 = arith.index_cast %add3A_204 : i32 to index
          %get3A_278 = arith.constant 112 : index
          %get3A_279 = tpu.vector_load %arg16[%get3A_277, %get3A_278] {strides = array<i32>} : memref<64x128xf32, #tpu.memory_space<vmem>>, vector<1x16xf32>,
          %get3A_280 = vector.shape_cast %get3A_279 : vector<1x16xf32> to vector<16xf32>
          %mul3A_281 = arith.mulf %get3A_276, %get3A_280 : vector<16xf32>
          %add3A_282 = arith.addf %add3A_272, %mul3A_281 : vector<16xf32>
          %rev3A = arith.constant 15 : i32
          %rev3A_283 = vector.broadcast %rev3A : i32 to vector<16xi32>
          %rev3A_284 = tpu.iota {dimensions = array<i32: 0>} : vector<16xi32>
          %rev3A_285 = arith.subi %rev3A_283, %rev3A_284 : vector<16xi32>
          %rev3A_286 = tpu.dynamic_gather %add3A_282[%rev3A_285] in [0] : vector<16xf32>, vector<16xi32> -> vector<16xf32>
          %add3A_287 = arith.addf %add3A_282, %rev3A_286 : vector<16xf32>
          %mul3A_288 = arith.constant 2.500000e-01 : f32
          %mul3A_289 = vector.broadcast %mul3A_288 : f32 to vector<16xf32>
          %mul3A_290 = arith.mulf %add3A_287, %mul3A_289 : vector<16xf32>
          %max3A = arith.constant -5.000000e+00 : f32
          %max3A_291 = vector.broadcast %max3A : f32 to vector<16xf32>
          %max3A_292 = arith.maximumf %mul3A_290, %max3A_291 : vector<16xf32>
          %min3A = arith.constant 5.000000e+00 : f32
          %min3A_293 = vector.broadcast %min3A : f32 to vector<16xf32>
          %min3A_294 = arith.minimumf %max3A_292, %min3A_293 : vector<16xf32>
          %exp3A = math.exp %min3A_294 : vector<16xf32>
          %swap3A = arith.index_cast %add3A_204 : i32 to index
          %swap3A_295 = arith.constant 0 : index
          %swap3A_296 = tpu.vector_load %arg17[%swap3A, %swap3A_295] {strides = array<i32>} : memref<64x16xf32, #tpu.memory_space<vmem>>, vector<1x16xf32>,
          %swap3A_297 = vector.shape_cast %swap3A_296 : vector<1x16xf32> to vector<16xf32>
          %swap3A_298 = vector.shape_cast %exp3A : vector<16xf32> to vector<1x16xf32>
          tpu.vector_store %arg17[%swap3A, %swap3A_295], %swap3A_298 {strides = array<i32>} : memref<64x16xf32, #tpu.memory_space<vmem>>, vector<1x16xf32>,
          %get3A_299 = arith.index_cast %add3A_204 : i32 to index
          %get3A_300 = arith.constant 0 : index
          %get3A_301 = tpu.vector_load %arg15[%get3A_299, %get3A_300] {strides = array<i32>} : memref<64x128xf32, #tpu.memory_space<vmem>>, vector<1x16xf32>,
          %get3A_302 = vector.shape_cast %get3A_301 : vector<1x16xf32> to vector<16xf32>
          %mul3A_303 = arith.mulf %get3A_302, %exp3A : vector<16xf32>
          %swap3A_304 = arith.index_cast %add3A_204 : i32 to index
          %swap3A_305 = arith.constant 0 : index
          %swap3A_306 = tpu.vector_load %arg16[%swap3A_304, %swap3A_305] {strides = array<i32>} : memref<64x128xf32, #tpu.memory_space<vmem>>, vector<1x16xf32>,
          %swap3A_307 = vector.shape_cast %swap3A_306 : vector<1x16xf32> to vector<16xf32>
          %swap3A_308 = vector.shape_cast %mul3A_303 : vector<16xf32> to vector<1x16xf32>
          tpu.vector_store %arg16[%swap3A_304, %swap3A_305], %swap3A_308 {strides = array<i32>} : memref<64x128xf32, #tpu.memory_space<vmem>>, vector<1x16xf32>,
          %get3A_309 = arith.index_cast %add3A_204 : i32 to index
          %get3A_310 = arith.constant 16 : index
          %get3A_311 = tpu.vector_load %arg15[%get3A_309, %get3A_310] {strides = array<i32>} : memref<64x128xf32, #tpu.memory_space<vmem>>, vector<1x16xf32>,
          %get3A_312 = vector.shape_cast %get3A_311 : vector<1x16xf32> to vector<16xf32>
          %mul3A_313 = arith.mulf %get3A_312, %exp3A : vector<16xf32>
          %swap3A_314 = arith.index_cast %add3A_204 : i32 to index
          %swap3A_315 = arith.constant 16 : index
          %swap3A_316 = tpu.vector_load %arg16[%swap3A_314, %swap3A_315] {strides = array<i32>} : memref<64x128xf32, #tpu.memory_space<vmem>>, vector<1x16xf32>,
          %swap3A_317 = vector.shape_cast %swap3A_316 : vector<1x16xf32> to vector<16xf32>
          %swap3A_318 = vector.shape_cast %mul3A_313 : vector<16xf32> to vector<1x16xf32>
          tpu.vector_store %arg16[%swap3A_314, %swap3A_315], %swap3A_318 {strides = array<i32>} : memref<64x128xf32, #tpu.memory_space<vmem>>, vector<1x16xf32>,
          %get3A_319 = arith.index_cast %add3A_204 : i32 to index
          %get3A_320 = arith.constant 32 : index
          %get3A_321 = tpu.vector_load %arg15[%get3A_319, %get3A_320] {strides = array<i32>} : memref<64x128xf32, #tpu.memory_space<vmem>>, vector<1x16xf32>,
          %get3A_322 = vector.shape_cast %get3A_321 : vector<1x16xf32> to vector<16xf32>
          %mul3A_323 = arith.mulf %get3A_322, %exp3A : vector<16xf32>
          %swap3A_324 = arith.index_cast %add3A_204 : i32 to index
          %swap3A_325 = arith.constant 32 : index
          %swap3A_326 = tpu.vector_load %arg16[%swap3A_324, %swap3A_325] {strides = array<i32>} : memref<64x128xf32, #tpu.memory_space<vmem>>, vector<1x16xf32>,
          %swap3A_327 = vector.shape_cast %swap3A_326 : vector<1x16xf32> to vector<16xf32>
          %swap3A_328 = vector.shape_cast %mul3A_323 : vector<16xf32> to vector<1x16xf32>
          tpu.vector_store %arg16[%swap3A_324, %swap3A_325], %swap3A_328 {strides = array<i32>} : memref<64x128xf32, #tpu.memory_space<vmem>>, vector<1x16xf32>,
          %get3A_329 = arith.index_cast %add3A_204 : i32 to index
          %get3A_330 = arith.constant 48 : index
          %get3A_331 = tpu.vector_load %arg15[%get3A_329, %get3A_330] {strides = array<i32>} : memref<64x128xf32, #tpu.memory_space<vmem>>, vector<1x16xf32>,
          %get3A_332 = vector.shape_cast %get3A_331 : vector<1x16xf32> to vector<16xf32>
          %mul3A_333 = arith.mulf %get3A_332, %exp3A : vector<16xf32>
          %swap3A_334 = arith.index_cast %add3A_204 : i32 to index
          %swap3A_335 = arith.constant 48 : index
          %swap3A_336 = tpu.vector_load %arg16[%swap3A_334, %swap3A_335] {strides = array<i32>} : memref<64x128xf32, #tpu.memory_space<vmem>>, vector<1x16xf32>,
          %swap3A_337 = vector.shape_cast %swap3A_336 : vector<1x16xf32> to vector<16xf32>
          %swap3A_338 = vector.shape_cast %mul3A_333 : vector<16xf32> to vector<1x16xf32>
          tpu.vector_store %arg16[%swap3A_334, %swap3A_335], %swap3A_338 {strides = array<i32>} : memref<64x128xf32, #tpu.memory_space<vmem>>, vector<1x16xf32>,
          %get3A_339 = arith.index_cast %add3A_204 : i32 to index
          %get3A_340 = arith.constant 64 : index
          %get3A_341 = tpu.vector_load %arg15[%get3A_339, %get3A_340] {strides = array<i32>} : memref<64x128xf32, #tpu.memory_space<vmem>>, vector<1x16xf32>,
          %get3A_342 = vector.shape_cast %get3A_341 : vector<1x16xf32> to vector<16xf32>
          %mul3A_343 = arith.mulf %get3A_342, %exp3A : vector<16xf32>
          %swap3A_344 = arith.index_cast %add3A_204 : i32 to index
          %swap3A_345 = arith.constant 64 : index
          %swap3A_346 = tpu.vector_load %arg16[%swap3A_344, %swap3A_345] {strides = array<i32>} : memref<64x128xf32, #tpu.memory_space<vmem>>, vector<1x16xf32>,
          %swap3A_347 = vector.shape_cast %swap3A_346 : vector<1x16xf32> to vector<16xf32>
          %swap3A_348 = vector.shape_cast %mul3A_343 : vector<16xf32> to vector<1x16xf32>
          tpu.vector_store %arg16[%swap3A_344, %swap3A_345], %swap3A_348 {strides = array<i32>} : memref<64x128xf32, #tpu.memory_space<vmem>>, vector<1x16xf32>,
          %get3A_349 = arith.index_cast %add3A_204 : i32 to index
          %get3A_350 = arith.constant 80 : index
          %get3A_351 = tpu.vector_load %arg15[%get3A_349, %get3A_350] {strides = array<i32>} : memref<64x128xf32, #tpu.memory_space<vmem>>, vector<1x16xf32>,
          %get3A_352 = vector.shape_cast %get3A_351 : vector<1x16xf32> to vector<16xf32>
          %mul3A_353 = arith.mulf %get3A_352, %exp3A : vector<16xf32>
          %swap3A_354 = arith.index_cast %add3A_204 : i32 to index
          %swap3A_355 = arith.constant 80 : index
          %swap3A_356 = tpu.vector_load %arg16[%swap3A_354, %swap3A_355] {strides = array<i32>} : memref<64x128xf32, #tpu.memory_space<vmem>>, vector<1x16xf32>,
          %swap3A_357 = vector.shape_cast %swap3A_356 : vector<1x16xf32> to vector<16xf32>
          %swap3A_358 = vector.shape_cast %mul3A_353 : vector<16xf32> to vector<1x16xf32>
          tpu.vector_store %arg16[%swap3A_354, %swap3A_355], %swap3A_358 {strides = array<i32>} : memref<64x128xf32, #tpu.memory_space<vmem>>, vector<1x16xf32>,
          %get3A_359 = arith.index_cast %add3A_204 : i32 to index
          %get3A_360 = arith.constant 96 : index
          %get3A_361 = tpu.vector_load %arg15[%get3A_359, %get3A_360] {strides = array<i32>} : memref<64x128xf32, #tpu.memory_space<vmem>>, vector<1x16xf32>,
          %get3A_362 = vector.shape_cast %get3A_361 : vector<1x16xf32> to vector<16xf32>
          %mul3A_363 = arith.mulf %get3A_362, %exp3A : vector<16xf32>
          %swap3A_364 = arith.index_cast %add3A_204 : i32 to index
          %swap3A_365 = arith.constant 96 : index
          %swap3A_366 = tpu.vector_load %arg16[%swap3A_364, %swap3A_365] {strides = array<i32>} : memref<64x128xf32, #tpu.memory_space<vmem>>, vector<1x16xf32>,
          %swap3A_367 = vector.shape_cast %swap3A_366 : vector<1x16xf32> to vector<16xf32>
          %swap3A_368 = vector.shape_cast %mul3A_363 : vector<16xf32> to vector<1x16xf32>
          tpu.vector_store %arg16[%swap3A_364, %swap3A_365], %swap3A_368 {strides = array<i32>} : memref<64x128xf32, #tpu.memory_space<vmem>>, vector<1x16xf32>,
          %get3A_369 = arith.index_cast %add3A_204 : i32 to index
          %get3A_370 = arith.constant 112 : index
          %get3A_371 = tpu.vector_load %arg15[%get3A_369, %get3A_370] {strides = array<i32>} : memref<64x128xf32, #tpu.memory_space<vmem>>, vector<1x16xf32>,
          %get3A_372 = vector.shape_cast %get3A_371 : vector<1x16xf32> to vector<16xf32>
          %mul3A_373 = arith.mulf %get3A_372, %exp3A : vector<16xf32>
          %swap3A_374 = arith.index_cast %add3A_204 : i32 to index
          %swap3A_375 = arith.constant 112 : index
          %swap3A_376 = tpu.vector_load %arg16[%swap3A_374, %swap3A_375] {strides = array<i32>} : memref<64x128xf32, #tpu.memory_space<vmem>>, vector<1x16xf32>,
          %swap3A_377 = vector.shape_cast %swap3A_376 : vector<1x16xf32> to vector<16xf32>
          %swap3A_378 = vector.shape_cast %mul3A_373 : vector<16xf32> to vector<1x16xf32>
          tpu.vector_store %arg16[%swap3A_374, %swap3A_375], %swap3A_378 {strides = array<i32>} : memref<64x128xf32, #tpu.memory_space<vmem>>, vector<1x16xf32>,
        }
        %scan3A_156 = arith.constant 32 : i32
        %dma_wait3A_157 = arith.constant 0 : i32
        %dma_wait3A_158 = arith.constant 0 : i32
        %dma_wait3A_159 = tpu.memref_slice %arg14[%dma_wait3A_157, %dma_wait3A_158] : memref<64x128xf32, #tpu.memory_space<vmem>> -> memref<32x128xf32, #tpu.memory_space<vmem>>
        %dma_wait3A_160 = arith.constant 0 : i32
        %dma_wait3A_161 = tpu.memref_slice %arg9[%dma_wait3A_160] : memref<64xi32, #tpu.memory_space<vmem>> -> memref<32xi32, #tpu.memory_space<vmem>>
        %dma_wait3A_162 = arith.constant 0 : i32
        %dma_wait3A_163 = arith.constant 0 : i32
        %dma_wait3A_164 = tpu.memref_slice %arg3[%dma_wait3A_162, %dma_wait3A_163] : memref<10000x128xf32, #tpu.memory_space<hbm>> -> memref<10000x128xf32, #tpu.memory_space<hbm>>
        tpu.wait_indirect_dma semaphore(%arg23 : memref<!tpu.dma_semaphore, #tpu.memory_space<semaphore_mem>>) src(%dma_wait3A_164 : memref<10000x128xf32, #tpu.memory_space<hbm>>) dst(%dma_wait3A_159 : memref<32x128xf32, #tpu.memory_space<vmem>>)
        %dma_wait3A_165 = arith.constant 0 : i32
        %dma_wait3A_166 = arith.constant 0 : i32
        %dma_wait3A_167 = tpu.memref_slice %arg14[%dma_wait3A_165, %dma_wait3A_166] : memref<64x128xf32, #tpu.memory_space<vmem>> -> memref<32x128xf32, #tpu.memory_space<vmem>>
        %dma_wait3A_168 = arith.constant 0 : i32
        %dma_wait3A_169 = tpu.memref_slice %arg9[%dma_wait3A_168] : memref<64xi32, #tpu.memory_space<vmem>> -> memref<32xi32, #tpu.memory_space<vmem>>
        %dma_wait3A_170 = arith.constant 0 : i32
        %dma_wait3A_171 = arith.constant 0 : i32
        %dma_wait3A_172 = tpu.memref_slice %arg3[%dma_wait3A_170, %dma_wait3A_171] : memref<10000x128xf32, #tpu.memory_space<hbm>> -> memref<10000x128xf32, #tpu.memory_space<hbm>>
        tpu.wait_indirect_dma semaphore(%arg23 : memref<!tpu.dma_semaphore, #tpu.memory_space<semaphore_mem>>) src(%dma_wait3A_172 : memref<10000x128xf32, #tpu.memory_space<hbm>>) dst(%dma_wait3A_167 : memref<32x128xf32, #tpu.memory_space<vmem>>)
        %dma_wait3A_173 = arith.constant 0 : i32
        %dma_wait3A_174 = arith.constant 0 : i32
        %dma_wait3A_175 = tpu.memref_slice %arg14[%dma_wait3A_173, %dma_wait3A_174] : memref<64x128xf32, #tpu.memory_space<vmem>> -> memref<32x128xf32, #tpu.memory_space<vmem>>
        %dma_wait3A_176 = arith.constant 0 : i32
        %dma_wait3A_177 = tpu.memref_slice %arg9[%dma_wait3A_176] : memref<64xi32, #tpu.memory_space<vmem>> -> memref<32xi32, #tpu.memory_space<vmem>>
        %dma_wait3A_178 = arith.constant 0 : i32
        %dma_wait3A_179 = arith.constant 0 : i32
        %dma_wait3A_180 = tpu.memref_slice %arg3[%dma_wait3A_178, %dma_wait3A_179] : memref<10000x128xf32, #tpu.memory_space<hbm>> -> memref<10000x128xf32, #tpu.memory_space<hbm>>
        tpu.wait_indirect_dma semaphore(%arg23 : memref<!tpu.dma_semaphore, #tpu.memory_space<semaphore_mem>>) src(%dma_wait3A_180 : memref<10000x128xf32, #tpu.memory_space<hbm>>) dst(%dma_wait3A_175 : memref<32x128xf32, #tpu.memory_space<vmem>>)
        %scan3A_181 = arith.constant 0 : i32
        %scan3A_182 = arith.constant 32 : i32
        %scan3A_183 = arith.addi %scan3A_181, %scan3A_182 : i32
        %scan3A_184 = arith.constant 1 : i32
        scf.for %scan3A_200 = %scan3A_181 to %scan3A_183 step %scan3A_184  : i32 {
          %mul3A_201 = arith.constant 1 : i32
          %mul3A_202 = arith.muli %scan3A_200, %mul3A_201 : i32
          %add3A_203 = arith.constant 32 : i32
          %add3A_204 = arith.addi %add3A_203, %mul3A_202 : i32
          %get3A = arith.index_cast %add3A_204 : i32 to index
          %get3A_205 = arith.constant 0 : index
          %get3A_206 = tpu.vector_load %arg14[%get3A, %get3A_205] {strides = array<i32>} : memref<64x128xf32, #tpu.memory_space<vmem>>, vector<1x16xf32>,
          %get3A_207 = vector.shape_cast %get3A_206 : vector<1x16xf32> to vector<16xf32>
          %get3A_208 = arith.index_cast %add3A_204 : i32 to index
          %get3A_209 = arith.constant 0 : index
          %get3A_210 = tpu.vector_load %arg16[%get3A_208, %get3A_209] {strides = array<i32>} : memref<64x128xf32, #tpu.memory_space<vmem>>, vector<1x16xf32>,
          %get3A_211 = vector.shape_cast %get3A_210 : vector<1x16xf32> to vector<16xf32>
          %mul3A_212 = arith.mulf %get3A_207, %get3A_211 : vector<16xf32>
          %get3A_213 = arith.index_cast %add3A_204 : i32 to index
          %get3A_214 = arith.constant 16 : index
          %get3A_215 = tpu.vector_load %arg14[%get3A_213, %get3A_214] {strides = array<i32>} : memref<64x128xf32, #tpu.memory_space<vmem>>, vector<1x16xf32>,
          %get3A_216 = vector.shape_cast %get3A_215 : vector<1x16xf32> to vector<16xf32>
          %get3A_217 = arith.index_cast %add3A_204 : i32 to index
          %get3A_218 = arith.constant 16 : index
          %get3A_219 = tpu.vector_load %arg16[%get3A_217, %get3A_218] {strides = array<i32>} : memref<64x128xf32, #tpu.memory_space<vmem>>, vector<1x16xf32>,
          %get3A_220 = vector.shape_cast %get3A_219 : vector<1x16xf32> to vector<16xf32>
          %mul3A_221 = arith.mulf %get3A_216, %get3A_220 : vector<16xf32>
          %add3A_222 = arith.addf %mul3A_212, %mul3A_221 : vector<16xf32>
          %get3A_223 = arith.index_cast %add3A_204 : i32 to index
          %get3A_224 = arith.constant 32 : index
          %get3A_225 = tpu.vector_load %arg14[%get3A_223, %get3A_224] {strides = array<i32>} : memref<64x128xf32, #tpu.memory_space<vmem>>, vector<1x16xf32>,
          %get3A_226 = vector.shape_cast %get3A_225 : vector<1x16xf32> to vector<16xf32>
          %get3A_227 = arith.index_cast %add3A_204 : i32 to index
          %get3A_228 = arith.constant 32 : index
          %get3A_229 = tpu.vector_load %arg16[%get3A_227, %get3A_228] {strides = array<i32>} : memref<64x128xf32, #tpu.memory_space<vmem>>, vector<1x16xf32>,
          %get3A_230 = vector.shape_cast %get3A_229 : vector<1x16xf32> to vector<16xf32>
          %mul3A_231 = arith.mulf %get3A_226, %get3A_230 : vector<16xf32>
          %add3A_232 = arith.addf %add3A_222, %mul3A_231 : vector<16xf32>
          %get3A_233 = arith.index_cast %add3A_204 : i32 to index
          %get3A_234 = arith.constant 48 : index
          %get3A_235 = tpu.vector_load %arg14[%get3A_233, %get3A_234] {strides = array<i32>} : memref<64x128xf32, #tpu.memory_space<vmem>>, vector<1x16xf32>,
          %get3A_236 = vector.shape_cast %get3A_235 : vector<1x16xf32> to vector<16xf32>
          %get3A_237 = arith.index_cast %add3A_204 : i32 to index
          %get3A_238 = arith.constant 48 : index
          %get3A_239 = tpu.vector_load %arg16[%get3A_237, %get3A_238] {strides = array<i32>} : memref<64x128xf32, #tpu.memory_space<vmem>>, vector<1x16xf32>,
          %get3A_240 = vector.shape_cast %get3A_239 : vector<1x16xf32> to vector<16xf32>
          %mul3A_241 = arith.mulf %get3A_236, %get3A_240 : vector<16xf32>
          %add3A_242 = arith.addf %add3A_232, %mul3A_241 : vector<16xf32>
          %get3A_243 = arith.index_cast %add3A_204 : i32 to index
          %get3A_244 = arith.constant 64 : index
          %get3A_245 = tpu.vector_load %arg14[%get3A_243, %get3A_244] {strides = array<i32>} : memref<64x128xf32, #tpu.memory_space<vmem>>, vector<1x16xf32>,
          %get3A_246 = vector.shape_cast %get3A_245 : vector<1x16xf32> to vector<16xf32>
          %get3A_247 = arith.index_cast %add3A_204 : i32 to index
          %get3A_248 = arith.constant 64 : index
          %get3A_249 = tpu.vector_load %arg16[%get3A_247, %get3A_248] {strides = array<i32>} : memref<64x128xf32, #tpu.memory_space<vmem>>, vector<1x16xf32>,
          %get3A_250 = vector.shape_cast %get3A_249 : vector<1x16xf32> to vector<16xf32>
          %mul3A_251 = arith.mulf %get3A_246, %get3A_250 : vector<16xf32>
          %add3A_252 = arith.addf %add3A_242, %mul3A_251 : vector<16xf32>
          %get3A_253 = arith.index_cast %add3A_204 : i32 to index
          %get3A_254 = arith.constant 80 : index
          %get3A_255 = tpu.vector_load %arg14[%get3A_253, %get3A_254] {strides = array<i32>} : memref<64x128xf32, #tpu.memory_space<vmem>>, vector<1x16xf32>,
          %get3A_256 = vector.shape_cast %get3A_255 : vector<1x16xf32> to vector<16xf32>
          %get3A_257 = arith.index_cast %add3A_204 : i32 to index
          %get3A_258 = arith.constant 80 : index
          %get3A_259 = tpu.vector_load %arg16[%get3A_257, %get3A_258] {strides = array<i32>} : memref<64x128xf32, #tpu.memory_space<vmem>>, vector<1x16xf32>,
          %get3A_260 = vector.shape_cast %get3A_259 : vector<1x16xf32> to vector<16xf32>
          %mul3A_261 = arith.mulf %get3A_256, %get3A_260 : vector<16xf32>
          %add3A_262 = arith.addf %add3A_252, %mul3A_261 : vector<16xf32>
          %get3A_263 = arith.index_cast %add3A_204 : i32 to index
          %get3A_264 = arith.constant 96 : index
          %get3A_265 = tpu.vector_load %arg14[%get3A_263, %get3A_264] {strides = array<i32>} : memref<64x128xf32, #tpu.memory_space<vmem>>, vector<1x16xf32>,
          %get3A_266 = vector.shape_cast %get3A_265 : vector<1x16xf32> to vector<16xf32>
          %get3A_267 = arith.index_cast %add3A_204 : i32 to index
          %get3A_268 = arith.constant 96 : index
          %get3A_269 = tpu.vector_load %arg16[%get3A_267, %get3A_268] {strides = array<i32>} : memref<64x128xf32, #tpu.memory_space<vmem>>, vector<1x16xf32>,
          %get3A_270 = vector.shape_cast %get3A_269 : vector<1x16xf32> to vector<16xf32>
          %mul3A_271 = arith.mulf %get3A_266, %get3A_270 : vector<16xf32>
          %add3A_272 = arith.addf %add3A_262, %mul3A_271 : vector<16xf32>
          %get3A_273 = arith.index_cast %add3A_204 : i32 to index
          %get3A_274 = arith.constant 112 : index
          %get3A_275 = tpu.vector_load %arg14[%get3A_273, %get3A_274] {strides = array<i32>} : memref<64x128xf32, #tpu.memory_space<vmem>>, vector<1x16xf32>,
          %get3A_276 = vector.shape_cast %get3A_275 : vector<1x16xf32> to vector<16xf32>
          %get3A_277 = arith.index_cast %add3A_204 : i32 to index
          %get3A_278 = arith.constant 112 : index
          %get3A_279 = tpu.vector_load %arg16[%get3A_277, %get3A_278] {strides = array<i32>} : memref<64x128xf32, #tpu.memory_space<vmem>>, vector<1x16xf32>,
          %get3A_280 = vector.shape_cast %get3A_279 : vector<1x16xf32> to vector<16xf32>
          %mul3A_281 = arith.mulf %get3A_276, %get3A_280 : vector<16xf32>
          %add3A_282 = arith.addf %add3A_272, %mul3A_281 : vector<16xf32>
          %rev3A = arith.constant 15 : i32
          %rev3A_283 = vector.broadcast %rev3A : i32 to vector<16xi32>
          %rev3A_284 = tpu.iota {dimensions = array<i32: 0>} : vector<16xi32>
          %rev3A_285 = arith.subi %rev3A_283, %rev3A_284 : vector<16xi32>
          %rev3A_286 = tpu.dynamic_gather %add3A_282[%rev3A_285] in [0] : vector<16xf32>, vector<16xi32> -> vector<16xf32>
          %add3A_287 = arith.addf %add3A_282, %rev3A_286 : vector<16xf32>
          %mul3A_288 = arith.constant 2.500000e-01 : f32
          %mul3A_289 = vector.broadcast %mul3A_288 : f32 to vector<16xf32>
          %mul3A_290 = arith.mulf %add3A_287, %mul3A_289 : vector<16xf32>
          %max3A = arith.constant -5.000000e+00 : f32
          %max3A_291 = vector.broadcast %max3A : f32 to vector<16xf32>
          %max3A_292 = arith.maximumf %mul3A_290, %max3A_291 : vector<16xf32>
          %min3A = arith.constant 5.000000e+00 : f32
          %min3A_293 = vector.broadcast %min3A : f32 to vector<16xf32>
          %min3A_294 = arith.minimumf %max3A_292, %min3A_293 : vector<16xf32>
          %exp3A = math.exp %min3A_294 : vector<16xf32>
          %swap3A = arith.index_cast %add3A_204 : i32 to index
          %swap3A_295 = arith.constant 0 : index
          %swap3A_296 = tpu.vector_load %arg17[%swap3A, %swap3A_295] {strides = array<i32>} : memref<64x16xf32, #tpu.memory_space<vmem>>, vector<1x16xf32>,
          %swap3A_297 = vector.shape_cast %swap3A_296 : vector<1x16xf32> to vector<16xf32>
          %swap3A_298 = vector.shape_cast %exp3A : vector<16xf32> to vector<1x16xf32>
          tpu.vector_store %arg17[%swap3A, %swap3A_295], %swap3A_298 {strides = array<i32>} : memref<64x16xf32, #tpu.memory_space<vmem>>, vector<1x16xf32>,
          %get3A_299 = arith.index_cast %add3A_204 : i32 to index
          %get3A_300 = arith.constant 0 : index
          %get3A_301 = tpu.vector_load %arg15[%get3A_299, %get3A_300] {strides = array<i32>} : memref<64x128xf32, #tpu.memory_space<vmem>>, vector<1x16xf32>,
          %get3A_302 = vector.shape_cast %get3A_301 : vector<1x16xf32> to vector<16xf32>
          %mul3A_303 = arith.mulf %get3A_302, %exp3A : vector<16xf32>
          %swap3A_304 = arith.index_cast %add3A_204 : i32 to index
          %swap3A_305 = arith.constant 0 : index
          %swap3A_306 = tpu.vector_load %arg16[%swap3A_304, %swap3A_305] {strides = array<i32>} : memref<64x128xf32, #tpu.memory_space<vmem>>, vector<1x16xf32>,
          %swap3A_307 = vector.shape_cast %swap3A_306 : vector<1x16xf32> to vector<16xf32>
          %swap3A_308 = vector.shape_cast %mul3A_303 : vector<16xf32> to vector<1x16xf32>
          tpu.vector_store %arg16[%swap3A_304, %swap3A_305], %swap3A_308 {strides = array<i32>} : memref<64x128xf32, #tpu.memory_space<vmem>>, vector<1x16xf32>,
          %get3A_309 = arith.index_cast %add3A_204 : i32 to index
          %get3A_310 = arith.constant 16 : index
          %get3A_311 = tpu.vector_load %arg15[%get3A_309, %get3A_310] {strides = array<i32>} : memref<64x128xf32, #tpu.memory_space<vmem>>, vector<1x16xf32>,
          %get3A_312 = vector.shape_cast %get3A_311 : vector<1x16xf32> to vector<16xf32>
          %mul3A_313 = arith.mulf %get3A_312, %exp3A : vector<16xf32>
          %swap3A_314 = arith.index_cast %add3A_204 : i32 to index
          %swap3A_315 = arith.constant 16 : index
          %swap3A_316 = tpu.vector_load %arg16[%swap3A_314, %swap3A_315] {strides = array<i32>} : memref<64x128xf32, #tpu.memory_space<vmem>>, vector<1x16xf32>,
          %swap3A_317 = vector.shape_cast %swap3A_316 : vector<1x16xf32> to vector<16xf32>
          %swap3A_318 = vector.shape_cast %mul3A_313 : vector<16xf32> to vector<1x16xf32>
          tpu.vector_store %arg16[%swap3A_314, %swap3A_315], %swap3A_318 {strides = array<i32>} : memref<64x128xf32, #tpu.memory_space<vmem>>, vector<1x16xf32>,
          %get3A_319 = arith.index_cast %add3A_204 : i32 to index
          %get3A_320 = arith.constant 32 : index
          %get3A_321 = tpu.vector_load %arg15[%get3A_319, %get3A_320] {strides = array<i32>} : memref<64x128xf32, #tpu.memory_space<vmem>>, vector<1x16xf32>,
          %get3A_322 = vector.shape_cast %get3A_321 : vector<1x16xf32> to vector<16xf32>
          %mul3A_323 = arith.mulf %get3A_322, %exp3A : vector<16xf32>
          %swap3A_324 = arith.index_cast %add3A_204 : i32 to index
          %swap3A_325 = arith.constant 32 : index
          %swap3A_326 = tpu.vector_load %arg16[%swap3A_324, %swap3A_325] {strides = array<i32>} : memref<64x128xf32, #tpu.memory_space<vmem>>, vector<1x16xf32>,
          %swap3A_327 = vector.shape_cast %swap3A_326 : vector<1x16xf32> to vector<16xf32>
          %swap3A_328 = vector.shape_cast %mul3A_323 : vector<16xf32> to vector<1x16xf32>
          tpu.vector_store %arg16[%swap3A_324, %swap3A_325], %swap3A_328 {strides = array<i32>} : memref<64x128xf32, #tpu.memory_space<vmem>>, vector<1x16xf32>,
          %get3A_329 = arith.index_cast %add3A_204 : i32 to index
          %get3A_330 = arith.constant 48 : index
          %get3A_331 = tpu.vector_load %arg15[%get3A_329, %get3A_330] {strides = array<i32>} : memref<64x128xf32, #tpu.memory_space<vmem>>, vector<1x16xf32>,
          %get3A_332 = vector.shape_cast %get3A_331 : vector<1x16xf32> to vector<16xf32>
          %mul3A_333 = arith.mulf %get3A_332, %exp3A : vector<16xf32>
          %swap3A_334 = arith.index_cast %add3A_204 : i32 to index
          %swap3A_335 = arith.constant 48 : index
          %swap3A_336 = tpu.vector_load %arg16[%swap3A_334, %swap3A_335] {strides = array<i32>} : memref<64x128xf32, #tpu.memory_space<vmem>>, vector<1x16xf32>,
          %swap3A_337 = vector.shape_cast %swap3A_336 : vector<1x16xf32> to vector<16xf32>
          %swap3A_338 = vector.shape_cast %mul3A_333 : vector<16xf32> to vector<1x16xf32>
          tpu.vector_store %arg16[%swap3A_334, %swap3A_335], %swap3A_338 {strides = array<i32>} : memref<64x128xf32, #tpu.memory_space<vmem>>, vector<1x16xf32>,
          %get3A_339 = arith.index_cast %add3A_204 : i32 to index
          %get3A_340 = arith.constant 64 : index
          %get3A_341 = tpu.vector_load %arg15[%get3A_339, %get3A_340] {strides = array<i32>} : memref<64x128xf32, #tpu.memory_space<vmem>>, vector<1x16xf32>,
          %get3A_342 = vector.shape_cast %get3A_341 : vector<1x16xf32> to vector<16xf32>
          %mul3A_343 = arith.mulf %get3A_342, %exp3A : vector<16xf32>
          %swap3A_344 = arith.index_cast %add3A_204 : i32 to index
          %swap3A_345 = arith.constant 64 : index
          %swap3A_346 = tpu.vector_load %arg16[%swap3A_344, %swap3A_345] {strides = array<i32>} : memref<64x128xf32, #tpu.memory_space<vmem>>, vector<1x16xf32>,
          %swap3A_347 = vector.shape_cast %swap3A_346 : vector<1x16xf32> to vector<16xf32>
          %swap3A_348 = vector.shape_cast %mul3A_343 : vector<16xf32> to vector<1x16xf32>
          tpu.vector_store %arg16[%swap3A_344, %swap3A_345], %swap3A_348 {strides = array<i32>} : memref<64x128xf32, #tpu.memory_space<vmem>>, vector<1x16xf32>,
          %get3A_349 = arith.index_cast %add3A_204 : i32 to index
          %get3A_350 = arith.constant 80 : index
          %get3A_351 = tpu.vector_load %arg15[%get3A_349, %get3A_350] {strides = array<i32>} : memref<64x128xf32, #tpu.memory_space<vmem>>, vector<1x16xf32>,
          %get3A_352 = vector.shape_cast %get3A_351 : vector<1x16xf32> to vector<16xf32>
          %mul3A_353 = arith.mulf %get3A_352, %exp3A : vector<16xf32>
          %swap3A_354 = arith.index_cast %add3A_204 : i32 to index
          %swap3A_355 = arith.constant 80 : index
          %swap3A_356 = tpu.vector_load %arg16[%swap3A_354, %swap3A_355] {strides = array<i32>} : memref<64x128xf32, #tpu.memory_space<vmem>>, vector<1x16xf32>,
          %swap3A_357 = vector.shape_cast %swap3A_356 : vector<1x16xf32> to vector<16xf32>
          %swap3A_358 = vector.shape_cast %mul3A_353 : vector<16xf32> to vector<1x16xf32>
          tpu.vector_store %arg16[%swap3A_354, %swap3A_355], %swap3A_358 {strides = array<i32>} : memref<64x128xf32, #tpu.memory_space<vmem>>, vector<1x16xf32>,
          %get3A_359 = arith.index_cast %add3A_204 : i32 to index
          %get3A_360 = arith.constant 96 : index
          %get3A_361 = tpu.vector_load %arg15[%get3A_359, %get3A_360] {strides = array<i32>} : memref<64x128xf32, #tpu.memory_space<vmem>>, vector<1x16xf32>,
          %get3A_362 = vector.shape_cast %get3A_361 : vector<1x16xf32> to vector<16xf32>
          %mul3A_363 = arith.mulf %get3A_362, %exp3A : vector<16xf32>
          %swap3A_364 = arith.index_cast %add3A_204 : i32 to index
          %swap3A_365 = arith.constant 96 : index
          %swap3A_366 = tpu.vector_load %arg16[%swap3A_364, %swap3A_365] {strides = array<i32>} : memref<64x128xf32, #tpu.memory_space<vmem>>, vector<1x16xf32>,
          %swap3A_367 = vector.shape_cast %swap3A_366 : vector<1x16xf32> to vector<16xf32>
          %swap3A_368 = vector.shape_cast %mul3A_363 : vector<16xf32> to vector<1x16xf32>
          tpu.vector_store %arg16[%swap3A_364, %swap3A_365], %swap3A_368 {strides = array<i32>} : memref<64x128xf32, #tpu.memory_space<vmem>>, vector<1x16xf32>,
          %get3A_369 = arith.index_cast %add3A_204 : i32 to index
          %get3A_370 = arith.constant 112 : index
          %get3A_371 = tpu.vector_load %arg15[%get3A_369, %get3A_370] {strides = array<i32>} : memref<64x128xf32, #tpu.memory_space<vmem>>, vector<1x16xf32>,
          %get3A_372 = vector.shape_cast %get3A_371 : vector<1x16xf32> to vector<16xf32>
          %mul3A_373 = arith.mulf %get3A_372, %exp3A : vector<16xf32>
          %swap3A_374 = arith.index_cast %add3A_204 : i32 to index
          %swap3A_375 = arith.constant 112 : index
          %swap3A_376 = tpu.vector_load %arg16[%swap3A_374, %swap3A_375] {strides = array<i32>} : memref<64x128xf32, #tpu.memory_space<vmem>>, vector<1x16xf32>,
          %swap3A_377 = vector.shape_cast %swap3A_376 : vector<1x16xf32> to vector<16xf32>
          %swap3A_378 = vector.shape_cast %mul3A_373 : vector<16xf32> to vector<1x16xf32>
          tpu.vector_store %arg16[%swap3A_374, %swap3A_375], %swap3A_378 {strides = array<i32>} : memref<64x128xf32, #tpu.memory_space<vmem>>, vector<1x16xf32>,
        }
        %scan3A_185 = arith.constant 32 : i32
        %dma_start3A_186 = arith.constant 0 : i32
        %dma_start3A_187 = arith.constant 0 : i32
        %dma_start3A_188 = tpu.memref_slice %arg18[%dma_start3A_186, %dma_start3A_187] : memref<10112x128xf32, #tpu.memory_space<vmem_shared>> -> memref<10112x128xf32, #tpu.memory_space<vmem_shared>>
        tpu.enqueue_indirect_dma source(%arg16 : memref<64x128xf32, #tpu.memory_space<vmem>>) target(%dma_start3A_188 : memref<10112x128xf32, #tpu.memory_space<vmem_shared>>) offsets(%arg12 : memref<64xi32, #tpu.memory_space<vmem>>) semaphore(%arg24 : memref<!tpu.dma_semaphore, #tpu.memory_space<semaphore_mem>>) {add = true}
        %scan3A_189 = arith.constant 0 : i32
        %scan3A_190 = arith.constant 4 : i32
        %scan3A_191 = arith.addi %scan3A_189, %scan3A_190 : i32
        %scan3A_192 = arith.constant 1 : i32
        scf.for %scan3A_200 = %scan3A_189 to %scan3A_191 step %scan3A_192  : i32 {
          %mul3A_201 = arith.constant 1 : i32
          %mul3A_202 = arith.muli %scan3A_200, %mul3A_201 : i32
          %add3A_203 = arith.constant 0 : i32
          %add3A_204 = arith.addi %add3A_203, %mul3A_202 : i32
          %mul3A_205 = arith.constant 16 : i32
          %mul3A_206 = arith.muli %add3A_204, %mul3A_205 : i32
          %get3A = arith.index_cast %mul3A_206 : i32 to index
          %get3A_207 = tpu.vector_load %arg12[%get3A] {strides = array<i32>} : memref<64xi32, #tpu.memory_space<vmem>>, vector<16xi32>,
          %get3A_208 = vector.shape_cast %get3A_207 : vector<16xi32> to vector<16xi32>
          %shift_right_logical3A = arith.constant 3 : i32
          %shift_right_logical3A_209 = vector.broadcast %shift_right_logical3A : i32 to vector<16xi32>
          %shift_right_logical3A_210 = arith.shrui %get3A_208, %shift_right_logical3A_209 : vector<16xi32>
          %mul3A_211 = arith.constant 16 : i32
          %mul3A_212 = arith.muli %add3A_204, %mul3A_211 : i32
          %swap3A = arith.index_cast %mul3A_212 : i32 to index
          %swap3A_213 = tpu.vector_load %arg13[%swap3A] {strides = array<i32>} : memref<64xi32, #tpu.memory_space<vmem>>, vector<16xi32>,
          %swap3A_214 = vector.shape_cast %swap3A_213 : vector<16xi32> to vector<16xi32>
          %swap3A_215 = vector.shape_cast %shift_right_logical3A_210 : vector<16xi32> to vector<16xi32>
          tpu.vector_store %arg13[%swap3A], %swap3A_215 {strides = array<i32>} : memref<64xi32, #tpu.memory_space<vmem>>, vector<16xi32>,
          %mul3A_216 = arith.constant 16 : i32
          %mul3A_217 = arith.muli %add3A_204, %mul3A_216 : i32
          %add3A_218 = arith.constant 0 : i32
          %add3A_219 = arith.addi %mul3A_217, %add3A_218 : i32
          %get3A_220 = arith.index_cast %add3A_219 : i32 to index
          %get3A_221 = arith.constant 0 : index
          %get3A_222 = tpu.vector_load %arg17[%get3A_220, %get3A_221] {strides = array<i32>} : memref<64x16xf32, #tpu.memory_space<vmem>>, vector<1x16xf32>,
          %get3A_223 = vector.shape_cast %get3A_222 : vector<1x16xf32> to vector<16xf32>
          %swap3A_224 = arith.index_cast %add3A_219 : i32 to index
          %swap3A_225 = arith.constant 0 : index
          %swap3A_226 = tpu.vector_load %arg15[%swap3A_224, %swap3A_225] {strides = array<i32>} : memref<64x128xf32, #tpu.memory_space<vmem>>, vector<1x16xf32>,
          %swap3A_227 = vector.shape_cast %swap3A_226 : vector<1x16xf32> to vector<16xf32>
          %swap3A_228 = vector.shape_cast %broadcast_in_dim3A_1 : vector<16xf32> to vector<1x16xf32>
          tpu.vector_store %arg15[%swap3A_224, %swap3A_225], %swap3A_228 {strides = array<i32>} : memref<64x128xf32, #tpu.memory_space<vmem>>, vector<1x16xf32>,
          %swap3A_229 = arith.index_cast %add3A_219 : i32 to index
          %swap3A_230 = arith.constant 16 : index
          %swap3A_231 = tpu.vector_load %arg15[%swap3A_229, %swap3A_230] {strides = array<i32>} : memref<64x128xf32, #tpu.memory_space<vmem>>, vector<1x16xf32>,
          %swap3A_232 = vector.shape_cast %swap3A_231 : vector<1x16xf32> to vector<16xf32>
          %swap3A_233 = vector.shape_cast %broadcast_in_dim3A_1 : vector<16xf32> to vector<1x16xf32>
          tpu.vector_store %arg15[%swap3A_229, %swap3A_230], %swap3A_233 {strides = array<i32>} : memref<64x128xf32, #tpu.memory_space<vmem>>, vector<1x16xf32>,
          %swap3A_234 = arith.index_cast %add3A_219 : i32 to index
          %swap3A_235 = arith.constant 32 : index
          %swap3A_236 = tpu.vector_load %arg15[%swap3A_234, %swap3A_235] {strides = array<i32>} : memref<64x128xf32, #tpu.memory_space<vmem>>, vector<1x16xf32>,
          %swap3A_237 = vector.shape_cast %swap3A_236 : vector<1x16xf32> to vector<16xf32>
          %swap3A_238 = vector.shape_cast %broadcast_in_dim3A_1 : vector<16xf32> to vector<1x16xf32>
          tpu.vector_store %arg15[%swap3A_234, %swap3A_235], %swap3A_238 {strides = array<i32>} : memref<64x128xf32, #tpu.memory_space<vmem>>, vector<1x16xf32>,
          %swap3A_239 = arith.index_cast %add3A_219 : i32 to index
          %swap3A_240 = arith.constant 48 : index
          %swap3A_241 = tpu.vector_load %arg15[%swap3A_239, %swap3A_240] {strides = array<i32>} : memref<64x128xf32, #tpu.memory_space<vmem>>, vector<1x16xf32>,
          %swap3A_242 = vector.shape_cast %swap3A_241 : vector<1x16xf32> to vector<16xf32>
          %swap3A_243 = vector.shape_cast %broadcast_in_dim3A_1 : vector<16xf32> to vector<1x16xf32>
          tpu.vector_store %arg15[%swap3A_239, %swap3A_240], %swap3A_243 {strides = array<i32>} : memref<64x128xf32, #tpu.memory_space<vmem>>, vector<1x16xf32>,
          %swap3A_244 = arith.index_cast %add3A_219 : i32 to index
          %swap3A_245 = arith.constant 64 : index
          %swap3A_246 = tpu.vector_load %arg15[%swap3A_244, %swap3A_245] {strides = array<i32>} : memref<64x128xf32, #tpu.memory_space<vmem>>, vector<1x16xf32>,
          %swap3A_247 = vector.shape_cast %swap3A_246 : vector<1x16xf32> to vector<16xf32>
          %swap3A_248 = vector.shape_cast %broadcast_in_dim3A_1 : vector<16xf32> to vector<1x16xf32>
          tpu.vector_store %arg15[%swap3A_244, %swap3A_245], %swap3A_248 {strides = array<i32>} : memref<64x128xf32, #tpu.memory_space<vmem>>, vector<1x16xf32>,
          %swap3A_249 = arith.index_cast %add3A_219 : i32 to index
          %swap3A_250 = arith.constant 80 : index
          %swap3A_251 = tpu.vector_load %arg15[%swap3A_249, %swap3A_250] {strides = array<i32>} : memref<64x128xf32, #tpu.memory_space<vmem>>, vector<1x16xf32>,
          %swap3A_252 = vector.shape_cast %swap3A_251 : vector<1x16xf32> to vector<16xf32>
          %swap3A_253 = vector.shape_cast %broadcast_in_dim3A_1 : vector<16xf32> to vector<1x16xf32>
          tpu.vector_store %arg15[%swap3A_249, %swap3A_250], %swap3A_253 {strides = array<i32>} : memref<64x128xf32, #tpu.memory_space<vmem>>, vector<1x16xf32>,
          %swap3A_254 = arith.index_cast %add3A_219 : i32 to index
          %swap3A_255 = arith.constant 96 : index
          %swap3A_256 = tpu.vector_load %arg15[%swap3A_254, %swap3A_255] {strides = array<i32>} : memref<64x128xf32, #tpu.memory_space<vmem>>, vector<1x16xf32>,
          %swap3A_257 = vector.shape_cast %swap3A_256 : vector<1x16xf32> to vector<16xf32>
          %swap3A_258 = vector.shape_cast %broadcast_in_dim3A_1 : vector<16xf32> to vector<1x16xf32>
          tpu.vector_store %arg15[%swap3A_254, %swap3A_255], %swap3A_258 {strides = array<i32>} : memref<64x128xf32, #tpu.memory_space<vmem>>, vector<1x16xf32>,
          %swap3A_259 = arith.index_cast %add3A_219 : i32 to index
          %swap3A_260 = arith.constant 112 : index
          %swap3A_261 = tpu.vector_load %arg15[%swap3A_259, %swap3A_260] {strides = array<i32>} : memref<64x128xf32, #tpu.memory_space<vmem>>, vector<1x16xf32>,
          %swap3A_262 = vector.shape_cast %swap3A_261 : vector<1x16xf32> to vector<16xf32>
          %swap3A_263 = vector.shape_cast %broadcast_in_dim3A_1 : vector<16xf32> to vector<1x16xf32>
          tpu.vector_store %arg15[%swap3A_259, %swap3A_260], %swap3A_263 {strides = array<i32>} : memref<64x128xf32, #tpu.memory_space<vmem>>, vector<1x16xf32>,
          %slice3A = vector.extract_strided_slice %get3A_208 {offsets = [0], sizes = [1], strides = [1]} : vector<16xi32> to vector<1xi32>
          %squeeze3A = vector.extract %slice3A[0] : i32 from vector<1xi32>
          %rem3A = arith.constant 8 : i32
          %rem3A_264 = arith.remsi %squeeze3A, %rem3A : i32
          %mul3A_265 = arith.constant 16 : i32
          %mul3A_266 = arith.muli %rem3A_264, %mul3A_265 : i32
          %swap3A_267 = arith.index_cast %add3A_219 : i32 to index
          %swap3A_268 = arith.index_cast %mul3A_266 : i32 to index
          %swap3A_269 = tpu.vector_load %arg15[%swap3A_267, %swap3A_268] {strides = array<i32>} : memref<64x128xf32, #tpu.memory_space<vmem>>, vector<1x16xf32>,
          %swap3A_270 = vector.shape_cast %swap3A_269 : vector<1x16xf32> to vector<16xf32>
          %swap3A_271 = vector.shape_cast %get3A_223 : vector<16xf32> to vector<1x16xf32>
          tpu.vector_store %arg15[%swap3A_267, %swap3A_268], %swap3A_271 {strides = array<i32>} : memref<64x128xf32, #tpu.memory_space<vmem>>, vector<1x16xf32>,
          %mul3A_272 = arith.constant 16 : i32
          %mul3A_273 = arith.muli %add3A_204, %mul3A_272 : i32
          %add3A_274 = arith.constant 1 : i32
          %add3A_275 = arith.addi %mul3A_273, %add3A_274 : i32
          %get3A_276 = arith.index_cast %add3A_275 : i32 to index
          %get3A_277 = arith.constant 0 : index
          %get3A_278 = tpu.vector_load %arg17[%get3A_276, %get3A_277] {strides = array<i32>} : memref<64x16xf32, #tpu.memory_space<vmem>>, vector<1x16xf32>,
          %get3A_279 = vector.shape_cast %get3A_278 : vector<1x16xf32> to vector<16xf32>
          %swap3A_280 = arith.index_cast %add3A_275 : i32 to index
          %swap3A_281 = arith.constant 0 : index
          %swap3A_282 = tpu.vector_load %arg15[%swap3A_280, %swap3A_281] {strides = array<i32>} : memref<64x128xf32, #tpu.memory_space<vmem>>, vector<1x16xf32>,
          %swap3A_283 = vector.shape_cast %swap3A_282 : vector<1x16xf32> to vector<16xf32>
          %swap3A_284 = vector.shape_cast %broadcast_in_dim3A_1 : vector<16xf32> to vector<1x16xf32>
          tpu.vector_store %arg15[%swap3A_280, %swap3A_281], %swap3A_284 {strides = array<i32>} : memref<64x128xf32, #tpu.memory_space<vmem>>, vector<1x16xf32>,
          %swap3A_285 = arith.index_cast %add3A_275 : i32 to index
          %swap3A_286 = arith.constant 16 : index
          %swap3A_287 = tpu.vector_load %arg15[%swap3A_285, %swap3A_286] {strides = array<i32>} : memref<64x128xf32, #tpu.memory_space<vmem>>, vector<1x16xf32>,
          %swap3A_288 = vector.shape_cast %swap3A_287 : vector<1x16xf32> to vector<16xf32>
          %swap3A_289 = vector.shape_cast %broadcast_in_dim3A_1 : vector<16xf32> to vector<1x16xf32>
          tpu.vector_store %arg15[%swap3A_285, %swap3A_286], %swap3A_289 {strides = array<i32>} : memref<64x128xf32, #tpu.memory_space<vmem>>, vector<1x16xf32>,
          %swap3A_290 = arith.index_cast %add3A_275 : i32 to index
          %swap3A_291 = arith.constant 32 : index
          %swap3A_292 = tpu.vector_load %arg15[%swap3A_290, %swap3A_291] {strides = array<i32>} : memref<64x128xf32, #tpu.memory_space<vmem>>, vector<1x16xf32>,
          %swap3A_293 = vector.shape_cast %swap3A_292 : vector<1x16xf32> to vector<16xf32>
          %swap3A_294 = vector.shape_cast %broadcast_in_dim3A_1 : vector<16xf32> to vector<1x16xf32>
          tpu.vector_store %arg15[%swap3A_290, %swap3A_291], %swap3A_294 {strides = array<i32>} : memref<64x128xf32, #tpu.memory_space<vmem>>, vector<1x16xf32>,
          %swap3A_295 = arith.index_cast %add3A_275 : i32 to index
          %swap3A_296 = arith.constant 48 : index
          %swap3A_297 = tpu.vector_load %arg15[%swap3A_295, %swap3A_296] {strides = array<i32>} : memref<64x128xf32, #tpu.memory_space<vmem>>, vector<1x16xf32>,
          %swap3A_298 = vector.shape_cast %swap3A_297 : vector<1x16xf32> to vector<16xf32>
          %swap3A_299 = vector.shape_cast %broadcast_in_dim3A_1 : vector<16xf32> to vector<1x16xf32>
          tpu.vector_store %arg15[%swap3A_295, %swap3A_296], %swap3A_299 {strides = array<i32>} : memref<64x128xf32, #tpu.memory_space<vmem>>, vector<1x16xf32>,
          %swap3A_300 = arith.index_cast %add3A_275 : i32 to index
          %swap3A_301 = arith.constant 64 : index
          %swap3A_302 = tpu.vector_load %arg15[%swap3A_300, %swap3A_301] {strides = array<i32>} : memref<64x128xf32, #tpu.memory_space<vmem>>, vector<1x16xf32>,
          %swap3A_303 = vector.shape_cast %swap3A_302 : vector<1x16xf32> to vector<16xf32>
          %swap3A_304 = vector.shape_cast %broadcast_in_dim3A_1 : vector<16xf32> to vector<1x16xf32>
          tpu.vector_store %arg15[%swap3A_300, %swap3A_301], %swap3A_304 {strides = array<i32>} : memref<64x128xf32, #tpu.memory_space<vmem>>, vector<1x16xf32>,
          %swap3A_305 = arith.index_cast %add3A_275 : i32 to index
          %swap3A_306 = arith.constant 80 : index
          %swap3A_307 = tpu.vector_load %arg15[%swap3A_305, %swap3A_306] {strides = array<i32>} : memref<64x128xf32, #tpu.memory_space<vmem>>, vector<1x16xf32>,
          %swap3A_308 = vector.shape_cast %swap3A_307 : vector<1x16xf32> to vector<16xf32>
          %swap3A_309 = vector.shape_cast %broadcast_in_dim3A_1 : vector<16xf32> to vector<1x16xf32>
          tpu.vector_store %arg15[%swap3A_305, %swap3A_306], %swap3A_309 {strides = array<i32>} : memref<64x128xf32, #tpu.memory_space<vmem>>, vector<1x16xf32>,
          %swap3A_310 = arith.index_cast %add3A_275 : i32 to index
          %swap3A_311 = arith.constant 96 : index
          %swap3A_312 = tpu.vector_load %arg15[%swap3A_310, %swap3A_311] {strides = array<i32>} : memref<64x128xf32, #tpu.memory_space<vmem>>, vector<1x16xf32>,
          %swap3A_313 = vector.shape_cast %swap3A_312 : vector<1x16xf32> to vector<16xf32>
          %swap3A_314 = vector.shape_cast %broadcast_in_dim3A_1 : vector<16xf32> to vector<1x16xf32>
          tpu.vector_store %arg15[%swap3A_310, %swap3A_311], %swap3A_314 {strides = array<i32>} : memref<64x128xf32, #tpu.memory_space<vmem>>, vector<1x16xf32>,
          %swap3A_315 = arith.index_cast %add3A_275 : i32 to index
          %swap3A_316 = arith.constant 112 : index
          %swap3A_317 = tpu.vector_load %arg15[%swap3A_315, %swap3A_316] {strides = array<i32>} : memref<64x128xf32, #tpu.memory_space<vmem>>, vector<1x16xf32>,
          %swap3A_318 = vector.shape_cast %swap3A_317 : vector<1x16xf32> to vector<16xf32>
          %swap3A_319 = vector.shape_cast %broadcast_in_dim3A_1 : vector<16xf32> to vector<1x16xf32>
          tpu.vector_store %arg15[%swap3A_315, %swap3A_316], %swap3A_319 {strides = array<i32>} : memref<64x128xf32, #tpu.memory_space<vmem>>, vector<1x16xf32>,
          %slice3A_320 = vector.extract_strided_slice %get3A_208 {offsets = [1], sizes = [1], strides = [1]} : vector<16xi32> to vector<1xi32>
          %squeeze3A_321 = vector.extract %slice3A_320[0] : i32 from vector<1xi32>
          %rem3A_322 = arith.constant 8 : i32
          %rem3A_323 = arith.remsi %squeeze3A_321, %rem3A_322 : i32
          %mul3A_324 = arith.constant 16 : i32
          %mul3A_325 = arith.muli %rem3A_323, %mul3A_324 : i32
          %swap3A_326 = arith.index_cast %add3A_275 : i32 to index
          %swap3A_327 = arith.index_cast %mul3A_325 : i32 to index
          %swap3A_328 = tpu.vector_load %arg15[%swap3A_326, %swap3A_327] {strides = array<i32>} : memref<64x128xf32, #tpu.memory_space<vmem>>, vector<1x16xf32>,
          %swap3A_329 = vector.shape_cast %swap3A_328 : vector<1x16xf32> to vector<16xf32>
          %swap3A_330 = vector.shape_cast %get3A_279 : vector<16xf32> to vector<1x16xf32>
          tpu.vector_store %arg15[%swap3A_326, %swap3A_327], %swap3A_330 {strides = array<i32>} : memref<64x128xf32, #tpu.memory_space<vmem>>, vector<1x16xf32>,
          %mul3A_331 = arith.constant 16 : i32
          %mul3A_332 = arith.muli %add3A_204, %mul3A_331 : i32
          %add3A_333 = arith.constant 2 : i32
          %add3A_334 = arith.addi %mul3A_332, %add3A_333 : i32
          %get3A_335 = arith.index_cast %add3A_334 : i32 to index
          %get3A_336 = arith.constant 0 : index
          %get3A_337 = tpu.vector_load %arg17[%get3A_335, %get3A_336] {strides = array<i32>} : memref<64x16xf32, #tpu.memory_space<vmem>>, vector<1x16xf32>,
          %get3A_338 = vector.shape_cast %get3A_337 : vector<1x16xf32> to vector<16xf32>
          %swap3A_339 = arith.index_cast %add3A_334 : i32 to index
          %swap3A_340 = arith.constant 0 : index
          %swap3A_341 = tpu.vector_load %arg15[%swap3A_339, %swap3A_340] {strides = array<i32>} : memref<64x128xf32, #tpu.memory_space<vmem>>, vector<1x16xf32>,
          %swap3A_342 = vector.shape_cast %swap3A_341 : vector<1x16xf32> to vector<16xf32>
          %swap3A_343 = vector.shape_cast %broadcast_in_dim3A_1 : vector<16xf32> to vector<1x16xf32>
          tpu.vector_store %arg15[%swap3A_339, %swap3A_340], %swap3A_343 {strides = array<i32>} : memref<64x128xf32, #tpu.memory_space<vmem>>, vector<1x16xf32>,
          %swap3A_344 = arith.index_cast %add3A_334 : i32 to index
          %swap3A_345 = arith.constant 16 : index
          %swap3A_346 = tpu.vector_load %arg15[%swap3A_344, %swap3A_345] {strides = array<i32>} : memref<64x128xf32, #tpu.memory_space<vmem>>, vector<1x16xf32>,
          %swap3A_347 = vector.shape_cast %swap3A_346 : vector<1x16xf32> to vector<16xf32>
          %swap3A_348 = vector.shape_cast %broadcast_in_dim3A_1 : vector<16xf32> to vector<1x16xf32>
          tpu.vector_store %arg15[%swap3A_344, %swap3A_345], %swap3A_348 {strides = array<i32>} : memref<64x128xf32, #tpu.memory_space<vmem>>, vector<1x16xf32>,
          %swap3A_349 = arith.index_cast %add3A_334 : i32 to index
          %swap3A_350 = arith.constant 32 : index
          %swap3A_351 = tpu.vector_load %arg15[%swap3A_349, %swap3A_350] {strides = array<i32>} : memref<64x128xf32, #tpu.memory_space<vmem>>, vector<1x16xf32>,
          %swap3A_352 = vector.shape_cast %swap3A_351 : vector<1x16xf32> to vector<16xf32>
          %swap3A_353 = vector.shape_cast %broadcast_in_dim3A_1 : vector<16xf32> to vector<1x16xf32>
          tpu.vector_store %arg15[%swap3A_349, %swap3A_350], %swap3A_353 {strides = array<i32>} : memref<64x128xf32, #tpu.memory_space<vmem>>, vector<1x16xf32>,
          %swap3A_354 = arith.index_cast %add3A_334 : i32 to index
          %swap3A_355 = arith.constant 48 : index
          %swap3A_356 = tpu.vector_load %arg15[%swap3A_354, %swap3A_355] {strides = array<i32>} : memref<64x128xf32, #tpu.memory_space<vmem>>, vector<1x16xf32>,
          %swap3A_357 = vector.shape_cast %swap3A_356 : vector<1x16xf32> to vector<16xf32>
          %swap3A_358 = vector.shape_cast %broadcast_in_dim3A_1 : vector<16xf32> to vector<1x16xf32>
          tpu.vector_store %arg15[%swap3A_354, %swap3A_355], %swap3A_358 {strides = array<i32>} : memref<64x128xf32, #tpu.memory_space<vmem>>, vector<1x16xf32>,
          %swap3A_359 = arith.index_cast %add3A_334 : i32 to index
          %swap3A_360 = arith.constant 64 : index
          %swap3A_361 = tpu.vector_load %arg15[%swap3A_359, %swap3A_360] {strides = array<i32>} : memref<64x128xf32, #tpu.memory_space<vmem>>, vector<1x16xf32>,
          %swap3A_362 = vector.shape_cast %swap3A_361 : vector<1x16xf32> to vector<16xf32>
          %swap3A_363 = vector.shape_cast %broadcast_in_dim3A_1 : vector<16xf32> to vector<1x16xf32>
          tpu.vector_store %arg15[%swap3A_359, %swap3A_360], %swap3A_363 {strides = array<i32>} : memref<64x128xf32, #tpu.memory_space<vmem>>, vector<1x16xf32>,
          %swap3A_364 = arith.index_cast %add3A_334 : i32 to index
          %swap3A_365 = arith.constant 80 : index
          %swap3A_366 = tpu.vector_load %arg15[%swap3A_364, %swap3A_365] {strides = array<i32>} : memref<64x128xf32, #tpu.memory_space<vmem>>, vector<1x16xf32>,
          %swap3A_367 = vector.shape_cast %swap3A_366 : vector<1x16xf32> to vector<16xf32>
          %swap3A_368 = vector.shape_cast %broadcast_in_dim3A_1 : vector<16xf32> to vector<1x16xf32>
          tpu.vector_store %arg15[%swap3A_364, %swap3A_365], %swap3A_368 {strides = array<i32>} : memref<64x128xf32, #tpu.memory_space<vmem>>, vector<1x16xf32>,
          %swap3A_369 = arith.index_cast %add3A_334 : i32 to index
          %swap3A_370 = arith.constant 96 : index
          %swap3A_371 = tpu.vector_load %arg15[%swap3A_369, %swap3A_370] {strides = array<i32>} : memref<64x128xf32, #tpu.memory_space<vmem>>, vector<1x16xf32>,
          %swap3A_372 = vector.shape_cast %swap3A_371 : vector<1x16xf32> to vector<16xf32>
          %swap3A_373 = vector.shape_cast %broadcast_in_dim3A_1 : vector<16xf32> to vector<1x16xf32>
          tpu.vector_store %arg15[%swap3A_369, %swap3A_370], %swap3A_373 {strides = array<i32>} : memref<64x128xf32, #tpu.memory_space<vmem>>, vector<1x16xf32>,
          %swap3A_374 = arith.index_cast %add3A_334 : i32 to index
          %swap3A_375 = arith.constant 112 : index
          %swap3A_376 = tpu.vector_load %arg15[%swap3A_374, %swap3A_375] {strides = array<i32>} : memref<64x128xf32, #tpu.memory_space<vmem>>, vector<1x16xf32>,
          %swap3A_377 = vector.shape_cast %swap3A_376 : vector<1x16xf32> to vector<16xf32>
          %swap3A_378 = vector.shape_cast %broadcast_in_dim3A_1 : vector<16xf32> to vector<1x16xf32>
          tpu.vector_store %arg15[%swap3A_374, %swap3A_375], %swap3A_378 {strides = array<i32>} : memref<64x128xf32, #tpu.memory_space<vmem>>, vector<1x16xf32>,
          %slice3A_379 = vector.extract_strided_slice %get3A_208 {offsets = [2], sizes = [1], strides = [1]} : vector<16xi32> to vector<1xi32>
          %squeeze3A_380 = vector.extract %slice3A_379[0] : i32 from vector<1xi32>
          %rem3A_381 = arith.constant 8 : i32
          %rem3A_382 = arith.remsi %squeeze3A_380, %rem3A_381 : i32
          %mul3A_383 = arith.constant 16 : i32
          %mul3A_384 = arith.muli %rem3A_382, %mul3A_383 : i32
          %swap3A_385 = arith.index_cast %add3A_334 : i32 to index
          %swap3A_386 = arith.index_cast %mul3A_384 : i32 to index
          %swap3A_387 = tpu.vector_load %arg15[%swap3A_385, %swap3A_386] {strides = array<i32>} : memref<64x128xf32, #tpu.memory_space<vmem>>, vector<1x16xf32>,
          %swap3A_388 = vector.shape_cast %swap3A_387 : vector<1x16xf32> to vector<16xf32>
          %swap3A_389 = vector.shape_cast %get3A_338 : vector<16xf32> to vector<1x16xf32>
          tpu.vector_store %arg15[%swap3A_385, %swap3A_386], %swap3A_389 {strides = array<i32>} : memref<64x128xf32, #tpu.memory_space<vmem>>, vector<1x16xf32>,
          %mul3A_390 = arith.constant 16 : i32
          %mul3A_391 = arith.muli %add3A_204, %mul3A_390 : i32
          %add3A_392 = arith.constant 3 : i32
          %add3A_393 = arith.addi %mul3A_391, %add3A_392 : i32
          %get3A_394 = arith.index_cast %add3A_393 : i32 to index
          %get3A_395 = arith.constant 0 : index
          %get3A_396 = tpu.vector_load %arg17[%get3A_394, %get3A_395] {strides = array<i32>} : memref<64x16xf32, #tpu.memory_space<vmem>>, vector<1x16xf32>,
          %get3A_397 = vector.shape_cast %get3A_396 : vector<1x16xf32> to vector<16xf32>
          %swap3A_398 = arith.index_cast %add3A_393 : i32 to index
          %swap3A_399 = arith.constant 0 : index
          %swap3A_400 = tpu.vector_load %arg15[%swap3A_398, %swap3A_399] {strides = array<i32>} : memref<64x128xf32, #tpu.memory_space<vmem>>, vector<1x16xf32>,
          %swap3A_401 = vector.shape_cast %swap3A_400 : vector<1x16xf32> to vector<16xf32>
          %swap3A_402 = vector.shape_cast %broadcast_in_dim3A_1 : vector<16xf32> to vector<1x16xf32>
          tpu.vector_store %arg15[%swap3A_398, %swap3A_399], %swap3A_402 {strides = array<i32>} : memref<64x128xf32, #tpu.memory_space<vmem>>, vector<1x16xf32>,
          %swap3A_403 = arith.index_cast %add3A_393 : i32 to index
          %swap3A_404 = arith.constant 16 : index
          %swap3A_405 = tpu.vector_load %arg15[%swap3A_403, %swap3A_404] {strides = array<i32>} : memref<64x128xf32, #tpu.memory_space<vmem>>, vector<1x16xf32>,
          %swap3A_406 = vector.shape_cast %swap3A_405 : vector<1x16xf32> to vector<16xf32>
          %swap3A_407 = vector.shape_cast %broadcast_in_dim3A_1 : vector<16xf32> to vector<1x16xf32>
          tpu.vector_store %arg15[%swap3A_403, %swap3A_404], %swap3A_407 {strides = array<i32>} : memref<64x128xf32, #tpu.memory_space<vmem>>, vector<1x16xf32>,
          %swap3A_408 = arith.index_cast %add3A_393 : i32 to index
          %swap3A_409 = arith.constant 32 : index
          %swap3A_410 = tpu.vector_load %arg15[%swap3A_408, %swap3A_409] {strides = array<i32>} : memref<64x128xf32, #tpu.memory_space<vmem>>, vector<1x16xf32>,
          %swap3A_411 = vector.shape_cast %swap3A_410 : vector<1x16xf32> to vector<16xf32>
          %swap3A_412 = vector.shape_cast %broadcast_in_dim3A_1 : vector<16xf32> to vector<1x16xf32>
          tpu.vector_store %arg15[%swap3A_408, %swap3A_409], %swap3A_412 {strides = array<i32>} : memref<64x128xf32, #tpu.memory_space<vmem>>, vector<1x16xf32>,
          %swap3A_413 = arith.index_cast %add3A_393 : i32 to index
          %swap3A_414 = arith.constant 48 : index
          %swap3A_415 = tpu.vector_load %arg15[%swap3A_413, %swap3A_414] {strides = array<i32>} : memref<64x128xf32, #tpu.memory_space<vmem>>, vector<1x16xf32>,
          %swap3A_416 = vector.shape_cast %swap3A_415 : vector<1x16xf32> to vector<16xf32>
          %swap3A_417 = vector.shape_cast %broadcast_in_dim3A_1 : vector<16xf32> to vector<1x16xf32>
          tpu.vector_store %arg15[%swap3A_413, %swap3A_414], %swap3A_417 {strides = array<i32>} : memref<64x128xf32, #tpu.memory_space<vmem>>, vector<1x16xf32>,
          %swap3A_418 = arith.index_cast %add3A_393 : i32 to index
          %swap3A_419 = arith.constant 64 : index
          %swap3A_420 = tpu.vector_load %arg15[%swap3A_418, %swap3A_419] {strides = array<i32>} : memref<64x128xf32, #tpu.memory_space<vmem>>, vector<1x16xf32>,
          %swap3A_421 = vector.shape_cast %swap3A_420 : vector<1x16xf32> to vector<16xf32>
          %swap3A_422 = vector.shape_cast %broadcast_in_dim3A_1 : vector<16xf32> to vector<1x16xf32>
          tpu.vector_store %arg15[%swap3A_418, %swap3A_419], %swap3A_422 {strides = array<i32>} : memref<64x128xf32, #tpu.memory_space<vmem>>, vector<1x16xf32>,
          %swap3A_423 = arith.index_cast %add3A_393 : i32 to index
          %swap3A_424 = arith.constant 80 : index
          %swap3A_425 = tpu.vector_load %arg15[%swap3A_423, %swap3A_424] {strides = array<i32>} : memref<64x128xf32, #tpu.memory_space<vmem>>, vector<1x16xf32>,
          %swap3A_426 = vector.shape_cast %swap3A_425 : vector<1x16xf32> to vector<16xf32>
          %swap3A_427 = vector.shape_cast %broadcast_in_dim3A_1 : vector<16xf32> to vector<1x16xf32>
          tpu.vector_store %arg15[%swap3A_423, %swap3A_424], %swap3A_427 {strides = array<i32>} : memref<64x128xf32, #tpu.memory_space<vmem>>, vector<1x16xf32>,
          %swap3A_428 = arith.index_cast %add3A_393 : i32 to index
          %swap3A_429 = arith.constant 96 : index
          %swap3A_430 = tpu.vector_load %arg15[%swap3A_428, %swap3A_429] {strides = array<i32>} : memref<64x128xf32, #tpu.memory_space<vmem>>, vector<1x16xf32>,
          %swap3A_431 = vector.shape_cast %swap3A_430 : vector<1x16xf32> to vector<16xf32>
          %swap3A_432 = vector.shape_cast %broadcast_in_dim3A_1 : vector<16xf32> to vector<1x16xf32>
          tpu.vector_store %arg15[%swap3A_428, %swap3A_429], %swap3A_432 {strides = array<i32>} : memref<64x128xf32, #tpu.memory_space<vmem>>, vector<1x16xf32>,
          %swap3A_433 = arith.index_cast %add3A_393 : i32 to index
          %swap3A_434 = arith.constant 112 : index
          %swap3A_435 = tpu.vector_load %arg15[%swap3A_433, %swap3A_434] {strides = array<i32>} : memref<64x128xf32, #tpu.memory_space<vmem>>, vector<1x16xf32>,
          %swap3A_436 = vector.shape_cast %swap3A_435 : vector<1x16xf32> to vector<16xf32>
          %swap3A_437 = vector.shape_cast %broadcast_in_dim3A_1 : vector<16xf32> to vector<1x16xf32>
          tpu.vector_store %arg15[%swap3A_433, %swap3A_434], %swap3A_437 {strides = array<i32>} : memref<64x128xf32, #tpu.memory_space<vmem>>, vector<1x16xf32>,
          %slice3A_438 = vector.extract_strided_slice %get3A_208 {offsets = [3], sizes = [1], strides = [1]} : vector<16xi32> to vector<1xi32>
          %squeeze3A_439 = vector.extract %slice3A_438[0] : i32 from vector<1xi32>
          %rem3A_440 = arith.constant 8 : i32
          %rem3A_441 = arith.remsi %squeeze3A_439, %rem3A_440 : i32
          %mul3A_442 = arith.constant 16 : i32
          %mul3A_443 = arith.muli %rem3A_441, %mul3A_442 : i32
          %swap3A_444 = arith.index_cast %add3A_393 : i32 to index
          %swap3A_445 = arith.index_cast %mul3A_443 : i32 to index
          %swap3A_446 = tpu.vector_load %arg15[%swap3A_444, %swap3A_445] {strides = array<i32>} : memref<64x128xf32, #tpu.memory_space<vmem>>, vector<1x16xf32>,
          %swap3A_447 = vector.shape_cast %swap3A_446 : vector<1x16xf32> to vector<16xf32>
          %swap3A_448 = vector.shape_cast %get3A_397 : vector<16xf32> to vector<1x16xf32>
          tpu.vector_store %arg15[%swap3A_444, %swap3A_445], %swap3A_448 {strides = array<i32>} : memref<64x128xf32, #tpu.memory_space<vmem>>, vector<1x16xf32>,
          %mul3A_449 = arith.constant 16 : i32
          %mul3A_450 = arith.muli %add3A_204, %mul3A_449 : i32
          %add3A_451 = arith.constant 4 : i32
          %add3A_452 = arith.addi %mul3A_450, %add3A_451 : i32
          %get3A_453 = arith.index_cast %add3A_452 : i32 to index
          %get3A_454 = arith.constant 0 : index
          %get3A_455 = tpu.vector_load %arg17[%get3A_453, %get3A_454] {strides = array<i32>} : memref<64x16xf32, #tpu.memory_space<vmem>>, vector<1x16xf32>,
          %get3A_456 = vector.shape_cast %get3A_455 : vector<1x16xf32> to vector<16xf32>
          %swap3A_457 = arith.index_cast %add3A_452 : i32 to index
          %swap3A_458 = arith.constant 0 : index
          %swap3A_459 = tpu.vector_load %arg15[%swap3A_457, %swap3A_458] {strides = array<i32>} : memref<64x128xf32, #tpu.memory_space<vmem>>, vector<1x16xf32>,
          %swap3A_460 = vector.shape_cast %swap3A_459 : vector<1x16xf32> to vector<16xf32>
          %swap3A_461 = vector.shape_cast %broadcast_in_dim3A_1 : vector<16xf32> to vector<1x16xf32>
          tpu.vector_store %arg15[%swap3A_457, %swap3A_458], %swap3A_461 {strides = array<i32>} : memref<64x128xf32, #tpu.memory_space<vmem>>, vector<1x16xf32>,
          %swap3A_462 = arith.index_cast %add3A_452 : i32 to index
          %swap3A_463 = arith.constant 16 : index
          %swap3A_464 = tpu.vector_load %arg15[%swap3A_462, %swap3A_463] {strides = array<i32>} : memref<64x128xf32, #tpu.memory_space<vmem>>, vector<1x16xf32>,
          %swap3A_465 = vector.shape_cast %swap3A_464 : vector<1x16xf32> to vector<16xf32>
          %swap3A_466 = vector.shape_cast %broadcast_in_dim3A_1 : vector<16xf32> to vector<1x16xf32>
          tpu.vector_store %arg15[%swap3A_462, %swap3A_463], %swap3A_466 {strides = array<i32>} : memref<64x128xf32, #tpu.memory_space<vmem>>, vector<1x16xf32>,
          %swap3A_467 = arith.index_cast %add3A_452 : i32 to index
          %swap3A_468 = arith.constant 32 : index
          %swap3A_469 = tpu.vector_load %arg15[%swap3A_467, %swap3A_468] {strides = array<i32>} : memref<64x128xf32, #tpu.memory_space<vmem>>, vector<1x16xf32>,
          %swap3A_470 = vector.shape_cast %swap3A_469 : vector<1x16xf32> to vector<16xf32>
          %swap3A_471 = vector.shape_cast %broadcast_in_dim3A_1 : vector<16xf32> to vector<1x16xf32>
          tpu.vector_store %arg15[%swap3A_467, %swap3A_468], %swap3A_471 {strides = array<i32>} : memref<64x128xf32, #tpu.memory_space<vmem>>, vector<1x16xf32>,
          %swap3A_472 = arith.index_cast %add3A_452 : i32 to index
          %swap3A_473 = arith.constant 48 : index
          %swap3A_474 = tpu.vector_load %arg15[%swap3A_472, %swap3A_473] {strides = array<i32>} : memref<64x128xf32, #tpu.memory_space<vmem>>, vector<1x16xf32>,
          %swap3A_475 = vector.shape_cast %swap3A_474 : vector<1x16xf32> to vector<16xf32>
          %swap3A_476 = vector.shape_cast %broadcast_in_dim3A_1 : vector<16xf32> to vector<1x16xf32>
          tpu.vector_store %arg15[%swap3A_472, %swap3A_473], %swap3A_476 {strides = array<i32>} : memref<64x128xf32, #tpu.memory_space<vmem>>, vector<1x16xf32>,
          %swap3A_477 = arith.index_cast %add3A_452 : i32 to index
          %swap3A_478 = arith.constant 64 : index
          %swap3A_479 = tpu.vector_load %arg15[%swap3A_477, %swap3A_478] {strides = array<i32>} : memref<64x128xf32, #tpu.memory_space<vmem>>, vector<1x16xf32>,
          %swap3A_480 = vector.shape_cast %swap3A_479 : vector<1x16xf32> to vector<16xf32>
          %swap3A_481 = vector.shape_cast %broadcast_in_dim3A_1 : vector<16xf32> to vector<1x16xf32>
          tpu.vector_store %arg15[%swap3A_477, %swap3A_478], %swap3A_481 {strides = array<i32>} : memref<64x128xf32, #tpu.memory_space<vmem>>, vector<1x16xf32>,
          %swap3A_482 = arith.index_cast %add3A_452 : i32 to index
          %swap3A_483 = arith.constant 80 : index
          %swap3A_484 = tpu.vector_load %arg15[%swap3A_482, %swap3A_483] {strides = array<i32>} : memref<64x128xf32, #tpu.memory_space<vmem>>, vector<1x16xf32>,
          %swap3A_485 = vector.shape_cast %swap3A_484 : vector<1x16xf32> to vector<16xf32>
          %swap3A_486 = vector.shape_cast %broadcast_in_dim3A_1 : vector<16xf32> to vector<1x16xf32>
          tpu.vector_store %arg15[%swap3A_482, %swap3A_483], %swap3A_486 {strides = array<i32>} : memref<64x128xf32, #tpu.memory_space<vmem>>, vector<1x16xf32>,
          %swap3A_487 = arith.index_cast %add3A_452 : i32 to index
          %swap3A_488 = arith.constant 96 : index
          %swap3A_489 = tpu.vector_load %arg15[%swap3A_487, %swap3A_488] {strides = array<i32>} : memref<64x128xf32, #tpu.memory_space<vmem>>, vector<1x16xf32>,
          %swap3A_490 = vector.shape_cast %swap3A_489 : vector<1x16xf32> to vector<16xf32>
          %swap3A_491 = vector.shape_cast %broadcast_in_dim3A_1 : vector<16xf32> to vector<1x16xf32>
          tpu.vector_store %arg15[%swap3A_487, %swap3A_488], %swap3A_491 {strides = array<i32>} : memref<64x128xf32, #tpu.memory_space<vmem>>, vector<1x16xf32>,
          %swap3A_492 = arith.index_cast %add3A_452 : i32 to index
          %swap3A_493 = arith.constant 112 : index
          %swap3A_494 = tpu.vector_load %arg15[%swap3A_492, %swap3A_493] {strides = array<i32>} : memref<64x128xf32, #tpu.memory_space<vmem>>, vector<1x16xf32>,
          %swap3A_495 = vector.shape_cast %swap3A_494 : vector<1x16xf32> to vector<16xf32>
          %swap3A_496 = vector.shape_cast %broadcast_in_dim3A_1 : vector<16xf32> to vector<1x16xf32>
          tpu.vector_store %arg15[%swap3A_492, %swap3A_493], %swap3A_496 {strides = array<i32>} : memref<64x128xf32, #tpu.memory_space<vmem>>, vector<1x16xf32>,
          %slice3A_497 = vector.extract_strided_slice %get3A_208 {offsets = [4], sizes = [1], strides = [1]} : vector<16xi32> to vector<1xi32>
          %squeeze3A_498 = vector.extract %slice3A_497[0] : i32 from vector<1xi32>
          %rem3A_499 = arith.constant 8 : i32
          %rem3A_500 = arith.remsi %squeeze3A_498, %rem3A_499 : i32
          %mul3A_501 = arith.constant 16 : i32
          %mul3A_502 = arith.muli %rem3A_500, %mul3A_501 : i32
          %swap3A_503 = arith.index_cast %add3A_452 : i32 to index
          %swap3A_504 = arith.index_cast %mul3A_502 : i32 to index
          %swap3A_505 = tpu.vector_load %arg15[%swap3A_503, %swap3A_504] {strides = array<i32>} : memref<64x128xf32, #tpu.memory_space<vmem>>, vector<1x16xf32>,
          %swap3A_506 = vector.shape_cast %swap3A_505 : vector<1x16xf32> to vector<16xf32>
          %swap3A_507 = vector.shape_cast %get3A_456 : vector<16xf32> to vector<1x16xf32>
          tpu.vector_store %arg15[%swap3A_503, %swap3A_504], %swap3A_507 {strides = array<i32>} : memref<64x128xf32, #tpu.memory_space<vmem>>, vector<1x16xf32>,
          %mul3A_508 = arith.constant 16 : i32
          %mul3A_509 = arith.muli %add3A_204, %mul3A_508 : i32
          %add3A_510 = arith.constant 5 : i32
          %add3A_511 = arith.addi %mul3A_509, %add3A_510 : i32
          %get3A_512 = arith.index_cast %add3A_511 : i32 to index
          %get3A_513 = arith.constant 0 : index
          %get3A_514 = tpu.vector_load %arg17[%get3A_512, %get3A_513] {strides = array<i32>} : memref<64x16xf32, #tpu.memory_space<vmem>>, vector<1x16xf32>,
          %get3A_515 = vector.shape_cast %get3A_514 : vector<1x16xf32> to vector<16xf32>
          %swap3A_516 = arith.index_cast %add3A_511 : i32 to index
          %swap3A_517 = arith.constant 0 : index
          %swap3A_518 = tpu.vector_load %arg15[%swap3A_516, %swap3A_517] {strides = array<i32>} : memref<64x128xf32, #tpu.memory_space<vmem>>, vector<1x16xf32>,
          %swap3A_519 = vector.shape_cast %swap3A_518 : vector<1x16xf32> to vector<16xf32>
          %swap3A_520 = vector.shape_cast %broadcast_in_dim3A_1 : vector<16xf32> to vector<1x16xf32>
          tpu.vector_store %arg15[%swap3A_516, %swap3A_517], %swap3A_520 {strides = array<i32>} : memref<64x128xf32, #tpu.memory_space<vmem>>, vector<1x16xf32>,
          %swap3A_521 = arith.index_cast %add3A_511 : i32 to index
          %swap3A_522 = arith.constant 16 : index
          %swap3A_523 = tpu.vector_load %arg15[%swap3A_521, %swap3A_522] {strides = array<i32>} : memref<64x128xf32, #tpu.memory_space<vmem>>, vector<1x16xf32>,
          %swap3A_524 = vector.shape_cast %swap3A_523 : vector<1x16xf32> to vector<16xf32>
          %swap3A_525 = vector.shape_cast %broadcast_in_dim3A_1 : vector<16xf32> to vector<1x16xf32>
          tpu.vector_store %arg15[%swap3A_521, %swap3A_522], %swap3A_525 {strides = array<i32>} : memref<64x128xf32, #tpu.memory_space<vmem>>, vector<1x16xf32>,
          %swap3A_526 = arith.index_cast %add3A_511 : i32 to index
          %swap3A_527 = arith.constant 32 : index
          %swap3A_528 = tpu.vector_load %arg15[%swap3A_526, %swap3A_527] {strides = array<i32>} : memref<64x128xf32, #tpu.memory_space<vmem>>, vector<1x16xf32>,
          %swap3A_529 = vector.shape_cast %swap3A_528 : vector<1x16xf32> to vector<16xf32>
          %swap3A_530 = vector.shape_cast %broadcast_in_dim3A_1 : vector<16xf32> to vector<1x16xf32>
          tpu.vector_store %arg15[%swap3A_526, %swap3A_527], %swap3A_530 {strides = array<i32>} : memref<64x128xf32, #tpu.memory_space<vmem>>, vector<1x16xf32>,
          %swap3A_531 = arith.index_cast %add3A_511 : i32 to index
          %swap3A_532 = arith.constant 48 : index
          %swap3A_533 = tpu.vector_load %arg15[%swap3A_531, %swap3A_532] {strides = array<i32>} : memref<64x128xf32, #tpu.memory_space<vmem>>, vector<1x16xf32>,
          %swap3A_534 = vector.shape_cast %swap3A_533 : vector<1x16xf32> to vector<16xf32>
          %swap3A_535 = vector.shape_cast %broadcast_in_dim3A_1 : vector<16xf32> to vector<1x16xf32>
          tpu.vector_store %arg15[%swap3A_531, %swap3A_532], %swap3A_535 {strides = array<i32>} : memref<64x128xf32, #tpu.memory_space<vmem>>, vector<1x16xf32>,
          %swap3A_536 = arith.index_cast %add3A_511 : i32 to index
          %swap3A_537 = arith.constant 64 : index
          %swap3A_538 = tpu.vector_load %arg15[%swap3A_536, %swap3A_537] {strides = array<i32>} : memref<64x128xf32, #tpu.memory_space<vmem>>, vector<1x16xf32>,
          %swap3A_539 = vector.shape_cast %swap3A_538 : vector<1x16xf32> to vector<16xf32>
          %swap3A_540 = vector.shape_cast %broadcast_in_dim3A_1 : vector<16xf32> to vector<1x16xf32>
          tpu.vector_store %arg15[%swap3A_536, %swap3A_537], %swap3A_540 {strides = array<i32>} : memref<64x128xf32, #tpu.memory_space<vmem>>, vector<1x16xf32>,
          %swap3A_541 = arith.index_cast %add3A_511 : i32 to index
          %swap3A_542 = arith.constant 80 : index
          %swap3A_543 = tpu.vector_load %arg15[%swap3A_541, %swap3A_542] {strides = array<i32>} : memref<64x128xf32, #tpu.memory_space<vmem>>, vector<1x16xf32>,
          %swap3A_544 = vector.shape_cast %swap3A_543 : vector<1x16xf32> to vector<16xf32>
          %swap3A_545 = vector.shape_cast %broadcast_in_dim3A_1 : vector<16xf32> to vector<1x16xf32>
          tpu.vector_store %arg15[%swap3A_541, %swap3A_542], %swap3A_545 {strides = array<i32>} : memref<64x128xf32, #tpu.memory_space<vmem>>, vector<1x16xf32>,
          %swap3A_546 = arith.index_cast %add3A_511 : i32 to index
          %swap3A_547 = arith.constant 96 : index
          %swap3A_548 = tpu.vector_load %arg15[%swap3A_546, %swap3A_547] {strides = array<i32>} : memref<64x128xf32, #tpu.memory_space<vmem>>, vector<1x16xf32>,
          %swap3A_549 = vector.shape_cast %swap3A_548 : vector<1x16xf32> to vector<16xf32>
          %swap3A_550 = vector.shape_cast %broadcast_in_dim3A_1 : vector<16xf32> to vector<1x16xf32>
          tpu.vector_store %arg15[%swap3A_546, %swap3A_547], %swap3A_550 {strides = array<i32>} : memref<64x128xf32, #tpu.memory_space<vmem>>, vector<1x16xf32>,
          %swap3A_551 = arith.index_cast %add3A_511 : i32 to index
          %swap3A_552 = arith.constant 112 : index
          %swap3A_553 = tpu.vector_load %arg15[%swap3A_551, %swap3A_552] {strides = array<i32>} : memref<64x128xf32, #tpu.memory_space<vmem>>, vector<1x16xf32>,
          %swap3A_554 = vector.shape_cast %swap3A_553 : vector<1x16xf32> to vector<16xf32>
          %swap3A_555 = vector.shape_cast %broadcast_in_dim3A_1 : vector<16xf32> to vector<1x16xf32>
          tpu.vector_store %arg15[%swap3A_551, %swap3A_552], %swap3A_555 {strides = array<i32>} : memref<64x128xf32, #tpu.memory_space<vmem>>, vector<1x16xf32>,
          %slice3A_556 = vector.extract_strided_slice %get3A_208 {offsets = [5], sizes = [1], strides = [1]} : vector<16xi32> to vector<1xi32>
          %squeeze3A_557 = vector.extract %slice3A_556[0] : i32 from vector<1xi32>
          %rem3A_558 = arith.constant 8 : i32
          %rem3A_559 = arith.remsi %squeeze3A_557, %rem3A_558 : i32
          %mul3A_560 = arith.constant 16 : i32
          %mul3A_561 = arith.muli %rem3A_559, %mul3A_560 : i32
          %swap3A_562 = arith.index_cast %add3A_511 : i32 to index
          %swap3A_563 = arith.index_cast %mul3A_561 : i32 to index
          %swap3A_564 = tpu.vector_load %arg15[%swap3A_562, %swap3A_563] {strides = array<i32>} : memref<64x128xf32, #tpu.memory_space<vmem>>, vector<1x16xf32>,
          %swap3A_565 = vector.shape_cast %swap3A_564 : vector<1x16xf32> to vector<16xf32>
          %swap3A_566 = vector.shape_cast %get3A_515 : vector<16xf32> to vector<1x16xf32>
          tpu.vector_store %arg15[%swap3A_562, %swap3A_563], %swap3A_566 {strides = array<i32>} : memref<64x128xf32, #tpu.memory_space<vmem>>, vector<1x16xf32>,
          %mul3A_567 = arith.constant 16 : i32
          %mul3A_568 = arith.muli %add3A_204, %mul3A_567 : i32
          %add3A_569 = arith.constant 6 : i32
          %add3A_570 = arith.addi %mul3A_568, %add3A_569 : i32
          %get3A_571 = arith.index_cast %add3A_570 : i32 to index
          %get3A_572 = arith.constant 0 : index
          %get3A_573 = tpu.vector_load %arg17[%get3A_571, %get3A_572] {strides = array<i32>} : memref<64x16xf32, #tpu.memory_space<vmem>>, vector<1x16xf32>,
          %get3A_574 = vector.shape_cast %get3A_573 : vector<1x16xf32> to vector<16xf32>
          %swap3A_575 = arith.index_cast %add3A_570 : i32 to index
          %swap3A_576 = arith.constant 0 : index
          %swap3A_577 = tpu.vector_load %arg15[%swap3A_575, %swap3A_576] {strides = array<i32>} : memref<64x128xf32, #tpu.memory_space<vmem>>, vector<1x16xf32>,
          %swap3A_578 = vector.shape_cast %swap3A_577 : vector<1x16xf32> to vector<16xf32>
          %swap3A_579 = vector.shape_cast %broadcast_in_dim3A_1 : vector<16xf32> to vector<1x16xf32>
          tpu.vector_store %arg15[%swap3A_575, %swap3A_576], %swap3A_579 {strides = array<i32>} : memref<64x128xf32, #tpu.memory_space<vmem>>, vector<1x16xf32>,
          %swap3A_580 = arith.index_cast %add3A_570 : i32 to index
          %swap3A_581 = arith.constant 16 : index
          %swap3A_582 = tpu.vector_load %arg15[%swap3A_580, %swap3A_581] {strides = array<i32>} : memref<64x128xf32, #tpu.memory_space<vmem>>, vector<1x16xf32>,
          %swap3A_583 = vector.shape_cast %swap3A_582 : vector<1x16xf32> to vector<16xf32>
          %swap3A_584 = vector.shape_cast %broadcast_in_dim3A_1 : vector<16xf32> to vector<1x16xf32>
          tpu.vector_store %arg15[%swap3A_580, %swap3A_581], %swap3A_584 {strides = array<i32>} : memref<64x128xf32, #tpu.memory_space<vmem>>, vector<1x16xf32>,
          %swap3A_585 = arith.index_cast %add3A_570 : i32 to index
          %swap3A_586 = arith.constant 32 : index
          %swap3A_587 = tpu.vector_load %arg15[%swap3A_585, %swap3A_586] {strides = array<i32>} : memref<64x128xf32, #tpu.memory_space<vmem>>, vector<1x16xf32>,
          %swap3A_588 = vector.shape_cast %swap3A_587 : vector<1x16xf32> to vector<16xf32>
          %swap3A_589 = vector.shape_cast %broadcast_in_dim3A_1 : vector<16xf32> to vector<1x16xf32>
          tpu.vector_store %arg15[%swap3A_585, %swap3A_586], %swap3A_589 {strides = array<i32>} : memref<64x128xf32, #tpu.memory_space<vmem>>, vector<1x16xf32>,
          %swap3A_590 = arith.index_cast %add3A_570 : i32 to index
          %swap3A_591 = arith.constant 48 : index
          %swap3A_592 = tpu.vector_load %arg15[%swap3A_590, %swap3A_591] {strides = array<i32>} : memref<64x128xf32, #tpu.memory_space<vmem>>, vector<1x16xf32>,
          %swap3A_593 = vector.shape_cast %swap3A_592 : vector<1x16xf32> to vector<16xf32>
          %swap3A_594 = vector.shape_cast %broadcast_in_dim3A_1 : vector<16xf32> to vector<1x16xf32>
          tpu.vector_store %arg15[%swap3A_590, %swap3A_591], %swap3A_594 {strides = array<i32>} : memref<64x128xf32, #tpu.memory_space<vmem>>, vector<1x16xf32>,
          %swap3A_595 = arith.index_cast %add3A_570 : i32 to index
          %swap3A_596 = arith.constant 64 : index
          %swap3A_597 = tpu.vector_load %arg15[%swap3A_595, %swap3A_596] {strides = array<i32>} : memref<64x128xf32, #tpu.memory_space<vmem>>, vector<1x16xf32>,
          %swap3A_598 = vector.shape_cast %swap3A_597 : vector<1x16xf32> to vector<16xf32>
          %swap3A_599 = vector.shape_cast %broadcast_in_dim3A_1 : vector<16xf32> to vector<1x16xf32>
          tpu.vector_store %arg15[%swap3A_595, %swap3A_596], %swap3A_599 {strides = array<i32>} : memref<64x128xf32, #tpu.memory_space<vmem>>, vector<1x16xf32>,
          %swap3A_600 = arith.index_cast %add3A_570 : i32 to index
          %swap3A_601 = arith.constant 80 : index
          %swap3A_602 = tpu.vector_load %arg15[%swap3A_600, %swap3A_601] {strides = array<i32>} : memref<64x128xf32, #tpu.memory_space<vmem>>, vector<1x16xf32>,
          %swap3A_603 = vector.shape_cast %swap3A_602 : vector<1x16xf32> to vector<16xf32>
          %swap3A_604 = vector.shape_cast %broadcast_in_dim3A_1 : vector<16xf32> to vector<1x16xf32>
          tpu.vector_store %arg15[%swap3A_600, %swap3A_601], %swap3A_604 {strides = array<i32>} : memref<64x128xf32, #tpu.memory_space<vmem>>, vector<1x16xf32>,
          %swap3A_605 = arith.index_cast %add3A_570 : i32 to index
          %swap3A_606 = arith.constant 96 : index
          %swap3A_607 = tpu.vector_load %arg15[%swap3A_605, %swap3A_606] {strides = array<i32>} : memref<64x128xf32, #tpu.memory_space<vmem>>, vector<1x16xf32>,
          %swap3A_608 = vector.shape_cast %swap3A_607 : vector<1x16xf32> to vector<16xf32>
          %swap3A_609 = vector.shape_cast %broadcast_in_dim3A_1 : vector<16xf32> to vector<1x16xf32>
          tpu.vector_store %arg15[%swap3A_605, %swap3A_606], %swap3A_609 {strides = array<i32>} : memref<64x128xf32, #tpu.memory_space<vmem>>, vector<1x16xf32>,
          %swap3A_610 = arith.index_cast %add3A_570 : i32 to index
          %swap3A_611 = arith.constant 112 : index
          %swap3A_612 = tpu.vector_load %arg15[%swap3A_610, %swap3A_611] {strides = array<i32>} : memref<64x128xf32, #tpu.memory_space<vmem>>, vector<1x16xf32>,
          %swap3A_613 = vector.shape_cast %swap3A_612 : vector<1x16xf32> to vector<16xf32>
          %swap3A_614 = vector.shape_cast %broadcast_in_dim3A_1 : vector<16xf32> to vector<1x16xf32>
          tpu.vector_store %arg15[%swap3A_610, %swap3A_611], %swap3A_614 {strides = array<i32>} : memref<64x128xf32, #tpu.memory_space<vmem>>, vector<1x16xf32>,
          %slice3A_615 = vector.extract_strided_slice %get3A_208 {offsets = [6], sizes = [1], strides = [1]} : vector<16xi32> to vector<1xi32>
          %squeeze3A_616 = vector.extract %slice3A_615[0] : i32 from vector<1xi32>
          %rem3A_617 = arith.constant 8 : i32
          %rem3A_618 = arith.remsi %squeeze3A_616, %rem3A_617 : i32
          %mul3A_619 = arith.constant 16 : i32
          %mul3A_620 = arith.muli %rem3A_618, %mul3A_619 : i32
          %swap3A_621 = arith.index_cast %add3A_570 : i32 to index
          %swap3A_622 = arith.index_cast %mul3A_620 : i32 to index
          %swap3A_623 = tpu.vector_load %arg15[%swap3A_621, %swap3A_622] {strides = array<i32>} : memref<64x128xf32, #tpu.memory_space<vmem>>, vector<1x16xf32>,
          %swap3A_624 = vector.shape_cast %swap3A_623 : vector<1x16xf32> to vector<16xf32>
          %swap3A_625 = vector.shape_cast %get3A_574 : vector<16xf32> to vector<1x16xf32>
          tpu.vector_store %arg15[%swap3A_621, %swap3A_622], %swap3A_625 {strides = array<i32>} : memref<64x128xf32, #tpu.memory_space<vmem>>, vector<1x16xf32>,
          %mul3A_626 = arith.constant 16 : i32
          %mul3A_627 = arith.muli %add3A_204, %mul3A_626 : i32
          %add3A_628 = arith.constant 7 : i32
          %add3A_629 = arith.addi %mul3A_627, %add3A_628 : i32
          %get3A_630 = arith.index_cast %add3A_629 : i32 to index
          %get3A_631 = arith.constant 0 : index
          %get3A_632 = tpu.vector_load %arg17[%get3A_630, %get3A_631] {strides = array<i32>} : memref<64x16xf32, #tpu.memory_space<vmem>>, vector<1x16xf32>,
          %get3A_633 = vector.shape_cast %get3A_632 : vector<1x16xf32> to vector<16xf32>
          %swap3A_634 = arith.index_cast %add3A_629 : i32 to index
          %swap3A_635 = arith.constant 0 : index
          %swap3A_636 = tpu.vector_load %arg15[%swap3A_634, %swap3A_635] {strides = array<i32>} : memref<64x128xf32, #tpu.memory_space<vmem>>, vector<1x16xf32>,
          %swap3A_637 = vector.shape_cast %swap3A_636 : vector<1x16xf32> to vector<16xf32>
          %swap3A_638 = vector.shape_cast %broadcast_in_dim3A_1 : vector<16xf32> to vector<1x16xf32>
          tpu.vector_store %arg15[%swap3A_634, %swap3A_635], %swap3A_638 {strides = array<i32>} : memref<64x128xf32, #tpu.memory_space<vmem>>, vector<1x16xf32>,
          %swap3A_639 = arith.index_cast %add3A_629 : i32 to index
          %swap3A_640 = arith.constant 16 : index
          %swap3A_641 = tpu.vector_load %arg15[%swap3A_639, %swap3A_640] {strides = array<i32>} : memref<64x128xf32, #tpu.memory_space<vmem>>, vector<1x16xf32>,
          %swap3A_642 = vector.shape_cast %swap3A_641 : vector<1x16xf32> to vector<16xf32>
          %swap3A_643 = vector.shape_cast %broadcast_in_dim3A_1 : vector<16xf32> to vector<1x16xf32>
          tpu.vector_store %arg15[%swap3A_639, %swap3A_640], %swap3A_643 {strides = array<i32>} : memref<64x128xf32, #tpu.memory_space<vmem>>, vector<1x16xf32>,
          %swap3A_644 = arith.index_cast %add3A_629 : i32 to index
          %swap3A_645 = arith.constant 32 : index
          %swap3A_646 = tpu.vector_load %arg15[%swap3A_644, %swap3A_645] {strides = array<i32>} : memref<64x128xf32, #tpu.memory_space<vmem>>, vector<1x16xf32>,
          %swap3A_647 = vector.shape_cast %swap3A_646 : vector<1x16xf32> to vector<16xf32>
          %swap3A_648 = vector.shape_cast %broadcast_in_dim3A_1 : vector<16xf32> to vector<1x16xf32>
          tpu.vector_store %arg15[%swap3A_644, %swap3A_645], %swap3A_648 {strides = array<i32>} : memref<64x128xf32, #tpu.memory_space<vmem>>, vector<1x16xf32>,
          %swap3A_649 = arith.index_cast %add3A_629 : i32 to index
          %swap3A_650 = arith.constant 48 : index
          %swap3A_651 = tpu.vector_load %arg15[%swap3A_649, %swap3A_650] {strides = array<i32>} : memref<64x128xf32, #tpu.memory_space<vmem>>, vector<1x16xf32>,
          %swap3A_652 = vector.shape_cast %swap3A_651 : vector<1x16xf32> to vector<16xf32>
          %swap3A_653 = vector.shape_cast %broadcast_in_dim3A_1 : vector<16xf32> to vector<1x16xf32>
          tpu.vector_store %arg15[%swap3A_649, %swap3A_650], %swap3A_653 {strides = array<i32>} : memref<64x128xf32, #tpu.memory_space<vmem>>, vector<1x16xf32>,
          %swap3A_654 = arith.index_cast %add3A_629 : i32 to index
          %swap3A_655 = arith.constant 64 : index
          %swap3A_656 = tpu.vector_load %arg15[%swap3A_654, %swap3A_655] {strides = array<i32>} : memref<64x128xf32, #tpu.memory_space<vmem>>, vector<1x16xf32>,
          %swap3A_657 = vector.shape_cast %swap3A_656 : vector<1x16xf32> to vector<16xf32>
          %swap3A_658 = vector.shape_cast %broadcast_in_dim3A_1 : vector<16xf32> to vector<1x16xf32>
          tpu.vector_store %arg15[%swap3A_654, %swap3A_655], %swap3A_658 {strides = array<i32>} : memref<64x128xf32, #tpu.memory_space<vmem>>, vector<1x16xf32>,
          %swap3A_659 = arith.index_cast %add3A_629 : i32 to index
          %swap3A_660 = arith.constant 80 : index
          %swap3A_661 = tpu.vector_load %arg15[%swap3A_659, %swap3A_660] {strides = array<i32>} : memref<64x128xf32, #tpu.memory_space<vmem>>, vector<1x16xf32>,
          %swap3A_662 = vector.shape_cast %swap3A_661 : vector<1x16xf32> to vector<16xf32>
          %swap3A_663 = vector.shape_cast %broadcast_in_dim3A_1 : vector<16xf32> to vector<1x16xf32>
          tpu.vector_store %arg15[%swap3A_659, %swap3A_660], %swap3A_663 {strides = array<i32>} : memref<64x128xf32, #tpu.memory_space<vmem>>, vector<1x16xf32>,
          %swap3A_664 = arith.index_cast %add3A_629 : i32 to index
          %swap3A_665 = arith.constant 96 : index
          %swap3A_666 = tpu.vector_load %arg15[%swap3A_664, %swap3A_665] {strides = array<i32>} : memref<64x128xf32, #tpu.memory_space<vmem>>, vector<1x16xf32>,
          %swap3A_667 = vector.shape_cast %swap3A_666 : vector<1x16xf32> to vector<16xf32>
          %swap3A_668 = vector.shape_cast %broadcast_in_dim3A_1 : vector<16xf32> to vector<1x16xf32>
          tpu.vector_store %arg15[%swap3A_664, %swap3A_665], %swap3A_668 {strides = array<i32>} : memref<64x128xf32, #tpu.memory_space<vmem>>, vector<1x16xf32>,
          %swap3A_669 = arith.index_cast %add3A_629 : i32 to index
          %swap3A_670 = arith.constant 112 : index
          %swap3A_671 = tpu.vector_load %arg15[%swap3A_669, %swap3A_670] {strides = array<i32>} : memref<64x128xf32, #tpu.memory_space<vmem>>, vector<1x16xf32>,
          %swap3A_672 = vector.shape_cast %swap3A_671 : vector<1x16xf32> to vector<16xf32>
          %swap3A_673 = vector.shape_cast %broadcast_in_dim3A_1 : vector<16xf32> to vector<1x16xf32>
          tpu.vector_store %arg15[%swap3A_669, %swap3A_670], %swap3A_673 {strides = array<i32>} : memref<64x128xf32, #tpu.memory_space<vmem>>, vector<1x16xf32>,
          %slice3A_674 = vector.extract_strided_slice %get3A_208 {offsets = [7], sizes = [1], strides = [1]} : vector<16xi32> to vector<1xi32>
          %squeeze3A_675 = vector.extract %slice3A_674[0] : i32 from vector<1xi32>
          %rem3A_676 = arith.constant 8 : i32
          %rem3A_677 = arith.remsi %squeeze3A_675, %rem3A_676 : i32
          %mul3A_678 = arith.constant 16 : i32
          %mul3A_679 = arith.muli %rem3A_677, %mul3A_678 : i32
          %swap3A_680 = arith.index_cast %add3A_629 : i32 to index
          %swap3A_681 = arith.index_cast %mul3A_679 : i32 to index
          %swap3A_682 = tpu.vector_load %arg15[%swap3A_680, %swap3A_681] {strides = array<i32>} : memref<64x128xf32, #tpu.memory_space<vmem>>, vector<1x16xf32>,
          %swap3A_683 = vector.shape_cast %swap3A_682 : vector<1x16xf32> to vector<16xf32>
          %swap3A_684 = vector.shape_cast %get3A_633 : vector<16xf32> to vector<1x16xf32>
          tpu.vector_store %arg15[%swap3A_680, %swap3A_681], %swap3A_684 {strides = array<i32>} : memref<64x128xf32, #tpu.memory_space<vmem>>, vector<1x16xf32>,
          %mul3A_685 = arith.constant 16 : i32
          %mul3A_686 = arith.muli %add3A_204, %mul3A_685 : i32
          %add3A_687 = arith.constant 8 : i32
          %add3A_688 = arith.addi %mul3A_686, %add3A_687 : i32
          %get3A_689 = arith.index_cast %add3A_688 : i32 to index
          %get3A_690 = arith.constant 0 : index
          %get3A_691 = tpu.vector_load %arg17[%get3A_689, %get3A_690] {strides = array<i32>} : memref<64x16xf32, #tpu.memory_space<vmem>>, vector<1x16xf32>,
          %get3A_692 = vector.shape_cast %get3A_691 : vector<1x16xf32> to vector<16xf32>
          %swap3A_693 = arith.index_cast %add3A_688 : i32 to index
          %swap3A_694 = arith.constant 0 : index
          %swap3A_695 = tpu.vector_load %arg15[%swap3A_693, %swap3A_694] {strides = array<i32>} : memref<64x128xf32, #tpu.memory_space<vmem>>, vector<1x16xf32>,
          %swap3A_696 = vector.shape_cast %swap3A_695 : vector<1x16xf32> to vector<16xf32>
          %swap3A_697 = vector.shape_cast %broadcast_in_dim3A_1 : vector<16xf32> to vector<1x16xf32>
          tpu.vector_store %arg15[%swap3A_693, %swap3A_694], %swap3A_697 {strides = array<i32>} : memref<64x128xf32, #tpu.memory_space<vmem>>, vector<1x16xf32>,
          %swap3A_698 = arith.index_cast %add3A_688 : i32 to index
          %swap3A_699 = arith.constant 16 : index
          %swap3A_700 = tpu.vector_load %arg15[%swap3A_698, %swap3A_699] {strides = array<i32>} : memref<64x128xf32, #tpu.memory_space<vmem>>, vector<1x16xf32>,
          %swap3A_701 = vector.shape_cast %swap3A_700 : vector<1x16xf32> to vector<16xf32>
          %swap3A_702 = vector.shape_cast %broadcast_in_dim3A_1 : vector<16xf32> to vector<1x16xf32>
          tpu.vector_store %arg15[%swap3A_698, %swap3A_699], %swap3A_702 {strides = array<i32>} : memref<64x128xf32, #tpu.memory_space<vmem>>, vector<1x16xf32>,
          %swap3A_703 = arith.index_cast %add3A_688 : i32 to index
          %swap3A_704 = arith.constant 32 : index
          %swap3A_705 = tpu.vector_load %arg15[%swap3A_703, %swap3A_704] {strides = array<i32>} : memref<64x128xf32, #tpu.memory_space<vmem>>, vector<1x16xf32>,
          %swap3A_706 = vector.shape_cast %swap3A_705 : vector<1x16xf32> to vector<16xf32>
          %swap3A_707 = vector.shape_cast %broadcast_in_dim3A_1 : vector<16xf32> to vector<1x16xf32>
          tpu.vector_store %arg15[%swap3A_703, %swap3A_704], %swap3A_707 {strides = array<i32>} : memref<64x128xf32, #tpu.memory_space<vmem>>, vector<1x16xf32>,
          %swap3A_708 = arith.index_cast %add3A_688 : i32 to index
          %swap3A_709 = arith.constant 48 : index
          %swap3A_710 = tpu.vector_load %arg15[%swap3A_708, %swap3A_709] {strides = array<i32>} : memref<64x128xf32, #tpu.memory_space<vmem>>, vector<1x16xf32>,
          %swap3A_711 = vector.shape_cast %swap3A_710 : vector<1x16xf32> to vector<16xf32>
          %swap3A_712 = vector.shape_cast %broadcast_in_dim3A_1 : vector<16xf32> to vector<1x16xf32>
          tpu.vector_store %arg15[%swap3A_708, %swap3A_709], %swap3A_712 {strides = array<i32>} : memref<64x128xf32, #tpu.memory_space<vmem>>, vector<1x16xf32>,
          %swap3A_713 = arith.index_cast %add3A_688 : i32 to index
          %swap3A_714 = arith.constant 64 : index
          %swap3A_715 = tpu.vector_load %arg15[%swap3A_713, %swap3A_714] {strides = array<i32>} : memref<64x128xf32, #tpu.memory_space<vmem>>, vector<1x16xf32>,
          %swap3A_716 = vector.shape_cast %swap3A_715 : vector<1x16xf32> to vector<16xf32>
          %swap3A_717 = vector.shape_cast %broadcast_in_dim3A_1 : vector<16xf32> to vector<1x16xf32>
          tpu.vector_store %arg15[%swap3A_713, %swap3A_714], %swap3A_717 {strides = array<i32>} : memref<64x128xf32, #tpu.memory_space<vmem>>, vector<1x16xf32>,
          %swap3A_718 = arith.index_cast %add3A_688 : i32 to index
          %swap3A_719 = arith.constant 80 : index
          %swap3A_720 = tpu.vector_load %arg15[%swap3A_718, %swap3A_719] {strides = array<i32>} : memref<64x128xf32, #tpu.memory_space<vmem>>, vector<1x16xf32>,
          %swap3A_721 = vector.shape_cast %swap3A_720 : vector<1x16xf32> to vector<16xf32>
          %swap3A_722 = vector.shape_cast %broadcast_in_dim3A_1 : vector<16xf32> to vector<1x16xf32>
          tpu.vector_store %arg15[%swap3A_718, %swap3A_719], %swap3A_722 {strides = array<i32>} : memref<64x128xf32, #tpu.memory_space<vmem>>, vector<1x16xf32>,
          %swap3A_723 = arith.index_cast %add3A_688 : i32 to index
          %swap3A_724 = arith.constant 96 : index
          %swap3A_725 = tpu.vector_load %arg15[%swap3A_723, %swap3A_724] {strides = array<i32>} : memref<64x128xf32, #tpu.memory_space<vmem>>, vector<1x16xf32>,
          %swap3A_726 = vector.shape_cast %swap3A_725 : vector<1x16xf32> to vector<16xf32>
          %swap3A_727 = vector.shape_cast %broadcast_in_dim3A_1 : vector<16xf32> to vector<1x16xf32>
          tpu.vector_store %arg15[%swap3A_723, %swap3A_724], %swap3A_727 {strides = array<i32>} : memref<64x128xf32, #tpu.memory_space<vmem>>, vector<1x16xf32>,
          %swap3A_728 = arith.index_cast %add3A_688 : i32 to index
          %swap3A_729 = arith.constant 112 : index
          %swap3A_730 = tpu.vector_load %arg15[%swap3A_728, %swap3A_729] {strides = array<i32>} : memref<64x128xf32, #tpu.memory_space<vmem>>, vector<1x16xf32>,
          %swap3A_731 = vector.shape_cast %swap3A_730 : vector<1x16xf32> to vector<16xf32>
          %swap3A_732 = vector.shape_cast %broadcast_in_dim3A_1 : vector<16xf32> to vector<1x16xf32>
          tpu.vector_store %arg15[%swap3A_728, %swap3A_729], %swap3A_732 {strides = array<i32>} : memref<64x128xf32, #tpu.memory_space<vmem>>, vector<1x16xf32>,
          %slice3A_733 = vector.extract_strided_slice %get3A_208 {offsets = [8], sizes = [1], strides = [1]} : vector<16xi32> to vector<1xi32>
          %squeeze3A_734 = vector.extract %slice3A_733[0] : i32 from vector<1xi32>
          %rem3A_735 = arith.constant 8 : i32
          %rem3A_736 = arith.remsi %squeeze3A_734, %rem3A_735 : i32
          %mul3A_737 = arith.constant 16 : i32
          %mul3A_738 = arith.muli %rem3A_736, %mul3A_737 : i32
          %swap3A_739 = arith.index_cast %add3A_688 : i32 to index
          %swap3A_740 = arith.index_cast %mul3A_738 : i32 to index
          %swap3A_741 = tpu.vector_load %arg15[%swap3A_739, %swap3A_740] {strides = array<i32>} : memref<64x128xf32, #tpu.memory_space<vmem>>, vector<1x16xf32>,
          %swap3A_742 = vector.shape_cast %swap3A_741 : vector<1x16xf32> to vector<16xf32>
          %swap3A_743 = vector.shape_cast %get3A_692 : vector<16xf32> to vector<1x16xf32>
          tpu.vector_store %arg15[%swap3A_739, %swap3A_740], %swap3A_743 {strides = array<i32>} : memref<64x128xf32, #tpu.memory_space<vmem>>, vector<1x16xf32>,
          %mul3A_744 = arith.constant 16 : i32
          %mul3A_745 = arith.muli %add3A_204, %mul3A_744 : i32
          %add3A_746 = arith.constant 9 : i32
          %add3A_747 = arith.addi %mul3A_745, %add3A_746 : i32
          %get3A_748 = arith.index_cast %add3A_747 : i32 to index
          %get3A_749 = arith.constant 0 : index
          %get3A_750 = tpu.vector_load %arg17[%get3A_748, %get3A_749] {strides = array<i32>} : memref<64x16xf32, #tpu.memory_space<vmem>>, vector<1x16xf32>,
          %get3A_751 = vector.shape_cast %get3A_750 : vector<1x16xf32> to vector<16xf32>
          %swap3A_752 = arith.index_cast %add3A_747 : i32 to index
          %swap3A_753 = arith.constant 0 : index
          %swap3A_754 = tpu.vector_load %arg15[%swap3A_752, %swap3A_753] {strides = array<i32>} : memref<64x128xf32, #tpu.memory_space<vmem>>, vector<1x16xf32>,
          %swap3A_755 = vector.shape_cast %swap3A_754 : vector<1x16xf32> to vector<16xf32>
          %swap3A_756 = vector.shape_cast %broadcast_in_dim3A_1 : vector<16xf32> to vector<1x16xf32>
          tpu.vector_store %arg15[%swap3A_752, %swap3A_753], %swap3A_756 {strides = array<i32>} : memref<64x128xf32, #tpu.memory_space<vmem>>, vector<1x16xf32>,
          %swap3A_757 = arith.index_cast %add3A_747 : i32 to index
          %swap3A_758 = arith.constant 16 : index
          %swap3A_759 = tpu.vector_load %arg15[%swap3A_757, %swap3A_758] {strides = array<i32>} : memref<64x128xf32, #tpu.memory_space<vmem>>, vector<1x16xf32>,
          %swap3A_760 = vector.shape_cast %swap3A_759 : vector<1x16xf32> to vector<16xf32>
          %swap3A_761 = vector.shape_cast %broadcast_in_dim3A_1 : vector<16xf32> to vector<1x16xf32>
          tpu.vector_store %arg15[%swap3A_757, %swap3A_758], %swap3A_761 {strides = array<i32>} : memref<64x128xf32, #tpu.memory_space<vmem>>, vector<1x16xf32>,
          %swap3A_762 = arith.index_cast %add3A_747 : i32 to index
          %swap3A_763 = arith.constant 32 : index
          %swap3A_764 = tpu.vector_load %arg15[%swap3A_762, %swap3A_763] {strides = array<i32>} : memref<64x128xf32, #tpu.memory_space<vmem>>, vector<1x16xf32>,
          %swap3A_765 = vector.shape_cast %swap3A_764 : vector<1x16xf32> to vector<16xf32>
          %swap3A_766 = vector.shape_cast %broadcast_in_dim3A_1 : vector<16xf32> to vector<1x16xf32>
          tpu.vector_store %arg15[%swap3A_762, %swap3A_763], %swap3A_766 {strides = array<i32>} : memref<64x128xf32, #tpu.memory_space<vmem>>, vector<1x16xf32>,
          %swap3A_767 = arith.index_cast %add3A_747 : i32 to index
          %swap3A_768 = arith.constant 48 : index
          %swap3A_769 = tpu.vector_load %arg15[%swap3A_767, %swap3A_768] {strides = array<i32>} : memref<64x128xf32, #tpu.memory_space<vmem>>, vector<1x16xf32>,
          %swap3A_770 = vector.shape_cast %swap3A_769 : vector<1x16xf32> to vector<16xf32>
          %swap3A_771 = vector.shape_cast %broadcast_in_dim3A_1 : vector<16xf32> to vector<1x16xf32>
          tpu.vector_store %arg15[%swap3A_767, %swap3A_768], %swap3A_771 {strides = array<i32>} : memref<64x128xf32, #tpu.memory_space<vmem>>, vector<1x16xf32>,
          %swap3A_772 = arith.index_cast %add3A_747 : i32 to index
          %swap3A_773 = arith.constant 64 : index
          %swap3A_774 = tpu.vector_load %arg15[%swap3A_772, %swap3A_773] {strides = array<i32>} : memref<64x128xf32, #tpu.memory_space<vmem>>, vector<1x16xf32>,
          %swap3A_775 = vector.shape_cast %swap3A_774 : vector<1x16xf32> to vector<16xf32>
          %swap3A_776 = vector.shape_cast %broadcast_in_dim3A_1 : vector<16xf32> to vector<1x16xf32>
          tpu.vector_store %arg15[%swap3A_772, %swap3A_773], %swap3A_776 {strides = array<i32>} : memref<64x128xf32, #tpu.memory_space<vmem>>, vector<1x16xf32>,
          %swap3A_777 = arith.index_cast %add3A_747 : i32 to index
          %swap3A_778 = arith.constant 80 : index
          %swap3A_779 = tpu.vector_load %arg15[%swap3A_777, %swap3A_778] {strides = array<i32>} : memref<64x128xf32, #tpu.memory_space<vmem>>, vector<1x16xf32>,
          %swap3A_780 = vector.shape_cast %swap3A_779 : vector<1x16xf32> to vector<16xf32>
          %swap3A_781 = vector.shape_cast %broadcast_in_dim3A_1 : vector<16xf32> to vector<1x16xf32>
          tpu.vector_store %arg15[%swap3A_777, %swap3A_778], %swap3A_781 {strides = array<i32>} : memref<64x128xf32, #tpu.memory_space<vmem>>, vector<1x16xf32>,
          %swap3A_782 = arith.index_cast %add3A_747 : i32 to index
          %swap3A_783 = arith.constant 96 : index
          %swap3A_784 = tpu.vector_load %arg15[%swap3A_782, %swap3A_783] {strides = array<i32>} : memref<64x128xf32, #tpu.memory_space<vmem>>, vector<1x16xf32>,
          %swap3A_785 = vector.shape_cast %swap3A_784 : vector<1x16xf32> to vector<16xf32>
          %swap3A_786 = vector.shape_cast %broadcast_in_dim3A_1 : vector<16xf32> to vector<1x16xf32>
          tpu.vector_store %arg15[%swap3A_782, %swap3A_783], %swap3A_786 {strides = array<i32>} : memref<64x128xf32, #tpu.memory_space<vmem>>, vector<1x16xf32>,
          %swap3A_787 = arith.index_cast %add3A_747 : i32 to index
          %swap3A_788 = arith.constant 112 : index
          %swap3A_789 = tpu.vector_load %arg15[%swap3A_787, %swap3A_788] {strides = array<i32>} : memref<64x128xf32, #tpu.memory_space<vmem>>, vector<1x16xf32>,
          %swap3A_790 = vector.shape_cast %swap3A_789 : vector<1x16xf32> to vector<16xf32>
          %swap3A_791 = vector.shape_cast %broadcast_in_dim3A_1 : vector<16xf32> to vector<1x16xf32>
          tpu.vector_store %arg15[%swap3A_787, %swap3A_788], %swap3A_791 {strides = array<i32>} : memref<64x128xf32, #tpu.memory_space<vmem>>, vector<1x16xf32>,
          %slice3A_792 = vector.extract_strided_slice %get3A_208 {offsets = [9], sizes = [1], strides = [1]} : vector<16xi32> to vector<1xi32>
          %squeeze3A_793 = vector.extract %slice3A_792[0] : i32 from vector<1xi32>
          %rem3A_794 = arith.constant 8 : i32
          %rem3A_795 = arith.remsi %squeeze3A_793, %rem3A_794 : i32
          %mul3A_796 = arith.constant 16 : i32
          %mul3A_797 = arith.muli %rem3A_795, %mul3A_796 : i32
          %swap3A_798 = arith.index_cast %add3A_747 : i32 to index
          %swap3A_799 = arith.index_cast %mul3A_797 : i32 to index
          %swap3A_800 = tpu.vector_load %arg15[%swap3A_798, %swap3A_799] {strides = array<i32>} : memref<64x128xf32, #tpu.memory_space<vmem>>, vector<1x16xf32>,
          %swap3A_801 = vector.shape_cast %swap3A_800 : vector<1x16xf32> to vector<16xf32>
          %swap3A_802 = vector.shape_cast %get3A_751 : vector<16xf32> to vector<1x16xf32>
          tpu.vector_store %arg15[%swap3A_798, %swap3A_799], %swap3A_802 {strides = array<i32>} : memref<64x128xf32, #tpu.memory_space<vmem>>, vector<1x16xf32>,
          %mul3A_803 = arith.constant 16 : i32
          %mul3A_804 = arith.muli %add3A_204, %mul3A_803 : i32
          %add3A_805 = arith.constant 10 : i32
          %add3A_806 = arith.addi %mul3A_804, %add3A_805 : i32
          %get3A_807 = arith.index_cast %add3A_806 : i32 to index
          %get3A_808 = arith.constant 0 : index
          %get3A_809 = tpu.vector_load %arg17[%get3A_807, %get3A_808] {strides = array<i32>} : memref<64x16xf32, #tpu.memory_space<vmem>>, vector<1x16xf32>,
          %get3A_810 = vector.shape_cast %get3A_809 : vector<1x16xf32> to vector<16xf32>
          %swap3A_811 = arith.index_cast %add3A_806 : i32 to index
          %swap3A_812 = arith.constant 0 : index
          %swap3A_813 = tpu.vector_load %arg15[%swap3A_811, %swap3A_812] {strides = array<i32>} : memref<64x128xf32, #tpu.memory_space<vmem>>, vector<1x16xf32>,
          %swap3A_814 = vector.shape_cast %swap3A_813 : vector<1x16xf32> to vector<16xf32>
          %swap3A_815 = vector.shape_cast %broadcast_in_dim3A_1 : vector<16xf32> to vector<1x16xf32>
          tpu.vector_store %arg15[%swap3A_811, %swap3A_812], %swap3A_815 {strides = array<i32>} : memref<64x128xf32, #tpu.memory_space<vmem>>, vector<1x16xf32>,
          %swap3A_816 = arith.index_cast %add3A_806 : i32 to index
          %swap3A_817 = arith.constant 16 : index
          %swap3A_818 = tpu.vector_load %arg15[%swap3A_816, %swap3A_817] {strides = array<i32>} : memref<64x128xf32, #tpu.memory_space<vmem>>, vector<1x16xf32>,
          %swap3A_819 = vector.shape_cast %swap3A_818 : vector<1x16xf32> to vector<16xf32>
          %swap3A_820 = vector.shape_cast %broadcast_in_dim3A_1 : vector<16xf32> to vector<1x16xf32>
          tpu.vector_store %arg15[%swap3A_816, %swap3A_817], %swap3A_820 {strides = array<i32>} : memref<64x128xf32, #tpu.memory_space<vmem>>, vector<1x16xf32>,
          %swap3A_821 = arith.index_cast %add3A_806 : i32 to index
          %swap3A_822 = arith.constant 32 : index
          %swap3A_823 = tpu.vector_load %arg15[%swap3A_821, %swap3A_822] {strides = array<i32>} : memref<64x128xf32, #tpu.memory_space<vmem>>, vector<1x16xf32>,
          %swap3A_824 = vector.shape_cast %swap3A_823 : vector<1x16xf32> to vector<16xf32>
          %swap3A_825 = vector.shape_cast %broadcast_in_dim3A_1 : vector<16xf32> to vector<1x16xf32>
          tpu.vector_store %arg15[%swap3A_821, %swap3A_822], %swap3A_825 {strides = array<i32>} : memref<64x128xf32, #tpu.memory_space<vmem>>, vector<1x16xf32>,
          %swap3A_826 = arith.index_cast %add3A_806 : i32 to index
          %swap3A_827 = arith.constant 48 : index
          %swap3A_828 = tpu.vector_load %arg15[%swap3A_826, %swap3A_827] {strides = array<i32>} : memref<64x128xf32, #tpu.memory_space<vmem>>, vector<1x16xf32>,
          %swap3A_829 = vector.shape_cast %swap3A_828 : vector<1x16xf32> to vector<16xf32>
          %swap3A_830 = vector.shape_cast %broadcast_in_dim3A_1 : vector<16xf32> to vector<1x16xf32>
          tpu.vector_store %arg15[%swap3A_826, %swap3A_827], %swap3A_830 {strides = array<i32>} : memref<64x128xf32, #tpu.memory_space<vmem>>, vector<1x16xf32>,
          %swap3A_831 = arith.index_cast %add3A_806 : i32 to index
          %swap3A_832 = arith.constant 64 : index
          %swap3A_833 = tpu.vector_load %arg15[%swap3A_831, %swap3A_832] {strides = array<i32>} : memref<64x128xf32, #tpu.memory_space<vmem>>, vector<1x16xf32>,
          %swap3A_834 = vector.shape_cast %swap3A_833 : vector<1x16xf32> to vector<16xf32>
          %swap3A_835 = vector.shape_cast %broadcast_in_dim3A_1 : vector<16xf32> to vector<1x16xf32>
          tpu.vector_store %arg15[%swap3A_831, %swap3A_832], %swap3A_835 {strides = array<i32>} : memref<64x128xf32, #tpu.memory_space<vmem>>, vector<1x16xf32>,
          %swap3A_836 = arith.index_cast %add3A_806 : i32 to index
          %swap3A_837 = arith.constant 80 : index
          %swap3A_838 = tpu.vector_load %arg15[%swap3A_836, %swap3A_837] {strides = array<i32>} : memref<64x128xf32, #tpu.memory_space<vmem>>, vector<1x16xf32>,
          %swap3A_839 = vector.shape_cast %swap3A_838 : vector<1x16xf32> to vector<16xf32>
          %swap3A_840 = vector.shape_cast %broadcast_in_dim3A_1 : vector<16xf32> to vector<1x16xf32>
          tpu.vector_store %arg15[%swap3A_836, %swap3A_837], %swap3A_840 {strides = array<i32>} : memref<64x128xf32, #tpu.memory_space<vmem>>, vector<1x16xf32>,
          %swap3A_841 = arith.index_cast %add3A_806 : i32 to index
          %swap3A_842 = arith.constant 96 : index
          %swap3A_843 = tpu.vector_load %arg15[%swap3A_841, %swap3A_842] {strides = array<i32>} : memref<64x128xf32, #tpu.memory_space<vmem>>, vector<1x16xf32>,
          %swap3A_844 = vector.shape_cast %swap3A_843 : vector<1x16xf32> to vector<16xf32>
          %swap3A_845 = vector.shape_cast %broadcast_in_dim3A_1 : vector<16xf32> to vector<1x16xf32>
          tpu.vector_store %arg15[%swap3A_841, %swap3A_842], %swap3A_845 {strides = array<i32>} : memref<64x128xf32, #tpu.memory_space<vmem>>, vector<1x16xf32>,
          %swap3A_846 = arith.index_cast %add3A_806 : i32 to index
          %swap3A_847 = arith.constant 112 : index
          %swap3A_848 = tpu.vector_load %arg15[%swap3A_846, %swap3A_847] {strides = array<i32>} : memref<64x128xf32, #tpu.memory_space<vmem>>, vector<1x16xf32>,
          %swap3A_849 = vector.shape_cast %swap3A_848 : vector<1x16xf32> to vector<16xf32>
          %swap3A_850 = vector.shape_cast %broadcast_in_dim3A_1 : vector<16xf32> to vector<1x16xf32>
          tpu.vector_store %arg15[%swap3A_846, %swap3A_847], %swap3A_850 {strides = array<i32>} : memref<64x128xf32, #tpu.memory_space<vmem>>, vector<1x16xf32>,
          %slice3A_851 = vector.extract_strided_slice %get3A_208 {offsets = [10], sizes = [1], strides = [1]} : vector<16xi32> to vector<1xi32>
          %squeeze3A_852 = vector.extract %slice3A_851[0] : i32 from vector<1xi32>
          %rem3A_853 = arith.constant 8 : i32
          %rem3A_854 = arith.remsi %squeeze3A_852, %rem3A_853 : i32
          %mul3A_855 = arith.constant 16 : i32
          %mul3A_856 = arith.muli %rem3A_854, %mul3A_855 : i32
          %swap3A_857 = arith.index_cast %add3A_806 : i32 to index
          %swap3A_858 = arith.index_cast %mul3A_856 : i32 to index
          %swap3A_859 = tpu.vector_load %arg15[%swap3A_857, %swap3A_858] {strides = array<i32>} : memref<64x128xf32, #tpu.memory_space<vmem>>, vector<1x16xf32>,
          %swap3A_860 = vector.shape_cast %swap3A_859 : vector<1x16xf32> to vector<16xf32>
          %swap3A_861 = vector.shape_cast %get3A_810 : vector<16xf32> to vector<1x16xf32>
          tpu.vector_store %arg15[%swap3A_857, %swap3A_858], %swap3A_861 {strides = array<i32>} : memref<64x128xf32, #tpu.memory_space<vmem>>, vector<1x16xf32>,
          %mul3A_862 = arith.constant 16 : i32
          %mul3A_863 = arith.muli %add3A_204, %mul3A_862 : i32
          %add3A_864 = arith.constant 11 : i32
          %add3A_865 = arith.addi %mul3A_863, %add3A_864 : i32
          %get3A_866 = arith.index_cast %add3A_865 : i32 to index
          %get3A_867 = arith.constant 0 : index
          %get3A_868 = tpu.vector_load %arg17[%get3A_866, %get3A_867] {strides = array<i32>} : memref<64x16xf32, #tpu.memory_space<vmem>>, vector<1x16xf32>,
          %get3A_869 = vector.shape_cast %get3A_868 : vector<1x16xf32> to vector<16xf32>
          %swap3A_870 = arith.index_cast %add3A_865 : i32 to index
          %swap3A_871 = arith.constant 0 : index
          %swap3A_872 = tpu.vector_load %arg15[%swap3A_870, %swap3A_871] {strides = array<i32>} : memref<64x128xf32, #tpu.memory_space<vmem>>, vector<1x16xf32>,
          %swap3A_873 = vector.shape_cast %swap3A_872 : vector<1x16xf32> to vector<16xf32>
          %swap3A_874 = vector.shape_cast %broadcast_in_dim3A_1 : vector<16xf32> to vector<1x16xf32>
          tpu.vector_store %arg15[%swap3A_870, %swap3A_871], %swap3A_874 {strides = array<i32>} : memref<64x128xf32, #tpu.memory_space<vmem>>, vector<1x16xf32>,
          %swap3A_875 = arith.index_cast %add3A_865 : i32 to index
          %swap3A_876 = arith.constant 16 : index
          %swap3A_877 = tpu.vector_load %arg15[%swap3A_875, %swap3A_876] {strides = array<i32>} : memref<64x128xf32, #tpu.memory_space<vmem>>, vector<1x16xf32>,
          %swap3A_878 = vector.shape_cast %swap3A_877 : vector<1x16xf32> to vector<16xf32>
          %swap3A_879 = vector.shape_cast %broadcast_in_dim3A_1 : vector<16xf32> to vector<1x16xf32>
          tpu.vector_store %arg15[%swap3A_875, %swap3A_876], %swap3A_879 {strides = array<i32>} : memref<64x128xf32, #tpu.memory_space<vmem>>, vector<1x16xf32>,
          %swap3A_880 = arith.index_cast %add3A_865 : i32 to index
          %swap3A_881 = arith.constant 32 : index
          %swap3A_882 = tpu.vector_load %arg15[%swap3A_880, %swap3A_881] {strides = array<i32>} : memref<64x128xf32, #tpu.memory_space<vmem>>, vector<1x16xf32>,
          %swap3A_883 = vector.shape_cast %swap3A_882 : vector<1x16xf32> to vector<16xf32>
          %swap3A_884 = vector.shape_cast %broadcast_in_dim3A_1 : vector<16xf32> to vector<1x16xf32>
          tpu.vector_store %arg15[%swap3A_880, %swap3A_881], %swap3A_884 {strides = array<i32>} : memref<64x128xf32, #tpu.memory_space<vmem>>, vector<1x16xf32>,
          %swap3A_885 = arith.index_cast %add3A_865 : i32 to index
          %swap3A_886 = arith.constant 48 : index
          %swap3A_887 = tpu.vector_load %arg15[%swap3A_885, %swap3A_886] {strides = array<i32>} : memref<64x128xf32, #tpu.memory_space<vmem>>, vector<1x16xf32>,
          %swap3A_888 = vector.shape_cast %swap3A_887 : vector<1x16xf32> to vector<16xf32>
          %swap3A_889 = vector.shape_cast %broadcast_in_dim3A_1 : vector<16xf32> to vector<1x16xf32>
          tpu.vector_store %arg15[%swap3A_885, %swap3A_886], %swap3A_889 {strides = array<i32>} : memref<64x128xf32, #tpu.memory_space<vmem>>, vector<1x16xf32>,
          %swap3A_890 = arith.index_cast %add3A_865 : i32 to index
          %swap3A_891 = arith.constant 64 : index
          %swap3A_892 = tpu.vector_load %arg15[%swap3A_890, %swap3A_891] {strides = array<i32>} : memref<64x128xf32, #tpu.memory_space<vmem>>, vector<1x16xf32>,
          %swap3A_893 = vector.shape_cast %swap3A_892 : vector<1x16xf32> to vector<16xf32>
          %swap3A_894 = vector.shape_cast %broadcast_in_dim3A_1 : vector<16xf32> to vector<1x16xf32>
          tpu.vector_store %arg15[%swap3A_890, %swap3A_891], %swap3A_894 {strides = array<i32>} : memref<64x128xf32, #tpu.memory_space<vmem>>, vector<1x16xf32>,
          %swap3A_895 = arith.index_cast %add3A_865 : i32 to index
          %swap3A_896 = arith.constant 80 : index
          %swap3A_897 = tpu.vector_load %arg15[%swap3A_895, %swap3A_896] {strides = array<i32>} : memref<64x128xf32, #tpu.memory_space<vmem>>, vector<1x16xf32>,
          %swap3A_898 = vector.shape_cast %swap3A_897 : vector<1x16xf32> to vector<16xf32>
          %swap3A_899 = vector.shape_cast %broadcast_in_dim3A_1 : vector<16xf32> to vector<1x16xf32>
          tpu.vector_store %arg15[%swap3A_895, %swap3A_896], %swap3A_899 {strides = array<i32>} : memref<64x128xf32, #tpu.memory_space<vmem>>, vector<1x16xf32>,
          %swap3A_900 = arith.index_cast %add3A_865 : i32 to index
          %swap3A_901 = arith.constant 96 : index
          %swap3A_902 = tpu.vector_load %arg15[%swap3A_900, %swap3A_901] {strides = array<i32>} : memref<64x128xf32, #tpu.memory_space<vmem>>, vector<1x16xf32>,
          %swap3A_903 = vector.shape_cast %swap3A_902 : vector<1x16xf32> to vector<16xf32>
          %swap3A_904 = vector.shape_cast %broadcast_in_dim3A_1 : vector<16xf32> to vector<1x16xf32>
          tpu.vector_store %arg15[%swap3A_900, %swap3A_901], %swap3A_904 {strides = array<i32>} : memref<64x128xf32, #tpu.memory_space<vmem>>, vector<1x16xf32>,
          %swap3A_905 = arith.index_cast %add3A_865 : i32 to index
          %swap3A_906 = arith.constant 112 : index
          %swap3A_907 = tpu.vector_load %arg15[%swap3A_905, %swap3A_906] {strides = array<i32>} : memref<64x128xf32, #tpu.memory_space<vmem>>, vector<1x16xf32>,
          %swap3A_908 = vector.shape_cast %swap3A_907 : vector<1x16xf32> to vector<16xf32>
          %swap3A_909 = vector.shape_cast %broadcast_in_dim3A_1 : vector<16xf32> to vector<1x16xf32>
          tpu.vector_store %arg15[%swap3A_905, %swap3A_906], %swap3A_909 {strides = array<i32>} : memref<64x128xf32, #tpu.memory_space<vmem>>, vector<1x16xf32>,
          %slice3A_910 = vector.extract_strided_slice %get3A_208 {offsets = [11], sizes = [1], strides = [1]} : vector<16xi32> to vector<1xi32>
          %squeeze3A_911 = vector.extract %slice3A_910[0] : i32 from vector<1xi32>
          %rem3A_912 = arith.constant 8 : i32
          %rem3A_913 = arith.remsi %squeeze3A_911, %rem3A_912 : i32
          %mul3A_914 = arith.constant 16 : i32
          %mul3A_915 = arith.muli %rem3A_913, %mul3A_914 : i32
          %swap3A_916 = arith.index_cast %add3A_865 : i32 to index
          %swap3A_917 = arith.index_cast %mul3A_915 : i32 to index
          %swap3A_918 = tpu.vector_load %arg15[%swap3A_916, %swap3A_917] {strides = array<i32>} : memref<64x128xf32, #tpu.memory_space<vmem>>, vector<1x16xf32>,
          %swap3A_919 = vector.shape_cast %swap3A_918 : vector<1x16xf32> to vector<16xf32>
          %swap3A_920 = vector.shape_cast %get3A_869 : vector<16xf32> to vector<1x16xf32>
          tpu.vector_store %arg15[%swap3A_916, %swap3A_917], %swap3A_920 {strides = array<i32>} : memref<64x128xf32, #tpu.memory_space<vmem>>, vector<1x16xf32>,
          %mul3A_921 = arith.constant 16 : i32
          %mul3A_922 = arith.muli %add3A_204, %mul3A_921 : i32
          %add3A_923 = arith.constant 12 : i32
          %add3A_924 = arith.addi %mul3A_922, %add3A_923 : i32
          %get3A_925 = arith.index_cast %add3A_924 : i32 to index
          %get3A_926 = arith.constant 0 : index
          %get3A_927 = tpu.vector_load %arg17[%get3A_925, %get3A_926] {strides = array<i32>} : memref<64x16xf32, #tpu.memory_space<vmem>>, vector<1x16xf32>,
          %get3A_928 = vector.shape_cast %get3A_927 : vector<1x16xf32> to vector<16xf32>
          %swap3A_929 = arith.index_cast %add3A_924 : i32 to index
          %swap3A_930 = arith.constant 0 : index
          %swap3A_931 = tpu.vector_load %arg15[%swap3A_929, %swap3A_930] {strides = array<i32>} : memref<64x128xf32, #tpu.memory_space<vmem>>, vector<1x16xf32>,
          %swap3A_932 = vector.shape_cast %swap3A_931 : vector<1x16xf32> to vector<16xf32>
          %swap3A_933 = vector.shape_cast %broadcast_in_dim3A_1 : vector<16xf32> to vector<1x16xf32>
          tpu.vector_store %arg15[%swap3A_929, %swap3A_930], %swap3A_933 {strides = array<i32>} : memref<64x128xf32, #tpu.memory_space<vmem>>, vector<1x16xf32>,
          %swap3A_934 = arith.index_cast %add3A_924 : i32 to index
          %swap3A_935 = arith.constant 16 : index
          %swap3A_936 = tpu.vector_load %arg15[%swap3A_934, %swap3A_935] {strides = array<i32>} : memref<64x128xf32, #tpu.memory_space<vmem>>, vector<1x16xf32>,
          %swap3A_937 = vector.shape_cast %swap3A_936 : vector<1x16xf32> to vector<16xf32>
          %swap3A_938 = vector.shape_cast %broadcast_in_dim3A_1 : vector<16xf32> to vector<1x16xf32>
          tpu.vector_store %arg15[%swap3A_934, %swap3A_935], %swap3A_938 {strides = array<i32>} : memref<64x128xf32, #tpu.memory_space<vmem>>, vector<1x16xf32>,
          %swap3A_939 = arith.index_cast %add3A_924 : i32 to index
          %swap3A_940 = arith.constant 32 : index
          %swap3A_941 = tpu.vector_load %arg15[%swap3A_939, %swap3A_940] {strides = array<i32>} : memref<64x128xf32, #tpu.memory_space<vmem>>, vector<1x16xf32>,
          %swap3A_942 = vector.shape_cast %swap3A_941 : vector<1x16xf32> to vector<16xf32>
          %swap3A_943 = vector.shape_cast %broadcast_in_dim3A_1 : vector<16xf32> to vector<1x16xf32>
          tpu.vector_store %arg15[%swap3A_939, %swap3A_940], %swap3A_943 {strides = array<i32>} : memref<64x128xf32, #tpu.memory_space<vmem>>, vector<1x16xf32>,
          %swap3A_944 = arith.index_cast %add3A_924 : i32 to index
          %swap3A_945 = arith.constant 48 : index
          %swap3A_946 = tpu.vector_load %arg15[%swap3A_944, %swap3A_945] {strides = array<i32>} : memref<64x128xf32, #tpu.memory_space<vmem>>, vector<1x16xf32>,
          %swap3A_947 = vector.shape_cast %swap3A_946 : vector<1x16xf32> to vector<16xf32>
          %swap3A_948 = vector.shape_cast %broadcast_in_dim3A_1 : vector<16xf32> to vector<1x16xf32>
          tpu.vector_store %arg15[%swap3A_944, %swap3A_945], %swap3A_948 {strides = array<i32>} : memref<64x128xf32, #tpu.memory_space<vmem>>, vector<1x16xf32>,
          %swap3A_949 = arith.index_cast %add3A_924 : i32 to index
          %swap3A_950 = arith.constant 64 : index
          %swap3A_951 = tpu.vector_load %arg15[%swap3A_949, %swap3A_950] {strides = array<i32>} : memref<64x128xf32, #tpu.memory_space<vmem>>, vector<1x16xf32>,
          %swap3A_952 = vector.shape_cast %swap3A_951 : vector<1x16xf32> to vector<16xf32>
          %swap3A_953 = vector.shape_cast %broadcast_in_dim3A_1 : vector<16xf32> to vector<1x16xf32>
          tpu.vector_store %arg15[%swap3A_949, %swap3A_950], %swap3A_953 {strides = array<i32>} : memref<64x128xf32, #tpu.memory_space<vmem>>, vector<1x16xf32>,
          %swap3A_954 = arith.index_cast %add3A_924 : i32 to index
          %swap3A_955 = arith.constant 80 : index
          %swap3A_956 = tpu.vector_load %arg15[%swap3A_954, %swap3A_955] {strides = array<i32>} : memref<64x128xf32, #tpu.memory_space<vmem>>, vector<1x16xf32>,
          %swap3A_957 = vector.shape_cast %swap3A_956 : vector<1x16xf32> to vector<16xf32>
          %swap3A_958 = vector.shape_cast %broadcast_in_dim3A_1 : vector<16xf32> to vector<1x16xf32>
          tpu.vector_store %arg15[%swap3A_954, %swap3A_955], %swap3A_958 {strides = array<i32>} : memref<64x128xf32, #tpu.memory_space<vmem>>, vector<1x16xf32>,
          %swap3A_959 = arith.index_cast %add3A_924 : i32 to index
          %swap3A_960 = arith.constant 96 : index
          %swap3A_961 = tpu.vector_load %arg15[%swap3A_959, %swap3A_960] {strides = array<i32>} : memref<64x128xf32, #tpu.memory_space<vmem>>, vector<1x16xf32>,
          %swap3A_962 = vector.shape_cast %swap3A_961 : vector<1x16xf32> to vector<16xf32>
          %swap3A_963 = vector.shape_cast %broadcast_in_dim3A_1 : vector<16xf32> to vector<1x16xf32>
          tpu.vector_store %arg15[%swap3A_959, %swap3A_960], %swap3A_963 {strides = array<i32>} : memref<64x128xf32, #tpu.memory_space<vmem>>, vector<1x16xf32>,
          %swap3A_964 = arith.index_cast %add3A_924 : i32 to index
          %swap3A_965 = arith.constant 112 : index
          %swap3A_966 = tpu.vector_load %arg15[%swap3A_964, %swap3A_965] {strides = array<i32>} : memref<64x128xf32, #tpu.memory_space<vmem>>, vector<1x16xf32>,
          %swap3A_967 = vector.shape_cast %swap3A_966 : vector<1x16xf32> to vector<16xf32>
          %swap3A_968 = vector.shape_cast %broadcast_in_dim3A_1 : vector<16xf32> to vector<1x16xf32>
          tpu.vector_store %arg15[%swap3A_964, %swap3A_965], %swap3A_968 {strides = array<i32>} : memref<64x128xf32, #tpu.memory_space<vmem>>, vector<1x16xf32>,
          %slice3A_969 = vector.extract_strided_slice %get3A_208 {offsets = [12], sizes = [1], strides = [1]} : vector<16xi32> to vector<1xi32>
          %squeeze3A_970 = vector.extract %slice3A_969[0] : i32 from vector<1xi32>
          %rem3A_971 = arith.constant 8 : i32
          %rem3A_972 = arith.remsi %squeeze3A_970, %rem3A_971 : i32
          %mul3A_973 = arith.constant 16 : i32
          %mul3A_974 = arith.muli %rem3A_972, %mul3A_973 : i32
          %swap3A_975 = arith.index_cast %add3A_924 : i32 to index
          %swap3A_976 = arith.index_cast %mul3A_974 : i32 to index
          %swap3A_977 = tpu.vector_load %arg15[%swap3A_975, %swap3A_976] {strides = array<i32>} : memref<64x128xf32, #tpu.memory_space<vmem>>, vector<1x16xf32>,
          %swap3A_978 = vector.shape_cast %swap3A_977 : vector<1x16xf32> to vector<16xf32>
          %swap3A_979 = vector.shape_cast %get3A_928 : vector<16xf32> to vector<1x16xf32>
          tpu.vector_store %arg15[%swap3A_975, %swap3A_976], %swap3A_979 {strides = array<i32>} : memref<64x128xf32, #tpu.memory_space<vmem>>, vector<1x16xf32>,
          %mul3A_980 = arith.constant 16 : i32
          %mul3A_981 = arith.muli %add3A_204, %mul3A_980 : i32
          %add3A_982 = arith.constant 13 : i32
          %add3A_983 = arith.addi %mul3A_981, %add3A_982 : i32
          %get3A_984 = arith.index_cast %add3A_983 : i32 to index
          %get3A_985 = arith.constant 0 : index
          %get3A_986 = tpu.vector_load %arg17[%get3A_984, %get3A_985] {strides = array<i32>} : memref<64x16xf32, #tpu.memory_space<vmem>>, vector<1x16xf32>,
          %get3A_987 = vector.shape_cast %get3A_986 : vector<1x16xf32> to vector<16xf32>
          %swap3A_988 = arith.index_cast %add3A_983 : i32 to index
          %swap3A_989 = arith.constant 0 : index
          %swap3A_990 = tpu.vector_load %arg15[%swap3A_988, %swap3A_989] {strides = array<i32>} : memref<64x128xf32, #tpu.memory_space<vmem>>, vector<1x16xf32>,
          %swap3A_991 = vector.shape_cast %swap3A_990 : vector<1x16xf32> to vector<16xf32>
          %swap3A_992 = vector.shape_cast %broadcast_in_dim3A_1 : vector<16xf32> to vector<1x16xf32>
          tpu.vector_store %arg15[%swap3A_988, %swap3A_989], %swap3A_992 {strides = array<i32>} : memref<64x128xf32, #tpu.memory_space<vmem>>, vector<1x16xf32>,
          %swap3A_993 = arith.index_cast %add3A_983 : i32 to index
          %swap3A_994 = arith.constant 16 : index
          %swap3A_995 = tpu.vector_load %arg15[%swap3A_993, %swap3A_994] {strides = array<i32>} : memref<64x128xf32, #tpu.memory_space<vmem>>, vector<1x16xf32>,
          %swap3A_996 = vector.shape_cast %swap3A_995 : vector<1x16xf32> to vector<16xf32>
          %swap3A_997 = vector.shape_cast %broadcast_in_dim3A_1 : vector<16xf32> to vector<1x16xf32>
          tpu.vector_store %arg15[%swap3A_993, %swap3A_994], %swap3A_997 {strides = array<i32>} : memref<64x128xf32, #tpu.memory_space<vmem>>, vector<1x16xf32>,
          %swap3A_998 = arith.index_cast %add3A_983 : i32 to index
          %swap3A_999 = arith.constant 32 : index
          %swap3A_1000 = tpu.vector_load %arg15[%swap3A_998, %swap3A_999] {strides = array<i32>} : memref<64x128xf32, #tpu.memory_space<vmem>>, vector<1x16xf32>,
          %swap3A_1001 = vector.shape_cast %swap3A_1000 : vector<1x16xf32> to vector<16xf32>
          %swap3A_1002 = vector.shape_cast %broadcast_in_dim3A_1 : vector<16xf32> to vector<1x16xf32>
          tpu.vector_store %arg15[%swap3A_998, %swap3A_999], %swap3A_1002 {strides = array<i32>} : memref<64x128xf32, #tpu.memory_space<vmem>>, vector<1x16xf32>,
          %swap3A_1003 = arith.index_cast %add3A_983 : i32 to index
          %swap3A_1004 = arith.constant 48 : index
          %swap3A_1005 = tpu.vector_load %arg15[%swap3A_1003, %swap3A_1004] {strides = array<i32>} : memref<64x128xf32, #tpu.memory_space<vmem>>, vector<1x16xf32>,
          %swap3A_1006 = vector.shape_cast %swap3A_1005 : vector<1x16xf32> to vector<16xf32>
          %swap3A_1007 = vector.shape_cast %broadcast_in_dim3A_1 : vector<16xf32> to vector<1x16xf32>
          tpu.vector_store %arg15[%swap3A_1003, %swap3A_1004], %swap3A_1007 {strides = array<i32>} : memref<64x128xf32, #tpu.memory_space<vmem>>, vector<1x16xf32>,
          %swap3A_1008 = arith.index_cast %add3A_983 : i32 to index
          %swap3A_1009 = arith.constant 64 : index
          %swap3A_1010 = tpu.vector_load %arg15[%swap3A_1008, %swap3A_1009] {strides = array<i32>} : memref<64x128xf32, #tpu.memory_space<vmem>>, vector<1x16xf32>,
          %swap3A_1011 = vector.shape_cast %swap3A_1010 : vector<1x16xf32> to vector<16xf32>
          %swap3A_1012 = vector.shape_cast %broadcast_in_dim3A_1 : vector<16xf32> to vector<1x16xf32>
          tpu.vector_store %arg15[%swap3A_1008, %swap3A_1009], %swap3A_1012 {strides = array<i32>} : memref<64x128xf32, #tpu.memory_space<vmem>>, vector<1x16xf32>,
          %swap3A_1013 = arith.index_cast %add3A_983 : i32 to index
          %swap3A_1014 = arith.constant 80 : index
          %swap3A_1015 = tpu.vector_load %arg15[%swap3A_1013, %swap3A_1014] {strides = array<i32>} : memref<64x128xf32, #tpu.memory_space<vmem>>, vector<1x16xf32>,
          %swap3A_1016 = vector.shape_cast %swap3A_1015 : vector<1x16xf32> to vector<16xf32>
          %swap3A_1017 = vector.shape_cast %broadcast_in_dim3A_1 : vector<16xf32> to vector<1x16xf32>
          tpu.vector_store %arg15[%swap3A_1013, %swap3A_1014], %swap3A_1017 {strides = array<i32>} : memref<64x128xf32, #tpu.memory_space<vmem>>, vector<1x16xf32>,
          %swap3A_1018 = arith.index_cast %add3A_983 : i32 to index
          %swap3A_1019 = arith.constant 96 : index
          %swap3A_1020 = tpu.vector_load %arg15[%swap3A_1018, %swap3A_1019] {strides = array<i32>} : memref<64x128xf32, #tpu.memory_space<vmem>>, vector<1x16xf32>,
          %swap3A_1021 = vector.shape_cast %swap3A_1020 : vector<1x16xf32> to vector<16xf32>
          %swap3A_1022 = vector.shape_cast %broadcast_in_dim3A_1 : vector<16xf32> to vector<1x16xf32>
          tpu.vector_store %arg15[%swap3A_1018, %swap3A_1019], %swap3A_1022 {strides = array<i32>} : memref<64x128xf32, #tpu.memory_space<vmem>>, vector<1x16xf32>,
          %swap3A_1023 = arith.index_cast %add3A_983 : i32 to index
          %swap3A_1024 = arith.constant 112 : index
          %swap3A_1025 = tpu.vector_load %arg15[%swap3A_1023, %swap3A_1024] {strides = array<i32>} : memref<64x128xf32, #tpu.memory_space<vmem>>, vector<1x16xf32>,
          %swap3A_1026 = vector.shape_cast %swap3A_1025 : vector<1x16xf32> to vector<16xf32>
          %swap3A_1027 = vector.shape_cast %broadcast_in_dim3A_1 : vector<16xf32> to vector<1x16xf32>
          tpu.vector_store %arg15[%swap3A_1023, %swap3A_1024], %swap3A_1027 {strides = array<i32>} : memref<64x128xf32, #tpu.memory_space<vmem>>, vector<1x16xf32>,
          %slice3A_1028 = vector.extract_strided_slice %get3A_208 {offsets = [13], sizes = [1], strides = [1]} : vector<16xi32> to vector<1xi32>
          %squeeze3A_1029 = vector.extract %slice3A_1028[0] : i32 from vector<1xi32>
          %rem3A_1030 = arith.constant 8 : i32
          %rem3A_1031 = arith.remsi %squeeze3A_1029, %rem3A_1030 : i32
          %mul3A_1032 = arith.constant 16 : i32
          %mul3A_1033 = arith.muli %rem3A_1031, %mul3A_1032 : i32
          %swap3A_1034 = arith.index_cast %add3A_983 : i32 to index
          %swap3A_1035 = arith.index_cast %mul3A_1033 : i32 to index
          %swap3A_1036 = tpu.vector_load %arg15[%swap3A_1034, %swap3A_1035] {strides = array<i32>} : memref<64x128xf32, #tpu.memory_space<vmem>>, vector<1x16xf32>,
          %swap3A_1037 = vector.shape_cast %swap3A_1036 : vector<1x16xf32> to vector<16xf32>
          %swap3A_1038 = vector.shape_cast %get3A_987 : vector<16xf32> to vector<1x16xf32>
          tpu.vector_store %arg15[%swap3A_1034, %swap3A_1035], %swap3A_1038 {strides = array<i32>} : memref<64x128xf32, #tpu.memory_space<vmem>>, vector<1x16xf32>,
          %mul3A_1039 = arith.constant 16 : i32
          %mul3A_1040 = arith.muli %add3A_204, %mul3A_1039 : i32
          %add3A_1041 = arith.constant 14 : i32
          %add3A_1042 = arith.addi %mul3A_1040, %add3A_1041 : i32
          %get3A_1043 = arith.index_cast %add3A_1042 : i32 to index
          %get3A_1044 = arith.constant 0 : index
          %get3A_1045 = tpu.vector_load %arg17[%get3A_1043, %get3A_1044] {strides = array<i32>} : memref<64x16xf32, #tpu.memory_space<vmem>>, vector<1x16xf32>,
          %get3A_1046 = vector.shape_cast %get3A_1045 : vector<1x16xf32> to vector<16xf32>
          %swap3A_1047 = arith.index_cast %add3A_1042 : i32 to index
          %swap3A_1048 = arith.constant 0 : index
          %swap3A_1049 = tpu.vector_load %arg15[%swap3A_1047, %swap3A_1048] {strides = array<i32>} : memref<64x128xf32, #tpu.memory_space<vmem>>, vector<1x16xf32>,
          %swap3A_1050 = vector.shape_cast %swap3A_1049 : vector<1x16xf32> to vector<16xf32>
          %swap3A_1051 = vector.shape_cast %broadcast_in_dim3A_1 : vector<16xf32> to vector<1x16xf32>
          tpu.vector_store %arg15[%swap3A_1047, %swap3A_1048], %swap3A_1051 {strides = array<i32>} : memref<64x128xf32, #tpu.memory_space<vmem>>, vector<1x16xf32>,
          %swap3A_1052 = arith.index_cast %add3A_1042 : i32 to index
          %swap3A_1053 = arith.constant 16 : index
          %swap3A_1054 = tpu.vector_load %arg15[%swap3A_1052, %swap3A_1053] {strides = array<i32>} : memref<64x128xf32, #tpu.memory_space<vmem>>, vector<1x16xf32>,
          %swap3A_1055 = vector.shape_cast %swap3A_1054 : vector<1x16xf32> to vector<16xf32>
          %swap3A_1056 = vector.shape_cast %broadcast_in_dim3A_1 : vector<16xf32> to vector<1x16xf32>
          tpu.vector_store %arg15[%swap3A_1052, %swap3A_1053], %swap3A_1056 {strides = array<i32>} : memref<64x128xf32, #tpu.memory_space<vmem>>, vector<1x16xf32>,
          %swap3A_1057 = arith.index_cast %add3A_1042 : i32 to index
          %swap3A_1058 = arith.constant 32 : index
          %swap3A_1059 = tpu.vector_load %arg15[%swap3A_1057, %swap3A_1058] {strides = array<i32>} : memref<64x128xf32, #tpu.memory_space<vmem>>, vector<1x16xf32>,
          %swap3A_1060 = vector.shape_cast %swap3A_1059 : vector<1x16xf32> to vector<16xf32>
          %swap3A_1061 = vector.shape_cast %broadcast_in_dim3A_1 : vector<16xf32> to vector<1x16xf32>
          tpu.vector_store %arg15[%swap3A_1057, %swap3A_1058], %swap3A_1061 {strides = array<i32>} : memref<64x128xf32, #tpu.memory_space<vmem>>, vector<1x16xf32>,
          %swap3A_1062 = arith.index_cast %add3A_1042 : i32 to index
          %swap3A_1063 = arith.constant 48 : index
          %swap3A_1064 = tpu.vector_load %arg15[%swap3A_1062, %swap3A_1063] {strides = array<i32>} : memref<64x128xf32, #tpu.memory_space<vmem>>, vector<1x16xf32>,
          %swap3A_1065 = vector.shape_cast %swap3A_1064 : vector<1x16xf32> to vector<16xf32>
          %swap3A_1066 = vector.shape_cast %broadcast_in_dim3A_1 : vector<16xf32> to vector<1x16xf32>
          tpu.vector_store %arg15[%swap3A_1062, %swap3A_1063], %swap3A_1066 {strides = array<i32>} : memref<64x128xf32, #tpu.memory_space<vmem>>, vector<1x16xf32>,
          %swap3A_1067 = arith.index_cast %add3A_1042 : i32 to index
          %swap3A_1068 = arith.constant 64 : index
          %swap3A_1069 = tpu.vector_load %arg15[%swap3A_1067, %swap3A_1068] {strides = array<i32>} : memref<64x128xf32, #tpu.memory_space<vmem>>, vector<1x16xf32>,
          %swap3A_1070 = vector.shape_cast %swap3A_1069 : vector<1x16xf32> to vector<16xf32>
          %swap3A_1071 = vector.shape_cast %broadcast_in_dim3A_1 : vector<16xf32> to vector<1x16xf32>
          tpu.vector_store %arg15[%swap3A_1067, %swap3A_1068], %swap3A_1071 {strides = array<i32>} : memref<64x128xf32, #tpu.memory_space<vmem>>, vector<1x16xf32>,
          %swap3A_1072 = arith.index_cast %add3A_1042 : i32 to index
          %swap3A_1073 = arith.constant 80 : index
          %swap3A_1074 = tpu.vector_load %arg15[%swap3A_1072, %swap3A_1073] {strides = array<i32>} : memref<64x128xf32, #tpu.memory_space<vmem>>, vector<1x16xf32>,
          %swap3A_1075 = vector.shape_cast %swap3A_1074 : vector<1x16xf32> to vector<16xf32>
          %swap3A_1076 = vector.shape_cast %broadcast_in_dim3A_1 : vector<16xf32> to vector<1x16xf32>
          tpu.vector_store %arg15[%swap3A_1072, %swap3A_1073], %swap3A_1076 {strides = array<i32>} : memref<64x128xf32, #tpu.memory_space<vmem>>, vector<1x16xf32>,
          %swap3A_1077 = arith.index_cast %add3A_1042 : i32 to index
          %swap3A_1078 = arith.constant 96 : index
          %swap3A_1079 = tpu.vector_load %arg15[%swap3A_1077, %swap3A_1078] {strides = array<i32>} : memref<64x128xf32, #tpu.memory_space<vmem>>, vector<1x16xf32>,
          %swap3A_1080 = vector.shape_cast %swap3A_1079 : vector<1x16xf32> to vector<16xf32>
          %swap3A_1081 = vector.shape_cast %broadcast_in_dim3A_1 : vector<16xf32> to vector<1x16xf32>
          tpu.vector_store %arg15[%swap3A_1077, %swap3A_1078], %swap3A_1081 {strides = array<i32>} : memref<64x128xf32, #tpu.memory_space<vmem>>, vector<1x16xf32>,
          %swap3A_1082 = arith.index_cast %add3A_1042 : i32 to index
          %swap3A_1083 = arith.constant 112 : index
          %swap3A_1084 = tpu.vector_load %arg15[%swap3A_1082, %swap3A_1083] {strides = array<i32>} : memref<64x128xf32, #tpu.memory_space<vmem>>, vector<1x16xf32>,
          %swap3A_1085 = vector.shape_cast %swap3A_1084 : vector<1x16xf32> to vector<16xf32>
          %swap3A_1086 = vector.shape_cast %broadcast_in_dim3A_1 : vector<16xf32> to vector<1x16xf32>
          tpu.vector_store %arg15[%swap3A_1082, %swap3A_1083], %swap3A_1086 {strides = array<i32>} : memref<64x128xf32, #tpu.memory_space<vmem>>, vector<1x16xf32>,
          %slice3A_1087 = vector.extract_strided_slice %get3A_208 {offsets = [14], sizes = [1], strides = [1]} : vector<16xi32> to vector<1xi32>
          %squeeze3A_1088 = vector.extract %slice3A_1087[0] : i32 from vector<1xi32>
          %rem3A_1089 = arith.constant 8 : i32
          %rem3A_1090 = arith.remsi %squeeze3A_1088, %rem3A_1089 : i32
          %mul3A_1091 = arith.constant 16 : i32
          %mul3A_1092 = arith.muli %rem3A_1090, %mul3A_1091 : i32
          %swap3A_1093 = arith.index_cast %add3A_1042 : i32 to index
          %swap3A_1094 = arith.index_cast %mul3A_1092 : i32 to index
          %swap3A_1095 = tpu.vector_load %arg15[%swap3A_1093, %swap3A_1094] {strides = array<i32>} : memref<64x128xf32, #tpu.memory_space<vmem>>, vector<1x16xf32>,
          %swap3A_1096 = vector.shape_cast %swap3A_1095 : vector<1x16xf32> to vector<16xf32>
          %swap3A_1097 = vector.shape_cast %get3A_1046 : vector<16xf32> to vector<1x16xf32>
          tpu.vector_store %arg15[%swap3A_1093, %swap3A_1094], %swap3A_1097 {strides = array<i32>} : memref<64x128xf32, #tpu.memory_space<vmem>>, vector<1x16xf32>,
          %mul3A_1098 = arith.constant 16 : i32
          %mul3A_1099 = arith.muli %add3A_204, %mul3A_1098 : i32
          %add3A_1100 = arith.constant 15 : i32
          %add3A_1101 = arith.addi %mul3A_1099, %add3A_1100 : i32
          %get3A_1102 = arith.index_cast %add3A_1101 : i32 to index
          %get3A_1103 = arith.constant 0 : index
          %get3A_1104 = tpu.vector_load %arg17[%get3A_1102, %get3A_1103] {strides = array<i32>} : memref<64x16xf32, #tpu.memory_space<vmem>>, vector<1x16xf32>,
          %get3A_1105 = vector.shape_cast %get3A_1104 : vector<1x16xf32> to vector<16xf32>
          %swap3A_1106 = arith.index_cast %add3A_1101 : i32 to index
          %swap3A_1107 = arith.constant 0 : index
          %swap3A_1108 = tpu.vector_load %arg15[%swap3A_1106, %swap3A_1107] {strides = array<i32>} : memref<64x128xf32, #tpu.memory_space<vmem>>, vector<1x16xf32>,
          %swap3A_1109 = vector.shape_cast %swap3A_1108 : vector<1x16xf32> to vector<16xf32>
          %swap3A_1110 = vector.shape_cast %broadcast_in_dim3A_1 : vector<16xf32> to vector<1x16xf32>
          tpu.vector_store %arg15[%swap3A_1106, %swap3A_1107], %swap3A_1110 {strides = array<i32>} : memref<64x128xf32, #tpu.memory_space<vmem>>, vector<1x16xf32>,
          %swap3A_1111 = arith.index_cast %add3A_1101 : i32 to index
          %swap3A_1112 = arith.constant 16 : index
          %swap3A_1113 = tpu.vector_load %arg15[%swap3A_1111, %swap3A_1112] {strides = array<i32>} : memref<64x128xf32, #tpu.memory_space<vmem>>, vector<1x16xf32>,
          %swap3A_1114 = vector.shape_cast %swap3A_1113 : vector<1x16xf32> to vector<16xf32>
          %swap3A_1115 = vector.shape_cast %broadcast_in_dim3A_1 : vector<16xf32> to vector<1x16xf32>
          tpu.vector_store %arg15[%swap3A_1111, %swap3A_1112], %swap3A_1115 {strides = array<i32>} : memref<64x128xf32, #tpu.memory_space<vmem>>, vector<1x16xf32>,
          %swap3A_1116 = arith.index_cast %add3A_1101 : i32 to index
          %swap3A_1117 = arith.constant 32 : index
          %swap3A_1118 = tpu.vector_load %arg15[%swap3A_1116, %swap3A_1117] {strides = array<i32>} : memref<64x128xf32, #tpu.memory_space<vmem>>, vector<1x16xf32>,
          %swap3A_1119 = vector.shape_cast %swap3A_1118 : vector<1x16xf32> to vector<16xf32>
          %swap3A_1120 = vector.shape_cast %broadcast_in_dim3A_1 : vector<16xf32> to vector<1x16xf32>
          tpu.vector_store %arg15[%swap3A_1116, %swap3A_1117], %swap3A_1120 {strides = array<i32>} : memref<64x128xf32, #tpu.memory_space<vmem>>, vector<1x16xf32>,
          %swap3A_1121 = arith.index_cast %add3A_1101 : i32 to index
          %swap3A_1122 = arith.constant 48 : index
          %swap3A_1123 = tpu.vector_load %arg15[%swap3A_1121, %swap3A_1122] {strides = array<i32>} : memref<64x128xf32, #tpu.memory_space<vmem>>, vector<1x16xf32>,
          %swap3A_1124 = vector.shape_cast %swap3A_1123 : vector<1x16xf32> to vector<16xf32>
          %swap3A_1125 = vector.shape_cast %broadcast_in_dim3A_1 : vector<16xf32> to vector<1x16xf32>
          tpu.vector_store %arg15[%swap3A_1121, %swap3A_1122], %swap3A_1125 {strides = array<i32>} : memref<64x128xf32, #tpu.memory_space<vmem>>, vector<1x16xf32>,
          %swap3A_1126 = arith.index_cast %add3A_1101 : i32 to index
          %swap3A_1127 = arith.constant 64 : index
          %swap3A_1128 = tpu.vector_load %arg15[%swap3A_1126, %swap3A_1127] {strides = array<i32>} : memref<64x128xf32, #tpu.memory_space<vmem>>, vector<1x16xf32>,
          %swap3A_1129 = vector.shape_cast %swap3A_1128 : vector<1x16xf32> to vector<16xf32>
          %swap3A_1130 = vector.shape_cast %broadcast_in_dim3A_1 : vector<16xf32> to vector<1x16xf32>
          tpu.vector_store %arg15[%swap3A_1126, %swap3A_1127], %swap3A_1130 {strides = array<i32>} : memref<64x128xf32, #tpu.memory_space<vmem>>, vector<1x16xf32>,
          %swap3A_1131 = arith.index_cast %add3A_1101 : i32 to index
          %swap3A_1132 = arith.constant 80 : index
          %swap3A_1133 = tpu.vector_load %arg15[%swap3A_1131, %swap3A_1132] {strides = array<i32>} : memref<64x128xf32, #tpu.memory_space<vmem>>, vector<1x16xf32>,
          %swap3A_1134 = vector.shape_cast %swap3A_1133 : vector<1x16xf32> to vector<16xf32>
          %swap3A_1135 = vector.shape_cast %broadcast_in_dim3A_1 : vector<16xf32> to vector<1x16xf32>
          tpu.vector_store %arg15[%swap3A_1131, %swap3A_1132], %swap3A_1135 {strides = array<i32>} : memref<64x128xf32, #tpu.memory_space<vmem>>, vector<1x16xf32>,
          %swap3A_1136 = arith.index_cast %add3A_1101 : i32 to index
          %swap3A_1137 = arith.constant 96 : index
          %swap3A_1138 = tpu.vector_load %arg15[%swap3A_1136, %swap3A_1137] {strides = array<i32>} : memref<64x128xf32, #tpu.memory_space<vmem>>, vector<1x16xf32>,
          %swap3A_1139 = vector.shape_cast %swap3A_1138 : vector<1x16xf32> to vector<16xf32>
          %swap3A_1140 = vector.shape_cast %broadcast_in_dim3A_1 : vector<16xf32> to vector<1x16xf32>
          tpu.vector_store %arg15[%swap3A_1136, %swap3A_1137], %swap3A_1140 {strides = array<i32>} : memref<64x128xf32, #tpu.memory_space<vmem>>, vector<1x16xf32>,
          %swap3A_1141 = arith.index_cast %add3A_1101 : i32 to index
          %swap3A_1142 = arith.constant 112 : index
          %swap3A_1143 = tpu.vector_load %arg15[%swap3A_1141, %swap3A_1142] {strides = array<i32>} : memref<64x128xf32, #tpu.memory_space<vmem>>, vector<1x16xf32>,
          %swap3A_1144 = vector.shape_cast %swap3A_1143 : vector<1x16xf32> to vector<16xf32>
          %swap3A_1145 = vector.shape_cast %broadcast_in_dim3A_1 : vector<16xf32> to vector<1x16xf32>
          tpu.vector_store %arg15[%swap3A_1141, %swap3A_1142], %swap3A_1145 {strides = array<i32>} : memref<64x128xf32, #tpu.memory_space<vmem>>, vector<1x16xf32>,
          %slice3A_1146 = vector.extract_strided_slice %get3A_208 {offsets = [15], sizes = [1], strides = [1]} : vector<16xi32> to vector<1xi32>
          %squeeze3A_1147 = vector.extract %slice3A_1146[0] : i32 from vector<1xi32>
          %rem3A_1148 = arith.constant 8 : i32
          %rem3A_1149 = arith.remsi %squeeze3A_1147, %rem3A_1148 : i32
          %mul3A_1150 = arith.constant 16 : i32
          %mul3A_1151 = arith.muli %rem3A_1149, %mul3A_1150 : i32
          %swap3A_1152 = arith.index_cast %add3A_1101 : i32 to index
          %swap3A_1153 = arith.index_cast %mul3A_1151 : i32 to index
          %swap3A_1154 = tpu.vector_load %arg15[%swap3A_1152, %swap3A_1153] {strides = array<i32>} : memref<64x128xf32, #tpu.memory_space<vmem>>, vector<1x16xf32>,
          %swap3A_1155 = vector.shape_cast %swap3A_1154 : vector<1x16xf32> to vector<16xf32>
          %swap3A_1156 = vector.shape_cast %get3A_1105 : vector<16xf32> to vector<1x16xf32>
          tpu.vector_store %arg15[%swap3A_1152, %swap3A_1153], %swap3A_1156 {strides = array<i32>} : memref<64x128xf32, #tpu.memory_space<vmem>>, vector<1x16xf32>,
        }
        %scan3A_193 = arith.constant 4 : i32
        %dma_start3A_194 = arith.constant 0 : i32
        %dma_start3A_195 = arith.constant 0 : i32
        %dma_start3A_196 = tpu.memref_slice %arg19[%dma_start3A_194, %dma_start3A_195] : memref<1280x128xf32, #tpu.memory_space<vmem_shared>> -> memref<1280x128xf32, #tpu.memory_space<vmem_shared>>
        tpu.enqueue_indirect_dma source(%arg15 : memref<64x128xf32, #tpu.memory_space<vmem>>) target(%dma_start3A_196 : memref<1280x128xf32, #tpu.memory_space<vmem_shared>>) offsets(%arg13 : memref<64xi32, #tpu.memory_space<vmem>>) semaphore(%arg25 : memref<!tpu.dma_semaphore, #tpu.memory_space<semaphore_mem>>)
        %convert_element_type3A_197 = arith.extui %ge3A_70 : i1 to i32
        %cond3A_198 = arith.constant 0 : i32
        %cond3A_199 = arith.cmpi ne, %convert_element_type3A_197, %cond3A_198 : i32
        scf.if %cond3A_199 {
          %dma_wait3A_200 = arith.constant 0 : i32
          %dma_wait3A_201 = arith.constant 0 : i32
          %dma_wait3A_202 = tpu.memref_slice %arg18[%dma_wait3A_200, %dma_wait3A_201] : memref<10112x128xf32, #tpu.memory_space<vmem_shared>> -> memref<10112x128xf32, #tpu.memory_space<vmem_shared>>
          tpu.wait_indirect_dma semaphore(%arg24 : memref<!tpu.dma_semaphore, #tpu.memory_space<semaphore_mem>>) src(%arg16 : memref<64x128xf32, #tpu.memory_space<vmem>>) dst(%dma_wait3A_202 : memref<10112x128xf32, #tpu.memory_space<vmem_shared>>)
          %dma_wait3A_203 = arith.constant 0 : i32
          %dma_wait3A_204 = arith.constant 0 : i32
          %dma_wait3A_205 = tpu.memref_slice %arg19[%dma_wait3A_203, %dma_wait3A_204] : memref<1280x128xf32, #tpu.memory_space<vmem_shared>> -> memref<1280x128xf32, #tpu.memory_space<vmem_shared>>
          tpu.wait_indirect_dma semaphore(%arg25 : memref<!tpu.dma_semaphore, #tpu.memory_space<semaphore_mem>>) src(%arg15 : memref<64x128xf32, #tpu.memory_space<vmem>>) dst(%dma_wait3A_205 : memref<1280x128xf32, #tpu.memory_space<vmem_shared>>)
        } else {
        }
      } else {
      }
    }
    %scan3A_27 = arith.constant 79 : i32
    %barrier3A_28 = arith.constant 0 : index
    tpu.barrier barrier_id(%barrier3A_28)
    %mul3A_29 = arith.constant 632 : i32
    %mul3A_30 = arith.muli %arg1, %mul3A_29 : i32
    "tpu.region"() ({
      %run_scoped3A = tpu.sem_alloc : memref<!tpu.dma_semaphore, #tpu.memory_space<semaphore_mem>>
      %dma_start3A = arith.constant 0 : i32
      %dma_start3A_33 = tpu.memref_slice %arg7[%arg0, %mul3A_30, %dma_start3A] : memref<2x10112x128xf32, #tpu.memory_space<hbm>> -> memref<1x632x128xf32, #tpu.memory_space<hbm>>
      %dma_start3A_34 = tpu.memref_squeeze %dma_start3A_33 : memref<1x632x128xf32, #tpu.memory_space<hbm>> -> memref<632x128xf32, #tpu.memory_space<hbm>>
      %dma_start3A_35 = arith.constant 0 : i32
      %dma_start3A_36 = tpu.memref_slice %arg18[%mul3A_30, %dma_start3A_35] : memref<10112x128xf32, #tpu.memory_space<vmem_shared>> -> memref<632x128xf32, #tpu.memory_space<vmem_shared>>
      tpu.enqueue_dma source(%dma_start3A_36 : memref<632x128xf32, #tpu.memory_space<vmem_shared>>) target(%dma_start3A_34 : memref<632x128xf32, #tpu.memory_space<hbm>>) target_semaphore(%run_scoped3A : memref<!tpu.dma_semaphore, #tpu.memory_space<semaphore_mem>>)
      %dma_wait3A = arith.constant 0 : i32
      %dma_wait3A_37 = tpu.memref_slice %arg7[%arg0, %mul3A_30, %dma_wait3A] : memref<2x10112x128xf32, #tpu.memory_space<hbm>> -> memref<1x632x128xf32, #tpu.memory_space<hbm>>
      %dma_wait3A_38 = tpu.memref_squeeze %dma_wait3A_37 : memref<1x632x128xf32, #tpu.memory_space<hbm>> -> memref<632x128xf32, #tpu.memory_space<hbm>>
      %dma_wait3A_39 = arith.constant 0 : i32
      %dma_wait3A_40 = tpu.memref_slice %arg18[%mul3A_30, %dma_wait3A_39] : memref<10112x128xf32, #tpu.memory_space<vmem_shared>> -> memref<632x128xf32, #tpu.memory_space<vmem_shared>>
      tpu.wait_dma2 semaphore(%run_scoped3A : memref<!tpu.dma_semaphore, #tpu.memory_space<semaphore_mem>>) src(%dma_wait3A_40 : memref<632x128xf32, #tpu.memory_space<vmem_shared>>) dst(%dma_wait3A_38 : memref<632x128xf32, #tpu.memory_space<hbm>>)
      tpu.yield
    }) : () -> ()
    %mul3A_31 = arith.constant 80 : i32
    %mul3A_32 = arith.muli %arg1, %mul3A_31 : i32
    "tpu.region"() ({
      %run_scoped3A = tpu.sem_alloc : memref<!tpu.dma_semaphore, #tpu.memory_space<semaphore_mem>>
      %dma_start3A = arith.constant 0 : i32
      %dma_start3A_33 = tpu.memref_slice %arg8[%arg0, %mul3A_32, %dma_start3A] : memref<2x1280x128xf32, #tpu.memory_space<hbm>> -> memref<1x80x128xf32, #tpu.memory_space<hbm>>
      %dma_start3A_34 = tpu.memref_squeeze %dma_start3A_33 : memref<1x80x128xf32, #tpu.memory_space<hbm>> -> memref<80x128xf32, #tpu.memory_space<hbm>>
      %dma_start3A_35 = arith.constant 0 : i32
      %dma_start3A_36 = tpu.memref_slice %arg19[%mul3A_32, %dma_start3A_35] : memref<1280x128xf32, #tpu.memory_space<vmem_shared>> -> memref<80x128xf32, #tpu.memory_space<vmem_shared>>
      tpu.enqueue_dma source(%dma_start3A_36 : memref<80x128xf32, #tpu.memory_space<vmem_shared>>) target(%dma_start3A_34 : memref<80x128xf32, #tpu.memory_space<hbm>>) target_semaphore(%run_scoped3A : memref<!tpu.dma_semaphore, #tpu.memory_space<semaphore_mem>>)
      %dma_wait3A = arith.constant 0 : i32
      %dma_wait3A_37 = tpu.memref_slice %arg8[%arg0, %mul3A_32, %dma_wait3A] : memref<2x1280x128xf32, #tpu.memory_space<hbm>> -> memref<1x80x128xf32, #tpu.memory_space<hbm>>
      %dma_wait3A_38 = tpu.memref_squeeze %dma_wait3A_37 : memref<1x80x128xf32, #tpu.memory_space<hbm>> -> memref<80x128xf32, #tpu.memory_space<hbm>>
      %dma_wait3A_39 = arith.constant 0 : i32
      %dma_wait3A_40 = tpu.memref_slice %arg19[%mul3A_32, %dma_wait3A_39] : memref<1280x128xf32, #tpu.memory_space<vmem_shared>> -> memref<80x128xf32, #tpu.memory_space<vmem_shared>>
      tpu.wait_dma2 semaphore(%run_scoped3A : memref<!tpu.dma_semaphore, #tpu.memory_space<semaphore_mem>>) src(%dma_wait3A_40 : memref<80x128xf32, #tpu.memory_space<vmem_shared>>) dst(%dma_wait3A_38 : memref<80x128xf32, #tpu.memory_space<hbm>>)
      tpu.yield
    }) : () -> ()
    return
  }
}

module attributes {stable_mosaic.version = 14 : i64} {
  func.func @_proj_body(%arg0: i32, %arg1: memref<1000x128xf32, #tpu.memory_space<vmem>>, %arg2: memref<128x128xf32, #tpu.memory_space<vmem>>, %arg3: memref<1x128xf32, #tpu.memory_space<vmem>>, %arg4: memref<128x128xf32, #tpu.memory_space<vmem>>, %arg5: memref<128x128xf32, #tpu.memory_space<vmem>>, %arg6: memref<1000x128xf32, #tpu.memory_space<vmem>>, %arg7: memref<1000x128xf32, #tpu.memory_space<vmem>>, %arg8: memref<1000x128xf32, #tpu.memory_space<vmem>>) attributes {dimension_semantics = [#tpu.dimension_semantics<arbitrary>], iteration_bounds = array<i64: 10>, scalar_prefetch = 0 : i64, scratch_operands = 0 : i64, tpu.core_type = #tpu.core_type<tc>, window_params = [{transform_indices = @transform_0, window_bounds = array<i64: 1000, 128>}, {pipeline_mode = #tpu.pipeline_mode<synchronous>, transform_indices = @transform_1, window_bounds = array<i64: 128, 128>}, {pipeline_mode = #tpu.pipeline_mode<synchronous>, transform_indices = @transform_2, window_bounds = array<i64: 1, 128>}, {pipeline_mode = #tpu.pipeline_mode<synchronous>, transform_indices = @transform_3, window_bounds = array<i64: 128, 128>}, {pipeline_mode = #tpu.pipeline_mode<synchronous>, transform_indices = @transform_4, window_bounds = array<i64: 128, 128>}, {transform_indices = @transform_5, window_bounds = array<i64: 1000, 128>}, {transform_indices = @transform_6, window_bounds = array<i64: 1000, 128>}, {transform_indices = @transform_7, window_bounds = array<i64: 1000, 128>}]} {
    %get3A = arith.constant 0 : index
    %get3A_0 = arith.constant 0 : index
    %get3A_1 = vector.load %arg1[%get3A, %get3A_0] : memref<1000x128xf32, #tpu.memory_space<vmem>>, vector<1000x128xf32>
    %get3A_2 = arith.constant 0 : index
    %get3A_3 = arith.constant 0 : index
    %get3A_4 = vector.load %arg2[%get3A_2, %get3A_3] : memref<128x128xf32, #tpu.memory_space<vmem>>, vector<128x128xf32>
    %dot_general3A = arith.constant dense<0.000000e+00> : vector<1000x128xf32>
    %dot_general3A_5 = tpu.matmul %get3A_1, %get3A_4, %dot_general3A {dimension_numbers = #tpu.dot_dimension_numbers<[1], [1], [0], [0], [0, 0, 1, 0], [], []>, transpose_lhs_hint = false} : vector<1000x128xf32>, vector<128x128xf32>, vector<1000x128xf32> -> vector<1000x128xf32>
    %get3A_6 = arith.constant 0 : index
    %get3A_7 = arith.constant 0 : index
    %get3A_8 = vector.load %arg3[%get3A_6, %get3A_7] : memref<1x128xf32, #tpu.memory_space<vmem>>, vector<1x128xf32>
    %add3A = vector.broadcast %get3A_8 : vector<1x128xf32> to vector<1000x128xf32>
    %add3A_9 = arith.addf %dot_general3A_5, %add3A : vector<1000x128xf32>
    %swap3A = arith.constant 0 : index
    %swap3A_10 = arith.constant 0 : index
    %swap3A_11 = vector.load %arg6[%swap3A, %swap3A_10] : memref<1000x128xf32, #tpu.memory_space<vmem>>, vector<1000x128xf32>
    tpu.vector_store %arg6[%swap3A, %swap3A_10], %add3A_9 {strides = array<i32>} : memref<1000x128xf32, #tpu.memory_space<vmem>>, vector<1000x128xf32>,
    %get3A_12 = arith.constant 0 : index
    %get3A_13 = arith.constant 0 : index
    %get3A_14 = vector.load %arg4[%get3A_12, %get3A_13] : memref<128x128xf32, #tpu.memory_space<vmem>>, vector<128x128xf32>
    %dot_general3A_15 = arith.constant dense<0.000000e+00> : vector<1000x128xf32>
    %dot_general3A_16 = tpu.matmul %get3A_1, %get3A_14, %dot_general3A_15 {dimension_numbers = #tpu.dot_dimension_numbers<[1], [1], [0], [0], [0, 0, 1, 0], [], []>, transpose_lhs_hint = false} : vector<1000x128xf32>, vector<128x128xf32>, vector<1000x128xf32> -> vector<1000x128xf32>
    %swap3A_17 = arith.constant 0 : index
    %swap3A_18 = arith.constant 0 : index
    %swap3A_19 = vector.load %arg7[%swap3A_17, %swap3A_18] : memref<1000x128xf32, #tpu.memory_space<vmem>>, vector<1000x128xf32>
    tpu.vector_store %arg7[%swap3A_17, %swap3A_18], %dot_general3A_16 {strides = array<i32>} : memref<1000x128xf32, #tpu.memory_space<vmem>>, vector<1000x128xf32>,
    %get3A_20 = arith.constant 0 : index
    %get3A_21 = arith.constant 0 : index
    %get3A_22 = vector.load %arg5[%get3A_20, %get3A_21] : memref<128x128xf32, #tpu.memory_space<vmem>>, vector<128x128xf32>
    %dot_general3A_23 = arith.constant dense<0.000000e+00> : vector<1000x128xf32>
    %dot_general3A_24 = tpu.matmul %get3A_1, %get3A_22, %dot_general3A_23 {dimension_numbers = #tpu.dot_dimension_numbers<[1], [1], [0], [0], [0, 0, 1, 0], [], []>, transpose_lhs_hint = false} : vector<1000x128xf32>, vector<128x128xf32>, vector<1000x128xf32> -> vector<1000x128xf32>
    %swap3A_25 = arith.constant 0 : index
    %swap3A_26 = arith.constant 0 : index
    %swap3A_27 = vector.load %arg8[%swap3A_25, %swap3A_26] : memref<1000x128xf32, #tpu.memory_space<vmem>>, vector<1000x128xf32>
    tpu.vector_store %arg8[%swap3A_25, %swap3A_26], %dot_general3A_24 {strides = array<i32>} : memref<1000x128xf32, #tpu.memory_space<vmem>>, vector<1000x128xf32>,
    return
  }
  func.func @transform_0(%arg0: i32) -> (i32, i32) {
    %c0_i32 = arith.constant 0 : i32
    %c0_i32_0 = arith.constant 0 : i32
    return %arg0, %c0_i32 : i32, i32
  }
  func.func @transform_1(%arg0: i32) -> (i32, i32) {
    %c0_i32 = arith.constant 0 : i32
    %c0_i32_0 = arith.constant 0 : i32
    %c0_i32_1 = arith.constant 0 : i32
    return %c0_i32, %c0_i32_0 : i32, i32
  }
  func.func @transform_2(%arg0: i32) -> (i32, i32) {
    %c0_i32 = arith.constant 0 : i32
    %c0_i32_0 = arith.constant 0 : i32
    %c0_i32_1 = arith.constant 0 : i32
    return %c0_i32, %c0_i32_0 : i32, i32
  }
  func.func @transform_3(%arg0: i32) -> (i32, i32) {
    %c0_i32 = arith.constant 0 : i32
    %c0_i32_0 = arith.constant 0 : i32
    %c0_i32_1 = arith.constant 0 : i32
    return %c0_i32, %c0_i32_0 : i32, i32
  }
  func.func @transform_4(%arg0: i32) -> (i32, i32) {
    %c0_i32 = arith.constant 0 : i32
    %c0_i32_0 = arith.constant 0 : i32
    %c0_i32_1 = arith.constant 0 : i32
    return %c0_i32, %c0_i32_0 : i32, i32
  }
  func.func @transform_5(%arg0: i32) -> (i32, i32) {
    %c0_i32 = arith.constant 0 : i32
    %c0_i32_0 = arith.constant 0 : i32
    return %arg0, %c0_i32 : i32, i32
  }
  func.func @transform_6(%arg0: i32) -> (i32, i32) {
    %c0_i32 = arith.constant 0 : i32
    %c0_i32_0 = arith.constant 0 : i32
    return %arg0, %c0_i32 : i32, i32
  }
  func.func @transform_7(%arg0: i32) -> (i32, i32) {
    %c0_i32 = arith.constant 0 : i32
    %c0_i32_0 = arith.constant 0 : i32
    return %arg0, %c0_i32 : i32, i32
  }
}

module attributes {stable_mosaic.version = 14 : i64} {
  func.func @_out_body(%arg0: i32, %arg1: memref<1000x128xf32, #tpu.memory_space<vmem>>, %arg2: memref<1000x128xf32, #tpu.memory_space<vmem>>, %arg3: memref<1000x16xf32, #tpu.memory_space<vmem>>, %arg4: memref<1000x16xf32, #tpu.memory_space<vmem>>, %arg5: memref<16x128xf32, #tpu.memory_space<vmem>>, %arg6: memref<128x128xf32, #tpu.memory_space<vmem>>, %arg7: memref<1x128xf32, #tpu.memory_space<vmem>>, %arg8: memref<1000x128xf32, #tpu.memory_space<vmem>>) attributes {dimension_semantics = [#tpu.dimension_semantics<arbitrary>], iteration_bounds = array<i64: 10>, scalar_prefetch = 0 : i64, scratch_operands = 0 : i64, tpu.core_type = #tpu.core_type<tc>, window_params = [{transform_indices = @transform_0, window_bounds = array<i64: 1000, 128>}, {transform_indices = @transform_1, window_bounds = array<i64: 1000, 128>}, {transform_indices = @transform_2, window_bounds = array<i64: 1000, 16>}, {transform_indices = @transform_3, window_bounds = array<i64: 1000, 16>}, {pipeline_mode = #tpu.pipeline_mode<synchronous>, transform_indices = @transform_4, window_bounds = array<i64: 16, 128>}, {pipeline_mode = #tpu.pipeline_mode<synchronous>, transform_indices = @transform_5, window_bounds = array<i64: 128, 128>}, {pipeline_mode = #tpu.pipeline_mode<synchronous>, transform_indices = @transform_6, window_bounds = array<i64: 1, 128>}, {transform_indices = @transform_7, window_bounds = array<i64: 1000, 128>}]} {
    %get3A = arith.constant 0 : index
    %get3A_0 = arith.constant 0 : index
    %get3A_1 = vector.load %arg1[%get3A, %get3A_0] : memref<1000x128xf32, #tpu.memory_space<vmem>>, vector<1000x128xf32>
    %get3A_2 = arith.constant 0 : index
    %get3A_3 = arith.constant 0 : index
    %get3A_4 = vector.load %arg2[%get3A_2, %get3A_3] : memref<1000x128xf32, #tpu.memory_space<vmem>>, vector<1000x128xf32>
    %add3A = arith.addf %get3A_1, %get3A_4 : vector<1000x128xf32>
    %get3A_5 = arith.constant 0 : index
    %get3A_6 = arith.constant 0 : index
    %get3A_7 = vector.load %arg3[%get3A_5, %get3A_6] : memref<1000x16xf32, #tpu.memory_space<vmem>>, vector<1000x16xf32>
    %get3A_8 = arith.constant 0 : index
    %get3A_9 = arith.constant 0 : index
    %get3A_10 = vector.load %arg4[%get3A_8, %get3A_9] : memref<1000x16xf32, #tpu.memory_space<vmem>>, vector<1000x16xf32>
    %add3A_11 = arith.addf %get3A_7, %get3A_10 : vector<1000x16xf32>
    %get3A_12 = arith.constant 0 : index
    %get3A_13 = arith.constant 0 : index
    %get3A_14 = vector.load %arg5[%get3A_12, %get3A_13] : memref<16x128xf32, #tpu.memory_space<vmem>>, vector<16x128xf32>
    %dot_general3A = arith.constant dense<0.000000e+00> : vector<1000x128xf32>
    %dot_general3A_15 = tpu.matmul %add3A_11, %get3A_14, %dot_general3A {dimension_numbers = #tpu.dot_dimension_numbers<[1], [0], [0], [1], [0, 0, 1, 1], [], []>, transpose_lhs_hint = false} : vector<1000x16xf32>, vector<16x128xf32>, vector<1000x128xf32> -> vector<1000x128xf32>
    %div3A = arith.divf %add3A, %dot_general3A_15 : vector<1000x128xf32>
    %get3A_16 = arith.constant 0 : index
    %get3A_17 = arith.constant 0 : index
    %get3A_18 = vector.load %arg6[%get3A_16, %get3A_17] : memref<128x128xf32, #tpu.memory_space<vmem>>, vector<128x128xf32>
    %dot_general3A_19 = arith.constant dense<0.000000e+00> : vector<1000x128xf32>
    %dot_general3A_20 = tpu.matmul %div3A, %get3A_18, %dot_general3A_19 {dimension_numbers = #tpu.dot_dimension_numbers<[1], [1], [0], [0], [0, 0, 1, 0], [], []>, transpose_lhs_hint = false} : vector<1000x128xf32>, vector<128x128xf32>, vector<1000x128xf32> -> vector<1000x128xf32>
    %get3A_21 = arith.constant 0 : index
    %get3A_22 = arith.constant 0 : index
    %get3A_23 = vector.load %arg7[%get3A_21, %get3A_22] : memref<1x128xf32, #tpu.memory_space<vmem>>, vector<1x128xf32>
    %add3A_24 = vector.broadcast %get3A_23 : vector<1x128xf32> to vector<1000x128xf32>
    %add3A_25 = arith.addf %dot_general3A_20, %add3A_24 : vector<1000x128xf32>
    %swap3A = arith.constant 0 : index
    %swap3A_26 = arith.constant 0 : index
    %swap3A_27 = vector.load %arg8[%swap3A, %swap3A_26] : memref<1000x128xf32, #tpu.memory_space<vmem>>, vector<1000x128xf32>
    tpu.vector_store %arg8[%swap3A, %swap3A_26], %add3A_25 {strides = array<i32>} : memref<1000x128xf32, #tpu.memory_space<vmem>>, vector<1000x128xf32>,
    return
  }
  func.func @transform_0(%arg0: i32) -> (i32, i32) {
    %c0_i32 = arith.constant 0 : i32
    %c0_i32_0 = arith.constant 0 : i32
    return %arg0, %c0_i32 : i32, i32
  }
  func.func @transform_1(%arg0: i32) -> (i32, i32) {
    %c0_i32 = arith.constant 0 : i32
    %c0_i32_0 = arith.constant 0 : i32
    return %arg0, %c0_i32 : i32, i32
  }
  func.func @transform_2(%arg0: i32) -> (i32, i32) {
    %c0_i32 = arith.constant 0 : i32
    %c0_i32_0 = arith.constant 0 : i32
    return %arg0, %c0_i32 : i32, i32
  }
  func.func @transform_3(%arg0: i32) -> (i32, i32) {
    %c0_i32 = arith.constant 0 : i32
    %c0_i32_0 = arith.constant 0 : i32
    return %arg0, %c0_i32 : i32, i32
  }
  func.func @transform_4(%arg0: i32) -> (i32, i32) {
    %c0_i32 = arith.constant 0 : i32
    %c0_i32_0 = arith.constant 0 : i32
    %c0_i32_1 = arith.constant 0 : i32
    return %c0_i32, %c0_i32_0 : i32, i32
  }
  func.func @transform_5(%arg0: i32) -> (i32, i32) {
    %c0_i32 = arith.constant 0 : i32
    %c0_i32_0 = arith.constant 0 : i32
    %c0_i32_1 = arith.constant 0 : i32
    return %c0_i32, %c0_i32_0 : i32, i32
  }
  func.func @transform_6(%arg0: i32) -> (i32, i32) {
    %c0_i32 = arith.constant 0 : i32
    %c0_i32_0 = arith.constant 0 : i32
    %c0_i32_1 = arith.constant 0 : i32
    return %c0_i32, %c0_i32_0 : i32, i32
  }
  func.func @transform_7(%arg0: i32) -> (i32, i32) {
    %c0_i32 = arith.constant 0 : i32
    %c0_i32_0 = arith.constant 0 : i32
    return %arg0, %c0_i32 : i32, i32
  }
}

</mosaic_0001>

<sc_bundles>
// kernel: kernel.5.cloned.1.call-start
scs
__scs_entry_jumppad:
0x0: {  	(pc) =	sbr.rel $0x88, $3  }
0x1: {  	(tag) =	ssettag $0x0;
	lr =	simm.s32 $0x1  }
0x2: {  	[smem:$0x3F99] =	sst lr;
	_ =	strace $0xD0000000  }
0x3: {  	_ = 	snop  }
0x4: {  	_ = 	snop  }
0x5: {  	_ = 	snop  }
0x6: {  	_ = 	snop  }
0x7: {  	_ = 	snop  }
__scs_overlays_trampoline_lowered:
0x8: {  	[smem:$0x3FA8] =	sst s0  }
0x9: {  	[smem:$0x3FA9] =	sst s1  }
0xa: {  	[smem:$0x3FAA] =	sst s2  }
0xb: {  	[smem:$0x3FAB] =	sst s3  }
0xc: {  	[smem:$0x3FAC] =	sst s4  }
0xd: {  	[smem:$0x3FAD] =	sst s5  }
0xe: {  	[smem:$0x3FAE] =	sst s6  }
0xf: {  	[smem:$0x3FAF] =	sst s7  }
0x10: {  	[smem:$0x3FB0] =	sst s8  }
0x11: {  	[smem:$0x3FB1] =	sst s9;
	s0 =	simm.s32 @!p0 $0x0  }
0x12: {  	s1 =	sld [smem:$0x3F97];
	s0 =	simm.s32 @p0 $0x1  }
0x13: {  	[smem:$0x3FB2] =	sst s0;
	s0 =	simm.s32 @!p1 $0x0  }
0x14: {  	s2 =	sld [smem:$0x3F96];
	s0 =	simm.s32 @p1 $0x1  }
0x15: {  	[smem:$0x3FB3] =	sst s0;
	s0 =	simm.s32 @!p2 $0x0  }
0x16: {  	s3 =	sld [smem:$0x3FDB];
	s0 =	simm.s32 @p2 $0x1  }
0x17: {  	s4 =	simm.s32 $0x1BF5;
	[smem:$0x3FB5] =	sst s0  }
0x18: {  	s0 =	sld [smem:$0x3F98];
	_ =	swait.ge [sflag:s4], $0x0  }
0x19: {  	s7 =	sld [smem:$0x3F99]  }
0x1a: {  	s8 =	sadd.s32 $0xFFFFE003, lr  }
0x1b: {  	s9 =	sadd.s32 $0xFFFFFEF7, lr;
	s5 =	simm.s32 $0xFFFFFFFF;
	p2 =	slt.u32 s8, $0xFFFFF086  }
0x1c: {  	p1 =	slt.u32 s9, $0xF7A;
	s5 =	simm.s32 @!p2 $0x0  }
0x1d: {  	s5 =	simm.s32 @p1 $0x1;
	p0 =	seq.s32 s7, s2  }
0x1e: {  	s7 =	smul.u32 @!p0 $0xF7A, s2;
	p2 =	seq.s32 @!p0 s5, $0x0  }
0x1f: {  	s9 =	smul.u32 $0xF7A, s1;
	s8 =	simm.s32 @!p0 $0x1BF5;
	p2 =	por !p2, p0  }
0x20: {  	[sflag:s8] =	ssyncset.s32 @!p0 $0xFFFFF086;
	s6 =	sadd.s32 @!p0 s3, s7;
	s7 =	simm.s32 @!p0 $0x108  }
0x21: {  	s3 =	sadd.s32 s3, s9;
	s6 =	sadd.s32 @!p0 $0x88, s6;
	s7 =	simm.s32 @p2 $0x1082  }
0x22: {  	[simem:s7], [sflag:s8] =	dma.local @!p0 [hbm:s6], $0xF7A  }
0x23: {  	s9 =	sor.u32 $0xD0000000, s2;
	s6 =	simm.s32 $0x108;
	_ =	swait.ge @!p0 [sflag:s8], $0x0  }
0x24: {  	s3 =	sadd.s32 $0x88, s3;
	s6 =	simm.s32 @!p1 $0x1082;
	[sflag:s4] =	ssyncset.s32 $0xFFFFF086  }
0x25: {  	[simem:s6], [sflag:s4] =	dma.local [hbm:s3], $0xF7A  }
0x26: {  	[smem:$0x3F99] =	sst s1;
	(tag) =	ssettag s2;
	_ =	strace s9  }
0x27: {  	s1 =	sld [smem:$0x3FA9]  }
0x28: {  	s2 =	sld [smem:$0x3FAA]  }
0x29: {  	s4 =	sld [smem:$0x3FAC]  }
0x2a: {  	p0 =	seq.s32 s5, $0x0;
	s5 =	sld [smem:$0x3FAD]  }
0x2b: {  	s6 =	sld [smem:$0x3FAE]  }
0x2c: {  	s7 =	sld [smem:$0x3FAF]  }
0x2d: {  	s3 =	simm.s32 $0x108;
	s8 =	sld [smem:$0x3FB0]  }
0x2e: {  	s3 =	simm.s32 @!p0 $0x1082;
	s9 =	sld [smem:$0x3FB1]  }
0x2f: {  	lr =	sadd.s32 s0, s3;
	s0 =	sld [smem:$0x3FA8]  }
0x30: {  	s3 =	sld [smem:$0x3FAB]  }
0x31: {  	[smem:$0x3FB4] =	sst s10  }
0x32: {  	s10 =	sld [smem:$0x3FB2];
	_ =	sdelay $0x3  }
0x33: {  	p0 =	seq.s32 s10, $0x1;
	s10 =	sld [smem:$0x3FB4];
	_ =	sdelay $0x3  }
0x34: {  	[smem:$0x3FB4] =	sst s10  }
0x35: {  	s10 =	sld [smem:$0x3FB3];
	_ =	sdelay $0x3  }
0x36: {  	p1 =	seq.s32 s10, $0x1;
	s10 =	sld [smem:$0x3FB4];
	_ =	sdelay $0x3  }
0x37: {  	[smem:$0x3FB4] =	sst s10  }
0x38: {  	s10 =	sld [smem:$0x3FB5]  }
0x39: {  	_ = 	snop;
	(pc) =	sbr.ind lr, $3  }
0x3a: {  	_ = 	snop  }
0x3b: {  	_ = 	snop  }
0x3c: {  	p2 =	seq.s32 s10, $0x1;
	s10 =	sld [smem:$0x3FB4]  }
0x3d: {  	_ =	shalt  }
0x3e: {  	_ =	shalt  }
0x3f: {  	_ =	shalt  }
0x40: {  	_ =	shalt  }
0x41: {  	_ =	shalt  }
0x42: {  	_ =	shalt  }
0x43: {  	_ =	shalt  }
0x44: {  	_ =	shalt  }
0x45: {  	_ =	shalt  }
0x46: {  	_ =	shalt  }
0x47: {  	_ =	shalt  }
0x48: {  	_ =	shalt  }
0x49: {  	_ =	shalt  }
0x4a: {  	_ =	shalt  }
0x4b: {  	_ =	shalt  }
0x4c: {  	_ =	shalt  }
0x4d: {  	_ =	shalt  }
0x4e: {  	_ =	shalt  }
0x4f: {  	_ =	shalt  }
0x50: {  	_ =	shalt  }
0x51: {  	_ =	shalt  }
0x52: {  	_ =	shalt  }
0x53: {  	_ =	shalt  }
0x54: {  	_ =	shalt  }
0x55: {  	_ =	shalt  }
0x56: {  	_ =	shalt  }
0x57: {  	_ =	shalt  }
0x58: {  	_ =	shalt  }
0x59: {  	_ =	shalt  }
0x5a: {  	_ =	shalt  }
0x5b: {  	_ =	shalt  }
0x5c: {  	_ =	shalt  }
0x5d: {  	_ =	shalt  }
0x5e: {  	_ =	shalt  }
0x5f: {  	_ =	shalt  }
0x60: {  	_ =	shalt  }
0x61: {  	_ =	shalt  }
0x62: {  	_ =	shalt  }
0x63: {  	_ =	shalt  }
0x64: {  	_ =	shalt  }
0x65: {  	_ =	shalt  }
0x66: {  	_ =	shalt  }
0x67: {  	_ =	shalt  }
0x68: {  	_ =	shalt  }
0x69: {  	_ =	shalt  }
0x6a: {  	_ =	shalt  }
0x6b: {  	_ =	shalt  }
0x6c: {  	_ =	shalt  }
0x6d: {  	_ =	shalt  }
0x6e: {  	_ =	shalt  }
0x6f: {  	_ =	shalt  }
0x70: {  	_ =	shalt  }
0x71: {  	_ =	shalt  }
0x72: {  	_ =	shalt  }
0x73: {  	_ =	shalt  }
0x74: {  	_ =	shalt  }
0x75: {  	_ =	shalt  }
0x76: {  	_ =	shalt  }
0x77: {  	_ =	shalt  }
0x78: {  	_ =	shalt  }
0x79: {  	_ =	shalt  }
0x7a: {  	_ =	shalt  }
0x7b: {  	_ =	shalt  }
0x7c: {  	_ =	shalt  }
0x7d: {  	_ =	shalt  }
0x7e: {  	_ =	shalt  }
0x7f: {  	_ =	shalt  }
0x80: {  	_ =	shalt  }
0x81: {  	_ =	shalt  }
0x82: {  	_ =	shalt  }
0x83: {  	_ =	shalt  }
0x84: {  	_ =	shalt  }
0x85: {  	_ =	shalt  }
0x86: {  	_ =	shalt  }
0x87: {  	_ =	shalt  }
.Lfunc_end0:
.L_simem_size_0:
called_computation_lowered:
.L_overlay_start_0:
0x88: {  	s2 =	sld [smem:$0x3FD9]  }
0x89: {  	s3 =	sld [smem:$0x3FFE];
	_ =	sdelay $0x1  }
0x8a: {  	s1 =	srdreg.scid  }
0x8b: {  	s0 =	sand.u32 $0x1, s1  }
0x8c: {  	s17 =	sshll.u32 s0, $0xA;
	s2 =	sadd.s32 s3, s2  }
0x8d: {  	s2 =	sadd.s32 s2, s17  }
0x8e: {  	[smem:$0x3FC0] =	sst s2  }
0x8f: {  	_ = 	snop  }
0x90: {  	s2 =	sld [smem:$0x3FD0];
	(tm) =	ssettm $0x1  }
0x91: {  	s18 =	sld [smem:$0x3FFB];
	_ =	sdelay $0x3  }
0x92: {  	_ =	strace s18  }
0x93: {  	s3 =	sld [smem:$0x3FFC];
	_ =	sdelay $0x3  }
0x94: {  	_ =	strace s3  }
0x95: {  	s3 =	sld [smem:$0x3FFD];
	_ =	sdelay $0x3  }
0x96: {  	_ =	strace s3  }
0x97: {  	_ =	strace $0x8FFFFFFF  }
0x98: {  	s19 =	sld [smem:$0x3FDB];
	_ =	sdelay $0x1  }
0x99: {  	s4 =	simm.s32 $_scs_section_size  }
0x9a: {  	s5 =	simm.s32 $_size__tile_overlayer_lowered;
	s6 =	simm.s32 $_tile_overlayer_lowered  }
0x9b: {  	s22 =	simm.s32 $0x1BFF;
	s21 =	sshll.u32 s6, $0x1;
	s3 =	sadd.s32 s4, s19  }
0x9c: {  	s7 =	simm.s32 $0x0;
	s20 =	sshll.u32 s5, $0x1;
	s5 =	sadd.s32 s21, s3  }
0x9d: {  	[timem:s7], [sflag:s22] =	dma.local [hbm:s5], s20  }
0x9e: {  	_ =	swait.ge [sflag:s22], s20  }
0x9f: {  	s4 =	ssub.s32 $0x0, s20;
	[sflag:s22] =	ssyncset.done $0x0  }
0xa0: {  	[sflag:s22] =	ssyncadd.s32 s4;
	_ =	sdelay $0x1  }
0xa1: {  	s23 =	simm.s32 $0x1B8B  }
0xa2: {  	_ =	swait.ge [sflag:s23], $0x1  }
0xa3: {  	[sflag:s23] =	ssyncset.done $0x0  }
0xa4: {  	s25 =	simm.s32 $0x1B8E;
	s24 =	sld [smem:$0x3FFE];
	[sflag:s23] =	ssyncadd.s32 $0xFFFFFFFF  }
0xa5: {  	s26 =	simm.s32 $execute0_lowered;
	[smem:$0x3FD2] =	sst s25  }
0xa6: {  	s5 =	sshll.u32 s26, $0x1;
	_ =	strace $0x80000046;
	[dreg:$0x1] =	wrdreg $0xFFFFFFFF  }
0xa7: {  	s28 =	simm.s32 $_size_execute0_lowered;
	s3 =	sadd.s32 s3, s5;
	[dreg:$0x0] =	wrdreg $0x0  }
0xa8: {  	s5 =	sshll.u32 s28, $0x1;
	[dreg:$0x2] =	wrdreg s3  }
0xa9: {  	[dreg:$0x3] =	wrdreg s5  }
0xaa: {  	[dreg:$0x4] =	wrdreg $0xC0  }
0xab: {  	_ =	task [dreg:s7], $0x5FFFF  }
0xac: {  	[dreg:$0x1] =	wrdreg $0xFFFFFFFF  }
0xad: {  	[dreg:$0x0] =	wrdreg $0x60  }
0xae: {  	[dreg:$0x2] =	wrdreg s2  }
0xaf: {  	[dreg:$0x3] =	wrdreg s24  }
0xb0: {  	[dreg:$0x4] =	wrdreg $0x82800  }
0xb1: {  	[dreg:$0x5] =	wrdreg $0x1BE800  }
0xb2: {  	[dreg:$0x6] =	wrdreg $0x9  }
0xb3: {  	_ =	task.clear_ibuf [dreg:s7], $0x7FFFF;
	_ =	strace $0x90000046  }
0xb4: {  	s29 =	simm.s32 $0x9;
	_ =	strace $0x80000048  }
0xb5: {  	_ =	swait.ge [sflag:s29], $0x1  }
0xb6: {  	[sflag:s29] =	ssyncadd.s32 $0xFFFFFFFF  }
0xb7: {  	_ =	strace $0x90000048  }
0xb8: {  	_ =	sfence  }
0xb9: {  	s30 =	sld [smem:$0x0];
	_ =	sdelay $0x2  }
0xba: {  	s31 =	sshll.u32 s1, $0xD;
	s1 =	sshrl.u32 s1, $0x2  }
0xbb: {  	s3 =	sand.u32 $0x4000, s31;
	s1 =	sadd.s32 s1, s30  }
0xbc: {  	s0 =	sor.u32 s3, s0;
	s1 =	sshll.u32 s1, $0x11  }
0xbd: {  	s0 =	sor.u32 s1, s0  }
0xbe: {  	s0 =	sadd.s32 $0x8F2B, s0  }
0xbf: {  	[sflag:s0] =	ssyncadd.remote.s32 $0x1  }
0xc0: {  	_ =	sfence.sel $0xFFFF  }
0xc1: {  	[dreg:$0x0] =	wrdreg $0xFFFFFFFF;
	(pc) =	sbr.abs _section_cstart, $3  }
0xc2: {  	[dreg:$0x1] =	wrdreg $0xFFFFFFFF  }
0xc3: {  	_ =	task.clear_ibuf [dreg:s7], $0x2FFFF;
	_ =	strace $0x9FFFFFFF  }
0xc4: {  	(tm) =	ssettm $0x7FFFFFFF  }
0xc5: {  	_ =	shalt  }
tec
execute0_lowered:
.L_overlay_start_1:
0x0: {  	(tag) =	ssettag $0x1  }
0x1: {  	s1 =	rddreg [dreg:$0x0]  }
0x2: {  	s0 =	rddreg [dreg:$0x1]  }
0x3: {  	s14 =	rddreg [dreg:$0x2]  }
0x4: {  	s15 =	rddreg [dreg:$0x3]  }
0x5: {  	s2 =	srdreg.scid;
	s13 =	stileid.u32  }
0x6: {  	s4 =	simm.s32 $0x0;
	s30 =	simm.s32 $0x4280;
	s19 =	smul.u32 $0x13C00, s13  }
0x7: {  	s31 =	simm.s32 $0x1;
	s29 =	simm.s32 $0x2;
	s20 =	smul.u32 $0x2800, s13  }
0x8: {  	s2 =	sand.u32 $0x1, s2;
	[smem:$0x7FF] =	sst s4;
	s10 =	smul.u32 $0x4F000, s13  }
0x9: {  	s8 =	sadd.s32 $0xC200, s0;
	s12 =	sshll.u32 s13, $0x1;
	s13 =	smul.u32 $0xA000, s13  }
0xa: {  	s9 =	sadd.s32 $0x2400, s0;
	s3 =	smul.u32 $0x13C000, s2;
	_ =	strace $0x80000047  }
0xb: {  	s5 =	smul.u32 $0x28000, s2;
	s21 =	ssub.s32 $0x2, s2;
	s2 =	sor.u32 s2, s12  }
0xc: {  	s11 =	sshrl.u32 s21, $0x1;
	s23 =	sshrl.u32 s10, $0x2;
	s25 =	sshll.u32 s2, $0x3  }
0xd: {  	s24 =	sshrl.u32 s13, $0x2;
	s4 =	sadd.s32 s20, s5;
	s26 =	sadd.s32 s8, s25  }
0xe: {  	s10 =	sadd.s32 s23, s14;
	s14 =	sadd.s32 s9, s25;
	[dreg:$0x6] =	wrdreg s26  }
0xf: {  	s5 =	sadd.s32 s24, s15;
	s15 =	sor.u32 $0x40, s2;
	[dreg:$0x7] =	wrdreg s14  }
0x10: {  	s28 =	simm.s32 $0x120;
	s22 =	ssub.s32 s21, s11;
	[dreg:$0x8] =	wrdreg s15  }
0x11: {  	s6 =	sadd.s32 $0x16000, s0;
	s16 =	smax.u32 s22, $0x1;
	[dreg:$0x5] =	wrdreg s5  }
0x12: {  	s7 =	sadd.s32 $0x3D200, s0;
	s17 =	sadd.s32 $0x400, s5;
	[dreg:$0xb] =	wrdreg s16  }
0x13: {  	s3 =	sadd.s32 s19, s3;
	s18 =	sadd.s32 $0x800, s5;
	[dreg:$0xc] =	wrdreg s17  }
0x14: {  	s25 =	sor.u32 $0x20, s2;
	s19 =	sadd.s32 $0xC00, s5;
	[dreg:$0xd] =	wrdreg s18  }
0x15: {  	s11 =	simm.s32 $0x100;
	s20 =	sadd.s32 $0x1000, s5;
	[dreg:$0xe] =	wrdreg s19  }
0x16: {  	s2 =	simm.s32 $0x0;
	s21 =	sadd.s32 $0x1400, s5;
	[dreg:$0xf] =	wrdreg s20  }
0x17: {  	s3 =	sshrl.u32 s3, $0x3;
	s22 =	sadd.s32 $0x1800, s5;
	[dreg:$0x10] =	wrdreg s21  }
0x18: {  	s4 =	sshrl.u32 s4, $0x3;
	s23 =	sadd.s32 $0x1C00, s5;
	[dreg:$0x11] =	wrdreg s22  }
0x19: {  	s15 =	ssub.s32 $0x1388, s12;
	s24 =	sadd.s32 $0x2000, s5;
	[dreg:$0x12] =	wrdreg s23  }
0x1a: {  	s26 =	sadd.s32 $0x2400, s5;
	s3 =	sadd.s32 s3, s0;
	[dreg:$0x13] =	wrdreg s24  }
.Ltmp0:
0x1b: {  	s0 =	sadd.s32 s4, s0;
	[dreg:$0x14] =	wrdreg s26;
	(pc) =	sbr.rel .LBB2_1-.Ltmp0, $4  }
0x1c: {  	v0 =	vlaneseq.u32;
	s4 =	simm.s32 $0x20;
	s16 =	simm.s32 $0x2280;
	s20 =	simm.s32 $0x3  }
0x1d: {  	v1 =	vmul.u32 $0xFFFFFFFF, v0;
	s21 =	simm.s32 $0x4;
	s22 =	simm.s32 $0x40;
	s3 =	sadd.s32 $0x6E400, s3  }
0x1e: {  	s23 =	simm.s32 $0x200;
	s0 =	sadd.s32 $0x64400, s0;
	[dreg:$0x9] =	wrdreg s3  }
0x1f: {  	v0 =	vimm.f32 $0.0e+00;
	v1 =	vadd.s32 $0xF, v1;
	s24 =	simm.s32 $0x5;
	s26 =	simm.s32 $0x6;
	[dreg:$0xa] =	wrdreg s0  }
.LBB2_26:
0x20: {  	s0 =	stileid.u32  }
0x21: {  	[bflag:$0x0] =	sbarrier.arrive $0xFFFF;
	s2 =	sshrl.u32 s10, $0x3;
	s0 =	sshll.u32 s0, $0x6  }
0x22: {  	s12 =	simm.s32 $0x7;
	s3 =	rddreg [dreg:$0x9];
	s0 =	sor.u32 $0x1C07, s0  }
0x23: {  	[hbm:s3], [sflag:s0] =	dma.local [spmem:s2], $0x2780  }
0x24: {  	_ =	swait.ge [sflag:s12], $0x2780  }
0x25: {  	[sflag:s12] =	ssyncset.done $0x0;
	s5 =	rddreg [dreg:$0x5]  }
0x26: {  	s17 =	rddreg [dreg:$0xa];
	[sflag:s12] =	ssyncadd.s32 $0xFFFFD880;
	s14 =	sshrl.u32 s5, $0x3  }
0x27: {  	[hbm:s17], [sflag:s0] =	dma.local [spmem:s14], $0x500  }
0x28: {  	_ =	swait.ge [sflag:s12], $0x500  }
0x29: {  	s18 =	rddreg [dreg:$0x15]  }
0x2a: {  	s19 =	rddreg [dreg:$0xb];
	s2 =	sadd.s32 $0x1, s18  }
0x2b: {  	p0 =	sne.s32 s2, s19  }
.Ltmp1:
0x2c: {  	_ = 	snop;
	(pc) =	sbr.rel @!p0 .LBB2_27-.Ltmp1, $3  }
0x2d: {  	_ =	sdelay $0x1  }
0x2e: {  	[sflag:s12] =	ssyncset.done $0x0  }
0x2f: {  	[sflag:s12] =	ssyncadd.s32 $0xFFFFFB00  }
.LBB2_1:
0x30: {  	[dreg:$0x15] =	wrdreg s2;
	s0 =	simm.s32 $0x0;
	s2 =	simm.s32 $0x200  }
.LBB2_2:
0x31: {  	p0 =	sne.s32 s2, $0x7E00;
	[tilespmem:s0+$0x42F0] =	vst v0  }
0x32: {  	[tilespmem:s0+$0x4280] =	vst v0  }
0x33: {  	[tilespmem:s0+$0x4290] =	vst v0  }
.Ltmp2:
0x34: {  	[tilespmem:s0+$0x42A0] =	vst v0;
	(pc) =	sbr.rel @p0 .LBB2_2-.Ltmp2, $4  }
0x35: {  	[tilespmem:s0+$0x42B0] =	vst v0  }
0x36: {  	[tilespmem:s0+$0x42C0] =	vst v0  }
0x37: {  	[tilespmem:s0+$0x42D0] =	vst v0  }
0x38: {  	[tilespmem:s0+$0x42E0] =	vst v0;
	s0 =	sshra.s32 s2, $0x2;
	s2 =	sadd.s32 $0x200, s2  }
0x39: {  	[tilespmem:s0+$0x42F0] =	vst v0  }
0x3a: {  	[tilespmem:s0+$0x4280] =	vst v0  }
0x3b: {  	[tilespmem:s0+$0x4290] =	vst v0  }
0x3c: {  	[tilespmem:s0+$0x42A0] =	vst v0  }
0x3d: {  	[tilespmem:s0+$0x42B0] =	vst v0  }
0x3e: {  	[tilespmem:s0+$0x42C0] =	vst v0  }
0x3f: {  	[tilespmem:s0+$0x42D0] =	vst v0  }
0x40: {  	[tilespmem:s0+$0x42E0] =	vst v0;
	s0 =	simm.s32 $0x1000;
	s2 =	sadd.s32 $0x0, s10  }
.LBB2_4:
0x41: {  	[spmem:s2] =	stream.linear.scatter [tilespmem:s30], [sflag:$0x1], $0x400, $0x38;
	[tilespmem:$0x1E680] =	vst v63  }
0x42: {  	s2 =	smov.u32 s0;
	p0 =	sne.s32 s0, $0x4E000  }
.Ltmp3:
0x43: {  	s0 =	sadd.s32 $0x1000, s0;
	(pc) =	sbr.rel @p0 .LBB2_4-.Ltmp3, $3  }
0x44: {  	_ =	sdelay $0x1  }
0x45: {  	s2 =	sshra.s32 s2, $0x2  }
0x46: {  	s2 =	sadd.s32 s2, s10  }
0x47: {  	[spmem:s2] =	stream.linear.scatter [tilespmem:s30], [sflag:$0x1], $0x400, $0x38;
	[tilespmem:$0x1E680] =	vst v63  }
0x48: {  	_ = 	snop  }
0x49: {  	[spmem:s5] =	stream.linear.scatter [tilespmem:s30], [sflag:$0x1], $0x400, $0x38;
	[tilespmem:$0x1E680] =	vst v63  }
0x4a: {  	s0 =	rddreg [dreg:$0xc]  }
0x4b: {  	[spmem:s0] =	stream.linear.scatter [tilespmem:s30], [sflag:$0x1], $0x400, $0x38;
	[tilespmem:$0x1E680] =	vst v63  }
0x4c: {  	s3 =	rddreg [dreg:$0xd]  }
0x4d: {  	[spmem:s3] =	stream.linear.scatter [tilespmem:s30], [sflag:$0x1], $0x400, $0x38;
	[tilespmem:$0x1E680] =	vst v63  }
0x4e: {  	s5 =	rddreg [dreg:$0xe]  }
0x4f: {  	[spmem:s5] =	stream.linear.scatter [tilespmem:s30], [sflag:$0x1], $0x400, $0x38;
	[tilespmem:$0x1E680] =	vst v63  }
0x50: {  	s12 =	rddreg [dreg:$0xf]  }
0x51: {  	[spmem:s12] =	stream.linear.scatter [tilespmem:s30], [sflag:$0x1], $0x400, $0x38;
	[tilespmem:$0x1E680] =	vst v63  }
0x52: {  	s13 =	rddreg [dreg:$0x10]  }
0x53: {  	[spmem:s13] =	stream.linear.scatter [tilespmem:s30], [sflag:$0x1], $0x400, $0x38;
	[tilespmem:$0x1E680] =	vst v63  }
0x54: {  	s14 =	rddreg [dreg:$0x11]  }
0x55: {  	[spmem:s14] =	stream.linear.scatter [tilespmem:s30], [sflag:$0x1], $0x400, $0x38;
	[tilespmem:$0x1E680] =	vst v63  }
0x56: {  	s17 =	rddreg [dreg:$0x12]  }
0x57: {  	[spmem:s17] =	stream.linear.scatter [tilespmem:s30], [sflag:$0x1], $0x400, $0x38;
	[tilespmem:$0x1E680] =	vst v63  }
0x58: {  	s18 =	rddreg [dreg:$0x13]  }
0x59: {  	[spmem:s18] =	stream.linear.scatter [tilespmem:s30], [sflag:$0x1], $0x400, $0x38;
	[tilespmem:$0x1E680] =	vst v63  }
0x5a: {  	s19 =	rddreg [dreg:$0x14]  }
0x5b: {  	[spmem:s19] =	stream.linear.scatter [tilespmem:s30], [sflag:$0x1], $0x400, $0x38;
	[tilespmem:$0x1E680] =	vst v63  }
0x5c: {  	_ =	swait.ge [sflag:s31], $0x400  }
0x5d: {  	s0 =	simm.s32 $0x58;
	[sflag:s31] =	ssyncset.done $0x0  }
.LBB2_6:
0x5e: {  	p0 =	sne.s32 s0, $0x1;
	s0 =	sadd.s32 $0xFFFFFFFF, s0;
	[sflag:s31] =	ssyncadd.s32 $0xFFFFFC00  }
.Ltmp4:
0x5f: {  	(pc) =	sbr.rel @p0 .LBB2_6-.Ltmp4, $3  }
0x60: {  	_ =	sdelay $0x1  }
0x61: {  	_ =	swait.ge [sflag:s31], $0x400  }
0x62: {  	[sflag:s31] =	ssyncset.done $0x0  }
0x63: {  	[sflag:s31] =	ssyncadd.s32 $0xFFFFFC00  }
.Ltmp5:
0x64: {  	[bflag:$0x0] =	sbarrier.arrive $0xFFFF;
	(pc) =	sbr.rel .LBB2_8-.Ltmp5, $4  }
0x65: {  	s18 =	simm.s32 $0x0;
	s0 =	rddreg [dreg:$0x6]  }
0x66: {  	[tilespmem:s18], [sflag:$0x1] =	stream.linear.gather [hbm4b:s0+s18], $0x40, $0x38;
	[tilespmem:$0x1E680] =	vst v63  }
0x67: {  	s2 =	simm.s32 $0x80;
	s19 =	rddreg [dreg:$0x7]  }
0x68: {  	[tilespmem:s2], [sflag:$0x1] =	stream.linear.gather [hbm4b:s19+s18], $0x40, $0x38;
	[tilespmem:$0x1E680] =	vst v63  }
.LBB2_24:
0x69: {  	_ =	swait.ge [sflag:s24], $0x2000  }
0x6a: {  	[sflag:s24] =	ssyncset.done $0x0  }
0x6b: {  	[sflag:s24] =	ssyncadd.s32 $0xFFFFE000  }
0x6c: {  	_ =	swait.ge [sflag:s26], $0x2000  }
0x6d: {  	[sflag:s26] =	ssyncset.done $0x0  }
0x6e: {  	[sflag:s26] =	ssyncadd.s32 $0xFFFFE000  }
.LBB2_25:
0x6f: {  	s18 =	sadd.s32 $0x1, s18  }
0x70: {  	p0 =	sne.s32 s18, $0x4F  }
.Ltmp6:
0x71: {  	_ = 	snop;
	(pc) =	sbr.rel @!p0 .LBB2_26-.Ltmp6, $1  }
0x72: {  	_ =	sdelay $0x3  }
.LBB2_8:
0x73: {  	s0 =	sshll.u32 s18, $0x6  }
0x74: {  	p0 =	sge.u32 s0, s15  }
.Ltmp7:
0x75: {  	_ = 	snop;
	(pc) =	sbr.rel @p0 .LBB2_16-.Ltmp7, $2  }
0x76: {  	_ =	sdelay $0x2  }
0x77: {  	s2 =	sor.u32 s25, s0  }
0x78: {  	_ =	swait.ge [sflag:s31], $0x40  }
0x79: {  	[sflag:s31] =	ssyncset.done $0x0  }
0x7a: {  	[sflag:s31] =	ssyncadd.s32 $0xFFFFFFC0  }
0x7b: {  	_ =	swait.ge [sflag:s31], $0x40  }
0x7c: {  	p0 =	seq.s32 s18, $0x0;
	[sflag:s31] =	ssyncset.done $0x0  }
0x7d: {  	s3 =	simm.s32 @!p0 $0x5;
	[sflag:s31] =	ssyncadd.s32 $0xFFFFFFC0  }
0x7e: {  	_ =	swait.ge @!p0 [sflag:s3], $0x2000  }
0x7f: {  	[sflag:s3] =	ssyncset.done @!p0 $0x0  }
0x80: {  	[sflag:s3] =	ssyncadd.s32 @!p0 $0xFFFFE000;
	s3 =	simm.s32 @!p0 $0x6  }
0x81: {  	_ =	swait.ge @!p0 [sflag:s3], $0x2000  }
0x82: {  	[sflag:s3] =	ssyncset.done @!p0 $0x0  }
0x83: {  	s19 =	simm.s32 $0x0;
	s5 =	simm.s32 $0x280;
	[sflag:s3] =	ssyncadd.s32 @!p0 $0xFFFFE000  }
0x84: {  	[tilespmem:s5], [sflag:$0x3] =	stream.indirect.gather [hbm4b:s6+s4], $0x80, s19, s4, $0xb8;
	[tilespmem:$0x1E680] =	vst v63  }
0x85: {  	s12 =	simm.s32 $0x1280  }
0x86: {  	[tilespmem:s12], [sflag:$0x4] =	stream.indirect.gather [hbm4b:s6+s4], $0x80, s4, s4, $0xb8;
	[tilespmem:$0x1E680] =	vst v63  }
0x87: {  	_ = 	snop  }
0x88: {  	[tilespmem:s16], [sflag:$0x3] =	stream.indirect.gather [hbm4b:s7+s4], $0x80, s19, s4, $0xb8;
	[tilespmem:$0x1E680] =	vst v63  }
0x89: {  	s13 =	simm.s32 $0x3280  }
0x8a: {  	[tilespmem:s13], [sflag:$0x4] =	stream.indirect.gather [hbm4b:s7+s4], $0x80, s4, s4, $0xb8;
	[tilespmem:$0x1E680] =	vst v63  }
0x8b: {  	s14 =	simm.s32 $0x80;
	p0 =	sgt.u32 s2, $0x1387  }
0x8c: {  	[tilespmem:s30], [sflag:$0x3] =	stream.indirect.gather [hbm4b:s1+s4], $0x80, s14, s4, $0xb8;
	[tilespmem:$0x1E680] =	vst v63  }
0x8d: {  	s17 =	simm.s32 $0xA0;
	s2 =	sshll.u32 @!p0 s2, $0x3;
	s19 =	simm.s32 $0x5280  }
0x8e: {  	[tilespmem:s19], [sflag:$0x4] =	stream.indirect.gather [hbm4b:s1+s4], $0x80, s17, s4, $0xb8;
	[tilespmem:$0x1E680] =	vst v63  }
0x8f: {  	s5 =	simm.s32 @!p0 $0x0;
	s3 =	sadd.s32 @!p0 s8, s2;
	s12 =	simm.s32 @!p0 $0x100  }
0x90: {  	[tilespmem:s12], [sflag:$0x2] =	stream.linear.gather @!p0 [hbm4b:s3+s5], $0x40, $0x38;
	[tilespmem:$0x1E680] =	vst v63  }
0x91: {  	s2 =	sadd.s32 @!p0 s9, s2;
	s3 =	simm.s32 @!p0 $0x180  }
0x92: {  	[tilespmem:s3], [sflag:$0x2] =	stream.linear.gather @!p0 [hbm4b:s2+s5], $0x40, $0x38;
	[tilespmem:$0x1E680] =	vst v63  }
0x93: {  	_ =	swait.ge [sflag:s20], $0x1000  }
0x94: {  	[sflag:s20] =	ssyncset.done $0x0  }
0x95: {  	[sflag:s20] =	ssyncadd.s32 $0xFFFFF000  }
0x96: {  	_ =	swait.ge [sflag:s20], $0x1000  }
0x97: {  	[sflag:s20] =	ssyncset.done $0x0  }
0x98: {  	[sflag:s20] =	ssyncadd.s32 $0xFFFFF000  }
0x99: {  	_ =	swait.ge [sflag:s20], $0x1000  }
0x9a: {  	[sflag:s20] =	ssyncset.done $0x0  }
0x9b: {  	s2 =	simm.s32 $0x0;
	[sflag:s20] =	ssyncadd.s32 $0xFFFFF000  }
0x9c: {  	v2 =	vld [tilespmem:s2+$0x280]  }
0x9d: {  	v3 =	vld [tilespmem:s2+$0x290]  }
0x9e: {  	v4 =	vld [tilespmem:s2+$0x4280]  }
0x9f: {  	v5 =	vld [tilespmem:s2+$0x4290]  }
0xa0: {  	v6 =	vld [tilespmem:s2+$0x2A0]  }
0xa1: {  	v7 =	vld [tilespmem:s2+$0x42A0]  }
0xa2: {  	v8 =	vld [tilespmem:s2+$0x2B0]  }
0xa3: {  	v9 =	vld [tilespmem:s2+$0x42B0]  }
0xa4: {  	v2 =	vmul.f32 v4, v2;
	v3 =	vmul.f32 v5, v3;
	v4 =	vld [tilespmem:s2+$0x2C0]  }
0xa5: {  	v5 =	vld [tilespmem:s2+$0x42C0]  }
0xa6: {  	v2 =	vadd.f32 v3, v2;
	v3 =	vmul.f32 v7, v6;
	v6 =	vld [tilespmem:s2+$0x2D0]  }
0xa7: {  	v7 =	vld [tilespmem:s2+$0x42D0]  }
0xa8: {  	v2 =	vadd.f32 v3, v2;
	v3 =	vmul.f32 v9, v8;
	v8 =	vld [tilespmem:s2+$0x2E0]  }
0xa9: {  	v9 =	vld [tilespmem:s2+$0x42E0]  }
0xaa: {  	v2 =	vadd.f32 v3, v2;
	v3 =	vmul.f32 v5, v4;
	v4 =	vld [tilespmem:s2+$0x2F0]  }
0xab: {  	v5 =	vld [tilespmem:s2+$0x42F0]  }
0xac: {  	v2 =	vadd.f32 v3, v2;
	v3 =	vmul.f32 v7, v6;
	_ =	sdelay $0x1  }
0xad: {  	v2 =	vadd.f32 v3, v2;
	v3 =	vmul.f32 v9, v8;
	_ =	sdelay $0x1  }
0xae: {  	v2 =	vadd.f32 v3, v2;
	v3 =	vmul.f32 v5, v4;
	_ =	sdelay $0x1  }
0xaf: {  	v2 =	vadd.f32 v3, v2;
	_ =	sdelay $0x1  }
0xb0: {  	v3 =	vperm.xlane v2, v1;
	_ =	sdelay $0x1  }
0xb1: {  	v2 =	vadd.f32 v2, v3;
	_ =	sdelay $0x1  }
0xb2: {  	v2 =	vmul.f32 $2.500000000e-01, v2;
	_ =	sdelay $0x1  }
0xb3: {  	v2 =	vmax.f32 v2, $-5.000000000e+00  }
0xb4: {  	v2 =	vmin.f32 v2, $5.000000000e+00  }
0xb5: {  	v2 =	vmul.f32 $1.442695020e+00, v2;
	_ =	sdelay $0x1  }
0xb6: {  	(erf) = vpow2.f32 v2;
	_ =	sdelay $0x1  }
0xb7: {  	v10 =	vld [tilespmem:s2+$0x22E0]  }
0xb8: {  	v11 =	vld [tilespmem:s2+$0x22F0]  }
0xb9: {  	v4 =	vld [tilespmem:s2+$0x22A0]  }
0xba: {  	v2 =	vld [tilespmem:s2+$0x2290]  }
0xbb: {  	v3 =	vld [tilespmem:s2+$0x2280]  }
0xbc: {  	v5 =	vld [tilespmem:s2+$0x22B0]  }
0xbd: {  	v6 =	vld [tilespmem:s2+$0x22C0]  }
0xbe: {  	v7 =	vld [tilespmem:s2+$0x22D0];
	v12 =	vpop (erf)  }
0xbf: {  	v8 =	vmul.f32 v12, v2  }
0xc0: {  	s5 =	simm.s32 $0x80;
	[tilespmem:s2+$0x6280] =	vst v12;
	v9 =	vmul.f32 v12, v3  }
0xc1: {  	v13 =	vmul.f32 v12, v4;
	v2 =	vld [tilespmem:s5+$0x280];
	[tilespmem:s2+$0x4290] =	vst v8;
	v8 =	vmul.f32 v5, v12  }
0xc2: {  	v5 =	vmul.f32 v11, v12;
	v3 =	vld [tilespmem:s5+$0x290];
	[tilespmem:s2+$0x4280] =	vst v9;
	v9 =	vmul.f32 v6, v12  }
0xc3: {  	s3 =	simm.s32 $0x400;
	v6 =	vmul.f32 v7, v12;
	v7 =	vmul.f32 v10, v12;
	v4 =	vld [tilespmem:s5+$0x4280];
	[tilespmem:s2+$0x42A0] =	vst v13  }
.LBB2_10:
0xc4: {  	p1 =	sne.s32 s3, $0x3E00;
	v10 =	vld [tilespmem:s5+$0x4290];
	[tilespmem:s2+$0x42B0] =	vst v8  }
0xc5: {  	v8 =	vld [tilespmem:s5+$0x2A0];
	[tilespmem:s2+$0x42C0] =	vst v9  }
0xc6: {  	v9 =	vld [tilespmem:s5+$0x42A0];
	[tilespmem:s2+$0x42D0] =	vst v6  }
0xc7: {  	v6 =	vld [tilespmem:s5+$0x2B0];
	[tilespmem:s2+$0x42E0] =	vst v7  }
0xc8: {  	v7 =	vld [tilespmem:s5+$0x42B0];
	[tilespmem:s2+$0x42F0] =	vst v5;
	s2 =	smov.u32 s5  }
0xc9: {  	v2 =	vmul.f32 v4, v2;
	v3 =	vmul.f32 v10, v3;
	v4 =	vld [tilespmem:s2+$0x2C0]  }
0xca: {  	v5 =	vld [tilespmem:s2+$0x42C0]  }
0xcb: {  	v2 =	vadd.f32 v3, v2;
	v3 =	vmul.f32 v9, v8;
	v8 =	vld [tilespmem:s2+$0x2D0]  }
0xcc: {  	v9 =	vld [tilespmem:s2+$0x42D0]  }
0xcd: {  	v2 =	vadd.f32 v3, v2;
	v3 =	vmul.f32 v7, v6;
	v6 =	vld [tilespmem:s2+$0x2E0]  }
0xce: {  	v7 =	vld [tilespmem:s2+$0x42E0]  }
0xcf: {  	v2 =	vadd.f32 v3, v2;
	v3 =	vmul.f32 v5, v4;
	v4 =	vld [tilespmem:s2+$0x2F0]  }
0xd0: {  	v5 =	vld [tilespmem:s2+$0x42F0]  }
0xd1: {  	v2 =	vadd.f32 v3, v2;
	v3 =	vmul.f32 v9, v8;
	_ =	sdelay $0x1  }
0xd2: {  	v2 =	vadd.f32 v3, v2;
	v3 =	vmul.f32 v7, v6;
	_ =	sdelay $0x1  }
0xd3: {  	v2 =	vadd.f32 v3, v2;
	v3 =	vmul.f32 v5, v4;
	_ =	sdelay $0x1  }
0xd4: {  	v2 =	vadd.f32 v3, v2;
	_ =	sdelay $0x1  }
0xd5: {  	v3 =	vperm.xlane v2, v1;
	_ =	sdelay $0x1  }
0xd6: {  	v2 =	vadd.f32 v2, v3;
	_ =	sdelay $0x1  }
0xd7: {  	v2 =	vmul.f32 $2.500000000e-01, v2;
	_ =	sdelay $0x1  }
0xd8: {  	v2 =	vmax.f32 v2, $-5.000000000e+00  }
0xd9: {  	v2 =	vmin.f32 v2, $5.000000000e+00  }
0xda: {  	v2 =	vmul.f32 $1.442695020e+00, v2;
	_ =	sdelay $0x1  }
0xdb: {  	(erf) = vpow2.f32 v2  }
0xdc: {  	v2 =	vld [tilespmem:s2+$0x2280]  }
0xdd: {  	v3 =	vld [tilespmem:s2+$0x2290]  }
0xde: {  	v4 =	vld [tilespmem:s2+$0x22A0]  }
0xdf: {  	v5 =	vld [tilespmem:s2+$0x22B0]  }
0xe0: {  	v6 =	vld [tilespmem:s2+$0x22C0]  }
0xe1: {  	v7 =	vld [tilespmem:s2+$0x22D0]  }
0xe2: {  	v10 =	vld [tilespmem:s2+$0x22E0]  }
0xe3: {  	v11 =	vld [tilespmem:s2+$0x22F0]  }
0xe4: {  	v12 =	vpop (erf)  }
.Ltmp8:
0xe5: {  	[tilespmem:s2+$0x6280] =	vst v12;
	v13 =	vmul.f32 v12, v2;
	v3 =	vmul.f32 v12, v3;
	(pc) =	sbr.rel @p1 .LBB2_10-.Ltmp8, $4  }
0xe6: {  	s5 =	sshra.s32 s3, $0x2;
	v14 =	vmul.f32 v12, v4;
	v8 =	vmul.f32 v5, v12  }
0xe7: {  	v9 =	vmul.f32 v6, v12;
	v6 =	vmul.f32 v7, v12;
	v2 =	vld [tilespmem:s5+$0x280];
	[tilespmem:s2+$0x4290] =	vst v3  }
0xe8: {  	v7 =	vmul.f32 v10, v12;
	v3 =	vld [tilespmem:s5+$0x290];
	[tilespmem:s2+$0x4280] =	vst v13;
	v5 =	vmul.f32 v11, v12  }
0xe9: {  	s3 =	sadd.s32 $0x200, s3;
	v4 =	vld [tilespmem:s5+$0x4280];
	[tilespmem:s2+$0x42A0] =	vst v14  }
0xea: {  	v10 =	vld [tilespmem:s5+$0x4290];
	[tilespmem:s2+$0x42B0] =	vst v8  }
0xeb: {  	v8 =	vld [tilespmem:s5+$0x2A0];
	[tilespmem:s2+$0x42C0] =	vst v9  }
0xec: {  	v9 =	vld [tilespmem:s5+$0x42A0];
	[tilespmem:s2+$0x42D0] =	vst v6  }
0xed: {  	v6 =	vld [tilespmem:s5+$0x2B0];
	[tilespmem:s2+$0x42E0] =	vst v7  }
0xee: {  	v7 =	vld [tilespmem:s5+$0x42B0];
	[tilespmem:s2+$0x42F0] =	vst v5  }
0xef: {  	v2 =	vmul.f32 v4, v2;
	v3 =	vmul.f32 v10, v3;
	v4 =	vld [tilespmem:s5+$0x2C0]  }
0xf0: {  	v5 =	vld [tilespmem:s5+$0x42C0]  }
0xf1: {  	v2 =	vadd.f32 v3, v2;
	v3 =	vmul.f32 v9, v8;
	v8 =	vld [tilespmem:s5+$0x2D0]  }
0xf2: {  	v9 =	vld [tilespmem:s5+$0x42D0]  }
0xf3: {  	v2 =	vadd.f32 v3, v2;
	v3 =	vmul.f32 v7, v6;
	v6 =	vld [tilespmem:s5+$0x2E0]  }
0xf4: {  	v7 =	vld [tilespmem:s5+$0x42E0]  }
0xf5: {  	v2 =	vadd.f32 v3, v2;
	v3 =	vmul.f32 v5, v4;
	v4 =	vld [tilespmem:s5+$0x2F0]  }
0xf6: {  	v5 =	vld [tilespmem:s5+$0x42F0]  }
0xf7: {  	v2 =	vadd.f32 v3, v2;
	v3 =	vmul.f32 v9, v8;
	_ =	sdelay $0x1  }
0xf8: {  	v2 =	vadd.f32 v3, v2;
	v3 =	vmul.f32 v7, v6;
	_ =	sdelay $0x1  }
0xf9: {  	v2 =	vadd.f32 v3, v2;
	v3 =	vmul.f32 v5, v4;
	_ =	sdelay $0x1  }
0xfa: {  	v2 =	vadd.f32 v3, v2;
	_ =	sdelay $0x1  }
0xfb: {  	v3 =	vperm.xlane v2, v1;
	_ =	sdelay $0x1  }
0xfc: {  	v2 =	vadd.f32 v2, v3;
	_ =	sdelay $0x1  }
0xfd: {  	v2 =	vmul.f32 $2.500000000e-01, v2;
	_ =	sdelay $0x1  }
0xfe: {  	v2 =	vmax.f32 v2, $-5.000000000e+00  }
0xff: {  	v2 =	vmin.f32 v2, $5.000000000e+00  }
0x100: {  	v2 =	vmul.f32 $1.442695020e+00, v2;
	_ =	sdelay $0x1  }
0x101: {  	(erf) = vpow2.f32 v2;
	_ =	sdelay $0x4  }
0x102: {  	v3 =	vld [tilespmem:s5+$0x2290]  }
0x103: {  	v2 =	vld [tilespmem:s5+$0x2280]  }
0x104: {  	v4 =	vld [tilespmem:s5+$0x22A0]  }
0x105: {  	v5 =	vld [tilespmem:s5+$0x22B0]  }
0x106: {  	v6 =	vld [tilespmem:s5+$0x22C0];
	v9 =	vpop (erf)  }
0x107: {  	v7 =	vld [tilespmem:s5+$0x22D0];
	v3 =	vmul.f32 v9, v3  }
0x108: {  	v8 =	vld [tilespmem:s5+$0x22E0];
	[tilespmem:s5+$0x6280] =	vst v9;
	v2 =	vmul.f32 v9, v2  }
0x109: {  	v10 =	vld [tilespmem:s5+$0x22F0];
	v4 =	vmul.f32 v9, v4;
	[tilespmem:s5+$0x4290] =	vst v3  }
0x10a: {  	v3 =	vmul.f32 v5, v9;
	[tilespmem:s5+$0x4280] =	vst v2  }
0x10b: {  	v2 =	vmul.f32 v6, v9;
	[tilespmem:s5+$0x42A0] =	vst v4  }
0x10c: {  	v4 =	vmul.f32 v7, v9;
	[tilespmem:s5+$0x42B0] =	vst v3  }
0x10d: {  	v3 =	vmul.f32 v8, v9;
	[tilespmem:s5+$0x42C0] =	vst v2  }
0x10e: {  	v2 =	vmul.f32 v10, v9;
	[tilespmem:s5+$0x42D0] =	vst v4  }
0x10f: {  	[tilespmem:s5+$0x42E0] =	vst v3  }
0x110: {  	[tilespmem:s5+$0x42F0] =	vst v2  }
0x111: {  	_ =	swait.ge [sflag:s21], $0x1000  }
0x112: {  	[sflag:s21] =	ssyncset.done $0x0  }
0x113: {  	[sflag:s21] =	ssyncadd.s32 $0xFFFFF000  }
0x114: {  	_ =	swait.ge [sflag:s21], $0x1000  }
0x115: {  	[sflag:s21] =	ssyncset.done $0x0  }
0x116: {  	[sflag:s21] =	ssyncadd.s32 $0xFFFFF000  }
0x117: {  	_ =	swait.ge [sflag:s21], $0x1000  }
0x118: {  	[sflag:s21] =	ssyncset.done $0x0  }
0x119: {  	s2 =	simm.s32 $0x0;
	[sflag:s21] =	ssyncadd.s32 $0xFFFFF000  }
0x11a: {  	v2 =	vld [tilespmem:s2+$0x1280]  }
0x11b: {  	v3 =	vld [tilespmem:s2+$0x1290]  }
0x11c: {  	v4 =	vld [tilespmem:s2+$0x5280]  }
0x11d: {  	v5 =	vld [tilespmem:s2+$0x5290]  }
0x11e: {  	v6 =	vld [tilespmem:s2+$0x12A0]  }
0x11f: {  	v7 =	vld [tilespmem:s2+$0x52A0]  }
0x120: {  	v8 =	vld [tilespmem:s2+$0x12B0]  }
0x121: {  	v9 =	vld [tilespmem:s2+$0x52B0]  }
0x122: {  	v2 =	vmul.f32 v4, v2;
	v3 =	vmul.f32 v5, v3;
	v4 =	vld [tilespmem:s2+$0x12C0]  }
0x123: {  	v5 =	vld [tilespmem:s2+$0x52C0]  }
0x124: {  	v2 =	vadd.f32 v3, v2;
	v3 =	vmul.f32 v7, v6;
	v6 =	vld [tilespmem:s2+$0x12D0]  }
0x125: {  	v7 =	vld [tilespmem:s2+$0x52D0]  }
0x126: {  	v2 =	vadd.f32 v3, v2;
	v3 =	vmul.f32 v9, v8;
	v8 =	vld [tilespmem:s2+$0x12E0]  }
0x127: {  	v9 =	vld [tilespmem:s2+$0x52E0]  }
0x128: {  	v2 =	vadd.f32 v3, v2;
	v3 =	vmul.f32 v5, v4;
	v4 =	vld [tilespmem:s2+$0x12F0]  }
0x129: {  	v5 =	vld [tilespmem:s2+$0x52F0]  }
0x12a: {  	v2 =	vadd.f32 v3, v2;
	v3 =	vmul.f32 v7, v6;
	_ =	sdelay $0x1  }
0x12b: {  	v2 =	vadd.f32 v3, v2;
	v3 =	vmul.f32 v9, v8;
	_ =	sdelay $0x1  }
0x12c: {  	v2 =	vadd.f32 v3, v2;
	v3 =	vmul.f32 v5, v4;
	_ =	sdelay $0x1  }
0x12d: {  	v2 =	vadd.f32 v3, v2;
	_ =	sdelay $0x1  }
0x12e: {  	v3 =	vperm.xlane v2, v1;
	_ =	sdelay $0x1  }
0x12f: {  	v2 =	vadd.f32 v2, v3;
	_ =	sdelay $0x1  }
0x130: {  	v2 =	vmul.f32 $2.500000000e-01, v2;
	_ =	sdelay $0x1  }
0x131: {  	v2 =	vmax.f32 v2, $-5.000000000e+00  }
0x132: {  	v2 =	vmin.f32 v2, $5.000000000e+00  }
0x133: {  	v2 =	vmul.f32 $1.442695020e+00, v2;
	_ =	sdelay $0x1  }
0x134: {  	(erf) = vpow2.f32 v2;
	_ =	sdelay $0x1  }
0x135: {  	v10 =	vld [tilespmem:s2+$0x32E0]  }
0x136: {  	v11 =	vld [tilespmem:s2+$0x32F0]  }
0x137: {  	v4 =	vld [tilespmem:s2+$0x32A0]  }
0x138: {  	v2 =	vld [tilespmem:s2+$0x3290]  }
0x139: {  	v3 =	vld [tilespmem:s2+$0x3280]  }
0x13a: {  	v5 =	vld [tilespmem:s2+$0x32B0]  }
0x13b: {  	v6 =	vld [tilespmem:s2+$0x32C0]  }
0x13c: {  	v7 =	vld [tilespmem:s2+$0x32D0];
	v12 =	vpop (erf)  }
0x13d: {  	v8 =	vmul.f32 v12, v2  }
0x13e: {  	s5 =	simm.s32 $0x80;
	[tilespmem:s2+$0x7280] =	vst v12;
	v9 =	vmul.f32 v12, v3  }
0x13f: {  	v13 =	vmul.f32 v12, v4;
	v2 =	vld [tilespmem:s5+$0x1280];
	[tilespmem:s2+$0x5290] =	vst v8;
	v8 =	vmul.f32 v5, v12  }
0x140: {  	v5 =	vmul.f32 v11, v12;
	v3 =	vld [tilespmem:s5+$0x1290];
	[tilespmem:s2+$0x5280] =	vst v9;
	v9 =	vmul.f32 v6, v12  }
0x141: {  	s3 =	simm.s32 $0x400;
	v6 =	vmul.f32 v7, v12;
	v7 =	vmul.f32 v10, v12;
	v4 =	vld [tilespmem:s5+$0x5280];
	[tilespmem:s2+$0x52A0] =	vst v13  }
.LBB2_12:
0x142: {  	p1 =	sne.s32 s3, $0x3E00;
	v10 =	vld [tilespmem:s5+$0x5290];
	[tilespmem:s2+$0x52B0] =	vst v8  }
0x143: {  	v8 =	vld [tilespmem:s5+$0x12A0];
	[tilespmem:s2+$0x52C0] =	vst v9  }
0x144: {  	v9 =	vld [tilespmem:s5+$0x52A0];
	[tilespmem:s2+$0x52D0] =	vst v6  }
0x145: {  	v6 =	vld [tilespmem:s5+$0x12B0];
	[tilespmem:s2+$0x52E0] =	vst v7  }
0x146: {  	v7 =	vld [tilespmem:s5+$0x52B0];
	[tilespmem:s2+$0x52F0] =	vst v5;
	s2 =	smov.u32 s5  }
0x147: {  	v2 =	vmul.f32 v4, v2;
	v3 =	vmul.f32 v10, v3;
	v4 =	vld [tilespmem:s2+$0x12C0]  }
0x148: {  	v5 =	vld [tilespmem:s2+$0x52C0]  }
0x149: {  	v2 =	vadd.f32 v3, v2;
	v3 =	vmul.f32 v9, v8;
	v8 =	vld [tilespmem:s2+$0x12D0]  }
0x14a: {  	v9 =	vld [tilespmem:s2+$0x52D0]  }
0x14b: {  	v2 =	vadd.f32 v3, v2;
	v3 =	vmul.f32 v7, v6;
	v6 =	vld [tilespmem:s2+$0x12E0]  }
0x14c: {  	v7 =	vld [tilespmem:s2+$0x52E0]  }
0x14d: {  	v2 =	vadd.f32 v3, v2;
	v3 =	vmul.f32 v5, v4;
	v4 =	vld [tilespmem:s2+$0x12F0]  }
0x14e: {  	v5 =	vld [tilespmem:s2+$0x52F0]  }
0x14f: {  	v2 =	vadd.f32 v3, v2;
	v3 =	vmul.f32 v9, v8;
	_ =	sdelay $0x1  }
0x150: {  	v2 =	vadd.f32 v3, v2;
	v3 =	vmul.f32 v7, v6;
	_ =	sdelay $0x1  }
0x151: {  	v2 =	vadd.f32 v3, v2;
	v3 =	vmul.f32 v5, v4;
	_ =	sdelay $0x1  }
0x152: {  	v2 =	vadd.f32 v3, v2;
	_ =	sdelay $0x1  }
0x153: {  	v3 =	vperm.xlane v2, v1;
	_ =	sdelay $0x1  }
0x154: {  	v2 =	vadd.f32 v2, v3;
	_ =	sdelay $0x1  }
0x155: {  	v2 =	vmul.f32 $2.500000000e-01, v2;
	_ =	sdelay $0x1  }
0x156: {  	v2 =	vmax.f32 v2, $-5.000000000e+00  }
0x157: {  	v2 =	vmin.f32 v2, $5.000000000e+00  }
0x158: {  	v2 =	vmul.f32 $1.442695020e+00, v2;
	_ =	sdelay $0x1  }
0x159: {  	(erf) = vpow2.f32 v2  }
0x15a: {  	v2 =	vld [tilespmem:s2+$0x3280]  }
0x15b: {  	v3 =	vld [tilespmem:s2+$0x3290]  }
0x15c: {  	v4 =	vld [tilespmem:s2+$0x32A0]  }
0x15d: {  	v5 =	vld [tilespmem:s2+$0x32B0]  }
0x15e: {  	v6 =	vld [tilespmem:s2+$0x32C0]  }
0x15f: {  	v7 =	vld [tilespmem:s2+$0x32D0]  }
0x160: {  	v10 =	vld [tilespmem:s2+$0x32E0]  }
0x161: {  	v11 =	vld [tilespmem:s2+$0x32F0]  }
0x162: {  	v12 =	vpop (erf)  }
.Ltmp9:
0x163: {  	[tilespmem:s2+$0x7280] =	vst v12;
	v13 =	vmul.f32 v12, v2;
	v3 =	vmul.f32 v12, v3;
	(pc) =	sbr.rel @p1 .LBB2_12-.Ltmp9, $4  }
0x164: {  	s5 =	sshra.s32 s3, $0x2;
	v14 =	vmul.f32 v12, v4;
	v8 =	vmul.f32 v5, v12  }
0x165: {  	v9 =	vmul.f32 v6, v12;
	v6 =	vmul.f32 v7, v12;
	v2 =	vld [tilespmem:s5+$0x1280];
	[tilespmem:s2+$0x5290] =	vst v3  }
0x166: {  	v7 =	vmul.f32 v10, v12;
	v3 =	vld [tilespmem:s5+$0x1290];
	[tilespmem:s2+$0x5280] =	vst v13;
	v5 =	vmul.f32 v11, v12  }
0x167: {  	s3 =	sadd.s32 $0x200, s3;
	v4 =	vld [tilespmem:s5+$0x5280];
	[tilespmem:s2+$0x52A0] =	vst v14  }
0x168: {  	v10 =	vld [tilespmem:s5+$0x5290];
	[tilespmem:s2+$0x52B0] =	vst v8  }
0x169: {  	v8 =	vld [tilespmem:s5+$0x12A0];
	[tilespmem:s2+$0x52C0] =	vst v9  }
0x16a: {  	v9 =	vld [tilespmem:s5+$0x52A0];
	[tilespmem:s2+$0x52D0] =	vst v6  }
0x16b: {  	v6 =	vld [tilespmem:s5+$0x12B0];
	[tilespmem:s2+$0x52E0] =	vst v7  }
0x16c: {  	v7 =	vld [tilespmem:s5+$0x52B0];
	[tilespmem:s2+$0x52F0] =	vst v5  }
0x16d: {  	v2 =	vmul.f32 v4, v2;
	v3 =	vmul.f32 v10, v3;
	v49 =	vld [tilespmem:s5+$0x12C0]  }
0x16e: {  	v5 =	vld [tilespmem:s5+$0x52C0]  }
0x16f: {  	v50 =	vld [tilespmem:s5+$0x12D0];
	v2 =	vadd.f32 v3, v2;
	v3 =	vmul.f32 v9, v8  }
0x170: {  	v51 =	vld [tilespmem:s5+$0x52D0]  }
0x171: {  	v52 =	vld [tilespmem:s5+$0x12E0];
	v2 =	vadd.f32 v3, v2;
	v3 =	vmul.f32 v7, v6  }
0x172: {  	v53 =	vld [tilespmem:s5+$0x52E0]  }
0x173: {  	v54 =	vld [tilespmem:s5+$0x12F0];
	v2 =	vadd.f32 v3, v2;
	v3 =	vmul.f32 v5, v49  }
0x174: {  	v55 =	vld [tilespmem:s5+$0x52F0]  }
0x175: {  	v2 =	vadd.f32 v3, v2;
	v3 =	vmul.f32 v51, v50;
	_ =	sdelay $0x1  }
0x176: {  	v2 =	vadd.f32 v3, v2;
	v3 =	vmul.f32 v53, v52;
	_ =	sdelay $0x1  }
0x177: {  	v2 =	vadd.f32 v3, v2;
	v3 =	vmul.f32 v55, v54;
	_ =	sdelay $0x1  }
0x178: {  	v2 =	vadd.f32 v3, v2;
	_ =	sdelay $0x1  }
0x179: {  	v3 =	vperm.xlane v2, v1;
	_ =	sdelay $0x1  }
0x17a: {  	v2 =	vadd.f32 v2, v3;
	_ =	sdelay $0x1  }
0x17b: {  	v2 =	vmul.f32 $2.500000000e-01, v2;
	_ =	sdelay $0x1  }
0x17c: {  	v2 =	vmax.f32 v2, $-5.000000000e+00  }
0x17d: {  	v2 =	vmin.f32 v2, $5.000000000e+00  }
0x17e: {  	v2 =	vmul.f32 $1.442695020e+00, v2;
	_ =	sdelay $0x1  }
0x17f: {  	(erf) = vpow2.f32 v2;
	_ =	sdelay $0x4  }
0x180: {  	v3 =	vld [tilespmem:s5+$0x3290]  }
0x181: {  	v2 =	vld [tilespmem:s5+$0x3280]  }
0x182: {  	v56 =	vld [tilespmem:s5+$0x32A0]  }
0x183: {  	v59 =	vld [tilespmem:s5+$0x32D0]  }
0x184: {  	v57 =	vld [tilespmem:s5+$0x32B0];
	v61 =	vpop (erf)  }
0x185: {  	v58 =	vld [tilespmem:s5+$0x32C0];
	v3 =	vmul.f32 v61, v3  }
0x186: {  	v60 =	vld [tilespmem:s5+$0x32E0];
	[tilespmem:s5+$0x7280] =	vst v61;
	v2 =	vmul.f32 v61, v2  }
0x187: {  	v62 =	vld [tilespmem:s5+$0x32F0];
	v4 =	vmul.f32 v61, v56;
	[tilespmem:s5+$0x5290] =	vst v3  }
0x188: {  	v63 =	vmul.f32 v59, v61;
	[tilespmem:s5+$0x5280] =	vst v2  }
0x189: {  	v3 =	vmul.f32 v57, v61;
	[tilespmem:s5+$0x52A0] =	vst v4  }
0x18a: {  	v2 =	vmul.f32 v58, v61;
	[tilespmem:s5+$0x52D0] =	vst v63  }
0x18b: {  	[tilespmem:s5+$0x52B0] =	vst v3;
	v3 =	vmul.f32 v60, v61  }
0x18c: {  	[tilespmem:s5+$0x52C0] =	vst v2;
	v2 =	vmul.f32 v62, v61  }
0x18d: {  	[tilespmem:s5+$0x52E0] =	vst v3  }
0x18e: {  	s3 =	rddreg [dreg:$0x2];
	s2 =	simm.s32 $0x80;
	[tilespmem:s5+$0x52F0] =	vst v2  }
0x18f: {  	[spmem:s3] =	stream.indirect.scatter.add.f32 [tilespmem:s30], [sflag:$0x5], $0x80, s2, s22, $0xb8;
	[tilespmem:$0x1E680] =	vst v63  }
0x190: {  	s5 =	simm.s32 $0x200;
	s3 =	simm.s32 $0x0  }
.LBB2_14:
0x191: {  	v2 =	vld [tilespmem:s2+$0x0];
	_ =	sdelay $0x4  }
0x192: {  	(v2sf) =	vpush v2, $0x0;
	_ =	sdelay $0x8  }
0x193: {  	(v2sf) =	vpush v2, $0x1;
	_ =	sdelay $0x5  }
0x194: {  	s12 =	spop (v2sf)  }
0x195: {  	v3 =	vshrl.u32 v2, $0x3;
	s13 =	sshra.s32 s12, $0x1F  }
0x196: {  	s14 =	sshra.s32 s3, $0x2;
	[tilespmem:s5+$0x0] =	vst v3;
	s13 =	sshrl.u32 s13, $0x1D  }
0x197: {  	[tilespmem:s14+$0x2280] =	vst v0;
	(v2sf) =	vpush v2, $0x2;
	s13 =	sadd.s32 s13, s12  }
0x198: {  	[tilespmem:s14+$0x2290] =	vst v0;
	s13 =	sand.u32 $0xFFFFFFF8, s13  }
0x199: {  	[tilespmem:s14+$0x22A0] =	vst v0;
	s12 =	ssub.s32 s12, s13  }
0x19a: {  	v3 =	vld [tilespmem:s14+$0x6280];
	[tilespmem:s14+$0x22B0] =	vst v0;
	s13 =	sshll.u32 s12, $0x6;
	s12 =	sand.u32 $0x7, s12  }
0x19b: {  	[tilespmem:s14+$0x22C0] =	vst v0;
	s13 =	sand.u32 $0xFFFFFE00, s13;
	s12 =	sshll.u32 s12, $0x6  }
0x19c: {  	[tilespmem:s14+$0x22D0] =	vst v0;
	s12 =	sor.u32 s12, s13  }
0x19d: {  	[tilespmem:s14+$0x22E0] =	vst v0;
	s19 =	spop (v2sf);
	s12 =	sshra.s32 s12, $0x2  }
0x19e: {  	[tilespmem:s14+$0x22F0] =	vst v0;
	s17 =	sshra.s32 s19, $0x1F;
	s12 =	sadd.s32 s14, s12  }
0x19f: {  	s17 =	sshrl.u32 s17, $0x1D;
	[tilespmem:s12+$0x2280] =	vst v3  }
0x1a0: {  	(v2sf) =	vpush v2, $0x3;
	s12 =	sadd.s32 s17, s19;
	[tilespmem:s14+$0x2300] =	vst v0  }
0x1a1: {  	[tilespmem:s14+$0x2310] =	vst v0;
	s12 =	sand.u32 $0xFFFFFFF8, s12  }
0x1a2: {  	[tilespmem:s14+$0x2320] =	vst v0;
	s12 =	ssub.s32 s19, s12  }
0x1a3: {  	v3 =	vld [tilespmem:s14+$0x6300];
	[tilespmem:s14+$0x2330] =	vst v0;
	s13 =	sshll.u32 s12, $0x6;
	s12 =	sand.u32 $0x7, s12  }
0x1a4: {  	[tilespmem:s14+$0x2340] =	vst v0;
	s13 =	sand.u32 $0xFFFFFE00, s13;
	s12 =	sshll.u32 s12, $0x6  }
0x1a5: {  	[tilespmem:s14+$0x2350] =	vst v0;
	s13 =	sor.u32 s12, s13  }
0x1a6: {  	[tilespmem:s14+$0x2360] =	vst v0;
	s17 =	spop (v2sf);
	s12 =	sadd.s32 $0x2280, s14;
	s13 =	sshra.s32 s13, $0x2  }
0x1a7: {  	[tilespmem:s14+$0x2370] =	vst v0;
	s19 =	sshra.s32 s17, $0x1F;
	s13 =	sadd.s32 s13, s12  }
0x1a8: {  	s19 =	sshrl.u32 s19, $0x1D;
	[tilespmem:s13+$0x80] =	vst v3  }
0x1a9: {  	(v2sf) =	vpush v2, $0x4;
	s13 =	sadd.s32 s19, s17;
	[tilespmem:s14+$0x2380] =	vst v0  }
0x1aa: {  	[tilespmem:s14+$0x2390] =	vst v0;
	s13 =	sand.u32 $0xFFFFFFF8, s13  }
0x1ab: {  	[tilespmem:s14+$0x23A0] =	vst v0;
	s13 =	ssub.s32 s17, s13  }
0x1ac: {  	v3 =	vld [tilespmem:s14+$0x6380];
	[tilespmem:s14+$0x23B0] =	vst v0;
	s17 =	sshll.u32 s13, $0x6;
	s13 =	sand.u32 $0x7, s13  }
0x1ad: {  	[tilespmem:s14+$0x23C0] =	vst v0;
	s17 =	sand.u32 $0xFFFFFE00, s17;
	s13 =	sshll.u32 s13, $0x6  }
0x1ae: {  	[tilespmem:s14+$0x23D0] =	vst v0;
	s13 =	sor.u32 s13, s17  }
0x1af: {  	[tilespmem:s14+$0x23E0] =	vst v0;
	s17 =	spop (v2sf);
	s13 =	sshra.s32 s13, $0x2  }
0x1b0: {  	[tilespmem:s14+$0x23F0] =	vst v0;
	s19 =	sshra.s32 s17, $0x1F;
	s13 =	sadd.s32 s13, s12  }
0x1b1: {  	s19 =	sshrl.u32 s19, $0x1D;
	[tilespmem:s13+$0x100] =	vst v3  }
0x1b2: {  	(v2sf) =	vpush v2, $0x5;
	s13 =	sadd.s32 s19, s17;
	[tilespmem:s14+$0x2400] =	vst v0  }
0x1b3: {  	[tilespmem:s14+$0x2410] =	vst v0;
	s13 =	sand.u32 $0xFFFFFFF8, s13  }
0x1b4: {  	[tilespmem:s14+$0x2420] =	vst v0;
	s13 =	ssub.s32 s17, s13  }
0x1b5: {  	v3 =	vld [tilespmem:s14+$0x6400];
	[tilespmem:s14+$0x2430] =	vst v0;
	s17 =	sshll.u32 s13, $0x6;
	s13 =	sand.u32 $0x7, s13  }
0x1b6: {  	[tilespmem:s14+$0x2440] =	vst v0;
	s17 =	sand.u32 $0xFFFFFE00, s17;
	s13 =	sshll.u32 s13, $0x6  }
0x1b7: {  	[tilespmem:s14+$0x2450] =	vst v0;
	s13 =	sor.u32 s13, s17  }
0x1b8: {  	[tilespmem:s14+$0x2460] =	vst v0;
	s17 =	spop (v2sf);
	s13 =	sshra.s32 s13, $0x2  }
0x1b9: {  	[tilespmem:s14+$0x2470] =	vst v0;
	s19 =	sshra.s32 s17, $0x1F;
	s13 =	sadd.s32 s13, s12  }
0x1ba: {  	s19 =	sshrl.u32 s19, $0x1D;
	[tilespmem:s13+$0x180] =	vst v3  }
0x1bb: {  	(v2sf) =	vpush v2, $0x6;
	s13 =	sadd.s32 s19, s17;
	[tilespmem:s14+$0x2480] =	vst v0  }
0x1bc: {  	[tilespmem:s14+$0x2490] =	vst v0;
	s13 =	sand.u32 $0xFFFFFFF8, s13  }
0x1bd: {  	[tilespmem:s14+$0x24A0] =	vst v0;
	s13 =	ssub.s32 s17, s13  }
0x1be: {  	v3 =	vld [tilespmem:s14+$0x6480];
	[tilespmem:s14+$0x24B0] =	vst v0;
	s17 =	sshll.u32 s13, $0x6;
	s13 =	sand.u32 $0x7, s13  }
0x1bf: {  	[tilespmem:s14+$0x24C0] =	vst v0;
	s17 =	sand.u32 $0xFFFFFE00, s17;
	s13 =	sshll.u32 s13, $0x6  }
0x1c0: {  	[tilespmem:s14+$0x24D0] =	vst v0;
	s13 =	sor.u32 s13, s17  }
0x1c1: {  	[tilespmem:s14+$0x24E0] =	vst v0;
	s17 =	spop (v2sf);
	s13 =	sshra.s32 s13, $0x2  }
0x1c2: {  	[tilespmem:s14+$0x24F0] =	vst v0;
	s19 =	sshra.s32 s17, $0x1F;
	s13 =	sadd.s32 s13, s12  }
0x1c3: {  	s19 =	sshrl.u32 s19, $0x1D;
	[tilespmem:s13+$0x200] =	vst v3  }
0x1c4: {  	(v2sf) =	vpush v2, $0x7;
	s13 =	sadd.s32 s19, s17;
	[tilespmem:s14+$0x2500] =	vst v0  }
0x1c5: {  	[tilespmem:s14+$0x2510] =	vst v0;
	s13 =	sand.u32 $0xFFFFFFF8, s13  }
0x1c6: {  	[tilespmem:s14+$0x2520] =	vst v0;
	s13 =	ssub.s32 s17, s13  }
0x1c7: {  	v3 =	vld [tilespmem:s14+$0x6500];
	[tilespmem:s14+$0x2530] =	vst v0;
	s17 =	sshll.u32 s13, $0x6;
	s13 =	sand.u32 $0x7, s13  }
0x1c8: {  	[tilespmem:s14+$0x2540] =	vst v0;
	s17 =	sand.u32 $0xFFFFFE00, s17;
	s13 =	sshll.u32 s13, $0x6  }
0x1c9: {  	[tilespmem:s14+$0x2550] =	vst v0;
	s13 =	sor.u32 s13, s17  }
0x1ca: {  	[tilespmem:s14+$0x2560] =	vst v0;
	s17 =	spop (v2sf);
	s13 =	sshra.s32 s13, $0x2  }
0x1cb: {  	[tilespmem:s14+$0x2570] =	vst v0;
	s19 =	sshra.s32 s17, $0x1F;
	s13 =	sadd.s32 s13, s12  }
0x1cc: {  	s19 =	sshrl.u32 s19, $0x1D;
	[tilespmem:s13+$0x280] =	vst v3  }
0x1cd: {  	(v2sf) =	vpush v2, $0x8;
	s13 =	sadd.s32 s19, s17;
	[tilespmem:s14+$0x2580] =	vst v0  }
0x1ce: {  	[tilespmem:s14+$0x2590] =	vst v0;
	s13 =	sand.u32 $0xFFFFFFF8, s13  }
0x1cf: {  	[tilespmem:s14+$0x25A0] =	vst v0;
	s13 =	ssub.s32 s17, s13  }
0x1d0: {  	v3 =	vld [tilespmem:s14+$0x6580];
	[tilespmem:s14+$0x25B0] =	vst v0;
	s17 =	sshll.u32 s13, $0x6;
	s13 =	sand.u32 $0x7, s13  }
0x1d1: {  	[tilespmem:s14+$0x25C0] =	vst v0;
	s17 =	sand.u32 $0xFFFFFE00, s17;
	s13 =	sshll.u32 s13, $0x6  }
0x1d2: {  	[tilespmem:s14+$0x25D0] =	vst v0;
	s13 =	sor.u32 s13, s17  }
0x1d3: {  	[tilespmem:s14+$0x25E0] =	vst v0;
	s17 =	spop (v2sf);
	s13 =	sshra.s32 s13, $0x2  }
0x1d4: {  	[tilespmem:s14+$0x25F0] =	vst v0;
	s19 =	sshra.s32 s17, $0x1F;
	s13 =	sadd.s32 s13, s12  }
0x1d5: {  	s19 =	sshrl.u32 s19, $0x1D;
	[tilespmem:s13+$0x300] =	vst v3  }
0x1d6: {  	(v2sf) =	vpush v2, $0x9;
	s13 =	sadd.s32 s19, s17;
	[tilespmem:s14+$0x2600] =	vst v0  }
0x1d7: {  	[tilespmem:s14+$0x2610] =	vst v0;
	s13 =	sand.u32 $0xFFFFFFF8, s13  }
0x1d8: {  	[tilespmem:s14+$0x2620] =	vst v0;
	s13 =	ssub.s32 s17, s13  }
0x1d9: {  	v3 =	vld [tilespmem:s14+$0x6600];
	[tilespmem:s14+$0x2630] =	vst v0;
	s17 =	sshll.u32 s13, $0x6;
	s13 =	sand.u32 $0x7, s13  }
0x1da: {  	[tilespmem:s14+$0x2640] =	vst v0;
	s17 =	sand.u32 $0xFFFFFE00, s17;
	s13 =	sshll.u32 s13, $0x6  }
0x1db: {  	[tilespmem:s14+$0x2650] =	vst v0;
	s13 =	sor.u32 s13, s17  }
0x1dc: {  	[tilespmem:s14+$0x2660] =	vst v0;
	s17 =	spop (v2sf);
	s13 =	sshra.s32 s13, $0x2  }
0x1dd: {  	[tilespmem:s14+$0x2670] =	vst v0;
	s19 =	sshra.s32 s17, $0x1F;
	s13 =	sadd.s32 s13, s12  }
0x1de: {  	s19 =	sshrl.u32 s19, $0x1D;
	[tilespmem:s13+$0x380] =	vst v3  }
0x1df: {  	(v2sf) =	vpush v2, $0xA;
	s13 =	sadd.s32 s19, s17;
	[tilespmem:s14+$0x2680] =	vst v0  }
0x1e0: {  	[tilespmem:s14+$0x2690] =	vst v0;
	s13 =	sand.u32 $0xFFFFFFF8, s13  }
0x1e1: {  	[tilespmem:s14+$0x26A0] =	vst v0;
	s13 =	ssub.s32 s17, s13  }
0x1e2: {  	v3 =	vld [tilespmem:s14+$0x6680];
	[tilespmem:s14+$0x26B0] =	vst v0;
	s17 =	sshll.u32 s13, $0x6;
	s13 =	sand.u32 $0x7, s13  }
0x1e3: {  	[tilespmem:s14+$0x26C0] =	vst v0;
	s17 =	sand.u32 $0xFFFFFE00, s17;
	s13 =	sshll.u32 s13, $0x6  }
0x1e4: {  	[tilespmem:s14+$0x26D0] =	vst v0;
	s13 =	sor.u32 s13, s17  }
0x1e5: {  	[tilespmem:s14+$0x26E0] =	vst v0;
	s17 =	spop (v2sf);
	s13 =	sshra.s32 s13, $0x2  }
0x1e6: {  	[tilespmem:s14+$0x26F0] =	vst v0;
	s19 =	sshra.s32 s17, $0x1F;
	s13 =	sadd.s32 s13, s12  }
0x1e7: {  	s19 =	sshrl.u32 s19, $0x1D;
	[tilespmem:s13+$0x400] =	vst v3  }
0x1e8: {  	(v2sf) =	vpush v2, $0xB;
	s13 =	sadd.s32 s19, s17;
	[tilespmem:s14+$0x2700] =	vst v0  }
0x1e9: {  	[tilespmem:s14+$0x2710] =	vst v0;
	s13 =	sand.u32 $0xFFFFFFF8, s13  }
0x1ea: {  	[tilespmem:s14+$0x2720] =	vst v0;
	s13 =	ssub.s32 s17, s13  }
0x1eb: {  	v3 =	vld [tilespmem:s14+$0x6700];
	[tilespmem:s14+$0x2730] =	vst v0;
	s17 =	sshll.u32 s13, $0x6;
	s13 =	sand.u32 $0x7, s13  }
0x1ec: {  	[tilespmem:s14+$0x2740] =	vst v0;
	s17 =	sand.u32 $0xFFFFFE00, s17;
	s13 =	sshll.u32 s13, $0x6  }
0x1ed: {  	[tilespmem:s14+$0x2750] =	vst v0;
	s13 =	sor.u32 s13, s17  }
0x1ee: {  	[tilespmem:s14+$0x2760] =	vst v0;
	s17 =	spop (v2sf);
	s13 =	sshra.s32 s13, $0x2  }
0x1ef: {  	[tilespmem:s14+$0x2770] =	vst v0;
	s19 =	sshra.s32 s17, $0x1F;
	s13 =	sadd.s32 s13, s12  }
0x1f0: {  	s19 =	sshrl.u32 s19, $0x1D;
	[tilespmem:s13+$0x480] =	vst v3  }
0x1f1: {  	(v2sf) =	vpush v2, $0xC;
	s13 =	sadd.s32 s19, s17;
	[tilespmem:s14+$0x2780] =	vst v0  }
0x1f2: {  	[tilespmem:s14+$0x2790] =	vst v0;
	s13 =	sand.u32 $0xFFFFFFF8, s13  }
0x1f3: {  	[tilespmem:s14+$0x27A0] =	vst v0;
	s13 =	ssub.s32 s17, s13  }
0x1f4: {  	v3 =	vld [tilespmem:s14+$0x6780];
	[tilespmem:s14+$0x27B0] =	vst v0;
	s17 =	sshll.u32 s13, $0x6;
	s13 =	sand.u32 $0x7, s13  }
0x1f5: {  	[tilespmem:s14+$0x27C0] =	vst v0;
	s17 =	sand.u32 $0xFFFFFE00, s17;
	s13 =	sshll.u32 s13, $0x6  }
0x1f6: {  	[tilespmem:s14+$0x27D0] =	vst v0;
	s13 =	sor.u32 s13, s17  }
0x1f7: {  	[tilespmem:s14+$0x27E0] =	vst v0;
	s17 =	spop (v2sf);
	s13 =	sshra.s32 s13, $0x2  }
0x1f8: {  	[tilespmem:s14+$0x27F0] =	vst v0;
	s19 =	sshra.s32 s17, $0x1F;
	s13 =	sadd.s32 s13, s12  }
0x1f9: {  	s19 =	sshrl.u32 s19, $0x1D;
	[tilespmem:s13+$0x500] =	vst v3  }
0x1fa: {  	(v2sf) =	vpush v2, $0xD;
	s13 =	sadd.s32 s19, s17;
	[tilespmem:s14+$0x2800] =	vst v0  }
0x1fb: {  	[tilespmem:s14+$0x2810] =	vst v0;
	s13 =	sand.u32 $0xFFFFFFF8, s13  }
0x1fc: {  	[tilespmem:s14+$0x2820] =	vst v0;
	s13 =	ssub.s32 s17, s13  }
0x1fd: {  	v3 =	vld [tilespmem:s14+$0x6800];
	[tilespmem:s14+$0x2830] =	vst v0;
	s17 =	sshll.u32 s13, $0x6;
	s13 =	sand.u32 $0x7, s13  }
0x1fe: {  	[tilespmem:s14+$0x2840] =	vst v0;
	s17 =	sand.u32 $0xFFFFFE00, s17;
	s13 =	sshll.u32 s13, $0x6  }
0x1ff: {  	[tilespmem:s14+$0x2850] =	vst v0;
	s13 =	sor.u32 s13, s17  }
0x200: {  	[tilespmem:s14+$0x2860] =	vst v0;
	s17 =	spop (v2sf);
	s13 =	sshra.s32 s13, $0x2  }
0x201: {  	[tilespmem:s14+$0x2870] =	vst v0;
	s19 =	sshra.s32 s17, $0x1F;
	s13 =	sadd.s32 s13, s12  }
0x202: {  	s19 =	sshrl.u32 s19, $0x1D;
	[tilespmem:s13+$0x580] =	vst v3  }
0x203: {  	(v2sf) =	vpush v2, $0xE;
	s13 =	sadd.s32 s19, s17;
	[tilespmem:s14+$0x2880] =	vst v0  }
0x204: {  	[tilespmem:s14+$0x2890] =	vst v0;
	s13 =	sand.u32 $0xFFFFFFF8, s13  }
0x205: {  	[tilespmem:s14+$0x28A0] =	vst v0;
	s13 =	ssub.s32 s17, s13  }
0x206: {  	v3 =	vld [tilespmem:s14+$0x6880];
	[tilespmem:s14+$0x28B0] =	vst v0;
	s17 =	sshll.u32 s13, $0x6;
	s13 =	sand.u32 $0x7, s13  }
0x207: {  	[tilespmem:s14+$0x28C0] =	vst v0;
	s17 =	sand.u32 $0xFFFFFE00, s17;
	s13 =	sshll.u32 s13, $0x6  }
0x208: {  	[tilespmem:s14+$0x28D0] =	vst v0;
	s13 =	sor.u32 s13, s17  }
0x209: {  	[tilespmem:s14+$0x28E0] =	vst v0;
	s17 =	spop (v2sf);
	s13 =	sshra.s32 s13, $0x2  }
0x20a: {  	[tilespmem:s14+$0x28F0] =	vst v0;
	s19 =	sshra.s32 s17, $0x1F;
	s13 =	sadd.s32 s13, s12  }
0x20b: {  	s19 =	sshrl.u32 s19, $0x1D;
	[tilespmem:s13+$0x600] =	vst v3  }
0x20c: {  	(v2sf) =	vpush v2, $0xF;
	s13 =	sadd.s32 s19, s17;
	[tilespmem:s14+$0x2900] =	vst v0  }
0x20d: {  	[tilespmem:s14+$0x2910] =	vst v0;
	s13 =	sand.u32 $0xFFFFFFF8, s13  }
0x20e: {  	[tilespmem:s14+$0x2920] =	vst v0;
	s13 =	ssub.s32 s17, s13  }
0x20f: {  	v2 =	vld [tilespmem:s14+$0x6900];
	[tilespmem:s14+$0x2930] =	vst v0;
	s17 =	sshll.u32 s13, $0x6;
	s13 =	sand.u32 $0x7, s13  }
0x210: {  	[tilespmem:s14+$0x2940] =	vst v0;
	s17 =	sand.u32 $0xFFFFFE00, s17;
	s13 =	sshll.u32 s13, $0x6  }
0x211: {  	[tilespmem:s14+$0x2950] =	vst v0;
	s13 =	sor.u32 s13, s17  }
0x212: {  	[tilespmem:s14+$0x2960] =	vst v0;
	s17 =	spop (v2sf);
	s13 =	sshra.s32 s13, $0x2  }
0x213: {  	[tilespmem:s14+$0x2970] =	vst v0;
	s19 =	sshra.s32 s17, $0x1F;
	s13 =	sadd.s32 s13, s12  }
0x214: {  	s19 =	sshrl.u32 s19, $0x1D;
	[tilespmem:s13+$0x680] =	vst v2  }
0x215: {  	s13 =	sadd.s32 s19, s17;
	[tilespmem:s14+$0x2980] =	vst v0  }
0x216: {  	[tilespmem:s14+$0x2990] =	vst v0;
	s13 =	sand.u32 $0xFFFFFFF8, s13  }
0x217: {  	[tilespmem:s14+$0x29A0] =	vst v0;
	s13 =	ssub.s32 s17, s13  }
0x218: {  	v2 =	vld [tilespmem:s14+$0x6980];
	[tilespmem:s14+$0x29B0] =	vst v0;
	s17 =	sshll.u32 s13, $0x6;
	s13 =	sand.u32 $0x7, s13  }
0x219: {  	[tilespmem:s14+$0x29C0] =	vst v0;
	s17 =	sand.u32 $0xFFFFFE00, s17;
	s13 =	sshll.u32 s13, $0x6  }
0x21a: {  	[tilespmem:s14+$0x29D0] =	vst v0;
	s13 =	sor.u32 s13, s17  }
0x21b: {  	[tilespmem:s14+$0x29E0] =	vst v0;
	s17 =	spop (v2sf);
	s13 =	sshra.s32 s13, $0x2  }
0x21c: {  	[tilespmem:s14+$0x29F0] =	vst v0;
	s19 =	sshra.s32 s17, $0x1F;
	s13 =	sadd.s32 s13, s12  }
0x21d: {  	s19 =	sshrl.u32 s19, $0x1D;
	[tilespmem:s13+$0x700] =	vst v2  }
0x21e: {  	s13 =	sadd.s32 s19, s17;
	[tilespmem:s14+$0x2A00] =	vst v0  }
0x21f: {  	[tilespmem:s14+$0x2A10] =	vst v0;
	s13 =	sand.u32 $0xFFFFFFF8, s13  }
0x220: {  	[tilespmem:s14+$0x2A20] =	vst v0;
	s13 =	ssub.s32 s17, s13  }
0x221: {  	p1 =	sne.s32 s3, $0x6000;
	v2 =	vld [tilespmem:s14+$0x6A00];
	[tilespmem:s14+$0x2A30] =	vst v0;
	s17 =	sshll.u32 s13, $0x6;
	s13 =	sand.u32 $0x7, s13  }
.Ltmp10:
0x222: {  	[tilespmem:s14+$0x2A40] =	vst v0;
	s17 =	sand.u32 $0xFFFFFE00, s17;
	s13 =	sshll.u32 s13, $0x6;
	(pc) =	sbr.rel @p1 .LBB2_14-.Ltmp10, $4  }
0x223: {  	[tilespmem:s14+$0x2A50] =	vst v0;
	s13 =	sor.u32 s13, s17  }
0x224: {  	[tilespmem:s14+$0x2A60] =	vst v0;
	s13 =	sshra.s32 s13, $0x2  }
0x225: {  	[tilespmem:s14+$0x2A70] =	vst v0;
	s12 =	sadd.s32 s13, s12  }
0x226: {  	s2 =	sadd.s32 $0x10, s2;
	s3 =	sadd.s32 $0x2000, s3;
	s5 =	sadd.s32 $0x10, s5;
	[tilespmem:s12+$0x780] =	vst v2  }
.Ltmp11:
0x227: {  	(pc) =	sbr.rel @p0 .LBB2_24-.Ltmp11, $4  }
.Ltmp12:
0x228: {  	(pc) =	sbr.rel @!p0 .LBB2_17-.Ltmp12, $4  }
0x229: {  	_ = 	snop  }
0x22a: {  	s2 =	rddreg [dreg:$0x3]  }
0x22b: {  	[spmem:s2] =	stream.indirect.scatter [tilespmem:s16], [sflag:$0x6], $0x80, s23, s22, $0xb8;
	[tilespmem:$0x1E680] =	vst v63  }
0x22c: {  	_ = 	snop  }
.LBB2_16:
0x22d: {  	p0 =	sgt.u32 s2, $0x1387  }
.Ltmp13:
0x22e: {  	_ = 	snop;
	(pc) =	sbr.rel @p0 .LBB2_25-.Ltmp13, $1  }
0x22f: {  	_ =	sdelay $0x3  }
.LBB2_17:
0x230: {  	_ =	swait.ge [sflag:s29], $0x40  }
0x231: {  	[sflag:s29] =	ssyncset.done $0x0  }
0x232: {  	[sflag:s29] =	ssyncadd.s32 $0xFFFFFFC0  }
0x233: {  	_ =	swait.ge [sflag:s29], $0x40  }
0x234: {  	[sflag:s29] =	ssyncset.done $0x0  }
0x235: {  	[sflag:s29] =	ssyncadd.s32 $0xFFFFFFC0  }
0x236: {  	_ =	swait.ge [sflag:s24], $0x2000  }
0x237: {  	[sflag:s24] =	ssyncset.done $0x0  }
0x238: {  	[sflag:s24] =	ssyncadd.s32 $0xFFFFE000  }
0x239: {  	_ =	swait.ge [sflag:s26], $0x2000  }
0x23a: {  	[sflag:s26] =	ssyncset.done $0x0  }
0x23b: {  	s2 =	simm.s32 $0x280;
	[sflag:s26] =	ssyncadd.s32 $0xFFFFE000  }
0x23c: {  	[tilespmem:s2], [sflag:$0x3] =	stream.indirect.gather [hbm4b:s6+s4], $0x80, s11, s4, $0xb8;
	[tilespmem:$0x1E680] =	vst v63  }
0x23d: {  	s12 =	simm.s32 $0x1280  }
0x23e: {  	[tilespmem:s12], [sflag:$0x4] =	stream.indirect.gather [hbm4b:s6+s4], $0x80, s28, s4, $0xb8;
	[tilespmem:$0x1E680] =	vst v63  }
0x23f: {  	s17 =	rddreg [dreg:$0x8]  }
0x240: {  	[tilespmem:s16], [sflag:$0x3] =	stream.indirect.gather [hbm4b:s7+s4], $0x80, s11, s4, $0xb8;
	[tilespmem:$0x1E680] =	vst v63  }
0x241: {  	s13 =	simm.s32 $0x3280;
	s0 =	sadd.s32 s17, s0  }
0x242: {  	[tilespmem:s13], [sflag:$0x4] =	stream.indirect.gather [hbm4b:s7+s4], $0x80, s28, s4, $0xb8;
	[tilespmem:$0x1E680] =	vst v63  }
0x243: {  	s14 =	simm.s32 $0x180;
	p0 =	sgt.u32 s0, $0x1387  }
0x244: {  	[tilespmem:s30], [sflag:$0x3] =	stream.indirect.gather [hbm4b:s1+s4], $0x80, s14, s4, $0xb8;
	[tilespmem:$0x1E680] =	vst v63  }
0x245: {  	s19 =	simm.s32 $0x5280;
	s3 =	simm.s32 $0x1A0;
	s2 =	sshll.u32 @!p0 s0, $0x3  }
0x246: {  	[tilespmem:s19], [sflag:$0x4] =	stream.indirect.gather [hbm4b:s1+s4], $0x80, s3, s4, $0xb8;
	[tilespmem:$0x1E680] =	vst v63  }
0x247: {  	s5 =	simm.s32 @!p0 $0x0;
	s3 =	sadd.s32 @!p0 s8, s2  }
0x248: {  	[tilespmem:s5], [sflag:$0x1] =	stream.linear.gather @!p0 [hbm4b:s3+s5], $0x40, $0x38;
	[tilespmem:$0x1E680] =	vst v63  }
0x249: {  	s2 =	sadd.s32 @!p0 s9, s2;
	s3 =	simm.s32 @!p0 $0x80  }
0x24a: {  	[tilespmem:s3], [sflag:$0x1] =	stream.linear.gather @!p0 [hbm4b:s2+s5], $0x40, $0x38;
	[tilespmem:$0x1E680] =	vst v63  }
0x24b: {  	_ =	swait.ge [sflag:s20], $0x1000  }
0x24c: {  	[sflag:s20] =	ssyncset.done $0x0  }
0x24d: {  	[sflag:s20] =	ssyncadd.s32 $0xFFFFF000  }
0x24e: {  	_ =	swait.ge [sflag:s20], $0x1000  }
0x24f: {  	[sflag:s20] =	ssyncset.done $0x0  }
0x250: {  	[sflag:s20] =	ssyncadd.s32 $0xFFFFF000  }
0x251: {  	_ =	swait.ge [sflag:s20], $0x1000  }
0x252: {  	[sflag:s20] =	ssyncset.done $0x0  }
0x253: {  	s2 =	simm.s32 $0x0;
	[sflag:s20] =	ssyncadd.s32 $0xFFFFF000  }
0x254: {  	v2 =	vld [tilespmem:s2+$0x280]  }
0x255: {  	v3 =	vld [tilespmem:s2+$0x290]  }
0x256: {  	v4 =	vld [tilespmem:s2+$0x4280]  }
0x257: {  	v5 =	vld [tilespmem:s2+$0x4290]  }
0x258: {  	v6 =	vld [tilespmem:s2+$0x2A0]  }
0x259: {  	v7 =	vld [tilespmem:s2+$0x42A0]  }
0x25a: {  	v8 =	vld [tilespmem:s2+$0x2B0]  }
0x25b: {  	v9 =	vld [tilespmem:s2+$0x42B0]  }
0x25c: {  	v2 =	vmul.f32 v4, v2;
	v3 =	vmul.f32 v5, v3;
	v4 =	vld [tilespmem:s2+$0x2C0]  }
0x25d: {  	v5 =	vld [tilespmem:s2+$0x42C0]  }
0x25e: {  	v2 =	vadd.f32 v3, v2;
	v3 =	vmul.f32 v7, v6;
	v6 =	vld [tilespmem:s2+$0x2D0]  }
0x25f: {  	v7 =	vld [tilespmem:s2+$0x42D0]  }
0x260: {  	v2 =	vadd.f32 v3, v2;
	v3 =	vmul.f32 v9, v8;
	v8 =	vld [tilespmem:s2+$0x2E0]  }
0x261: {  	v9 =	vld [tilespmem:s2+$0x42E0]  }
0x262: {  	v2 =	vadd.f32 v3, v2;
	v3 =	vmul.f32 v5, v4;
	v4 =	vld [tilespmem:s2+$0x2F0]  }
0x263: {  	v5 =	vld [tilespmem:s2+$0x42F0]  }
0x264: {  	v2 =	vadd.f32 v3, v2;
	v3 =	vmul.f32 v7, v6;
	_ =	sdelay $0x1  }
0x265: {  	v2 =	vadd.f32 v3, v2;
	v3 =	vmul.f32 v9, v8;
	_ =	sdelay $0x1  }
0x266: {  	v2 =	vadd.f32 v3, v2;
	v3 =	vmul.f32 v5, v4;
	_ =	sdelay $0x1  }
0x267: {  	v2 =	vadd.f32 v3, v2;
	_ =	sdelay $0x1  }
0x268: {  	v3 =	vperm.xlane v2, v1;
	_ =	sdelay $0x1  }
0x269: {  	v2 =	vadd.f32 v2, v3;
	_ =	sdelay $0x1  }
0x26a: {  	v2 =	vmul.f32 $2.500000000e-01, v2;
	_ =	sdelay $0x1  }
0x26b: {  	v2 =	vmax.f32 v2, $-5.000000000e+00  }
0x26c: {  	v2 =	vmin.f32 v2, $5.000000000e+00  }
0x26d: {  	v2 =	vmul.f32 $1.442695020e+00, v2;
	_ =	sdelay $0x1  }
0x26e: {  	(erf) = vpow2.f32 v2;
	_ =	sdelay $0x1  }
0x26f: {  	v10 =	vld [tilespmem:s2+$0x22E0]  }
0x270: {  	v11 =	vld [tilespmem:s2+$0x22F0]  }
0x271: {  	v4 =	vld [tilespmem:s2+$0x22A0]  }
0x272: {  	v2 =	vld [tilespmem:s2+$0x2290]  }
0x273: {  	v3 =	vld [tilespmem:s2+$0x2280]  }
0x274: {  	v5 =	vld [tilespmem:s2+$0x22B0]  }
0x275: {  	v6 =	vld [tilespmem:s2+$0x22C0]  }
0x276: {  	v7 =	vld [tilespmem:s2+$0x22D0];
	v12 =	vpop (erf)  }
0x277: {  	v8 =	vmul.f32 v12, v2  }
0x278: {  	s5 =	simm.s32 $0x80;
	[tilespmem:s2+$0x6280] =	vst v12;
	v9 =	vmul.f32 v12, v3  }
0x279: {  	v13 =	vmul.f32 v12, v4;
	v2 =	vld [tilespmem:s5+$0x280];
	[tilespmem:s2+$0x4290] =	vst v8;
	v8 =	vmul.f32 v5, v12  }
0x27a: {  	v5 =	vmul.f32 v11, v12;
	v3 =	vld [tilespmem:s5+$0x290];
	[tilespmem:s2+$0x4280] =	vst v9;
	v9 =	vmul.f32 v6, v12  }
0x27b: {  	s3 =	simm.s32 $0x400;
	v6 =	vmul.f32 v7, v12;
	v7 =	vmul.f32 v10, v12;
	v4 =	vld [tilespmem:s5+$0x4280];
	[tilespmem:s2+$0x42A0] =	vst v13  }
.LBB2_18:
0x27c: {  	p0 =	sne.s32 s3, $0x3E00;
	v10 =	vld [tilespmem:s5+$0x4290];
	[tilespmem:s2+$0x42B0] =	vst v8  }
0x27d: {  	v8 =	vld [tilespmem:s5+$0x2A0];
	[tilespmem:s2+$0x42C0] =	vst v9  }
0x27e: {  	v9 =	vld [tilespmem:s5+$0x42A0];
	[tilespmem:s2+$0x42D0] =	vst v6  }
0x27f: {  	v6 =	vld [tilespmem:s5+$0x2B0];
	[tilespmem:s2+$0x42E0] =	vst v7  }
0x280: {  	v7 =	vld [tilespmem:s5+$0x42B0];
	[tilespmem:s2+$0x42F0] =	vst v5;
	s2 =	smov.u32 s5  }
0x281: {  	v2 =	vmul.f32 v4, v2;
	v3 =	vmul.f32 v10, v3;
	v4 =	vld [tilespmem:s2+$0x2C0]  }
0x282: {  	v5 =	vld [tilespmem:s2+$0x42C0]  }
0x283: {  	v2 =	vadd.f32 v3, v2;
	v3 =	vmul.f32 v9, v8;
	v8 =	vld [tilespmem:s2+$0x2D0]  }
0x284: {  	v9 =	vld [tilespmem:s2+$0x42D0]  }
0x285: {  	v2 =	vadd.f32 v3, v2;
	v3 =	vmul.f32 v7, v6;
	v6 =	vld [tilespmem:s2+$0x2E0]  }
0x286: {  	v7 =	vld [tilespmem:s2+$0x42E0]  }
0x287: {  	v2 =	vadd.f32 v3, v2;
	v3 =	vmul.f32 v5, v4;
	v4 =	vld [tilespmem:s2+$0x2F0]  }
0x288: {  	v5 =	vld [tilespmem:s2+$0x42F0]  }
0x289: {  	v2 =	vadd.f32 v3, v2;
	v3 =	vmul.f32 v9, v8;
	_ =	sdelay $0x1  }
0x28a: {  	v2 =	vadd.f32 v3, v2;
	v3 =	vmul.f32 v7, v6;
	_ =	sdelay $0x1  }
0x28b: {  	v2 =	vadd.f32 v3, v2;
	v3 =	vmul.f32 v5, v4;
	_ =	sdelay $0x1  }
0x28c: {  	v2 =	vadd.f32 v3, v2;
	_ =	sdelay $0x1  }
0x28d: {  	v3 =	vperm.xlane v2, v1;
	_ =	sdelay $0x1  }
0x28e: {  	v2 =	vadd.f32 v2, v3;
	_ =	sdelay $0x1  }
0x28f: {  	v2 =	vmul.f32 $2.500000000e-01, v2;
	_ =	sdelay $0x1  }
0x290: {  	v2 =	vmax.f32 v2, $-5.000000000e+00  }
0x291: {  	v2 =	vmin.f32 v2, $5.000000000e+00  }
0x292: {  	v2 =	vmul.f32 $1.442695020e+00, v2;
	_ =	sdelay $0x1  }
0x293: {  	(erf) = vpow2.f32 v2  }
0x294: {  	v2 =	vld [tilespmem:s2+$0x2280]  }
0x295: {  	v3 =	vld [tilespmem:s2+$0x2290]  }
0x296: {  	v4 =	vld [tilespmem:s2+$0x22A0]  }
0x297: {  	v5 =	vld [tilespmem:s2+$0x22B0]  }
0x298: {  	v6 =	vld [tilespmem:s2+$0x22C0]  }
0x299: {  	v7 =	vld [tilespmem:s2+$0x22D0]  }
0x29a: {  	v10 =	vld [tilespmem:s2+$0x22E0]  }
0x29b: {  	v11 =	vld [tilespmem:s2+$0x22F0]  }
0x29c: {  	v12 =	vpop (erf)  }
.Ltmp14:
0x29d: {  	[tilespmem:s2+$0x6280] =	vst v12;
	v13 =	vmul.f32 v12, v2;
	v3 =	vmul.f32 v12, v3;
	(pc) =	sbr.rel @p0 .LBB2_18-.Ltmp14, $4  }
0x29e: {  	s5 =	sshra.s32 s3, $0x2;
	v14 =	vmul.f32 v12, v4;
	v8 =	vmul.f32 v5, v12  }
0x29f: {  	v9 =	vmul.f32 v6, v12;
	v6 =	vmul.f32 v7, v12;
	v2 =	vld [tilespmem:s5+$0x280];
	[tilespmem:s2+$0x4290] =	vst v3  }
0x2a0: {  	v7 =	vmul.f32 v10, v12;
	v3 =	vld [tilespmem:s5+$0x290];
	[tilespmem:s2+$0x4280] =	vst v13;
	v5 =	vmul.f32 v11, v12  }
0x2a1: {  	s3 =	sadd.s32 $0x200, s3;
	v4 =	vld [tilespmem:s5+$0x4280];
	[tilespmem:s2+$0x42A0] =	vst v14  }
0x2a2: {  	v10 =	vld [tilespmem:s5+$0x4290];
	[tilespmem:s2+$0x42B0] =	vst v8  }
0x2a3: {  	v8 =	vld [tilespmem:s5+$0x2A0];
	[tilespmem:s2+$0x42C0] =	vst v9  }
0x2a4: {  	v9 =	vld [tilespmem:s5+$0x42A0];
	[tilespmem:s2+$0x42D0] =	vst v6  }
0x2a5: {  	v6 =	vld [tilespmem:s5+$0x2B0];
	[tilespmem:s2+$0x42E0] =	vst v7  }
0x2a6: {  	v7 =	vld [tilespmem:s5+$0x42B0];
	[tilespmem:s2+$0x42F0] =	vst v5  }
0x2a7: {  	v2 =	vmul.f32 v4, v2;
	v3 =	vmul.f32 v10, v3;
	v4 =	vld [tilespmem:s5+$0x2C0]  }
0x2a8: {  	v5 =	vld [tilespmem:s5+$0x42C0]  }
0x2a9: {  	v2 =	vadd.f32 v3, v2;
	v3 =	vmul.f32 v9, v8;
	v8 =	vld [tilespmem:s5+$0x2D0]  }
0x2aa: {  	v9 =	vld [tilespmem:s5+$0x42D0]  }
0x2ab: {  	v2 =	vadd.f32 v3, v2;
	v3 =	vmul.f32 v7, v6;
	v6 =	vld [tilespmem:s5+$0x2E0]  }
0x2ac: {  	v7 =	vld [tilespmem:s5+$0x42E0]  }
0x2ad: {  	v2 =	vadd.f32 v3, v2;
	v3 =	vmul.f32 v5, v4;
	v4 =	vld [tilespmem:s5+$0x2F0]  }
0x2ae: {  	v5 =	vld [tilespmem:s5+$0x42F0]  }
0x2af: {  	v2 =	vadd.f32 v3, v2;
	v3 =	vmul.f32 v9, v8;
	_ =	sdelay $0x1  }
0x2b0: {  	v2 =	vadd.f32 v3, v2;
	v3 =	vmul.f32 v7, v6;
	_ =	sdelay $0x1  }
0x2b1: {  	v2 =	vadd.f32 v3, v2;
	v3 =	vmul.f32 v5, v4;
	_ =	sdelay $0x1  }
0x2b2: {  	v2 =	vadd.f32 v3, v2;
	_ =	sdelay $0x1  }
0x2b3: {  	v3 =	vperm.xlane v2, v1;
	_ =	sdelay $0x1  }
0x2b4: {  	v2 =	vadd.f32 v2, v3;
	_ =	sdelay $0x1  }
0x2b5: {  	v2 =	vmul.f32 $2.500000000e-01, v2;
	_ =	sdelay $0x1  }
0x2b6: {  	v2 =	vmax.f32 v2, $-5.000000000e+00  }
0x2b7: {  	v2 =	vmin.f32 v2, $5.000000000e+00  }
0x2b8: {  	v2 =	vmul.f32 $1.442695020e+00, v2;
	_ =	sdelay $0x1  }
0x2b9: {  	(erf) = vpow2.f32 v2;
	_ =	sdelay $0x4  }
0x2ba: {  	v3 =	vld [tilespmem:s5+$0x2290]  }
0x2bb: {  	v2 =	vld [tilespmem:s5+$0x2280]  }
0x2bc: {  	v4 =	vld [tilespmem:s5+$0x22A0]  }
0x2bd: {  	v5 =	vld [tilespmem:s5+$0x22B0]  }
0x2be: {  	v6 =	vld [tilespmem:s5+$0x22C0];
	v9 =	vpop (erf)  }
0x2bf: {  	v7 =	vld [tilespmem:s5+$0x22D0];
	v3 =	vmul.f32 v9, v3  }
0x2c0: {  	v8 =	vld [tilespmem:s5+$0x22E0];
	[tilespmem:s5+$0x6280] =	vst v9;
	v2 =	vmul.f32 v9, v2  }
0x2c1: {  	v10 =	vld [tilespmem:s5+$0x22F0];
	v4 =	vmul.f32 v9, v4;
	[tilespmem:s5+$0x4290] =	vst v3  }
0x2c2: {  	v3 =	vmul.f32 v5, v9;
	[tilespmem:s5+$0x4280] =	vst v2  }
0x2c3: {  	v2 =	vmul.f32 v6, v9;
	[tilespmem:s5+$0x42A0] =	vst v4  }
0x2c4: {  	v4 =	vmul.f32 v7, v9;
	[tilespmem:s5+$0x42B0] =	vst v3  }
0x2c5: {  	v3 =	vmul.f32 v8, v9;
	[tilespmem:s5+$0x42C0] =	vst v2  }
0x2c6: {  	v2 =	vmul.f32 v10, v9;
	[tilespmem:s5+$0x42D0] =	vst v4  }
0x2c7: {  	[tilespmem:s5+$0x42E0] =	vst v3  }
0x2c8: {  	[tilespmem:s5+$0x42F0] =	vst v2  }
0x2c9: {  	_ =	swait.ge [sflag:s21], $0x1000  }
0x2ca: {  	[sflag:s21] =	ssyncset.done $0x0  }
0x2cb: {  	[sflag:s21] =	ssyncadd.s32 $0xFFFFF000  }
0x2cc: {  	_ =	swait.ge [sflag:s21], $0x1000  }
0x2cd: {  	[sflag:s21] =	ssyncset.done $0x0  }
0x2ce: {  	[sflag:s21] =	ssyncadd.s32 $0xFFFFF000  }
0x2cf: {  	_ =	swait.ge [sflag:s21], $0x1000  }
0x2d0: {  	[sflag:s21] =	ssyncset.done $0x0  }
0x2d1: {  	s2 =	simm.s32 $0x0;
	[sflag:s21] =	ssyncadd.s32 $0xFFFFF000  }
0x2d2: {  	v2 =	vld [tilespmem:s2+$0x1280]  }
0x2d3: {  	v3 =	vld [tilespmem:s2+$0x1290]  }
0x2d4: {  	v4 =	vld [tilespmem:s2+$0x5280]  }
0x2d5: {  	v5 =	vld [tilespmem:s2+$0x5290]  }
0x2d6: {  	v6 =	vld [tilespmem:s2+$0x12A0]  }
0x2d7: {  	v7 =	vld [tilespmem:s2+$0x52A0]  }
0x2d8: {  	v8 =	vld [tilespmem:s2+$0x12B0]  }
0x2d9: {  	v9 =	vld [tilespmem:s2+$0x52B0]  }
0x2da: {  	v2 =	vmul.f32 v4, v2;
	v3 =	vmul.f32 v5, v3;
	v4 =	vld [tilespmem:s2+$0x12C0]  }
0x2db: {  	v5 =	vld [tilespmem:s2+$0x52C0]  }
0x2dc: {  	v2 =	vadd.f32 v3, v2;
	v3 =	vmul.f32 v7, v6;
	v6 =	vld [tilespmem:s2+$0x12D0]  }
0x2dd: {  	v7 =	vld [tilespmem:s2+$0x52D0]  }
0x2de: {  	v2 =	vadd.f32 v3, v2;
	v3 =	vmul.f32 v9, v8;
	v8 =	vld [tilespmem:s2+$0x12E0]  }
0x2df: {  	v9 =	vld [tilespmem:s2+$0x52E0]  }
0x2e0: {  	v2 =	vadd.f32 v3, v2;
	v3 =	vmul.f32 v5, v4;
	v4 =	vld [tilespmem:s2+$0x12F0]  }
0x2e1: {  	v5 =	vld [tilespmem:s2+$0x52F0]  }
0x2e2: {  	v2 =	vadd.f32 v3, v2;
	v3 =	vmul.f32 v7, v6;
	_ =	sdelay $0x1  }
0x2e3: {  	v2 =	vadd.f32 v3, v2;
	v3 =	vmul.f32 v9, v8;
	_ =	sdelay $0x1  }
0x2e4: {  	v2 =	vadd.f32 v3, v2;
	v3 =	vmul.f32 v5, v4;
	_ =	sdelay $0x1  }
0x2e5: {  	v2 =	vadd.f32 v3, v2;
	_ =	sdelay $0x1  }
0x2e6: {  	v3 =	vperm.xlane v2, v1;
	_ =	sdelay $0x1  }
0x2e7: {  	v2 =	vadd.f32 v2, v3;
	_ =	sdelay $0x1  }
0x2e8: {  	v2 =	vmul.f32 $2.500000000e-01, v2;
	_ =	sdelay $0x1  }
0x2e9: {  	v2 =	vmax.f32 v2, $-5.000000000e+00  }
0x2ea: {  	v2 =	vmin.f32 v2, $5.000000000e+00  }
0x2eb: {  	v2 =	vmul.f32 $1.442695020e+00, v2;
	_ =	sdelay $0x1  }
0x2ec: {  	(erf) = vpow2.f32 v2;
	_ =	sdelay $0x1  }
0x2ed: {  	v10 =	vld [tilespmem:s2+$0x32E0]  }
0x2ee: {  	v11 =	vld [tilespmem:s2+$0x32F0]  }
0x2ef: {  	v4 =	vld [tilespmem:s2+$0x32A0]  }
0x2f0: {  	v2 =	vld [tilespmem:s2+$0x3290]  }
0x2f1: {  	v3 =	vld [tilespmem:s2+$0x3280]  }
0x2f2: {  	v5 =	vld [tilespmem:s2+$0x32B0]  }
0x2f3: {  	v6 =	vld [tilespmem:s2+$0x32C0]  }
0x2f4: {  	v7 =	vld [tilespmem:s2+$0x32D0];
	v12 =	vpop (erf)  }
0x2f5: {  	v8 =	vmul.f32 v12, v2  }
0x2f6: {  	s5 =	simm.s32 $0x80;
	[tilespmem:s2+$0x7280] =	vst v12;
	v9 =	vmul.f32 v12, v3  }
0x2f7: {  	v13 =	vmul.f32 v12, v4;
	v2 =	vld [tilespmem:s5+$0x1280];
	[tilespmem:s2+$0x5290] =	vst v8;
	v8 =	vmul.f32 v5, v12  }
0x2f8: {  	v5 =	vmul.f32 v11, v12;
	v3 =	vld [tilespmem:s5+$0x1290];
	[tilespmem:s2+$0x5280] =	vst v9;
	v9 =	vmul.f32 v6, v12  }
0x2f9: {  	s3 =	simm.s32 $0x400;
	v6 =	vmul.f32 v7, v12;
	v7 =	vmul.f32 v10, v12;
	v4 =	vld [tilespmem:s5+$0x5280];
	[tilespmem:s2+$0x52A0] =	vst v13  }
.LBB2_20:
0x2fa: {  	p0 =	sne.s32 s3, $0x3E00;
	v10 =	vld [tilespmem:s5+$0x5290];
	[tilespmem:s2+$0x52B0] =	vst v8  }
0x2fb: {  	v8 =	vld [tilespmem:s5+$0x12A0];
	[tilespmem:s2+$0x52C0] =	vst v9  }
0x2fc: {  	v9 =	vld [tilespmem:s5+$0x52A0];
	[tilespmem:s2+$0x52D0] =	vst v6  }
0x2fd: {  	v6 =	vld [tilespmem:s5+$0x12B0];
	[tilespmem:s2+$0x52E0] =	vst v7  }
0x2fe: {  	v7 =	vld [tilespmem:s5+$0x52B0];
	[tilespmem:s2+$0x52F0] =	vst v5;
	s2 =	smov.u32 s5  }
0x2ff: {  	v2 =	vmul.f32 v4, v2;
	v3 =	vmul.f32 v10, v3;
	v4 =	vld [tilespmem:s2+$0x12C0]  }
0x300: {  	v5 =	vld [tilespmem:s2+$0x52C0]  }
0x301: {  	v2 =	vadd.f32 v3, v2;
	v3 =	vmul.f32 v9, v8;
	v8 =	vld [tilespmem:s2+$0x12D0]  }
0x302: {  	v9 =	vld [tilespmem:s2+$0x52D0]  }
0x303: {  	v2 =	vadd.f32 v3, v2;
	v3 =	vmul.f32 v7, v6;
	v6 =	vld [tilespmem:s2+$0x12E0]  }
0x304: {  	v7 =	vld [tilespmem:s2+$0x52E0]  }
0x305: {  	v2 =	vadd.f32 v3, v2;
	v3 =	vmul.f32 v5, v4;
	v4 =	vld [tilespmem:s2+$0x12F0]  }
0x306: {  	v5 =	vld [tilespmem:s2+$0x52F0]  }
0x307: {  	v2 =	vadd.f32 v3, v2;
	v3 =	vmul.f32 v9, v8;
	_ =	sdelay $0x1  }
0x308: {  	v2 =	vadd.f32 v3, v2;
	v3 =	vmul.f32 v7, v6;
	_ =	sdelay $0x1  }
0x309: {  	v2 =	vadd.f32 v3, v2;
	v3 =	vmul.f32 v5, v4;
	_ =	sdelay $0x1  }
0x30a: {  	v2 =	vadd.f32 v3, v2;
	_ =	sdelay $0x1  }
0x30b: {  	v3 =	vperm.xlane v2, v1;
	_ =	sdelay $0x1  }
0x30c: {  	v2 =	vadd.f32 v2, v3;
	_ =	sdelay $0x1  }
0x30d: {  	v2 =	vmul.f32 $2.500000000e-01, v2;
	_ =	sdelay $0x1  }
0x30e: {  	v2 =	vmax.f32 v2, $-5.000000000e+00  }
0x30f: {  	v2 =	vmin.f32 v2, $5.000000000e+00  }
0x310: {  	v2 =	vmul.f32 $1.442695020e+00, v2;
	_ =	sdelay $0x1  }
0x311: {  	(erf) = vpow2.f32 v2  }
0x312: {  	v2 =	vld [tilespmem:s2+$0x3280]  }
0x313: {  	v3 =	vld [tilespmem:s2+$0x3290]  }
0x314: {  	v4 =	vld [tilespmem:s2+$0x32A0]  }
0x315: {  	v5 =	vld [tilespmem:s2+$0x32B0]  }
0x316: {  	v6 =	vld [tilespmem:s2+$0x32C0]  }
0x317: {  	v7 =	vld [tilespmem:s2+$0x32D0]  }
0x318: {  	v10 =	vld [tilespmem:s2+$0x32E0]  }
0x319: {  	v11 =	vld [tilespmem:s2+$0x32F0]  }
0x31a: {  	v12 =	vpop (erf)  }
.Ltmp15:
0x31b: {  	[tilespmem:s2+$0x7280] =	vst v12;
	v13 =	vmul.f32 v12, v2;
	v3 =	vmul.f32 v12, v3;
	(pc) =	sbr.rel @p0 .LBB2_20-.Ltmp15, $4  }
0x31c: {  	s5 =	sshra.s32 s3, $0x2;
	v14 =	vmul.f32 v12, v4;
	v8 =	vmul.f32 v5, v12  }
0x31d: {  	v9 =	vmul.f32 v6, v12;
	v6 =	vmul.f32 v7, v12;
	v2 =	vld [tilespmem:s5+$0x1280];
	[tilespmem:s2+$0x5290] =	vst v3  }
0x31e: {  	v7 =	vmul.f32 v10, v12;
	v3 =	vld [tilespmem:s5+$0x1290];
	[tilespmem:s2+$0x5280] =	vst v13;
	v5 =	vmul.f32 v11, v12  }
0x31f: {  	s3 =	sadd.s32 $0x200, s3;
	v4 =	vld [tilespmem:s5+$0x5280];
	[tilespmem:s2+$0x52A0] =	vst v14  }
0x320: {  	v10 =	vld [tilespmem:s5+$0x5290];
	[tilespmem:s2+$0x52B0] =	vst v8  }
0x321: {  	v8 =	vld [tilespmem:s5+$0x12A0];
	[tilespmem:s2+$0x52C0] =	vst v9  }
0x322: {  	v9 =	vld [tilespmem:s5+$0x52A0];
	[tilespmem:s2+$0x52D0] =	vst v6  }
0x323: {  	v6 =	vld [tilespmem:s5+$0x12B0];
	[tilespmem:s2+$0x52E0] =	vst v7  }
0x324: {  	v7 =	vld [tilespmem:s5+$0x52B0];
	[tilespmem:s2+$0x52F0] =	vst v5  }
0x325: {  	v2 =	vmul.f32 v4, v2;
	v3 =	vmul.f32 v10, v3;
	v49 =	vld [tilespmem:s5+$0x12C0]  }
0x326: {  	v5 =	vld [tilespmem:s5+$0x52C0]  }
0x327: {  	v50 =	vld [tilespmem:s5+$0x12D0];
	v2 =	vadd.f32 v3, v2;
	v3 =	vmul.f32 v9, v8  }
0x328: {  	v51 =	vld [tilespmem:s5+$0x52D0]  }
0x329: {  	v52 =	vld [tilespmem:s5+$0x12E0];
	v2 =	vadd.f32 v3, v2;
	v3 =	vmul.f32 v7, v6  }
0x32a: {  	v53 =	vld [tilespmem:s5+$0x52E0]  }
0x32b: {  	v54 =	vld [tilespmem:s5+$0x12F0];
	v2 =	vadd.f32 v3, v2;
	v3 =	vmul.f32 v5, v49  }
0x32c: {  	v55 =	vld [tilespmem:s5+$0x52F0]  }
0x32d: {  	v2 =	vadd.f32 v3, v2;
	v3 =	vmul.f32 v51, v50;
	_ =	sdelay $0x1  }
0x32e: {  	v2 =	vadd.f32 v3, v2;
	v3 =	vmul.f32 v53, v52;
	_ =	sdelay $0x1  }
0x32f: {  	v2 =	vadd.f32 v3, v2;
	v3 =	vmul.f32 v55, v54;
	_ =	sdelay $0x1  }
0x330: {  	v2 =	vadd.f32 v3, v2;
	_ =	sdelay $0x1  }
0x331: {  	v3 =	vperm.xlane v2, v1;
	_ =	sdelay $0x1  }
0x332: {  	v2 =	vadd.f32 v2, v3;
	_ =	sdelay $0x1  }
0x333: {  	v2 =	vmul.f32 $2.500000000e-01, v2;
	_ =	sdelay $0x1  }
0x334: {  	v2 =	vmax.f32 v2, $-5.000000000e+00  }
0x335: {  	v2 =	vmin.f32 v2, $5.000000000e+00  }
0x336: {  	v2 =	vmul.f32 $1.442695020e+00, v2;
	_ =	sdelay $0x1  }
0x337: {  	(erf) = vpow2.f32 v2;
	_ =	sdelay $0x4  }
0x338: {  	v3 =	vld [tilespmem:s5+$0x3290]  }
0x339: {  	v2 =	vld [tilespmem:s5+$0x3280]  }
0x33a: {  	v56 =	vld [tilespmem:s5+$0x32A0]  }
0x33b: {  	v59 =	vld [tilespmem:s5+$0x32D0]  }
0x33c: {  	v57 =	vld [tilespmem:s5+$0x32B0];
	v61 =	vpop (erf)  }
0x33d: {  	v58 =	vld [tilespmem:s5+$0x32C0];
	v3 =	vmul.f32 v61, v3  }
0x33e: {  	v60 =	vld [tilespmem:s5+$0x32E0];
	[tilespmem:s5+$0x7280] =	vst v61;
	v2 =	vmul.f32 v61, v2  }
0x33f: {  	v62 =	vld [tilespmem:s5+$0x32F0];
	v4 =	vmul.f32 v61, v56;
	[tilespmem:s5+$0x5290] =	vst v3  }
0x340: {  	v63 =	vmul.f32 v59, v61;
	[tilespmem:s5+$0x5280] =	vst v2  }
0x341: {  	v3 =	vmul.f32 v57, v61;
	[tilespmem:s5+$0x52A0] =	vst v4  }
0x342: {  	v2 =	vmul.f32 v58, v61;
	[tilespmem:s5+$0x52D0] =	vst v63  }
0x343: {  	[tilespmem:s5+$0x52B0] =	vst v3;
	v3 =	vmul.f32 v60, v61  }
0x344: {  	[tilespmem:s5+$0x52C0] =	vst v2;
	v2 =	vmul.f32 v62, v61  }
0x345: {  	[tilespmem:s5+$0x52E0] =	vst v3  }
0x346: {  	s3 =	rddreg [dreg:$0x2];
	s2 =	simm.s32 $0x180;
	[tilespmem:s5+$0x52F0] =	vst v2  }
0x347: {  	[spmem:s3] =	stream.indirect.scatter.add.f32 [tilespmem:s30], [sflag:$0x5], $0x80, s2, s22, $0xb8;
	[tilespmem:$0x1E680] =	vst v63  }
0x348: {  	s5 =	simm.s32 $0x200;
	s3 =	simm.s32 $0x0  }
.LBB2_22:
0x349: {  	v2 =	vld [tilespmem:s2+$0x0];
	_ =	sdelay $0x4  }
0x34a: {  	(v2sf) =	vpush v2, $0x0;
	_ =	sdelay $0x8  }
0x34b: {  	(v2sf) =	vpush v2, $0x1;
	_ =	sdelay $0x5  }
0x34c: {  	s12 =	spop (v2sf)  }
0x34d: {  	v3 =	vshrl.u32 v2, $0x3;
	s13 =	sshra.s32 s12, $0x1F  }
0x34e: {  	s14 =	sshra.s32 s3, $0x2;
	[tilespmem:s5+$0x0] =	vst v3;
	s13 =	sshrl.u32 s13, $0x1D  }
0x34f: {  	[tilespmem:s14+$0x2280] =	vst v0;
	(v2sf) =	vpush v2, $0x2;
	s13 =	sadd.s32 s13, s12  }
0x350: {  	[tilespmem:s14+$0x2290] =	vst v0;
	s13 =	sand.u32 $0xFFFFFFF8, s13  }
0x351: {  	[tilespmem:s14+$0x22A0] =	vst v0;
	s12 =	ssub.s32 s12, s13  }
0x352: {  	v3 =	vld [tilespmem:s14+$0x6280];
	[tilespmem:s14+$0x22B0] =	vst v0;
	s13 =	sshll.u32 s12, $0x6;
	s12 =	sand.u32 $0x7, s12  }
0x353: {  	[tilespmem:s14+$0x22C0] =	vst v0;
	s13 =	sand.u32 $0xFFFFFE00, s13;
	s12 =	sshll.u32 s12, $0x6  }
0x354: {  	[tilespmem:s14+$0x22D0] =	vst v0;
	s12 =	sor.u32 s12, s13  }
0x355: {  	[tilespmem:s14+$0x22E0] =	vst v0;
	s19 =	spop (v2sf);
	s12 =	sshra.s32 s12, $0x2  }
0x356: {  	[tilespmem:s14+$0x22F0] =	vst v0;
	s17 =	sshra.s32 s19, $0x1F;
	s12 =	sadd.s32 s14, s12  }
0x357: {  	s17 =	sshrl.u32 s17, $0x1D;
	[tilespmem:s12+$0x2280] =	vst v3  }
0x358: {  	(v2sf) =	vpush v2, $0x3;
	s12 =	sadd.s32 s17, s19;
	[tilespmem:s14+$0x2300] =	vst v0  }
0x359: {  	[tilespmem:s14+$0x2310] =	vst v0;
	s12 =	sand.u32 $0xFFFFFFF8, s12  }
0x35a: {  	[tilespmem:s14+$0x2320] =	vst v0;
	s12 =	ssub.s32 s19, s12  }
0x35b: {  	v3 =	vld [tilespmem:s14+$0x6300];
	[tilespmem:s14+$0x2330] =	vst v0;
	s13 =	sshll.u32 s12, $0x6;
	s12 =	sand.u32 $0x7, s12  }
0x35c: {  	[tilespmem:s14+$0x2340] =	vst v0;
	s13 =	sand.u32 $0xFFFFFE00, s13;
	s12 =	sshll.u32 s12, $0x6  }
0x35d: {  	[tilespmem:s14+$0x2350] =	vst v0;
	s13 =	sor.u32 s12, s13  }
0x35e: {  	[tilespmem:s14+$0x2360] =	vst v0;
	s17 =	spop (v2sf);
	s12 =	sadd.s32 $0x2280, s14;
	s13 =	sshra.s32 s13, $0x2  }
0x35f: {  	[tilespmem:s14+$0x2370] =	vst v0;
	s19 =	sshra.s32 s17, $0x1F;
	s13 =	sadd.s32 s13, s12  }
0x360: {  	s19 =	sshrl.u32 s19, $0x1D;
	[tilespmem:s13+$0x80] =	vst v3  }
0x361: {  	(v2sf) =	vpush v2, $0x4;
	s13 =	sadd.s32 s19, s17;
	[tilespmem:s14+$0x2380] =	vst v0  }
0x362: {  	[tilespmem:s14+$0x2390] =	vst v0;
	s13 =	sand.u32 $0xFFFFFFF8, s13  }
0x363: {  	[tilespmem:s14+$0x23A0] =	vst v0;
	s13 =	ssub.s32 s17, s13  }
0x364: {  	v3 =	vld [tilespmem:s14+$0x6380];
	[tilespmem:s14+$0x23B0] =	vst v0;
	s17 =	sshll.u32 s13, $0x6;
	s13 =	sand.u32 $0x7, s13  }
0x365: {  	[tilespmem:s14+$0x23C0] =	vst v0;
	s17 =	sand.u32 $0xFFFFFE00, s17;
	s13 =	sshll.u32 s13, $0x6  }
0x366: {  	[tilespmem:s14+$0x23D0] =	vst v0;
	s13 =	sor.u32 s13, s17  }
0x367: {  	[tilespmem:s14+$0x23E0] =	vst v0;
	s17 =	spop (v2sf);
	s13 =	sshra.s32 s13, $0x2  }
0x368: {  	[tilespmem:s14+$0x23F0] =	vst v0;
	s19 =	sshra.s32 s17, $0x1F;
	s13 =	sadd.s32 s13, s12  }
0x369: {  	s19 =	sshrl.u32 s19, $0x1D;
	[tilespmem:s13+$0x100] =	vst v3  }
0x36a: {  	(v2sf) =	vpush v2, $0x5;
	s13 =	sadd.s32 s19, s17;
	[tilespmem:s14+$0x2400] =	vst v0  }
0x36b: {  	[tilespmem:s14+$0x2410] =	vst v0;
	s13 =	sand.u32 $0xFFFFFFF8, s13  }
0x36c: {  	[tilespmem:s14+$0x2420] =	vst v0;
	s13 =	ssub.s32 s17, s13  }
0x36d: {  	v3 =	vld [tilespmem:s14+$0x6400];
	[tilespmem:s14+$0x2430] =	vst v0;
	s17 =	sshll.u32 s13, $0x6;
	s13 =	sand.u32 $0x7, s13  }
0x36e: {  	[tilespmem:s14+$0x2440] =	vst v0;
	s17 =	sand.u32 $0xFFFFFE00, s17;
	s13 =	sshll.u32 s13, $0x6  }
0x36f: {  	[tilespmem:s14+$0x2450] =	vst v0;
	s13 =	sor.u32 s13, s17  }
0x370: {  	[tilespmem:s14+$0x2460] =	vst v0;
	s17 =	spop (v2sf);
	s13 =	sshra.s32 s13, $0x2  }
0x371: {  	[tilespmem:s14+$0x2470] =	vst v0;
	s19 =	sshra.s32 s17, $0x1F;
	s13 =	sadd.s32 s13, s12  }
0x372: {  	s19 =	sshrl.u32 s19, $0x1D;
	[tilespmem:s13+$0x180] =	vst v3  }
0x373: {  	(v2sf) =	vpush v2, $0x6;
	s13 =	sadd.s32 s19, s17;
	[tilespmem:s14+$0x2480] =	vst v0  }
0x374: {  	[tilespmem:s14+$0x2490] =	vst v0;
	s13 =	sand.u32 $0xFFFFFFF8, s13  }
0x375: {  	[tilespmem:s14+$0x24A0] =	vst v0;
	s13 =	ssub.s32 s17, s13  }
0x376: {  	v3 =	vld [tilespmem:s14+$0x6480];
	[tilespmem:s14+$0x24B0] =	vst v0;
	s17 =	sshll.u32 s13, $0x6;
	s13 =	sand.u32 $0x7, s13  }
0x377: {  	[tilespmem:s14+$0x24C0] =	vst v0;
	s17 =	sand.u32 $0xFFFFFE00, s17;
	s13 =	sshll.u32 s13, $0x6  }
0x378: {  	[tilespmem:s14+$0x24D0] =	vst v0;
	s13 =	sor.u32 s13, s17  }
0x379: {  	[tilespmem:s14+$0x24E0] =	vst v0;
	s17 =	spop (v2sf);
	s13 =	sshra.s32 s13, $0x2  }
0x37a: {  	[tilespmem:s14+$0x24F0] =	vst v0;
	s19 =	sshra.s32 s17, $0x1F;
	s13 =	sadd.s32 s13, s12  }
0x37b: {  	s19 =	sshrl.u32 s19, $0x1D;
	[tilespmem:s13+$0x200] =	vst v3  }
0x37c: {  	(v2sf) =	vpush v2, $0x7;
	s13 =	sadd.s32 s19, s17;
	[tilespmem:s14+$0x2500] =	vst v0  }
0x37d: {  	[tilespmem:s14+$0x2510] =	vst v0;
	s13 =	sand.u32 $0xFFFFFFF8, s13  }
0x37e: {  	[tilespmem:s14+$0x2520] =	vst v0;
	s13 =	ssub.s32 s17, s13  }
0x37f: {  	v3 =	vld [tilespmem:s14+$0x6500];
	[tilespmem:s14+$0x2530] =	vst v0;
	s17 =	sshll.u32 s13, $0x6;
	s13 =	sand.u32 $0x7, s13  }
0x380: {  	[tilespmem:s14+$0x2540] =	vst v0;
	s17 =	sand.u32 $0xFFFFFE00, s17;
	s13 =	sshll.u32 s13, $0x6  }
0x381: {  	[tilespmem:s14+$0x2550] =	vst v0;
	s13 =	sor.u32 s13, s17  }
0x382: {  	[tilespmem:s14+$0x2560] =	vst v0;
	s17 =	spop (v2sf);
	s13 =	sshra.s32 s13, $0x2  }
0x383: {  	[tilespmem:s14+$0x2570] =	vst v0;
	s19 =	sshra.s32 s17, $0x1F;
	s13 =	sadd.s32 s13, s12  }
0x384: {  	s19 =	sshrl.u32 s19, $0x1D;
	[tilespmem:s13+$0x280] =	vst v3  }
0x385: {  	(v2sf) =	vpush v2, $0x8;
	s13 =	sadd.s32 s19, s17;
	[tilespmem:s14+$0x2580] =	vst v0  }
0x386: {  	[tilespmem:s14+$0x2590] =	vst v0;
	s13 =	sand.u32 $0xFFFFFFF8, s13  }
0x387: {  	[tilespmem:s14+$0x25A0] =	vst v0;
	s13 =	ssub.s32 s17, s13  }
0x388: {  	v3 =	vld [tilespmem:s14+$0x6580];
	[tilespmem:s14+$0x25B0] =	vst v0;
	s17 =	sshll.u32 s13, $0x6;
	s13 =	sand.u32 $0x7, s13  }
0x389: {  	[tilespmem:s14+$0x25C0] =	vst v0;
	s17 =	sand.u32 $0xFFFFFE00, s17;
	s13 =	sshll.u32 s13, $0x6  }
0x38a: {  	[tilespmem:s14+$0x25D0] =	vst v0;
	s13 =	sor.u32 s13, s17  }
0x38b: {  	[tilespmem:s14+$0x25E0] =	vst v0;
	s17 =	spop (v2sf);
	s13 =	sshra.s32 s13, $0x2  }
0x38c: {  	[tilespmem:s14+$0x25F0] =	vst v0;
	s19 =	sshra.s32 s17, $0x1F;
	s13 =	sadd.s32 s13, s12  }
0x38d: {  	s19 =	sshrl.u32 s19, $0x1D;
	[tilespmem:s13+$0x300] =	vst v3  }
0x38e: {  	(v2sf) =	vpush v2, $0x9;
	s13 =	sadd.s32 s19, s17;
	[tilespmem:s14+$0x2600] =	vst v0  }
0x38f: {  	[tilespmem:s14+$0x2610] =	vst v0;
	s13 =	sand.u32 $0xFFFFFFF8, s13  }
0x390: {  	[tilespmem:s14+$0x2620] =	vst v0;
	s13 =	ssub.s32 s17, s13  }
0x391: {  	v3 =	vld [tilespmem:s14+$0x6600];
	[tilespmem:s14+$0x2630] =	vst v0;
	s17 =	sshll.u32 s13, $0x6;
	s13 =	sand.u32 $0x7, s13  }
0x392: {  	[tilespmem:s14+$0x2640] =	vst v0;
	s17 =	sand.u32 $0xFFFFFE00, s17;
	s13 =	sshll.u32 s13, $0x6  }
0x393: {  	[tilespmem:s14+$0x2650] =	vst v0;
	s13 =	sor.u32 s13, s17  }
0x394: {  	[tilespmem:s14+$0x2660] =	vst v0;
	s17 =	spop (v2sf);
	s13 =	sshra.s32 s13, $0x2  }
0x395: {  	[tilespmem:s14+$0x2670] =	vst v0;
	s19 =	sshra.s32 s17, $0x1F;
	s13 =	sadd.s32 s13, s12  }
0x396: {  	s19 =	sshrl.u32 s19, $0x1D;
	[tilespmem:s13+$0x380] =	vst v3  }
0x397: {  	(v2sf) =	vpush v2, $0xA;
	s13 =	sadd.s32 s19, s17;
	[tilespmem:s14+$0x2680] =	vst v0  }
0x398: {  	[tilespmem:s14+$0x2690] =	vst v0;
	s13 =	sand.u32 $0xFFFFFFF8, s13  }
0x399: {  	[tilespmem:s14+$0x26A0] =	vst v0;
	s13 =	ssub.s32 s17, s13  }
0x39a: {  	v3 =	vld [tilespmem:s14+$0x6680];
	[tilespmem:s14+$0x26B0] =	vst v0;
	s17 =	sshll.u32 s13, $0x6;
	s13 =	sand.u32 $0x7, s13  }
0x39b: {  	[tilespmem:s14+$0x26C0] =	vst v0;
	s17 =	sand.u32 $0xFFFFFE00, s17;
	s13 =	sshll.u32 s13, $0x6  }
0x39c: {  	[tilespmem:s14+$0x26D0] =	vst v0;
	s13 =	sor.u32 s13, s17  }
0x39d: {  	[tilespmem:s14+$0x26E0] =	vst v0;
	s17 =	spop (v2sf);
	s13 =	sshra.s32 s13, $0x2  }
0x39e: {  	[tilespmem:s14+$0x26F0] =	vst v0;
	s19 =	sshra.s32 s17, $0x1F;
	s13 =	sadd.s32 s13, s12  }
0x39f: {  	s19 =	sshrl.u32 s19, $0x1D;
	[tilespmem:s13+$0x400] =	vst v3  }
0x3a0: {  	(v2sf) =	vpush v2, $0xB;
	s13 =	sadd.s32 s19, s17;
	[tilespmem:s14+$0x2700] =	vst v0  }
0x3a1: {  	[tilespmem:s14+$0x2710] =	vst v0;
	s13 =	sand.u32 $0xFFFFFFF8, s13  }
0x3a2: {  	[tilespmem:s14+$0x2720] =	vst v0;
	s13 =	ssub.s32 s17, s13  }
0x3a3: {  	v3 =	vld [tilespmem:s14+$0x6700];
	[tilespmem:s14+$0x2730] =	vst v0;
	s17 =	sshll.u32 s13, $0x6;
	s13 =	sand.u32 $0x7, s13  }
0x3a4: {  	[tilespmem:s14+$0x2740] =	vst v0;
	s17 =	sand.u32 $0xFFFFFE00, s17;
	s13 =	sshll.u32 s13, $0x6  }
0x3a5: {  	[tilespmem:s14+$0x2750] =	vst v0;
	s13 =	sor.u32 s13, s17  }
0x3a6: {  	[tilespmem:s14+$0x2760] =	vst v0;
	s17 =	spop (v2sf);
	s13 =	sshra.s32 s13, $0x2  }
0x3a7: {  	[tilespmem:s14+$0x2770] =	vst v0;
	s19 =	sshra.s32 s17, $0x1F;
	s13 =	sadd.s32 s13, s12  }
0x3a8: {  	s19 =	sshrl.u32 s19, $0x1D;
	[tilespmem:s13+$0x480] =	vst v3  }
0x3a9: {  	(v2sf) =	vpush v2, $0xC;
	s13 =	sadd.s32 s19, s17;
	[tilespmem:s14+$0x2780] =	vst v0  }
0x3aa: {  	[tilespmem:s14+$0x2790] =	vst v0;
	s13 =	sand.u32 $0xFFFFFFF8, s13  }
0x3ab: {  	[tilespmem:s14+$0x27A0] =	vst v0;
	s13 =	ssub.s32 s17, s13  }
0x3ac: {  	v3 =	vld [tilespmem:s14+$0x6780];
	[tilespmem:s14+$0x27B0] =	vst v0;
	s17 =	sshll.u32 s13, $0x6;
	s13 =	sand.u32 $0x7, s13  }
0x3ad: {  	[tilespmem:s14+$0x27C0] =	vst v0;
	s17 =	sand.u32 $0xFFFFFE00, s17;
	s13 =	sshll.u32 s13, $0x6  }
0x3ae: {  	[tilespmem:s14+$0x27D0] =	vst v0;
	s13 =	sor.u32 s13, s17  }
0x3af: {  	[tilespmem:s14+$0x27E0] =	vst v0;
	s17 =	spop (v2sf);
	s13 =	sshra.s32 s13, $0x2  }
0x3b0: {  	[tilespmem:s14+$0x27F0] =	vst v0;
	s19 =	sshra.s32 s17, $0x1F;
	s13 =	sadd.s32 s13, s12  }
0x3b1: {  	s19 =	sshrl.u32 s19, $0x1D;
	[tilespmem:s13+$0x500] =	vst v3  }
0x3b2: {  	(v2sf) =	vpush v2, $0xD;
	s13 =	sadd.s32 s19, s17;
	[tilespmem:s14+$0x2800] =	vst v0  }
0x3b3: {  	[tilespmem:s14+$0x2810] =	vst v0;
	s13 =	sand.u32 $0xFFFFFFF8, s13  }
0x3b4: {  	[tilespmem:s14+$0x2820] =	vst v0;
	s13 =	ssub.s32 s17, s13  }
0x3b5: {  	v3 =	vld [tilespmem:s14+$0x6800];
	[tilespmem:s14+$0x2830] =	vst v0;
	s17 =	sshll.u32 s13, $0x6;
	s13 =	sand.u32 $0x7, s13  }
0x3b6: {  	[tilespmem:s14+$0x2840] =	vst v0;
	s17 =	sand.u32 $0xFFFFFE00, s17;
	s13 =	sshll.u32 s13, $0x6  }
0x3b7: {  	[tilespmem:s14+$0x2850] =	vst v0;
	s13 =	sor.u32 s13, s17  }
0x3b8: {  	[tilespmem:s14+$0x2860] =	vst v0;
	s17 =	spop (v2sf);
	s13 =	sshra.s32 s13, $0x2  }
0x3b9: {  	[tilespmem:s14+$0x2870] =	vst v0;
	s19 =	sshra.s32 s17, $0x1F;
	s13 =	sadd.s32 s13, s12  }
0x3ba: {  	s19 =	sshrl.u32 s19, $0x1D;
	[tilespmem:s13+$0x580] =	vst v3  }
0x3bb: {  	(v2sf) =	vpush v2, $0xE;
	s13 =	sadd.s32 s19, s17;
	[tilespmem:s14+$0x2880] =	vst v0  }
0x3bc: {  	[tilespmem:s14+$0x2890] =	vst v0;
	s13 =	sand.u32 $0xFFFFFFF8, s13  }
0x3bd: {  	[tilespmem:s14+$0x28A0] =	vst v0;
	s13 =	ssub.s32 s17, s13  }
0x3be: {  	v3 =	vld [tilespmem:s14+$0x6880];
	[tilespmem:s14+$0x28B0] =	vst v0;
	s17 =	sshll.u32 s13, $0x6;
	s13 =	sand.u32 $0x7, s13  }
0x3bf: {  	[tilespmem:s14+$0x28C0] =	vst v0;
	s17 =	sand.u32 $0xFFFFFE00, s17;
	s13 =	sshll.u32 s13, $0x6  }
0x3c0: {  	[tilespmem:s14+$0x28D0] =	vst v0;
	s13 =	sor.u32 s13, s17  }
0x3c1: {  	[tilespmem:s14+$0x28E0] =	vst v0;
	s17 =	spop (v2sf);
	s13 =	sshra.s32 s13, $0x2  }
0x3c2: {  	[tilespmem:s14+$0x28F0] =	vst v0;
	s19 =	sshra.s32 s17, $0x1F;
	s13 =	sadd.s32 s13, s12  }
0x3c3: {  	s19 =	sshrl.u32 s19, $0x1D;
	[tilespmem:s13+$0x600] =	vst v3  }
0x3c4: {  	(v2sf) =	vpush v2, $0xF;
	s13 =	sadd.s32 s19, s17;
	[tilespmem:s14+$0x2900] =	vst v0  }
0x3c5: {  	[tilespmem:s14+$0x2910] =	vst v0;
	s13 =	sand.u32 $0xFFFFFFF8, s13  }
0x3c6: {  	[tilespmem:s14+$0x2920] =	vst v0;
	s13 =	ssub.s32 s17, s13  }
0x3c7: {  	v2 =	vld [tilespmem:s14+$0x6900];
	[tilespmem:s14+$0x2930] =	vst v0;
	s17 =	sshll.u32 s13, $0x6;
	s13 =	sand.u32 $0x7, s13  }
0x3c8: {  	[tilespmem:s14+$0x2940] =	vst v0;
	s17 =	sand.u32 $0xFFFFFE00, s17;
	s13 =	sshll.u32 s13, $0x6  }
0x3c9: {  	[tilespmem:s14+$0x2950] =	vst v0;
	s13 =	sor.u32 s13, s17  }
0x3ca: {  	[tilespmem:s14+$0x2960] =	vst v0;
	s17 =	spop (v2sf);
	s13 =	sshra.s32 s13, $0x2  }
0x3cb: {  	[tilespmem:s14+$0x2970] =	vst v0;
	s19 =	sshra.s32 s17, $0x1F;
	s13 =	sadd.s32 s13, s12  }
0x3cc: {  	s19 =	sshrl.u32 s19, $0x1D;
	[tilespmem:s13+$0x680] =	vst v2  }
0x3cd: {  	s13 =	sadd.s32 s19, s17;
	[tilespmem:s14+$0x2980] =	vst v0  }
0x3ce: {  	[tilespmem:s14+$0x2990] =	vst v0;
	s13 =	sand.u32 $0xFFFFFFF8, s13  }
0x3cf: {  	[tilespmem:s14+$0x29A0] =	vst v0;
	s13 =	ssub.s32 s17, s13  }
0x3d0: {  	v2 =	vld [tilespmem:s14+$0x6980];
	[tilespmem:s14+$0x29B0] =	vst v0;
	s17 =	sshll.u32 s13, $0x6;
	s13 =	sand.u32 $0x7, s13  }
0x3d1: {  	[tilespmem:s14+$0x29C0] =	vst v0;
	s17 =	sand.u32 $0xFFFFFE00, s17;
	s13 =	sshll.u32 s13, $0x6  }
0x3d2: {  	[tilespmem:s14+$0x29D0] =	vst v0;
	s13 =	sor.u32 s13, s17  }
0x3d3: {  	[tilespmem:s14+$0x29E0] =	vst v0;
	s17 =	spop (v2sf);
	s13 =	sshra.s32 s13, $0x2  }
0x3d4: {  	[tilespmem:s14+$0x29F0] =	vst v0;
	s19 =	sshra.s32 s17, $0x1F;
	s13 =	sadd.s32 s13, s12  }
0x3d5: {  	s19 =	sshrl.u32 s19, $0x1D;
	[tilespmem:s13+$0x700] =	vst v2  }
0x3d6: {  	s13 =	sadd.s32 s19, s17;
	[tilespmem:s14+$0x2A00] =	vst v0  }
0x3d7: {  	[tilespmem:s14+$0x2A10] =	vst v0;
	s13 =	sand.u32 $0xFFFFFFF8, s13  }
0x3d8: {  	[tilespmem:s14+$0x2A20] =	vst v0;
	s13 =	ssub.s32 s17, s13  }
0x3d9: {  	p0 =	sne.s32 s3, $0x6000;
	v2 =	vld [tilespmem:s14+$0x6A00];
	[tilespmem:s14+$0x2A30] =	vst v0;
	s17 =	sshll.u32 s13, $0x6;
	s13 =	sand.u32 $0x7, s13  }
.Ltmp16:
0x3da: {  	[tilespmem:s14+$0x2A40] =	vst v0;
	s17 =	sand.u32 $0xFFFFFE00, s17;
	s13 =	sshll.u32 s13, $0x6;
	(pc) =	sbr.rel @p0 .LBB2_22-.Ltmp16, $4  }
0x3db: {  	[tilespmem:s14+$0x2A50] =	vst v0;
	s13 =	sor.u32 s13, s17  }
0x3dc: {  	[tilespmem:s14+$0x2A60] =	vst v0;
	s13 =	sshra.s32 s13, $0x2  }
0x3dd: {  	[tilespmem:s14+$0x2A70] =	vst v0;
	s12 =	sadd.s32 s13, s12  }
0x3de: {  	s2 =	sadd.s32 $0x10, s2;
	s3 =	sadd.s32 $0x2000, s3;
	s5 =	sadd.s32 $0x10, s5;
	[tilespmem:s12+$0x780] =	vst v2  }
0x3df: {  	p0 =	slt.u32 s0, $0x1388  }
.Ltmp17:
0x3e0: {  	_ = 	snop;
	(pc) =	sbr.rel @p0 .LBB2_25-.Ltmp17, $4  }
.Ltmp18:
0x3e1: {  	_ = 	snop;
	(pc) =	sbr.rel @!p0 .LBB2_24-.Ltmp18, $4  }
0x3e2: {  	_ = 	snop  }
0x3e3: {  	s2 =	rddreg [dreg:$0x3]  }
0x3e4: {  	[spmem:s2] =	stream.indirect.scatter [tilespmem:s16], [sflag:$0x6], $0x80, s23, s22, $0xb8;
	[tilespmem:$0x1E680] =	vst v63  }
0x3e5: {  	_ = 	snop  }
.LBB2_27:
0x3e6: {  	_ =	sfence.sel $0x180000  }
0x3e7: {  	[bflag:$0x0] =	sbarrier.arrive $0xFFFF  }
0x3e8: {  	_ =	strace $0x90000047  }
0x3e9: {  	s0 =	stileid.u32;
	[bflag:$0x2] =	sbarrier.arrive $0xFFFF  }
0x3ea: {  	p0 =	sne.s32 s0, $0x0;
	s0 =	rddreg [dreg:$0x4]  }
0x3eb: {  	s0 =	sadd.s32 @!p0 $0x100000, s0  }
0x3ec: {  	[sflag:s0] =	ssyncadd.tile.s32 @!p0 $0x1;
	_ =	shalt  }
.Lfunc_end2:
_tile_overlayer_lowered:
.L_overlay_start_2:
0x3ed: {  	(tag) =	ssettag $0x2  }
0x3ee: {  	s0 =	rddreg [dreg:$0x0];
	s2 =	stileid.u32  }
0x3ef: {  	s1 =	rddreg [dreg:$0x1];
	p0 =	sne.s32 s2, $0x0  }
0x3f0: {  	s3 =	rddreg [dreg:$0x2];
	[bflag:$0x3] =	sbarrier.arrive $0xFFFF;
	s2 =	simm.s32 @!p0 $0x1C07  }
0x3f1: {  	[timem:s3], [sflag:s2] =	dma.local @!p0 [hbm:s0], s1  }
0x3f2: {  	s0 =	simm.s32 @!p0 $0x7  }
0x3f3: {  	_ =	swait.ge @!p0 [sflag:s0], s1  }
0x3f4: {  	s1 =	ssub.s32 @!p0 $0x0, s1;
	[sflag:s0] =	ssyncset.done @!p0 $0x0  }
0x3f5: {  	[sflag:s0] =	ssyncadd.s32 @!p0 s1  }
0x3f6: {  	[bflag:$0x3] =	sbarrier.arrive $0xFFFF  }
0x3f7: {  	_ =	shalt  }

</sc_bundles>
